<compile_context>
chip_gen: v7x
topology: tpu7x:2x2x1
jax: 0.10.2.dev20260603
libtpu: 0.0.44.dev20260713+nightly
codegen_flags: <defaults>
</compile_context>

<pallas_src>
import jax
import jax.numpy as jnp
from jax import lax
from jax.experimental import pallas as pl
from jax.experimental.pallas import tpu as pltpu
from jax.experimental.pallas import tpu_sc as plsc

_X_MIN, _Y_MIN, _Z_MIN = 0.0, -6.4, -2.0
_VOX = 0.4
_X_MAX_I, _Y_MAX_I, _Z_MAX_I = 179.0, 31.0, 19.0

_N = 2_000_000
_C = 4_000
_NCHUNK = _N // _C
_NW = 32
_JMAX = -(-_NCHUNK // _NW)
_G = _C // 16


def _voxel_idx(v, vmin, vmax_f):
    t = (v - vmin) / _VOX
    t = jnp.minimum(jnp.maximum(t, 0.0), vmax_f)
    return t.astype(jnp.int32)


def _sc_body(rdr_hbm, b_hbm, out_hbm,
             pts0, pts1, b0, b1, o0, o1,
             sin0, sin1, sout0, sout1):
    wid = lax.axis_index("s") * 2 + lax.axis_index("c")
    pts = (pts0, pts1)
    bbuf = (b0, b1)
    obuf = (o0, o1)
    sin = (sin0, sin1)
    sout = (sout0, sout1)
    it5 = lax.iota(jnp.int32, 16) * 5
    it4 = lax.iota(jnp.int32, 16) * 4

    def base_of(j):
        return jnp.minimum(wid + _NW * j, _NCHUNK - 1) * _C

    def start_in(j):
        k = j % 2
        base = base_of(j)
        c1 = pltpu.async_copy(rdr_hbm.at[pl.ds(base * 5, _C * 5)], pts[k], sin[k])
        c2 = pltpu.async_copy(b_hbm.at[pl.ds(base, _C)], bbuf[k], sin[k])
        return (c1, c2)

    h_in = [None, None]
    h_out = [None, None]
    h_in[0] = start_in(0)

    for j in range(_JMAX):
        k = j % 2
        if j + 1 < _JMAX:
            h_in[(j + 1) % 2] = start_in(j + 1)
        h_in[k][0].wait()
        h_in[k][1].wait()
        if h_out[k] is not None:
            h_out[k].wait()

        pts_v, b_v, out_v = pts[k], bbuf[k], obuf[k]

        @plsc.parallel_loop(0, _G, unroll=4)
        def grp(i):
            src = it5 + i * 80
            dst = it4 + i * 64
            xv = plsc.load_gather(pts_v, [src])
            yv = plsc.load_gather(pts_v, [src + 1])
            zv = plsc.load_gather(pts_v, [src + 2])
            bv = b_v[pl.ds(i * 16, 16)]
            xi = _voxel_idx(xv, _X_MIN, _X_MAX_I)
            yi = _voxel_idx(yv, _Y_MIN, _Y_MAX_I)
            zi = _voxel_idx(zv, _Z_MIN, _Z_MAX_I)
            plsc.store_scatter(out_v, [dst], bv)
            plsc.store_scatter(out_v, [dst + 1], zi)
            plsc.store_scatter(out_v, [dst + 2], yi)
            plsc.store_scatter(out_v, [dst + 3], xi)

        h_out[k] = pltpu.async_copy(
            out_v, out_hbm.at[pl.ds(base_of(j) * 4, _C * 4)], sout[k]
        )

    h_out[0].wait()
    h_out[1].wait()


def kernel(rdr_filt_srt, pts_batch_indices_rdr_filt_srt):
    mesh = plsc.VectorSubcoreMesh(core_axis_name="c", subcore_axis_name="s")
    f = pl.kernel(
        _sc_body,
        mesh=mesh,
        compiler_params=pltpu.CompilerParams(needs_layout_passes=False),
        out_type=jax.ShapeDtypeStruct((_N * 4,), jnp.int32),
        scratch_types=[
            pltpu.VMEM((_C * 5,), jnp.float32),
            pltpu.VMEM((_C * 5,), jnp.float32),
            pltpu.VMEM((_C,), jnp.int32),
            pltpu.VMEM((_C,), jnp.int32),
            pltpu.VMEM((_C * 4,), jnp.int32),
            pltpu.VMEM((_C * 4,), jnp.int32),
            pltpu.SemaphoreType.DMA,
            pltpu.SemaphoreType.DMA,
            pltpu.SemaphoreType.DMA,
            pltpu.SemaphoreType.DMA,
        ],
    )
    sp_flat = f(
        rdr_filt_srt.reshape(-1),
        pts_batch_indices_rdr_filt_srt.astype(jnp.int32),
    )
    return rdr_filt_srt, sp_flat.reshape(_N, 4)

# --- scband reference (transcript-rebuilt; emitter-appended) ---
"""Pipeline reference for scband-radar-filt-processor-43808666419847 (READ-ONLY COPY).

The authoritative reference and input builder live on the scoring server;
editing this copy changes nothing except your own understanding.
"""

import jax, jax.numpy as jnp
import numpy as np

X_MIN, Y_MIN, Z_MIN = 0.0, -6.4, -2.0
X_MAX, Y_MAX, Z_MAX = 72.0, 6.4, 6.0
X_VOX, Y_VOX, Z_VOX = 0.4, 0.4, 0.4
Z_SHAPE = int((Z_MAX - Z_MIN) / Z_VOX)  # 20
Y_SHAPE = int((Y_MAX - Y_MIN) / Y_VOX)  # 32
X_SHAPE = int((X_MAX - X_MIN) / X_VOX)  # 180
NUM_ATTR = 5  # FILT_MODE='filt', IS_WITH_DOP=True
N_PTS = 2000000
BATCH = 8


def setup_inputs(seed: int = 0) -> dict:
    key = jax.random.key(seed)
    k1, k2 = jax.random.split(key)
    u = jax.random.uniform(k1, (N_PTS, NUM_ATTR), dtype=jnp.float32)
    # scale columns into realistic radar ranges: x,y,z inside (and slightly around) ROI,
    # power in [0,1], doppler in [-2,2]
    mins = jnp.array([X_MIN - 1.0, Y_MIN - 0.5, Z_MIN - 0.5, 0.0, -2.0], dtype=jnp.float32)
    spans = jnp.array([(X_MAX - X_MIN) + 2.0, (Y_MAX - Y_MIN) + 1.0, (Z_MAX - Z_MIN) + 1.0, 1.0, 4.0], dtype=jnp.float32)
    rdr_filt_srt = mins + u * spans
    pts_batch_indices = jnp.sort(jax.random.randint(k2, (N_PTS,), 0, BATCH, dtype=jnp.int32))
    return {"rdr_filt_srt": rdr_filt_srt, "pts_batch_indices_rdr_filt_srt": pts_batch_indices}


def reference(rdr_filt_srt, pts_batch_indices_rdr_filt_srt):
    # type_filt == 0 ('filt'), is_with_dop -> num_attr = 5
    feats = rdr_filt_srt[:, :NUM_ATTR]
    x_coord = feats[:, 0:1]
    y_coord = feats[:, 1:2]
    z_coord = feats[:, 2:3]
    z_ind = jnp.clip(jnp.floor((z_coord - Z_MIN) / Z_VOX).astype(jnp.int32), 0, Z_SHAPE - 1)
    y_ind = jnp.clip(jnp.floor((y_coord - Y_MIN) / Y_VOX).astype(jnp.int32), 0, Y_SHAPE - 1)
    x_ind = jnp.clip(jnp.floor((x_coord - X_MIN) / X_VOX).astype(jnp.int32), 0, X_SHAPE - 1)
    b_ind = pts_batch_indices_rdr_filt_srt.astype(jnp.int32)[:, None]
    sp_indices = jnp.concatenate((b_ind, z_ind, y_ind, x_ind), axis=-1)
    return feats, sp_indices

if __name__ == "__main__":
    import jax
    _d = setup_inputs()
    print(jax.jit(kernel)(*tuple(_d.values())))

</pallas_src>

<mosaic_0001>
#map = affine_map<(d0, d1) -> (0)>
module attributes {stable_mosaic.version = 14 : i64} {
  func.func @_sc_body(%arg0: i32, %arg1: i32, %arg2: memref<10000000xf32, #tpu.memory_space<hbm>>, %arg3: memref<2000000xi32, #tpu.memory_space<hbm>>, %arg4: memref<8000000xi32, #tpu.memory_space<hbm>>, %arg5: memref<20000xf32, #tpu.memory_space<vmem>>, %arg6: memref<20000xf32, #tpu.memory_space<vmem>>, %arg7: memref<4000xi32, #tpu.memory_space<vmem>>, %arg8: memref<4000xi32, #tpu.memory_space<vmem>>, %arg9: memref<16000xi32, #tpu.memory_space<vmem>>, %arg10: memref<16000xi32, #tpu.memory_space<vmem>>, %arg11: memref<!tpu.dma_semaphore, #tpu.memory_space<semaphore_mem>>, %arg12: memref<!tpu.dma_semaphore, #tpu.memory_space<semaphore_mem>>, %arg13: memref<!tpu.dma_semaphore, #tpu.memory_space<semaphore_mem>>, %arg14: memref<!tpu.dma_semaphore, #tpu.memory_space<semaphore_mem>>) attributes {dimension_semantics = [#tpu.dimension_semantics<core_parallel>, #tpu.dimension_semantics<subcore_parallel>], iteration_bounds = array<i64: 2, 16>, scalar_prefetch = 0 : i64, scratch_operands = 10 : i64, tpu.core_type = #tpu.core_type<sc_vector_subcore>, window_params = [{transform_indices = #map}, {transform_indices = #map}, {transform_indices = #map}]} {
    %mul3A = arith.constant 2 : i32
    %mul3A_0 = arith.muli %arg1, %mul3A : i32
    %add3A = arith.addi %mul3A_0, %arg0 : i32
    %iota3A = tpu.iota {dimensions = array<i32: 0>} : vector<16xi32>
    %mul3A_1 = arith.constant 5 : i32
    %mul3A_2 = vector.broadcast %mul3A_1 : i32 to vector<16xi32>
    %mul3A_3 = arith.muli %iota3A, %mul3A_2 : vector<16xi32>
    %iota3A_4 = tpu.iota {dimensions = array<i32: 0>} : vector<16xi32>
    %mul3A_5 = arith.constant 4 : i32
    %mul3A_6 = vector.broadcast %mul3A_5 : i32 to vector<16xi32>
    %mul3A_7 = arith.muli %iota3A_4, %mul3A_6 : vector<16xi32>
    %add3A_8 = arith.constant 0 : i32
    %add3A_9 = arith.addi %add3A, %add3A_8 : i32
    %min3A = arith.constant 499 : i32
    %min3A_10 = arith.minsi %add3A_9, %min3A : i32
    %mul3A_11 = arith.constant 4000 : i32
    %mul3A_12 = arith.muli %min3A_10, %mul3A_11 : i32
    %mul3A_13 = arith.constant 5 : i32
    %mul3A_14 = arith.muli %mul3A_12, %mul3A_13 : i32
    %dma_start3A = tpu.memref_slice %arg2[%mul3A_14] : memref<10000000xf32, #tpu.memory_space<hbm>> -> memref<20000xf32, #tpu.memory_space<hbm>>
    %dma_start3A_15 = tpu.memref_slice %arg2[%mul3A_14] : memref<10000000xf32, #tpu.memory_space<hbm>> -> memref<20000xf32, #tpu.memory_space<hbm>>
    tpu.enqueue_dma source(%dma_start3A_15 : memref<20000xf32, #tpu.memory_space<hbm>>) target(%arg5 : memref<20000xf32, #tpu.memory_space<vmem>>) target_semaphore(%arg11 : memref<!tpu.dma_semaphore, #tpu.memory_space<semaphore_mem>>)
    %dma_start3A_16 = tpu.memref_slice %arg3[%mul3A_12] : memref<2000000xi32, #tpu.memory_space<hbm>> -> memref<4000xi32, #tpu.memory_space<hbm>>
    %dma_start3A_17 = tpu.memref_slice %arg3[%mul3A_12] : memref<2000000xi32, #tpu.memory_space<hbm>> -> memref<4000xi32, #tpu.memory_space<hbm>>
    tpu.enqueue_dma source(%dma_start3A_17 : memref<4000xi32, #tpu.memory_space<hbm>>) target(%arg7 : memref<4000xi32, #tpu.memory_space<vmem>>) target_semaphore(%arg11 : memref<!tpu.dma_semaphore, #tpu.memory_space<semaphore_mem>>)
    %add3A_18 = arith.constant 32 : i32
    %add3A_19 = arith.addi %add3A, %add3A_18 : i32
    %min3A_20 = arith.constant 499 : i32
    %min3A_21 = arith.minsi %add3A_19, %min3A_20 : i32
    %mul3A_22 = arith.constant 4000 : i32
    %mul3A_23 = arith.muli %min3A_21, %mul3A_22 : i32
    %mul3A_24 = arith.constant 5 : i32
    %mul3A_25 = arith.muli %mul3A_23, %mul3A_24 : i32
    %dma_start3A_26 = tpu.memref_slice %arg2[%mul3A_25] : memref<10000000xf32, #tpu.memory_space<hbm>> -> memref<20000xf32, #tpu.memory_space<hbm>>
    %dma_start3A_27 = tpu.memref_slice %arg2[%mul3A_25] : memref<10000000xf32, #tpu.memory_space<hbm>> -> memref<20000xf32, #tpu.memory_space<hbm>>
    tpu.enqueue_dma source(%dma_start3A_27 : memref<20000xf32, #tpu.memory_space<hbm>>) target(%arg6 : memref<20000xf32, #tpu.memory_space<vmem>>) target_semaphore(%arg12 : memref<!tpu.dma_semaphore, #tpu.memory_space<semaphore_mem>>)
    %dma_start3A_28 = tpu.memref_slice %arg3[%mul3A_23] : memref<2000000xi32, #tpu.memory_space<hbm>> -> memref<4000xi32, #tpu.memory_space<hbm>>
    %dma_start3A_29 = tpu.memref_slice %arg3[%mul3A_23] : memref<2000000xi32, #tpu.memory_space<hbm>> -> memref<4000xi32, #tpu.memory_space<hbm>>
    tpu.enqueue_dma source(%dma_start3A_29 : memref<4000xi32, #tpu.memory_space<hbm>>) target(%arg8 : memref<4000xi32, #tpu.memory_space<vmem>>) target_semaphore(%arg12 : memref<!tpu.dma_semaphore, #tpu.memory_space<semaphore_mem>>)
    %dma_wait3A = tpu.memref_slice %arg2[%mul3A_14] : memref<10000000xf32, #tpu.memory_space<hbm>> -> memref<20000xf32, #tpu.memory_space<hbm>>
    %dma_wait3A_30 = tpu.memref_slice %arg2[%mul3A_14] : memref<10000000xf32, #tpu.memory_space<hbm>> -> memref<20000xf32, #tpu.memory_space<hbm>>
    tpu.wait_dma2 semaphore(%arg11 : memref<!tpu.dma_semaphore, #tpu.memory_space<semaphore_mem>>) src(%dma_wait3A_30 : memref<20000xf32, #tpu.memory_space<hbm>>) dst(%arg5 : memref<20000xf32, #tpu.memory_space<vmem>>)
    %dma_wait3A_31 = tpu.memref_slice %arg3[%mul3A_12] : memref<2000000xi32, #tpu.memory_space<hbm>> -> memref<4000xi32, #tpu.memory_space<hbm>>
    %dma_wait3A_32 = tpu.memref_slice %arg3[%mul3A_12] : memref<2000000xi32, #tpu.memory_space<hbm>> -> memref<4000xi32, #tpu.memory_space<hbm>>
    tpu.wait_dma2 semaphore(%arg11 : memref<!tpu.dma_semaphore, #tpu.memory_space<semaphore_mem>>) src(%dma_wait3A_32 : memref<4000xi32, #tpu.memory_space<hbm>>) dst(%arg7 : memref<4000xi32, #tpu.memory_space<vmem>>)
    %parallel_loop3A = arith.constant 0 : i32
    %parallel_loop3A_33 = arith.constant 250 : i32
    %parallel_loop3A_34 = arith.constant 1 : i32
    scf.for %parallel_loop3A_500 = %parallel_loop3A to %parallel_loop3A_33 step %parallel_loop3A_34  : i32 {
      %parallel_loop3A_501 = arith.constant 80 : i32
      %parallel_loop3A_502 = arith.muli %parallel_loop3A_500, %parallel_loop3A_501 : i32
      %parallel_loop3A_503 = vector.broadcast %parallel_loop3A_502 : i32 to vector<16xi32>
      %parallel_loop3A_504 = arith.addi %mul3A_3, %parallel_loop3A_503 : vector<16xi32>
      %parallel_loop3A_505 = arith.constant 64 : i32
      %parallel_loop3A_506 = arith.muli %parallel_loop3A_500, %parallel_loop3A_505 : i32
      %parallel_loop3A_507 = vector.broadcast %parallel_loop3A_506 : i32 to vector<16xi32>
      %parallel_loop3A_508 = arith.addi %mul3A_7, %parallel_loop3A_507 : vector<16xi32>
      %parallel_loop3A_509 = tpu.vector_load_idx %arg5[%parallel_loop3A_504] : memref<20000xf32, #tpu.memory_space<vmem>>[vector<16xi32>], vector<16xf32>,
      %parallel_loop3A_510 = arith.constant 1 : i32
      %parallel_loop3A_511 = vector.broadcast %parallel_loop3A_510 : i32 to vector<16xi32>
      %parallel_loop3A_512 = arith.addi %parallel_loop3A_504, %parallel_loop3A_511 : vector<16xi32>
      %parallel_loop3A_513 = tpu.vector_load_idx %arg5[%parallel_loop3A_512] : memref<20000xf32, #tpu.memory_space<vmem>>[vector<16xi32>], vector<16xf32>,
      %parallel_loop3A_514 = arith.constant 2 : i32
      %parallel_loop3A_515 = vector.broadcast %parallel_loop3A_514 : i32 to vector<16xi32>
      %parallel_loop3A_516 = arith.addi %parallel_loop3A_504, %parallel_loop3A_515 : vector<16xi32>
      %parallel_loop3A_517 = tpu.vector_load_idx %arg5[%parallel_loop3A_516] : memref<20000xf32, #tpu.memory_space<vmem>>[vector<16xi32>], vector<16xf32>,
      %parallel_loop3A_518 = arith.constant 16 : i32
      %parallel_loop3A_519 = arith.muli %parallel_loop3A_500, %parallel_loop3A_518 : i32
      %parallel_loop3A_520 = arith.index_cast %parallel_loop3A_519 : i32 to index
      %parallel_loop3A_521 = tpu.vector_load %arg7[%parallel_loop3A_520] {strides = array<i32>} : memref<4000xi32, #tpu.memory_space<vmem>>, vector<16xi32>,
      %parallel_loop3A_522 = arith.constant 0.000000e+00 : f32
      %parallel_loop3A_523 = vector.broadcast %parallel_loop3A_522 : f32 to vector<16xf32>
      %parallel_loop3A_524 = arith.subf %parallel_loop3A_509, %parallel_loop3A_523 : vector<16xf32>
      %parallel_loop3A_525 = arith.constant 4.000000e-01 : f32
      %parallel_loop3A_526 = vector.broadcast %parallel_loop3A_525 : f32 to vector<16xf32>
      %parallel_loop3A_527 = arith.divf %parallel_loop3A_524, %parallel_loop3A_526 : vector<16xf32>
      %parallel_loop3A_528 = arith.constant 0.000000e+00 : f32
      %parallel_loop3A_529 = vector.broadcast %parallel_loop3A_528 : f32 to vector<16xf32>
      %parallel_loop3A_530 = arith.maximumf %parallel_loop3A_527, %parallel_loop3A_529 : vector<16xf32>
      %parallel_loop3A_531 = arith.constant 1.790000e+02 : f32
      %parallel_loop3A_532 = vector.broadcast %parallel_loop3A_531 : f32 to vector<16xf32>
      %parallel_loop3A_533 = arith.minimumf %parallel_loop3A_530, %parallel_loop3A_532 : vector<16xf32>
      %parallel_loop3A_534 = arith.fptosi %parallel_loop3A_533 : vector<16xf32> to vector<16xi32>
      %parallel_loop3A_535 = arith.constant -6.400000e+00 : f32
      %parallel_loop3A_536 = vector.broadcast %parallel_loop3A_535 : f32 to vector<16xf32>
      %parallel_loop3A_537 = arith.subf %parallel_loop3A_513, %parallel_loop3A_536 : vector<16xf32>
      %parallel_loop3A_538 = arith.constant 4.000000e-01 : f32
      %parallel_loop3A_539 = vector.broadcast %parallel_loop3A_538 : f32 to vector<16xf32>
      %parallel_loop3A_540 = arith.divf %parallel_loop3A_537, %parallel_loop3A_539 : vector<16xf32>
      %parallel_loop3A_541 = arith.constant 0.000000e+00 : f32
      %parallel_loop3A_542 = vector.broadcast %parallel_loop3A_541 : f32 to vector<16xf32>
      %parallel_loop3A_543 = arith.maximumf %parallel_loop3A_540, %parallel_loop3A_542 : vector<16xf32>
      %parallel_loop3A_544 = arith.constant 3.100000e+01 : f32
      %parallel_loop3A_545 = vector.broadcast %parallel_loop3A_544 : f32 to vector<16xf32>
      %parallel_loop3A_546 = arith.minimumf %parallel_loop3A_543, %parallel_loop3A_545 : vector<16xf32>
      %parallel_loop3A_547 = arith.fptosi %parallel_loop3A_546 : vector<16xf32> to vector<16xi32>
      %parallel_loop3A_548 = arith.constant -2.000000e+00 : f32
      %parallel_loop3A_549 = vector.broadcast %parallel_loop3A_548 : f32 to vector<16xf32>
      %parallel_loop3A_550 = arith.subf %parallel_loop3A_517, %parallel_loop3A_549 : vector<16xf32>
      %parallel_loop3A_551 = arith.constant 4.000000e-01 : f32
      %parallel_loop3A_552 = vector.broadcast %parallel_loop3A_551 : f32 to vector<16xf32>
      %parallel_loop3A_553 = arith.divf %parallel_loop3A_550, %parallel_loop3A_552 : vector<16xf32>
      %parallel_loop3A_554 = arith.constant 0.000000e+00 : f32
      %parallel_loop3A_555 = vector.broadcast %parallel_loop3A_554 : f32 to vector<16xf32>
      %parallel_loop3A_556 = arith.maximumf %parallel_loop3A_553, %parallel_loop3A_555 : vector<16xf32>
      %parallel_loop3A_557 = arith.constant 1.900000e+01 : f32
      %parallel_loop3A_558 = vector.broadcast %parallel_loop3A_557 : f32 to vector<16xf32>
      %parallel_loop3A_559 = arith.minimumf %parallel_loop3A_556, %parallel_loop3A_558 : vector<16xf32>
      %parallel_loop3A_560 = arith.fptosi %parallel_loop3A_559 : vector<16xf32> to vector<16xi32>
      tpu.vector_store_idx %arg9[%parallel_loop3A_508], %parallel_loop3A_521 : memref<16000xi32, #tpu.memory_space<vmem>>[vector<16xi32>], vector<16xi32>,
      %parallel_loop3A_561 = arith.constant 1 : i32
      %parallel_loop3A_562 = vector.broadcast %parallel_loop3A_561 : i32 to vector<16xi32>
      %parallel_loop3A_563 = arith.addi %parallel_loop3A_508, %parallel_loop3A_562 : vector<16xi32>
      tpu.vector_store_idx %arg9[%parallel_loop3A_563], %parallel_loop3A_560 : memref<16000xi32, #tpu.memory_space<vmem>>[vector<16xi32>], vector<16xi32>,
      %parallel_loop3A_564 = arith.constant 2 : i32
      %parallel_loop3A_565 = vector.broadcast %parallel_loop3A_564 : i32 to vector<16xi32>
      %parallel_loop3A_566 = arith.addi %parallel_loop3A_508, %parallel_loop3A_565 : vector<16xi32>
      tpu.vector_store_idx %arg9[%parallel_loop3A_566], %parallel_loop3A_547 : memref<16000xi32, #tpu.memory_space<vmem>>[vector<16xi32>], vector<16xi32>,
      %parallel_loop3A_567 = arith.constant 3 : i32
      %parallel_loop3A_568 = vector.broadcast %parallel_loop3A_567 : i32 to vector<16xi32>
      %parallel_loop3A_569 = arith.addi %parallel_loop3A_508, %parallel_loop3A_568 : vector<16xi32>
      tpu.vector_store_idx %arg9[%parallel_loop3A_569], %parallel_loop3A_534 : memref<16000xi32, #tpu.memory_space<vmem>>[vector<16xi32>], vector<16xi32>,
    } {sc.loop_unroll_factor = 4 : i64, sc.parallel_access}
    %add3A_35 = arith.constant 0 : i32
    %add3A_36 = arith.addi %add3A, %add3A_35 : i32
    %min3A_37 = arith.constant 499 : i32
    %min3A_38 = arith.minsi %add3A_36, %min3A_37 : i32
    %mul3A_39 = arith.constant 4000 : i32
    %mul3A_40 = arith.muli %min3A_38, %mul3A_39 : i32
    %mul3A_41 = arith.constant 4 : i32
    %mul3A_42 = arith.muli %mul3A_40, %mul3A_41 : i32
    %dma_start3A_43 = tpu.memref_slice %arg4[%mul3A_42] : memref<8000000xi32, #tpu.memory_space<hbm>> -> memref<16000xi32, #tpu.memory_space<hbm>>
    %dma_start3A_44 = tpu.memref_slice %arg4[%mul3A_42] : memref<8000000xi32, #tpu.memory_space<hbm>> -> memref<16000xi32, #tpu.memory_space<hbm>>
    tpu.enqueue_dma source(%arg9 : memref<16000xi32, #tpu.memory_space<vmem>>) target(%dma_start3A_44 : memref<16000xi32, #tpu.memory_space<hbm>>) target_semaphore(%arg13 : memref<!tpu.dma_semaphore, #tpu.memory_space<semaphore_mem>>)
    %add3A_45 = arith.constant 64 : i32
    %add3A_46 = arith.addi %add3A, %add3A_45 : i32
    %min3A_47 = arith.constant 499 : i32
    %min3A_48 = arith.minsi %add3A_46, %min3A_47 : i32
    %mul3A_49 = arith.constant 4000 : i32
    %mul3A_50 = arith.muli %min3A_48, %mul3A_49 : i32
    %mul3A_51 = arith.constant 5 : i32
    %mul3A_52 = arith.muli %mul3A_50, %mul3A_51 : i32
    %dma_start3A_53 = tpu.memref_slice %arg2[%mul3A_52] : memref<10000000xf32, #tpu.memory_space<hbm>> -> memref<20000xf32, #tpu.memory_space<hbm>>
    %dma_start3A_54 = tpu.memref_slice %arg2[%mul3A_52] : memref<10000000xf32, #tpu.memory_space<hbm>> -> memref<20000xf32, #tpu.memory_space<hbm>>
    tpu.enqueue_dma source(%dma_start3A_54 : memref<20000xf32, #tpu.memory_space<hbm>>) target(%arg5 : memref<20000xf32, #tpu.memory_space<vmem>>) target_semaphore(%arg11 : memref<!tpu.dma_semaphore, #tpu.memory_space<semaphore_mem>>)
    %dma_start3A_55 = tpu.memref_slice %arg3[%mul3A_50] : memref<2000000xi32, #tpu.memory_space<hbm>> -> memref<4000xi32, #tpu.memory_space<hbm>>
    %dma_start3A_56 = tpu.memref_slice %arg3[%mul3A_50] : memref<2000000xi32, #tpu.memory_space<hbm>> -> memref<4000xi32, #tpu.memory_space<hbm>>
    tpu.enqueue_dma source(%dma_start3A_56 : memref<4000xi32, #tpu.memory_space<hbm>>) target(%arg7 : memref<4000xi32, #tpu.memory_space<vmem>>) target_semaphore(%arg11 : memref<!tpu.dma_semaphore, #tpu.memory_space<semaphore_mem>>)
    %dma_wait3A_57 = tpu.memref_slice %arg2[%mul3A_25] : memref<10000000xf32, #tpu.memory_space<hbm>> -> memref<20000xf32, #tpu.memory_space<hbm>>
    %dma_wait3A_58 = tpu.memref_slice %arg2[%mul3A_25] : memref<10000000xf32, #tpu.memory_space<hbm>> -> memref<20000xf32, #tpu.memory_space<hbm>>
    tpu.wait_dma2 semaphore(%arg12 : memref<!tpu.dma_semaphore, #tpu.memory_space<semaphore_mem>>) src(%dma_wait3A_58 : memref<20000xf32, #tpu.memory_space<hbm>>) dst(%arg6 : memref<20000xf32, #tpu.memory_space<vmem>>)
    %dma_wait3A_59 = tpu.memref_slice %arg3[%mul3A_23] : memref<2000000xi32, #tpu.memory_space<hbm>> -> memref<4000xi32, #tpu.memory_space<hbm>>
    %dma_wait3A_60 = tpu.memref_slice %arg3[%mul3A_23] : memref<2000000xi32, #tpu.memory_space<hbm>> -> memref<4000xi32, #tpu.memory_space<hbm>>
    tpu.wait_dma2 semaphore(%arg12 : memref<!tpu.dma_semaphore, #tpu.memory_space<semaphore_mem>>) src(%dma_wait3A_60 : memref<4000xi32, #tpu.memory_space<hbm>>) dst(%arg8 : memref<4000xi32, #tpu.memory_space<vmem>>)
    %parallel_loop3A_61 = arith.constant 0 : i32
    %parallel_loop3A_62 = arith.constant 250 : i32
    %parallel_loop3A_63 = arith.constant 1 : i32
    scf.for %parallel_loop3A_500 = %parallel_loop3A_61 to %parallel_loop3A_62 step %parallel_loop3A_63  : i32 {
      %parallel_loop3A_501 = arith.constant 80 : i32
      %parallel_loop3A_502 = arith.muli %parallel_loop3A_500, %parallel_loop3A_501 : i32
      %parallel_loop3A_503 = vector.broadcast %parallel_loop3A_502 : i32 to vector<16xi32>
      %parallel_loop3A_504 = arith.addi %mul3A_3, %parallel_loop3A_503 : vector<16xi32>
      %parallel_loop3A_505 = arith.constant 64 : i32
      %parallel_loop3A_506 = arith.muli %parallel_loop3A_500, %parallel_loop3A_505 : i32
      %parallel_loop3A_507 = vector.broadcast %parallel_loop3A_506 : i32 to vector<16xi32>
      %parallel_loop3A_508 = arith.addi %mul3A_7, %parallel_loop3A_507 : vector<16xi32>
      %parallel_loop3A_509 = tpu.vector_load_idx %arg6[%parallel_loop3A_504] : memref<20000xf32, #tpu.memory_space<vmem>>[vector<16xi32>], vector<16xf32>,
      %parallel_loop3A_510 = arith.constant 1 : i32
      %parallel_loop3A_511 = vector.broadcast %parallel_loop3A_510 : i32 to vector<16xi32>
      %parallel_loop3A_512 = arith.addi %parallel_loop3A_504, %parallel_loop3A_511 : vector<16xi32>
      %parallel_loop3A_513 = tpu.vector_load_idx %arg6[%parallel_loop3A_512] : memref<20000xf32, #tpu.memory_space<vmem>>[vector<16xi32>], vector<16xf32>,
      %parallel_loop3A_514 = arith.constant 2 : i32
      %parallel_loop3A_515 = vector.broadcast %parallel_loop3A_514 : i32 to vector<16xi32>
      %parallel_loop3A_516 = arith.addi %parallel_loop3A_504, %parallel_loop3A_515 : vector<16xi32>
      %parallel_loop3A_517 = tpu.vector_load_idx %arg6[%parallel_loop3A_516] : memref<20000xf32, #tpu.memory_space<vmem>>[vector<16xi32>], vector<16xf32>,
      %parallel_loop3A_518 = arith.constant 16 : i32
      %parallel_loop3A_519 = arith.muli %parallel_loop3A_500, %parallel_loop3A_518 : i32
      %parallel_loop3A_520 = arith.index_cast %parallel_loop3A_519 : i32 to index
      %parallel_loop3A_521 = tpu.vector_load %arg8[%parallel_loop3A_520] {strides = array<i32>} : memref<4000xi32, #tpu.memory_space<vmem>>, vector<16xi32>,
      %parallel_loop3A_522 = arith.constant 0.000000e+00 : f32
      %parallel_loop3A_523 = vector.broadcast %parallel_loop3A_522 : f32 to vector<16xf32>
      %parallel_loop3A_524 = arith.subf %parallel_loop3A_509, %parallel_loop3A_523 : vector<16xf32>
      %parallel_loop3A_525 = arith.constant 4.000000e-01 : f32
      %parallel_loop3A_526 = vector.broadcast %parallel_loop3A_525 : f32 to vector<16xf32>
      %parallel_loop3A_527 = arith.divf %parallel_loop3A_524, %parallel_loop3A_526 : vector<16xf32>
      %parallel_loop3A_528 = arith.constant 0.000000e+00 : f32
      %parallel_loop3A_529 = vector.broadcast %parallel_loop3A_528 : f32 to vector<16xf32>
      %parallel_loop3A_530 = arith.maximumf %parallel_loop3A_527, %parallel_loop3A_529 : vector<16xf32>
      %parallel_loop3A_531 = arith.constant 1.790000e+02 : f32
      %parallel_loop3A_532 = vector.broadcast %parallel_loop3A_531 : f32 to vector<16xf32>
      %parallel_loop3A_533 = arith.minimumf %parallel_loop3A_530, %parallel_loop3A_532 : vector<16xf32>
      %parallel_loop3A_534 = arith.fptosi %parallel_loop3A_533 : vector<16xf32> to vector<16xi32>
      %parallel_loop3A_535 = arith.constant -6.400000e+00 : f32
      %parallel_loop3A_536 = vector.broadcast %parallel_loop3A_535 : f32 to vector<16xf32>
      %parallel_loop3A_537 = arith.subf %parallel_loop3A_513, %parallel_loop3A_536 : vector<16xf32>
      %parallel_loop3A_538 = arith.constant 4.000000e-01 : f32
      %parallel_loop3A_539 = vector.broadcast %parallel_loop3A_538 : f32 to vector<16xf32>
      %parallel_loop3A_540 = arith.divf %parallel_loop3A_537, %parallel_loop3A_539 : vector<16xf32>
      %parallel_loop3A_541 = arith.constant 0.000000e+00 : f32
      %parallel_loop3A_542 = vector.broadcast %parallel_loop3A_541 : f32 to vector<16xf32>
      %parallel_loop3A_543 = arith.maximumf %parallel_loop3A_540, %parallel_loop3A_542 : vector<16xf32>
      %parallel_loop3A_544 = arith.constant 3.100000e+01 : f32
      %parallel_loop3A_545 = vector.broadcast %parallel_loop3A_544 : f32 to vector<16xf32>
      %parallel_loop3A_546 = arith.minimumf %parallel_loop3A_543, %parallel_loop3A_545 : vector<16xf32>
      %parallel_loop3A_547 = arith.fptosi %parallel_loop3A_546 : vector<16xf32> to vector<16xi32>
      %parallel_loop3A_548 = arith.constant -2.000000e+00 : f32
      %parallel_loop3A_549 = vector.broadcast %parallel_loop3A_548 : f32 to vector<16xf32>
      %parallel_loop3A_550 = arith.subf %parallel_loop3A_517, %parallel_loop3A_549 : vector<16xf32>
      %parallel_loop3A_551 = arith.constant 4.000000e-01 : f32
      %parallel_loop3A_552 = vector.broadcast %parallel_loop3A_551 : f32 to vector<16xf32>
      %parallel_loop3A_553 = arith.divf %parallel_loop3A_550, %parallel_loop3A_552 : vector<16xf32>
      %parallel_loop3A_554 = arith.constant 0.000000e+00 : f32
      %parallel_loop3A_555 = vector.broadcast %parallel_loop3A_554 : f32 to vector<16xf32>
      %parallel_loop3A_556 = arith.maximumf %parallel_loop3A_553, %parallel_loop3A_555 : vector<16xf32>
      %parallel_loop3A_557 = arith.constant 1.900000e+01 : f32
      %parallel_loop3A_558 = vector.broadcast %parallel_loop3A_557 : f32 to vector<16xf32>
      %parallel_loop3A_559 = arith.minimumf %parallel_loop3A_556, %parallel_loop3A_558 : vector<16xf32>
      %parallel_loop3A_560 = arith.fptosi %parallel_loop3A_559 : vector<16xf32> to vector<16xi32>
      tpu.vector_store_idx %arg10[%parallel_loop3A_508], %parallel_loop3A_521 : memref<16000xi32, #tpu.memory_space<vmem>>[vector<16xi32>], vector<16xi32>,
      %parallel_loop3A_561 = arith.constant 1 : i32
      %parallel_loop3A_562 = vector.broadcast %parallel_loop3A_561 : i32 to vector<16xi32>
      %parallel_loop3A_563 = arith.addi %parallel_loop3A_508, %parallel_loop3A_562 : vector<16xi32>
      tpu.vector_store_idx %arg10[%parallel_loop3A_563], %parallel_loop3A_560 : memref<16000xi32, #tpu.memory_space<vmem>>[vector<16xi32>], vector<16xi32>,
      %parallel_loop3A_564 = arith.constant 2 : i32
      %parallel_loop3A_565 = vector.broadcast %parallel_loop3A_564 : i32 to vector<16xi32>
      %parallel_loop3A_566 = arith.addi %parallel_loop3A_508, %parallel_loop3A_565 : vector<16xi32>
      tpu.vector_store_idx %arg10[%parallel_loop3A_566], %parallel_loop3A_547 : memref<16000xi32, #tpu.memory_space<vmem>>[vector<16xi32>], vector<16xi32>,
      %parallel_loop3A_567 = arith.constant 3 : i32
      %parallel_loop3A_568 = vector.broadcast %parallel_loop3A_567 : i32 to vector<16xi32>
      %parallel_loop3A_569 = arith.addi %parallel_loop3A_508, %parallel_loop3A_568 : vector<16xi32>
      tpu.vector_store_idx %arg10[%parallel_loop3A_569], %parallel_loop3A_534 : memref<16000xi32, #tpu.memory_space<vmem>>[vector<16xi32>], vector<16xi32>,
    } {sc.loop_unroll_factor = 4 : i64, sc.parallel_access}
    %add3A_64 = arith.constant 32 : i32
    %add3A_65 = arith.addi %add3A, %add3A_64 : i32
    %min3A_66 = arith.constant 499 : i32
    %min3A_67 = arith.minsi %add3A_65, %min3A_66 : i32
    %mul3A_68 = arith.constant 4000 : i32
    %mul3A_69 = arith.muli %min3A_67, %mul3A_68 : i32
    %mul3A_70 = arith.constant 4 : i32
    %mul3A_71 = arith.muli %mul3A_69, %mul3A_70 : i32
    %dma_start3A_72 = tpu.memref_slice %arg4[%mul3A_71] : memref<8000000xi32, #tpu.memory_space<hbm>> -> memref<16000xi32, #tpu.memory_space<hbm>>
    %dma_start3A_73 = tpu.memref_slice %arg4[%mul3A_71] : memref<8000000xi32, #tpu.memory_space<hbm>> -> memref<16000xi32, #tpu.memory_space<hbm>>
    tpu.enqueue_dma source(%arg10 : memref<16000xi32, #tpu.memory_space<vmem>>) target(%dma_start3A_73 : memref<16000xi32, #tpu.memory_space<hbm>>) target_semaphore(%arg14 : memref<!tpu.dma_semaphore, #tpu.memory_space<semaphore_mem>>)
    %add3A_74 = arith.constant 96 : i32
    %add3A_75 = arith.addi %add3A, %add3A_74 : i32
    %min3A_76 = arith.constant 499 : i32
    %min3A_77 = arith.minsi %add3A_75, %min3A_76 : i32
    %mul3A_78 = arith.constant 4000 : i32
    %mul3A_79 = arith.muli %min3A_77, %mul3A_78 : i32
    %mul3A_80 = arith.constant 5 : i32
    %mul3A_81 = arith.muli %mul3A_79, %mul3A_80 : i32
    %dma_start3A_82 = tpu.memref_slice %arg2[%mul3A_81] : memref<10000000xf32, #tpu.memory_space<hbm>> -> memref<20000xf32, #tpu.memory_space<hbm>>
    %dma_start3A_83 = tpu.memref_slice %arg2[%mul3A_81] : memref<10000000xf32, #tpu.memory_space<hbm>> -> memref<20000xf32, #tpu.memory_space<hbm>>
    tpu.enqueue_dma source(%dma_start3A_83 : memref<20000xf32, #tpu.memory_space<hbm>>) target(%arg6 : memref<20000xf32, #tpu.memory_space<vmem>>) target_semaphore(%arg12 : memref<!tpu.dma_semaphore, #tpu.memory_space<semaphore_mem>>)
    %dma_start3A_84 = tpu.memref_slice %arg3[%mul3A_79] : memref<2000000xi32, #tpu.memory_space<hbm>> -> memref<4000xi32, #tpu.memory_space<hbm>>
    %dma_start3A_85 = tpu.memref_slice %arg3[%mul3A_79] : memref<2000000xi32, #tpu.memory_space<hbm>> -> memref<4000xi32, #tpu.memory_space<hbm>>
    tpu.enqueue_dma source(%dma_start3A_85 : memref<4000xi32, #tpu.memory_space<hbm>>) target(%arg8 : memref<4000xi32, #tpu.memory_space<vmem>>) target_semaphore(%arg12 : memref<!tpu.dma_semaphore, #tpu.memory_space<semaphore_mem>>)
    %dma_wait3A_86 = tpu.memref_slice %arg2[%mul3A_52] : memref<10000000xf32, #tpu.memory_space<hbm>> -> memref<20000xf32, #tpu.memory_space<hbm>>
    %dma_wait3A_87 = tpu.memref_slice %arg2[%mul3A_52] : memref<10000000xf32, #tpu.memory_space<hbm>> -> memref<20000xf32, #tpu.memory_space<hbm>>
    tpu.wait_dma2 semaphore(%arg11 : memref<!tpu.dma_semaphore, #tpu.memory_space<semaphore_mem>>) src(%dma_wait3A_87 : memref<20000xf32, #tpu.memory_space<hbm>>) dst(%arg5 : memref<20000xf32, #tpu.memory_space<vmem>>)
    %dma_wait3A_88 = tpu.memref_slice %arg3[%mul3A_50] : memref<2000000xi32, #tpu.memory_space<hbm>> -> memref<4000xi32, #tpu.memory_space<hbm>>
    %dma_wait3A_89 = tpu.memref_slice %arg3[%mul3A_50] : memref<2000000xi32, #tpu.memory_space<hbm>> -> memref<4000xi32, #tpu.memory_space<hbm>>
    tpu.wait_dma2 semaphore(%arg11 : memref<!tpu.dma_semaphore, #tpu.memory_space<semaphore_mem>>) src(%dma_wait3A_89 : memref<4000xi32, #tpu.memory_space<hbm>>) dst(%arg7 : memref<4000xi32, #tpu.memory_space<vmem>>)
    %dma_wait3A_90 = tpu.memref_slice %arg4[%mul3A_42] : memref<8000000xi32, #tpu.memory_space<hbm>> -> memref<16000xi32, #tpu.memory_space<hbm>>
    %dma_wait3A_91 = tpu.memref_slice %arg4[%mul3A_42] : memref<8000000xi32, #tpu.memory_space<hbm>> -> memref<16000xi32, #tpu.memory_space<hbm>>
    tpu.wait_dma2 semaphore(%arg13 : memref<!tpu.dma_semaphore, #tpu.memory_space<semaphore_mem>>) src(%arg9 : memref<16000xi32, #tpu.memory_space<vmem>>) dst(%dma_wait3A_91 : memref<16000xi32, #tpu.memory_space<hbm>>)
    %parallel_loop3A_92 = arith.constant 0 : i32
    %parallel_loop3A_93 = arith.constant 250 : i32
    %parallel_loop3A_94 = arith.constant 1 : i32
    scf.for %parallel_loop3A_500 = %parallel_loop3A_92 to %parallel_loop3A_93 step %parallel_loop3A_94  : i32 {
      %parallel_loop3A_501 = arith.constant 80 : i32
      %parallel_loop3A_502 = arith.muli %parallel_loop3A_500, %parallel_loop3A_501 : i32
      %parallel_loop3A_503 = vector.broadcast %parallel_loop3A_502 : i32 to vector<16xi32>
      %parallel_loop3A_504 = arith.addi %mul3A_3, %parallel_loop3A_503 : vector<16xi32>
      %parallel_loop3A_505 = arith.constant 64 : i32
      %parallel_loop3A_506 = arith.muli %parallel_loop3A_500, %parallel_loop3A_505 : i32
      %parallel_loop3A_507 = vector.broadcast %parallel_loop3A_506 : i32 to vector<16xi32>
      %parallel_loop3A_508 = arith.addi %mul3A_7, %parallel_loop3A_507 : vector<16xi32>
      %parallel_loop3A_509 = tpu.vector_load_idx %arg5[%parallel_loop3A_504] : memref<20000xf32, #tpu.memory_space<vmem>>[vector<16xi32>], vector<16xf32>,
      %parallel_loop3A_510 = arith.constant 1 : i32
      %parallel_loop3A_511 = vector.broadcast %parallel_loop3A_510 : i32 to vector<16xi32>
      %parallel_loop3A_512 = arith.addi %parallel_loop3A_504, %parallel_loop3A_511 : vector<16xi32>
      %parallel_loop3A_513 = tpu.vector_load_idx %arg5[%parallel_loop3A_512] : memref<20000xf32, #tpu.memory_space<vmem>>[vector<16xi32>], vector<16xf32>,
      %parallel_loop3A_514 = arith.constant 2 : i32
      %parallel_loop3A_515 = vector.broadcast %parallel_loop3A_514 : i32 to vector<16xi32>
      %parallel_loop3A_516 = arith.addi %parallel_loop3A_504, %parallel_loop3A_515 : vector<16xi32>
      %parallel_loop3A_517 = tpu.vector_load_idx %arg5[%parallel_loop3A_516] : memref<20000xf32, #tpu.memory_space<vmem>>[vector<16xi32>], vector<16xf32>,
      %parallel_loop3A_518 = arith.constant 16 : i32
      %parallel_loop3A_519 = arith.muli %parallel_loop3A_500, %parallel_loop3A_518 : i32
      %parallel_loop3A_520 = arith.index_cast %parallel_loop3A_519 : i32 to index
      %parallel_loop3A_521 = tpu.vector_load %arg7[%parallel_loop3A_520] {strides = array<i32>} : memref<4000xi32, #tpu.memory_space<vmem>>, vector<16xi32>,
      %parallel_loop3A_522 = arith.constant 0.000000e+00 : f32
      %parallel_loop3A_523 = vector.broadcast %parallel_loop3A_522 : f32 to vector<16xf32>
      %parallel_loop3A_524 = arith.subf %parallel_loop3A_509, %parallel_loop3A_523 : vector<16xf32>
      %parallel_loop3A_525 = arith.constant 4.000000e-01 : f32
      %parallel_loop3A_526 = vector.broadcast %parallel_loop3A_525 : f32 to vector<16xf32>
      %parallel_loop3A_527 = arith.divf %parallel_loop3A_524, %parallel_loop3A_526 : vector<16xf32>
      %parallel_loop3A_528 = arith.constant 0.000000e+00 : f32
      %parallel_loop3A_529 = vector.broadcast %parallel_loop3A_528 : f32 to vector<16xf32>
      %parallel_loop3A_530 = arith.maximumf %parallel_loop3A_527, %parallel_loop3A_529 : vector<16xf32>
      %parallel_loop3A_531 = arith.constant 1.790000e+02 : f32
      %parallel_loop3A_532 = vector.broadcast %parallel_loop3A_531 : f32 to vector<16xf32>
      %parallel_loop3A_533 = arith.minimumf %parallel_loop3A_530, %parallel_loop3A_532 : vector<16xf32>
      %parallel_loop3A_534 = arith.fptosi %parallel_loop3A_533 : vector<16xf32> to vector<16xi32>
      %parallel_loop3A_535 = arith.constant -6.400000e+00 : f32
      %parallel_loop3A_536 = vector.broadcast %parallel_loop3A_535 : f32 to vector<16xf32>
      %parallel_loop3A_537 = arith.subf %parallel_loop3A_513, %parallel_loop3A_536 : vector<16xf32>
      %parallel_loop3A_538 = arith.constant 4.000000e-01 : f32
      %parallel_loop3A_539 = vector.broadcast %parallel_loop3A_538 : f32 to vector<16xf32>
      %parallel_loop3A_540 = arith.divf %parallel_loop3A_537, %parallel_loop3A_539 : vector<16xf32>
      %parallel_loop3A_541 = arith.constant 0.000000e+00 : f32
      %parallel_loop3A_542 = vector.broadcast %parallel_loop3A_541 : f32 to vector<16xf32>
      %parallel_loop3A_543 = arith.maximumf %parallel_loop3A_540, %parallel_loop3A_542 : vector<16xf32>
      %parallel_loop3A_544 = arith.constant 3.100000e+01 : f32
      %parallel_loop3A_545 = vector.broadcast %parallel_loop3A_544 : f32 to vector<16xf32>
      %parallel_loop3A_546 = arith.minimumf %parallel_loop3A_543, %parallel_loop3A_545 : vector<16xf32>
      %parallel_loop3A_547 = arith.fptosi %parallel_loop3A_546 : vector<16xf32> to vector<16xi32>
      %parallel_loop3A_548 = arith.constant -2.000000e+00 : f32
      %parallel_loop3A_549 = vector.broadcast %parallel_loop3A_548 : f32 to vector<16xf32>
      %parallel_loop3A_550 = arith.subf %parallel_loop3A_517, %parallel_loop3A_549 : vector<16xf32>
      %parallel_loop3A_551 = arith.constant 4.000000e-01 : f32
      %parallel_loop3A_552 = vector.broadcast %parallel_loop3A_551 : f32 to vector<16xf32>
      %parallel_loop3A_553 = arith.divf %parallel_loop3A_550, %parallel_loop3A_552 : vector<16xf32>
      %parallel_loop3A_554 = arith.constant 0.000000e+00 : f32
      %parallel_loop3A_555 = vector.broadcast %parallel_loop3A_554 : f32 to vector<16xf32>
      %parallel_loop3A_556 = arith.maximumf %parallel_loop3A_553, %parallel_loop3A_555 : vector<16xf32>
      %parallel_loop3A_557 = arith.constant 1.900000e+01 : f32
      %parallel_loop3A_558 = vector.broadcast %parallel_loop3A_557 : f32 to vector<16xf32>
      %parallel_loop3A_559 = arith.minimumf %parallel_loop3A_556, %parallel_loop3A_558 : vector<16xf32>
      %parallel_loop3A_560 = arith.fptosi %parallel_loop3A_559 : vector<16xf32> to vector<16xi32>
      tpu.vector_store_idx %arg9[%parallel_loop3A_508], %parallel_loop3A_521 : memref<16000xi32, #tpu.memory_space<vmem>>[vector<16xi32>], vector<16xi32>,
      %parallel_loop3A_561 = arith.constant 1 : i32
      %parallel_loop3A_562 = vector.broadcast %parallel_loop3A_561 : i32 to vector<16xi32>
      %parallel_loop3A_563 = arith.addi %parallel_loop3A_508, %parallel_loop3A_562 : vector<16xi32>
      tpu.vector_store_idx %arg9[%parallel_loop3A_563], %parallel_loop3A_560 : memref<16000xi32, #tpu.memory_space<vmem>>[vector<16xi32>], vector<16xi32>,
      %parallel_loop3A_564 = arith.constant 2 : i32
      %parallel_loop3A_565 = vector.broadcast %parallel_loop3A_564 : i32 to vector<16xi32>
      %parallel_loop3A_566 = arith.addi %parallel_loop3A_508, %parallel_loop3A_565 : vector<16xi32>
      tpu.vector_store_idx %arg9[%parallel_loop3A_566], %parallel_loop3A_547 : memref<16000xi32, #tpu.memory_space<vmem>>[vector<16xi32>], vector<16xi32>,
      %parallel_loop3A_567 = arith.constant 3 : i32
      %parallel_loop3A_568 = vector.broadcast %parallel_loop3A_567 : i32 to vector<16xi32>
      %parallel_loop3A_569 = arith.addi %parallel_loop3A_508, %parallel_loop3A_568 : vector<16xi32>
      tpu.vector_store_idx %arg9[%parallel_loop3A_569], %parallel_loop3A_534 : memref<16000xi32, #tpu.memory_space<vmem>>[vector<16xi32>], vector<16xi32>,
    } {sc.loop_unroll_factor = 4 : i64, sc.parallel_access}
    %add3A_95 = arith.constant 64 : i32
    %add3A_96 = arith.addi %add3A, %add3A_95 : i32
    %min3A_97 = arith.constant 499 : i32
    %min3A_98 = arith.minsi %add3A_96, %min3A_97 : i32
    %mul3A_99 = arith.constant 4000 : i32
    %mul3A_100 = arith.muli %min3A_98, %mul3A_99 : i32
    %mul3A_101 = arith.constant 4 : i32
    %mul3A_102 = arith.muli %mul3A_100, %mul3A_101 : i32
    %dma_start3A_103 = tpu.memref_slice %arg4[%mul3A_102] : memref<8000000xi32, #tpu.memory_space<hbm>> -> memref<16000xi32, #tpu.memory_space<hbm>>
    %dma_start3A_104 = tpu.memref_slice %arg4[%mul3A_102] : memref<8000000xi32, #tpu.memory_space<hbm>> -> memref<16000xi32, #tpu.memory_space<hbm>>
    tpu.enqueue_dma source(%arg9 : memref<16000xi32, #tpu.memory_space<vmem>>) target(%dma_start3A_104 : memref<16000xi32, #tpu.memory_space<hbm>>) target_semaphore(%arg13 : memref<!tpu.dma_semaphore, #tpu.memory_space<semaphore_mem>>)
    %add3A_105 = arith.constant 128 : i32
    %add3A_106 = arith.addi %add3A, %add3A_105 : i32
    %min3A_107 = arith.constant 499 : i32
    %min3A_108 = arith.minsi %add3A_106, %min3A_107 : i32
    %mul3A_109 = arith.constant 4000 : i32
    %mul3A_110 = arith.muli %min3A_108, %mul3A_109 : i32
    %mul3A_111 = arith.constant 5 : i32
    %mul3A_112 = arith.muli %mul3A_110, %mul3A_111 : i32
    %dma_start3A_113 = tpu.memref_slice %arg2[%mul3A_112] : memref<10000000xf32, #tpu.memory_space<hbm>> -> memref<20000xf32, #tpu.memory_space<hbm>>
    %dma_start3A_114 = tpu.memref_slice %arg2[%mul3A_112] : memref<10000000xf32, #tpu.memory_space<hbm>> -> memref<20000xf32, #tpu.memory_space<hbm>>
    tpu.enqueue_dma source(%dma_start3A_114 : memref<20000xf32, #tpu.memory_space<hbm>>) target(%arg5 : memref<20000xf32, #tpu.memory_space<vmem>>) target_semaphore(%arg11 : memref<!tpu.dma_semaphore, #tpu.memory_space<semaphore_mem>>)
    %dma_start3A_115 = tpu.memref_slice %arg3[%mul3A_110] : memref<2000000xi32, #tpu.memory_space<hbm>> -> memref<4000xi32, #tpu.memory_space<hbm>>
    %dma_start3A_116 = tpu.memref_slice %arg3[%mul3A_110] : memref<2000000xi32, #tpu.memory_space<hbm>> -> memref<4000xi32, #tpu.memory_space<hbm>>
    tpu.enqueue_dma source(%dma_start3A_116 : memref<4000xi32, #tpu.memory_space<hbm>>) target(%arg7 : memref<4000xi32, #tpu.memory_space<vmem>>) target_semaphore(%arg11 : memref<!tpu.dma_semaphore, #tpu.memory_space<semaphore_mem>>)
    %dma_wait3A_117 = tpu.memref_slice %arg2[%mul3A_81] : memref<10000000xf32, #tpu.memory_space<hbm>> -> memref<20000xf32, #tpu.memory_space<hbm>>
    %dma_wait3A_118 = tpu.memref_slice %arg2[%mul3A_81] : memref<10000000xf32, #tpu.memory_space<hbm>> -> memref<20000xf32, #tpu.memory_space<hbm>>
    tpu.wait_dma2 semaphore(%arg12 : memref<!tpu.dma_semaphore, #tpu.memory_space<semaphore_mem>>) src(%dma_wait3A_118 : memref<20000xf32, #tpu.memory_space<hbm>>) dst(%arg6 : memref<20000xf32, #tpu.memory_space<vmem>>)
    %dma_wait3A_119 = tpu.memref_slice %arg3[%mul3A_79] : memref<2000000xi32, #tpu.memory_space<hbm>> -> memref<4000xi32, #tpu.memory_space<hbm>>
    %dma_wait3A_120 = tpu.memref_slice %arg3[%mul3A_79] : memref<2000000xi32, #tpu.memory_space<hbm>> -> memref<4000xi32, #tpu.memory_space<hbm>>
    tpu.wait_dma2 semaphore(%arg12 : memref<!tpu.dma_semaphore, #tpu.memory_space<semaphore_mem>>) src(%dma_wait3A_120 : memref<4000xi32, #tpu.memory_space<hbm>>) dst(%arg8 : memref<4000xi32, #tpu.memory_space<vmem>>)
    %dma_wait3A_121 = tpu.memref_slice %arg4[%mul3A_71] : memref<8000000xi32, #tpu.memory_space<hbm>> -> memref<16000xi32, #tpu.memory_space<hbm>>
    %dma_wait3A_122 = tpu.memref_slice %arg4[%mul3A_71] : memref<8000000xi32, #tpu.memory_space<hbm>> -> memref<16000xi32, #tpu.memory_space<hbm>>
    tpu.wait_dma2 semaphore(%arg14 : memref<!tpu.dma_semaphore, #tpu.memory_space<semaphore_mem>>) src(%arg10 : memref<16000xi32, #tpu.memory_space<vmem>>) dst(%dma_wait3A_122 : memref<16000xi32, #tpu.memory_space<hbm>>)
    %parallel_loop3A_123 = arith.constant 0 : i32
    %parallel_loop3A_124 = arith.constant 250 : i32
    %parallel_loop3A_125 = arith.constant 1 : i32
    scf.for %parallel_loop3A_500 = %parallel_loop3A_123 to %parallel_loop3A_124 step %parallel_loop3A_125  : i32 {
      %parallel_loop3A_501 = arith.constant 80 : i32
      %parallel_loop3A_502 = arith.muli %parallel_loop3A_500, %parallel_loop3A_501 : i32
      %parallel_loop3A_503 = vector.broadcast %parallel_loop3A_502 : i32 to vector<16xi32>
      %parallel_loop3A_504 = arith.addi %mul3A_3, %parallel_loop3A_503 : vector<16xi32>
      %parallel_loop3A_505 = arith.constant 64 : i32
      %parallel_loop3A_506 = arith.muli %parallel_loop3A_500, %parallel_loop3A_505 : i32
      %parallel_loop3A_507 = vector.broadcast %parallel_loop3A_506 : i32 to vector<16xi32>
      %parallel_loop3A_508 = arith.addi %mul3A_7, %parallel_loop3A_507 : vector<16xi32>
      %parallel_loop3A_509 = tpu.vector_load_idx %arg6[%parallel_loop3A_504] : memref<20000xf32, #tpu.memory_space<vmem>>[vector<16xi32>], vector<16xf32>,
      %parallel_loop3A_510 = arith.constant 1 : i32
      %parallel_loop3A_511 = vector.broadcast %parallel_loop3A_510 : i32 to vector<16xi32>
      %parallel_loop3A_512 = arith.addi %parallel_loop3A_504, %parallel_loop3A_511 : vector<16xi32>
      %parallel_loop3A_513 = tpu.vector_load_idx %arg6[%parallel_loop3A_512] : memref<20000xf32, #tpu.memory_space<vmem>>[vector<16xi32>], vector<16xf32>,
      %parallel_loop3A_514 = arith.constant 2 : i32
      %parallel_loop3A_515 = vector.broadcast %parallel_loop3A_514 : i32 to vector<16xi32>
      %parallel_loop3A_516 = arith.addi %parallel_loop3A_504, %parallel_loop3A_515 : vector<16xi32>
      %parallel_loop3A_517 = tpu.vector_load_idx %arg6[%parallel_loop3A_516] : memref<20000xf32, #tpu.memory_space<vmem>>[vector<16xi32>], vector<16xf32>,
      %parallel_loop3A_518 = arith.constant 16 : i32
      %parallel_loop3A_519 = arith.muli %parallel_loop3A_500, %parallel_loop3A_518 : i32
      %parallel_loop3A_520 = arith.index_cast %parallel_loop3A_519 : i32 to index
      %parallel_loop3A_521 = tpu.vector_load %arg8[%parallel_loop3A_520] {strides = array<i32>} : memref<4000xi32, #tpu.memory_space<vmem>>, vector<16xi32>,
      %parallel_loop3A_522 = arith.constant 0.000000e+00 : f32
      %parallel_loop3A_523 = vector.broadcast %parallel_loop3A_522 : f32 to vector<16xf32>
      %parallel_loop3A_524 = arith.subf %parallel_loop3A_509, %parallel_loop3A_523 : vector<16xf32>
      %parallel_loop3A_525 = arith.constant 4.000000e-01 : f32
      %parallel_loop3A_526 = vector.broadcast %parallel_loop3A_525 : f32 to vector<16xf32>
      %parallel_loop3A_527 = arith.divf %parallel_loop3A_524, %parallel_loop3A_526 : vector<16xf32>
      %parallel_loop3A_528 = arith.constant 0.000000e+00 : f32
      %parallel_loop3A_529 = vector.broadcast %parallel_loop3A_528 : f32 to vector<16xf32>
      %parallel_loop3A_530 = arith.maximumf %parallel_loop3A_527, %parallel_loop3A_529 : vector<16xf32>
      %parallel_loop3A_531 = arith.constant 1.790000e+02 : f32
      %parallel_loop3A_532 = vector.broadcast %parallel_loop3A_531 : f32 to vector<16xf32>
      %parallel_loop3A_533 = arith.minimumf %parallel_loop3A_530, %parallel_loop3A_532 : vector<16xf32>
      %parallel_loop3A_534 = arith.fptosi %parallel_loop3A_533 : vector<16xf32> to vector<16xi32>
      %parallel_loop3A_535 = arith.constant -6.400000e+00 : f32
      %parallel_loop3A_536 = vector.broadcast %parallel_loop3A_535 : f32 to vector<16xf32>
      %parallel_loop3A_537 = arith.subf %parallel_loop3A_513, %parallel_loop3A_536 : vector<16xf32>
      %parallel_loop3A_538 = arith.constant 4.000000e-01 : f32
      %parallel_loop3A_539 = vector.broadcast %parallel_loop3A_538 : f32 to vector<16xf32>
      %parallel_loop3A_540 = arith.divf %parallel_loop3A_537, %parallel_loop3A_539 : vector<16xf32>
      %parallel_loop3A_541 = arith.constant 0.000000e+00 : f32
      %parallel_loop3A_542 = vector.broadcast %parallel_loop3A_541 : f32 to vector<16xf32>
      %parallel_loop3A_543 = arith.maximumf %parallel_loop3A_540, %parallel_loop3A_542 : vector<16xf32>
      %parallel_loop3A_544 = arith.constant 3.100000e+01 : f32
      %parallel_loop3A_545 = vector.broadcast %parallel_loop3A_544 : f32 to vector<16xf32>
      %parallel_loop3A_546 = arith.minimumf %parallel_loop3A_543, %parallel_loop3A_545 : vector<16xf32>
      %parallel_loop3A_547 = arith.fptosi %parallel_loop3A_546 : vector<16xf32> to vector<16xi32>
      %parallel_loop3A_548 = arith.constant -2.000000e+00 : f32
      %parallel_loop3A_549 = vector.broadcast %parallel_loop3A_548 : f32 to vector<16xf32>
      %parallel_loop3A_550 = arith.subf %parallel_loop3A_517, %parallel_loop3A_549 : vector<16xf32>
      %parallel_loop3A_551 = arith.constant 4.000000e-01 : f32
      %parallel_loop3A_552 = vector.broadcast %parallel_loop3A_551 : f32 to vector<16xf32>
      %parallel_loop3A_553 = arith.divf %parallel_loop3A_550, %parallel_loop3A_552 : vector<16xf32>
      %parallel_loop3A_554 = arith.constant 0.000000e+00 : f32
      %parallel_loop3A_555 = vector.broadcast %parallel_loop3A_554 : f32 to vector<16xf32>
      %parallel_loop3A_556 = arith.maximumf %parallel_loop3A_553, %parallel_loop3A_555 : vector<16xf32>
      %parallel_loop3A_557 = arith.constant 1.900000e+01 : f32
      %parallel_loop3A_558 = vector.broadcast %parallel_loop3A_557 : f32 to vector<16xf32>
      %parallel_loop3A_559 = arith.minimumf %parallel_loop3A_556, %parallel_loop3A_558 : vector<16xf32>
      %parallel_loop3A_560 = arith.fptosi %parallel_loop3A_559 : vector<16xf32> to vector<16xi32>
      tpu.vector_store_idx %arg10[%parallel_loop3A_508], %parallel_loop3A_521 : memref<16000xi32, #tpu.memory_space<vmem>>[vector<16xi32>], vector<16xi32>,
      %parallel_loop3A_561 = arith.constant 1 : i32
      %parallel_loop3A_562 = vector.broadcast %parallel_loop3A_561 : i32 to vector<16xi32>
      %parallel_loop3A_563 = arith.addi %parallel_loop3A_508, %parallel_loop3A_562 : vector<16xi32>
      tpu.vector_store_idx %arg10[%parallel_loop3A_563], %parallel_loop3A_560 : memref<16000xi32, #tpu.memory_space<vmem>>[vector<16xi32>], vector<16xi32>,
      %parallel_loop3A_564 = arith.constant 2 : i32
      %parallel_loop3A_565 = vector.broadcast %parallel_loop3A_564 : i32 to vector<16xi32>
      %parallel_loop3A_566 = arith.addi %parallel_loop3A_508, %parallel_loop3A_565 : vector<16xi32>
      tpu.vector_store_idx %arg10[%parallel_loop3A_566], %parallel_loop3A_547 : memref<16000xi32, #tpu.memory_space<vmem>>[vector<16xi32>], vector<16xi32>,
      %parallel_loop3A_567 = arith.constant 3 : i32
      %parallel_loop3A_568 = vector.broadcast %parallel_loop3A_567 : i32 to vector<16xi32>
      %parallel_loop3A_569 = arith.addi %parallel_loop3A_508, %parallel_loop3A_568 : vector<16xi32>
      tpu.vector_store_idx %arg10[%parallel_loop3A_569], %parallel_loop3A_534 : memref<16000xi32, #tpu.memory_space<vmem>>[vector<16xi32>], vector<16xi32>,
    } {sc.loop_unroll_factor = 4 : i64, sc.parallel_access}
    %add3A_126 = arith.constant 96 : i32
    %add3A_127 = arith.addi %add3A, %add3A_126 : i32
    %min3A_128 = arith.constant 499 : i32
    %min3A_129 = arith.minsi %add3A_127, %min3A_128 : i32
    %mul3A_130 = arith.constant 4000 : i32
    %mul3A_131 = arith.muli %min3A_129, %mul3A_130 : i32
    %mul3A_132 = arith.constant 4 : i32
    %mul3A_133 = arith.muli %mul3A_131, %mul3A_132 : i32
    %dma_start3A_134 = tpu.memref_slice %arg4[%mul3A_133] : memref<8000000xi32, #tpu.memory_space<hbm>> -> memref<16000xi32, #tpu.memory_space<hbm>>
    %dma_start3A_135 = tpu.memref_slice %arg4[%mul3A_133] : memref<8000000xi32, #tpu.memory_space<hbm>> -> memref<16000xi32, #tpu.memory_space<hbm>>
    tpu.enqueue_dma source(%arg10 : memref<16000xi32, #tpu.memory_space<vmem>>) target(%dma_start3A_135 : memref<16000xi32, #tpu.memory_space<hbm>>) target_semaphore(%arg14 : memref<!tpu.dma_semaphore, #tpu.memory_space<semaphore_mem>>)
    %add3A_136 = arith.constant 160 : i32
    %add3A_137 = arith.addi %add3A, %add3A_136 : i32
    %min3A_138 = arith.constant 499 : i32
    %min3A_139 = arith.minsi %add3A_137, %min3A_138 : i32
    %mul3A_140 = arith.constant 4000 : i32
    %mul3A_141 = arith.muli %min3A_139, %mul3A_140 : i32
    %mul3A_142 = arith.constant 5 : i32
    %mul3A_143 = arith.muli %mul3A_141, %mul3A_142 : i32
    %dma_start3A_144 = tpu.memref_slice %arg2[%mul3A_143] : memref<10000000xf32, #tpu.memory_space<hbm>> -> memref<20000xf32, #tpu.memory_space<hbm>>
    %dma_start3A_145 = tpu.memref_slice %arg2[%mul3A_143] : memref<10000000xf32, #tpu.memory_space<hbm>> -> memref<20000xf32, #tpu.memory_space<hbm>>
    tpu.enqueue_dma source(%dma_start3A_145 : memref<20000xf32, #tpu.memory_space<hbm>>) target(%arg6 : memref<20000xf32, #tpu.memory_space<vmem>>) target_semaphore(%arg12 : memref<!tpu.dma_semaphore, #tpu.memory_space<semaphore_mem>>)
    %dma_start3A_146 = tpu.memref_slice %arg3[%mul3A_141] : memref<2000000xi32, #tpu.memory_space<hbm>> -> memref<4000xi32, #tpu.memory_space<hbm>>
    %dma_start3A_147 = tpu.memref_slice %arg3[%mul3A_141] : memref<2000000xi32, #tpu.memory_space<hbm>> -> memref<4000xi32, #tpu.memory_space<hbm>>
    tpu.enqueue_dma source(%dma_start3A_147 : memref<4000xi32, #tpu.memory_space<hbm>>) target(%arg8 : memref<4000xi32, #tpu.memory_space<vmem>>) target_semaphore(%arg12 : memref<!tpu.dma_semaphore, #tpu.memory_space<semaphore_mem>>)
    %dma_wait3A_148 = tpu.memref_slice %arg2[%mul3A_112] : memref<10000000xf32, #tpu.memory_space<hbm>> -> memref<20000xf32, #tpu.memory_space<hbm>>
    %dma_wait3A_149 = tpu.memref_slice %arg2[%mul3A_112] : memref<10000000xf32, #tpu.memory_space<hbm>> -> memref<20000xf32, #tpu.memory_space<hbm>>
    tpu.wait_dma2 semaphore(%arg11 : memref<!tpu.dma_semaphore, #tpu.memory_space<semaphore_mem>>) src(%dma_wait3A_149 : memref<20000xf32, #tpu.memory_space<hbm>>) dst(%arg5 : memref<20000xf32, #tpu.memory_space<vmem>>)
    %dma_wait3A_150 = tpu.memref_slice %arg3[%mul3A_110] : memref<2000000xi32, #tpu.memory_space<hbm>> -> memref<4000xi32, #tpu.memory_space<hbm>>
    %dma_wait3A_151 = tpu.memref_slice %arg3[%mul3A_110] : memref<2000000xi32, #tpu.memory_space<hbm>> -> memref<4000xi32, #tpu.memory_space<hbm>>
    tpu.wait_dma2 semaphore(%arg11 : memref<!tpu.dma_semaphore, #tpu.memory_space<semaphore_mem>>) src(%dma_wait3A_151 : memref<4000xi32, #tpu.memory_space<hbm>>) dst(%arg7 : memref<4000xi32, #tpu.memory_space<vmem>>)
    %dma_wait3A_152 = tpu.memref_slice %arg4[%mul3A_102] : memref<8000000xi32, #tpu.memory_space<hbm>> -> memref<16000xi32, #tpu.memory_space<hbm>>
    %dma_wait3A_153 = tpu.memref_slice %arg4[%mul3A_102] : memref<8000000xi32, #tpu.memory_space<hbm>> -> memref<16000xi32, #tpu.memory_space<hbm>>
    tpu.wait_dma2 semaphore(%arg13 : memref<!tpu.dma_semaphore, #tpu.memory_space<semaphore_mem>>) src(%arg9 : memref<16000xi32, #tpu.memory_space<vmem>>) dst(%dma_wait3A_153 : memref<16000xi32, #tpu.memory_space<hbm>>)
    %parallel_loop3A_154 = arith.constant 0 : i32
    %parallel_loop3A_155 = arith.constant 250 : i32
    %parallel_loop3A_156 = arith.constant 1 : i32
    scf.for %parallel_loop3A_500 = %parallel_loop3A_154 to %parallel_loop3A_155 step %parallel_loop3A_156  : i32 {
      %parallel_loop3A_501 = arith.constant 80 : i32
      %parallel_loop3A_502 = arith.muli %parallel_loop3A_500, %parallel_loop3A_501 : i32
      %parallel_loop3A_503 = vector.broadcast %parallel_loop3A_502 : i32 to vector<16xi32>
      %parallel_loop3A_504 = arith.addi %mul3A_3, %parallel_loop3A_503 : vector<16xi32>
      %parallel_loop3A_505 = arith.constant 64 : i32
      %parallel_loop3A_506 = arith.muli %parallel_loop3A_500, %parallel_loop3A_505 : i32
      %parallel_loop3A_507 = vector.broadcast %parallel_loop3A_506 : i32 to vector<16xi32>
      %parallel_loop3A_508 = arith.addi %mul3A_7, %parallel_loop3A_507 : vector<16xi32>
      %parallel_loop3A_509 = tpu.vector_load_idx %arg5[%parallel_loop3A_504] : memref<20000xf32, #tpu.memory_space<vmem>>[vector<16xi32>], vector<16xf32>,
      %parallel_loop3A_510 = arith.constant 1 : i32
      %parallel_loop3A_511 = vector.broadcast %parallel_loop3A_510 : i32 to vector<16xi32>
      %parallel_loop3A_512 = arith.addi %parallel_loop3A_504, %parallel_loop3A_511 : vector<16xi32>
      %parallel_loop3A_513 = tpu.vector_load_idx %arg5[%parallel_loop3A_512] : memref<20000xf32, #tpu.memory_space<vmem>>[vector<16xi32>], vector<16xf32>,
      %parallel_loop3A_514 = arith.constant 2 : i32
      %parallel_loop3A_515 = vector.broadcast %parallel_loop3A_514 : i32 to vector<16xi32>
      %parallel_loop3A_516 = arith.addi %parallel_loop3A_504, %parallel_loop3A_515 : vector<16xi32>
      %parallel_loop3A_517 = tpu.vector_load_idx %arg5[%parallel_loop3A_516] : memref<20000xf32, #tpu.memory_space<vmem>>[vector<16xi32>], vector<16xf32>,
      %parallel_loop3A_518 = arith.constant 16 : i32
      %parallel_loop3A_519 = arith.muli %parallel_loop3A_500, %parallel_loop3A_518 : i32
      %parallel_loop3A_520 = arith.index_cast %parallel_loop3A_519 : i32 to index
      %parallel_loop3A_521 = tpu.vector_load %arg7[%parallel_loop3A_520] {strides = array<i32>} : memref<4000xi32, #tpu.memory_space<vmem>>, vector<16xi32>,
      %parallel_loop3A_522 = arith.constant 0.000000e+00 : f32
      %parallel_loop3A_523 = vector.broadcast %parallel_loop3A_522 : f32 to vector<16xf32>
      %parallel_loop3A_524 = arith.subf %parallel_loop3A_509, %parallel_loop3A_523 : vector<16xf32>
      %parallel_loop3A_525 = arith.constant 4.000000e-01 : f32
      %parallel_loop3A_526 = vector.broadcast %parallel_loop3A_525 : f32 to vector<16xf32>
      %parallel_loop3A_527 = arith.divf %parallel_loop3A_524, %parallel_loop3A_526 : vector<16xf32>
      %parallel_loop3A_528 = arith.constant 0.000000e+00 : f32
      %parallel_loop3A_529 = vector.broadcast %parallel_loop3A_528 : f32 to vector<16xf32>
      %parallel_loop3A_530 = arith.maximumf %parallel_loop3A_527, %parallel_loop3A_529 : vector<16xf32>
      %parallel_loop3A_531 = arith.constant 1.790000e+02 : f32
      %parallel_loop3A_532 = vector.broadcast %parallel_loop3A_531 : f32 to vector<16xf32>
      %parallel_loop3A_533 = arith.minimumf %parallel_loop3A_530, %parallel_loop3A_532 : vector<16xf32>
      %parallel_loop3A_534 = arith.fptosi %parallel_loop3A_533 : vector<16xf32> to vector<16xi32>
      %parallel_loop3A_535 = arith.constant -6.400000e+00 : f32
      %parallel_loop3A_536 = vector.broadcast %parallel_loop3A_535 : f32 to vector<16xf32>
      %parallel_loop3A_537 = arith.subf %parallel_loop3A_513, %parallel_loop3A_536 : vector<16xf32>
      %parallel_loop3A_538 = arith.constant 4.000000e-01 : f32
      %parallel_loop3A_539 = vector.broadcast %parallel_loop3A_538 : f32 to vector<16xf32>
      %parallel_loop3A_540 = arith.divf %parallel_loop3A_537, %parallel_loop3A_539 : vector<16xf32>
      %parallel_loop3A_541 = arith.constant 0.000000e+00 : f32
      %parallel_loop3A_542 = vector.broadcast %parallel_loop3A_541 : f32 to vector<16xf32>
      %parallel_loop3A_543 = arith.maximumf %parallel_loop3A_540, %parallel_loop3A_542 : vector<16xf32>
      %parallel_loop3A_544 = arith.constant 3.100000e+01 : f32
      %parallel_loop3A_545 = vector.broadcast %parallel_loop3A_544 : f32 to vector<16xf32>
      %parallel_loop3A_546 = arith.minimumf %parallel_loop3A_543, %parallel_loop3A_545 : vector<16xf32>
      %parallel_loop3A_547 = arith.fptosi %parallel_loop3A_546 : vector<16xf32> to vector<16xi32>
      %parallel_loop3A_548 = arith.constant -2.000000e+00 : f32
      %parallel_loop3A_549 = vector.broadcast %parallel_loop3A_548 : f32 to vector<16xf32>
      %parallel_loop3A_550 = arith.subf %parallel_loop3A_517, %parallel_loop3A_549 : vector<16xf32>
      %parallel_loop3A_551 = arith.constant 4.000000e-01 : f32
      %parallel_loop3A_552 = vector.broadcast %parallel_loop3A_551 : f32 to vector<16xf32>
      %parallel_loop3A_553 = arith.divf %parallel_loop3A_550, %parallel_loop3A_552 : vector<16xf32>
      %parallel_loop3A_554 = arith.constant 0.000000e+00 : f32
      %parallel_loop3A_555 = vector.broadcast %parallel_loop3A_554 : f32 to vector<16xf32>
      %parallel_loop3A_556 = arith.maximumf %parallel_loop3A_553, %parallel_loop3A_555 : vector<16xf32>
      %parallel_loop3A_557 = arith.constant 1.900000e+01 : f32
      %parallel_loop3A_558 = vector.broadcast %parallel_loop3A_557 : f32 to vector<16xf32>
      %parallel_loop3A_559 = arith.minimumf %parallel_loop3A_556, %parallel_loop3A_558 : vector<16xf32>
      %parallel_loop3A_560 = arith.fptosi %parallel_loop3A_559 : vector<16xf32> to vector<16xi32>
      tpu.vector_store_idx %arg9[%parallel_loop3A_508], %parallel_loop3A_521 : memref<16000xi32, #tpu.memory_space<vmem>>[vector<16xi32>], vector<16xi32>,
      %parallel_loop3A_561 = arith.constant 1 : i32
      %parallel_loop3A_562 = vector.broadcast %parallel_loop3A_561 : i32 to vector<16xi32>
      %parallel_loop3A_563 = arith.addi %parallel_loop3A_508, %parallel_loop3A_562 : vector<16xi32>
      tpu.vector_store_idx %arg9[%parallel_loop3A_563], %parallel_loop3A_560 : memref<16000xi32, #tpu.memory_space<vmem>>[vector<16xi32>], vector<16xi32>,
      %parallel_loop3A_564 = arith.constant 2 : i32
      %parallel_loop3A_565 = vector.broadcast %parallel_loop3A_564 : i32 to vector<16xi32>
      %parallel_loop3A_566 = arith.addi %parallel_loop3A_508, %parallel_loop3A_565 : vector<16xi32>
      tpu.vector_store_idx %arg9[%parallel_loop3A_566], %parallel_loop3A_547 : memref<16000xi32, #tpu.memory_space<vmem>>[vector<16xi32>], vector<16xi32>,
      %parallel_loop3A_567 = arith.constant 3 : i32
      %parallel_loop3A_568 = vector.broadcast %parallel_loop3A_567 : i32 to vector<16xi32>
      %parallel_loop3A_569 = arith.addi %parallel_loop3A_508, %parallel_loop3A_568 : vector<16xi32>
      tpu.vector_store_idx %arg9[%parallel_loop3A_569], %parallel_loop3A_534 : memref<16000xi32, #tpu.memory_space<vmem>>[vector<16xi32>], vector<16xi32>,
    } {sc.loop_unroll_factor = 4 : i64, sc.parallel_access}
    %add3A_157 = arith.constant 128 : i32
    %add3A_158 = arith.addi %add3A, %add3A_157 : i32
    %min3A_159 = arith.constant 499 : i32
    %min3A_160 = arith.minsi %add3A_158, %min3A_159 : i32
    %mul3A_161 = arith.constant 4000 : i32
    %mul3A_162 = arith.muli %min3A_160, %mul3A_161 : i32
    %mul3A_163 = arith.constant 4 : i32
    %mul3A_164 = arith.muli %mul3A_162, %mul3A_163 : i32
    %dma_start3A_165 = tpu.memref_slice %arg4[%mul3A_164] : memref<8000000xi32, #tpu.memory_space<hbm>> -> memref<16000xi32, #tpu.memory_space<hbm>>
    %dma_start3A_166 = tpu.memref_slice %arg4[%mul3A_164] : memref<8000000xi32, #tpu.memory_space<hbm>> -> memref<16000xi32, #tpu.memory_space<hbm>>
    tpu.enqueue_dma source(%arg9 : memref<16000xi32, #tpu.memory_space<vmem>>) target(%dma_start3A_166 : memref<16000xi32, #tpu.memory_space<hbm>>) target_semaphore(%arg13 : memref<!tpu.dma_semaphore, #tpu.memory_space<semaphore_mem>>)
    %add3A_167 = arith.constant 192 : i32
    %add3A_168 = arith.addi %add3A, %add3A_167 : i32
    %min3A_169 = arith.constant 499 : i32
    %min3A_170 = arith.minsi %add3A_168, %min3A_169 : i32
    %mul3A_171 = arith.constant 4000 : i32
    %mul3A_172 = arith.muli %min3A_170, %mul3A_171 : i32
    %mul3A_173 = arith.constant 5 : i32
    %mul3A_174 = arith.muli %mul3A_172, %mul3A_173 : i32
    %dma_start3A_175 = tpu.memref_slice %arg2[%mul3A_174] : memref<10000000xf32, #tpu.memory_space<hbm>> -> memref<20000xf32, #tpu.memory_space<hbm>>
    %dma_start3A_176 = tpu.memref_slice %arg2[%mul3A_174] : memref<10000000xf32, #tpu.memory_space<hbm>> -> memref<20000xf32, #tpu.memory_space<hbm>>
    tpu.enqueue_dma source(%dma_start3A_176 : memref<20000xf32, #tpu.memory_space<hbm>>) target(%arg5 : memref<20000xf32, #tpu.memory_space<vmem>>) target_semaphore(%arg11 : memref<!tpu.dma_semaphore, #tpu.memory_space<semaphore_mem>>)
    %dma_start3A_177 = tpu.memref_slice %arg3[%mul3A_172] : memref<2000000xi32, #tpu.memory_space<hbm>> -> memref<4000xi32, #tpu.memory_space<hbm>>
    %dma_start3A_178 = tpu.memref_slice %arg3[%mul3A_172] : memref<2000000xi32, #tpu.memory_space<hbm>> -> memref<4000xi32, #tpu.memory_space<hbm>>
    tpu.enqueue_dma source(%dma_start3A_178 : memref<4000xi32, #tpu.memory_space<hbm>>) target(%arg7 : memref<4000xi32, #tpu.memory_space<vmem>>) target_semaphore(%arg11 : memref<!tpu.dma_semaphore, #tpu.memory_space<semaphore_mem>>)
    %dma_wait3A_179 = tpu.memref_slice %arg2[%mul3A_143] : memref<10000000xf32, #tpu.memory_space<hbm>> -> memref<20000xf32, #tpu.memory_space<hbm>>
    %dma_wait3A_180 = tpu.memref_slice %arg2[%mul3A_143] : memref<10000000xf32, #tpu.memory_space<hbm>> -> memref<20000xf32, #tpu.memory_space<hbm>>
    tpu.wait_dma2 semaphore(%arg12 : memref<!tpu.dma_semaphore, #tpu.memory_space<semaphore_mem>>) src(%dma_wait3A_180 : memref<20000xf32, #tpu.memory_space<hbm>>) dst(%arg6 : memref<20000xf32, #tpu.memory_space<vmem>>)
    %dma_wait3A_181 = tpu.memref_slice %arg3[%mul3A_141] : memref<2000000xi32, #tpu.memory_space<hbm>> -> memref<4000xi32, #tpu.memory_space<hbm>>
    %dma_wait3A_182 = tpu.memref_slice %arg3[%mul3A_141] : memref<2000000xi32, #tpu.memory_space<hbm>> -> memref<4000xi32, #tpu.memory_space<hbm>>
    tpu.wait_dma2 semaphore(%arg12 : memref<!tpu.dma_semaphore, #tpu.memory_space<semaphore_mem>>) src(%dma_wait3A_182 : memref<4000xi32, #tpu.memory_space<hbm>>) dst(%arg8 : memref<4000xi32, #tpu.memory_space<vmem>>)
    %dma_wait3A_183 = tpu.memref_slice %arg4[%mul3A_133] : memref<8000000xi32, #tpu.memory_space<hbm>> -> memref<16000xi32, #tpu.memory_space<hbm>>
    %dma_wait3A_184 = tpu.memref_slice %arg4[%mul3A_133] : memref<8000000xi32, #tpu.memory_space<hbm>> -> memref<16000xi32, #tpu.memory_space<hbm>>
    tpu.wait_dma2 semaphore(%arg14 : memref<!tpu.dma_semaphore, #tpu.memory_space<semaphore_mem>>) src(%arg10 : memref<16000xi32, #tpu.memory_space<vmem>>) dst(%dma_wait3A_184 : memref<16000xi32, #tpu.memory_space<hbm>>)
    %parallel_loop3A_185 = arith.constant 0 : i32
    %parallel_loop3A_186 = arith.constant 250 : i32
    %parallel_loop3A_187 = arith.constant 1 : i32
    scf.for %parallel_loop3A_500 = %parallel_loop3A_185 to %parallel_loop3A_186 step %parallel_loop3A_187  : i32 {
      %parallel_loop3A_501 = arith.constant 80 : i32
      %parallel_loop3A_502 = arith.muli %parallel_loop3A_500, %parallel_loop3A_501 : i32
      %parallel_loop3A_503 = vector.broadcast %parallel_loop3A_502 : i32 to vector<16xi32>
      %parallel_loop3A_504 = arith.addi %mul3A_3, %parallel_loop3A_503 : vector<16xi32>
      %parallel_loop3A_505 = arith.constant 64 : i32
      %parallel_loop3A_506 = arith.muli %parallel_loop3A_500, %parallel_loop3A_505 : i32
      %parallel_loop3A_507 = vector.broadcast %parallel_loop3A_506 : i32 to vector<16xi32>
      %parallel_loop3A_508 = arith.addi %mul3A_7, %parallel_loop3A_507 : vector<16xi32>
      %parallel_loop3A_509 = tpu.vector_load_idx %arg6[%parallel_loop3A_504] : memref<20000xf32, #tpu.memory_space<vmem>>[vector<16xi32>], vector<16xf32>,
      %parallel_loop3A_510 = arith.constant 1 : i32
      %parallel_loop3A_511 = vector.broadcast %parallel_loop3A_510 : i32 to vector<16xi32>
      %parallel_loop3A_512 = arith.addi %parallel_loop3A_504, %parallel_loop3A_511 : vector<16xi32>
      %parallel_loop3A_513 = tpu.vector_load_idx %arg6[%parallel_loop3A_512] : memref<20000xf32, #tpu.memory_space<vmem>>[vector<16xi32>], vector<16xf32>,
      %parallel_loop3A_514 = arith.constant 2 : i32
      %parallel_loop3A_515 = vector.broadcast %parallel_loop3A_514 : i32 to vector<16xi32>
      %parallel_loop3A_516 = arith.addi %parallel_loop3A_504, %parallel_loop3A_515 : vector<16xi32>
      %parallel_loop3A_517 = tpu.vector_load_idx %arg6[%parallel_loop3A_516] : memref<20000xf32, #tpu.memory_space<vmem>>[vector<16xi32>], vector<16xf32>,
      %parallel_loop3A_518 = arith.constant 16 : i32
      %parallel_loop3A_519 = arith.muli %parallel_loop3A_500, %parallel_loop3A_518 : i32
      %parallel_loop3A_520 = arith.index_cast %parallel_loop3A_519 : i32 to index
      %parallel_loop3A_521 = tpu.vector_load %arg8[%parallel_loop3A_520] {strides = array<i32>} : memref<4000xi32, #tpu.memory_space<vmem>>, vector<16xi32>,
      %parallel_loop3A_522 = arith.constant 0.000000e+00 : f32
      %parallel_loop3A_523 = vector.broadcast %parallel_loop3A_522 : f32 to vector<16xf32>
      %parallel_loop3A_524 = arith.subf %parallel_loop3A_509, %parallel_loop3A_523 : vector<16xf32>
      %parallel_loop3A_525 = arith.constant 4.000000e-01 : f32
      %parallel_loop3A_526 = vector.broadcast %parallel_loop3A_525 : f32 to vector<16xf32>
      %parallel_loop3A_527 = arith.divf %parallel_loop3A_524, %parallel_loop3A_526 : vector<16xf32>
      %parallel_loop3A_528 = arith.constant 0.000000e+00 : f32
      %parallel_loop3A_529 = vector.broadcast %parallel_loop3A_528 : f32 to vector<16xf32>
      %parallel_loop3A_530 = arith.maximumf %parallel_loop3A_527, %parallel_loop3A_529 : vector<16xf32>
      %parallel_loop3A_531 = arith.constant 1.790000e+02 : f32
      %parallel_loop3A_532 = vector.broadcast %parallel_loop3A_531 : f32 to vector<16xf32>
      %parallel_loop3A_533 = arith.minimumf %parallel_loop3A_530, %parallel_loop3A_532 : vector<16xf32>
      %parallel_loop3A_534 = arith.fptosi %parallel_loop3A_533 : vector<16xf32> to vector<16xi32>
      %parallel_loop3A_535 = arith.constant -6.400000e+00 : f32
      %parallel_loop3A_536 = vector.broadcast %parallel_loop3A_535 : f32 to vector<16xf32>
      %parallel_loop3A_537 = arith.subf %parallel_loop3A_513, %parallel_loop3A_536 : vector<16xf32>
      %parallel_loop3A_538 = arith.constant 4.000000e-01 : f32
      %parallel_loop3A_539 = vector.broadcast %parallel_loop3A_538 : f32 to vector<16xf32>
      %parallel_loop3A_540 = arith.divf %parallel_loop3A_537, %parallel_loop3A_539 : vector<16xf32>
      %parallel_loop3A_541 = arith.constant 0.000000e+00 : f32
      %parallel_loop3A_542 = vector.broadcast %parallel_loop3A_541 : f32 to vector<16xf32>
      %parallel_loop3A_543 = arith.maximumf %parallel_loop3A_540, %parallel_loop3A_542 : vector<16xf32>
      %parallel_loop3A_544 = arith.constant 3.100000e+01 : f32
      %parallel_loop3A_545 = vector.broadcast %parallel_loop3A_544 : f32 to vector<16xf32>
      %parallel_loop3A_546 = arith.minimumf %parallel_loop3A_543, %parallel_loop3A_545 : vector<16xf32>
      %parallel_loop3A_547 = arith.fptosi %parallel_loop3A_546 : vector<16xf32> to vector<16xi32>
      %parallel_loop3A_548 = arith.constant -2.000000e+00 : f32
      %parallel_loop3A_549 = vector.broadcast %parallel_loop3A_548 : f32 to vector<16xf32>
      %parallel_loop3A_550 = arith.subf %parallel_loop3A_517, %parallel_loop3A_549 : vector<16xf32>
      %parallel_loop3A_551 = arith.constant 4.000000e-01 : f32
      %parallel_loop3A_552 = vector.broadcast %parallel_loop3A_551 : f32 to vector<16xf32>
      %parallel_loop3A_553 = arith.divf %parallel_loop3A_550, %parallel_loop3A_552 : vector<16xf32>
      %parallel_loop3A_554 = arith.constant 0.000000e+00 : f32
      %parallel_loop3A_555 = vector.broadcast %parallel_loop3A_554 : f32 to vector<16xf32>
      %parallel_loop3A_556 = arith.maximumf %parallel_loop3A_553, %parallel_loop3A_555 : vector<16xf32>
      %parallel_loop3A_557 = arith.constant 1.900000e+01 : f32
      %parallel_loop3A_558 = vector.broadcast %parallel_loop3A_557 : f32 to vector<16xf32>
      %parallel_loop3A_559 = arith.minimumf %parallel_loop3A_556, %parallel_loop3A_558 : vector<16xf32>
      %parallel_loop3A_560 = arith.fptosi %parallel_loop3A_559 : vector<16xf32> to vector<16xi32>
      tpu.vector_store_idx %arg10[%parallel_loop3A_508], %parallel_loop3A_521 : memref<16000xi32, #tpu.memory_space<vmem>>[vector<16xi32>], vector<16xi32>,
      %parallel_loop3A_561 = arith.constant 1 : i32
      %parallel_loop3A_562 = vector.broadcast %parallel_loop3A_561 : i32 to vector<16xi32>
      %parallel_loop3A_563 = arith.addi %parallel_loop3A_508, %parallel_loop3A_562 : vector<16xi32>
      tpu.vector_store_idx %arg10[%parallel_loop3A_563], %parallel_loop3A_560 : memref<16000xi32, #tpu.memory_space<vmem>>[vector<16xi32>], vector<16xi32>,
      %parallel_loop3A_564 = arith.constant 2 : i32
      %parallel_loop3A_565 = vector.broadcast %parallel_loop3A_564 : i32 to vector<16xi32>
      %parallel_loop3A_566 = arith.addi %parallel_loop3A_508, %parallel_loop3A_565 : vector<16xi32>
      tpu.vector_store_idx %arg10[%parallel_loop3A_566], %parallel_loop3A_547 : memref<16000xi32, #tpu.memory_space<vmem>>[vector<16xi32>], vector<16xi32>,
      %parallel_loop3A_567 = arith.constant 3 : i32
      %parallel_loop3A_568 = vector.broadcast %parallel_loop3A_567 : i32 to vector<16xi32>
      %parallel_loop3A_569 = arith.addi %parallel_loop3A_508, %parallel_loop3A_568 : vector<16xi32>
      tpu.vector_store_idx %arg10[%parallel_loop3A_569], %parallel_loop3A_534 : memref<16000xi32, #tpu.memory_space<vmem>>[vector<16xi32>], vector<16xi32>,
    } {sc.loop_unroll_factor = 4 : i64, sc.parallel_access}
    %add3A_188 = arith.constant 160 : i32
    %add3A_189 = arith.addi %add3A, %add3A_188 : i32
    %min3A_190 = arith.constant 499 : i32
    %min3A_191 = arith.minsi %add3A_189, %min3A_190 : i32
    %mul3A_192 = arith.constant 4000 : i32
    %mul3A_193 = arith.muli %min3A_191, %mul3A_192 : i32
    %mul3A_194 = arith.constant 4 : i32
    %mul3A_195 = arith.muli %mul3A_193, %mul3A_194 : i32
    %dma_start3A_196 = tpu.memref_slice %arg4[%mul3A_195] : memref<8000000xi32, #tpu.memory_space<hbm>> -> memref<16000xi32, #tpu.memory_space<hbm>>
    %dma_start3A_197 = tpu.memref_slice %arg4[%mul3A_195] : memref<8000000xi32, #tpu.memory_space<hbm>> -> memref<16000xi32, #tpu.memory_space<hbm>>
    tpu.enqueue_dma source(%arg10 : memref<16000xi32, #tpu.memory_space<vmem>>) target(%dma_start3A_197 : memref<16000xi32, #tpu.memory_space<hbm>>) target_semaphore(%arg14 : memref<!tpu.dma_semaphore, #tpu.memory_space<semaphore_mem>>)
    %add3A_198 = arith.constant 224 : i32
    %add3A_199 = arith.addi %add3A, %add3A_198 : i32
    %min3A_200 = arith.constant 499 : i32
    %min3A_201 = arith.minsi %add3A_199, %min3A_200 : i32
    %mul3A_202 = arith.constant 4000 : i32
    %mul3A_203 = arith.muli %min3A_201, %mul3A_202 : i32
    %mul3A_204 = arith.constant 5 : i32
    %mul3A_205 = arith.muli %mul3A_203, %mul3A_204 : i32
    %dma_start3A_206 = tpu.memref_slice %arg2[%mul3A_205] : memref<10000000xf32, #tpu.memory_space<hbm>> -> memref<20000xf32, #tpu.memory_space<hbm>>
    %dma_start3A_207 = tpu.memref_slice %arg2[%mul3A_205] : memref<10000000xf32, #tpu.memory_space<hbm>> -> memref<20000xf32, #tpu.memory_space<hbm>>
    tpu.enqueue_dma source(%dma_start3A_207 : memref<20000xf32, #tpu.memory_space<hbm>>) target(%arg6 : memref<20000xf32, #tpu.memory_space<vmem>>) target_semaphore(%arg12 : memref<!tpu.dma_semaphore, #tpu.memory_space<semaphore_mem>>)
    %dma_start3A_208 = tpu.memref_slice %arg3[%mul3A_203] : memref<2000000xi32, #tpu.memory_space<hbm>> -> memref<4000xi32, #tpu.memory_space<hbm>>
    %dma_start3A_209 = tpu.memref_slice %arg3[%mul3A_203] : memref<2000000xi32, #tpu.memory_space<hbm>> -> memref<4000xi32, #tpu.memory_space<hbm>>
    tpu.enqueue_dma source(%dma_start3A_209 : memref<4000xi32, #tpu.memory_space<hbm>>) target(%arg8 : memref<4000xi32, #tpu.memory_space<vmem>>) target_semaphore(%arg12 : memref<!tpu.dma_semaphore, #tpu.memory_space<semaphore_mem>>)
    %dma_wait3A_210 = tpu.memref_slice %arg2[%mul3A_174] : memref<10000000xf32, #tpu.memory_space<hbm>> -> memref<20000xf32, #tpu.memory_space<hbm>>
    %dma_wait3A_211 = tpu.memref_slice %arg2[%mul3A_174] : memref<10000000xf32, #tpu.memory_space<hbm>> -> memref<20000xf32, #tpu.memory_space<hbm>>
    tpu.wait_dma2 semaphore(%arg11 : memref<!tpu.dma_semaphore, #tpu.memory_space<semaphore_mem>>) src(%dma_wait3A_211 : memref<20000xf32, #tpu.memory_space<hbm>>) dst(%arg5 : memref<20000xf32, #tpu.memory_space<vmem>>)
    %dma_wait3A_212 = tpu.memref_slice %arg3[%mul3A_172] : memref<2000000xi32, #tpu.memory_space<hbm>> -> memref<4000xi32, #tpu.memory_space<hbm>>
    %dma_wait3A_213 = tpu.memref_slice %arg3[%mul3A_172] : memref<2000000xi32, #tpu.memory_space<hbm>> -> memref<4000xi32, #tpu.memory_space<hbm>>
    tpu.wait_dma2 semaphore(%arg11 : memref<!tpu.dma_semaphore, #tpu.memory_space<semaphore_mem>>) src(%dma_wait3A_213 : memref<4000xi32, #tpu.memory_space<hbm>>) dst(%arg7 : memref<4000xi32, #tpu.memory_space<vmem>>)
    %dma_wait3A_214 = tpu.memref_slice %arg4[%mul3A_164] : memref<8000000xi32, #tpu.memory_space<hbm>> -> memref<16000xi32, #tpu.memory_space<hbm>>
    %dma_wait3A_215 = tpu.memref_slice %arg4[%mul3A_164] : memref<8000000xi32, #tpu.memory_space<hbm>> -> memref<16000xi32, #tpu.memory_space<hbm>>
    tpu.wait_dma2 semaphore(%arg13 : memref<!tpu.dma_semaphore, #tpu.memory_space<semaphore_mem>>) src(%arg9 : memref<16000xi32, #tpu.memory_space<vmem>>) dst(%dma_wait3A_215 : memref<16000xi32, #tpu.memory_space<hbm>>)
    %parallel_loop3A_216 = arith.constant 0 : i32
    %parallel_loop3A_217 = arith.constant 250 : i32
    %parallel_loop3A_218 = arith.constant 1 : i32
    scf.for %parallel_loop3A_500 = %parallel_loop3A_216 to %parallel_loop3A_217 step %parallel_loop3A_218  : i32 {
      %parallel_loop3A_501 = arith.constant 80 : i32
      %parallel_loop3A_502 = arith.muli %parallel_loop3A_500, %parallel_loop3A_501 : i32
      %parallel_loop3A_503 = vector.broadcast %parallel_loop3A_502 : i32 to vector<16xi32>
      %parallel_loop3A_504 = arith.addi %mul3A_3, %parallel_loop3A_503 : vector<16xi32>
      %parallel_loop3A_505 = arith.constant 64 : i32
      %parallel_loop3A_506 = arith.muli %parallel_loop3A_500, %parallel_loop3A_505 : i32
      %parallel_loop3A_507 = vector.broadcast %parallel_loop3A_506 : i32 to vector<16xi32>
      %parallel_loop3A_508 = arith.addi %mul3A_7, %parallel_loop3A_507 : vector<16xi32>
      %parallel_loop3A_509 = tpu.vector_load_idx %arg5[%parallel_loop3A_504] : memref<20000xf32, #tpu.memory_space<vmem>>[vector<16xi32>], vector<16xf32>,
      %parallel_loop3A_510 = arith.constant 1 : i32
      %parallel_loop3A_511 = vector.broadcast %parallel_loop3A_510 : i32 to vector<16xi32>
      %parallel_loop3A_512 = arith.addi %parallel_loop3A_504, %parallel_loop3A_511 : vector<16xi32>
      %parallel_loop3A_513 = tpu.vector_load_idx %arg5[%parallel_loop3A_512] : memref<20000xf32, #tpu.memory_space<vmem>>[vector<16xi32>], vector<16xf32>,
      %parallel_loop3A_514 = arith.constant 2 : i32
      %parallel_loop3A_515 = vector.broadcast %parallel_loop3A_514 : i32 to vector<16xi32>
      %parallel_loop3A_516 = arith.addi %parallel_loop3A_504, %parallel_loop3A_515 : vector<16xi32>
      %parallel_loop3A_517 = tpu.vector_load_idx %arg5[%parallel_loop3A_516] : memref<20000xf32, #tpu.memory_space<vmem>>[vector<16xi32>], vector<16xf32>,
      %parallel_loop3A_518 = arith.constant 16 : i32
      %parallel_loop3A_519 = arith.muli %parallel_loop3A_500, %parallel_loop3A_518 : i32
      %parallel_loop3A_520 = arith.index_cast %parallel_loop3A_519 : i32 to index
      %parallel_loop3A_521 = tpu.vector_load %arg7[%parallel_loop3A_520] {strides = array<i32>} : memref<4000xi32, #tpu.memory_space<vmem>>, vector<16xi32>,
      %parallel_loop3A_522 = arith.constant 0.000000e+00 : f32
      %parallel_loop3A_523 = vector.broadcast %parallel_loop3A_522 : f32 to vector<16xf32>
      %parallel_loop3A_524 = arith.subf %parallel_loop3A_509, %parallel_loop3A_523 : vector<16xf32>
      %parallel_loop3A_525 = arith.constant 4.000000e-01 : f32
      %parallel_loop3A_526 = vector.broadcast %parallel_loop3A_525 : f32 to vector<16xf32>
      %parallel_loop3A_527 = arith.divf %parallel_loop3A_524, %parallel_loop3A_526 : vector<16xf32>
      %parallel_loop3A_528 = arith.constant 0.000000e+00 : f32
      %parallel_loop3A_529 = vector.broadcast %parallel_loop3A_528 : f32 to vector<16xf32>
      %parallel_loop3A_530 = arith.maximumf %parallel_loop3A_527, %parallel_loop3A_529 : vector<16xf32>
      %parallel_loop3A_531 = arith.constant 1.790000e+02 : f32
      %parallel_loop3A_532 = vector.broadcast %parallel_loop3A_531 : f32 to vector<16xf32>
      %parallel_loop3A_533 = arith.minimumf %parallel_loop3A_530, %parallel_loop3A_532 : vector<16xf32>
      %parallel_loop3A_534 = arith.fptosi %parallel_loop3A_533 : vector<16xf32> to vector<16xi32>
      %parallel_loop3A_535 = arith.constant -6.400000e+00 : f32
      %parallel_loop3A_536 = vector.broadcast %parallel_loop3A_535 : f32 to vector<16xf32>
      %parallel_loop3A_537 = arith.subf %parallel_loop3A_513, %parallel_loop3A_536 : vector<16xf32>
      %parallel_loop3A_538 = arith.constant 4.000000e-01 : f32
      %parallel_loop3A_539 = vector.broadcast %parallel_loop3A_538 : f32 to vector<16xf32>
      %parallel_loop3A_540 = arith.divf %parallel_loop3A_537, %parallel_loop3A_539 : vector<16xf32>
      %parallel_loop3A_541 = arith.constant 0.000000e+00 : f32
      %parallel_loop3A_542 = vector.broadcast %parallel_loop3A_541 : f32 to vector<16xf32>
      %parallel_loop3A_543 = arith.maximumf %parallel_loop3A_540, %parallel_loop3A_542 : vector<16xf32>
      %parallel_loop3A_544 = arith.constant 3.100000e+01 : f32
      %parallel_loop3A_545 = vector.broadcast %parallel_loop3A_544 : f32 to vector<16xf32>
      %parallel_loop3A_546 = arith.minimumf %parallel_loop3A_543, %parallel_loop3A_545 : vector<16xf32>
      %parallel_loop3A_547 = arith.fptosi %parallel_loop3A_546 : vector<16xf32> to vector<16xi32>
      %parallel_loop3A_548 = arith.constant -2.000000e+00 : f32
      %parallel_loop3A_549 = vector.broadcast %parallel_loop3A_548 : f32 to vector<16xf32>
      %parallel_loop3A_550 = arith.subf %parallel_loop3A_517, %parallel_loop3A_549 : vector<16xf32>
      %parallel_loop3A_551 = arith.constant 4.000000e-01 : f32
      %parallel_loop3A_552 = vector.broadcast %parallel_loop3A_551 : f32 to vector<16xf32>
      %parallel_loop3A_553 = arith.divf %parallel_loop3A_550, %parallel_loop3A_552 : vector<16xf32>
      %parallel_loop3A_554 = arith.constant 0.000000e+00 : f32
      %parallel_loop3A_555 = vector.broadcast %parallel_loop3A_554 : f32 to vector<16xf32>
      %parallel_loop3A_556 = arith.maximumf %parallel_loop3A_553, %parallel_loop3A_555 : vector<16xf32>
      %parallel_loop3A_557 = arith.constant 1.900000e+01 : f32
      %parallel_loop3A_558 = vector.broadcast %parallel_loop3A_557 : f32 to vector<16xf32>
      %parallel_loop3A_559 = arith.minimumf %parallel_loop3A_556, %parallel_loop3A_558 : vector<16xf32>
      %parallel_loop3A_560 = arith.fptosi %parallel_loop3A_559 : vector<16xf32> to vector<16xi32>
      tpu.vector_store_idx %arg9[%parallel_loop3A_508], %parallel_loop3A_521 : memref<16000xi32, #tpu.memory_space<vmem>>[vector<16xi32>], vector<16xi32>,
      %parallel_loop3A_561 = arith.constant 1 : i32
      %parallel_loop3A_562 = vector.broadcast %parallel_loop3A_561 : i32 to vector<16xi32>
      %parallel_loop3A_563 = arith.addi %parallel_loop3A_508, %parallel_loop3A_562 : vector<16xi32>
      tpu.vector_store_idx %arg9[%parallel_loop3A_563], %parallel_loop3A_560 : memref<16000xi32, #tpu.memory_space<vmem>>[vector<16xi32>], vector<16xi32>,
      %parallel_loop3A_564 = arith.constant 2 : i32
      %parallel_loop3A_565 = vector.broadcast %parallel_loop3A_564 : i32 to vector<16xi32>
      %parallel_loop3A_566 = arith.addi %parallel_loop3A_508, %parallel_loop3A_565 : vector<16xi32>
      tpu.vector_store_idx %arg9[%parallel_loop3A_566], %parallel_loop3A_547 : memref<16000xi32, #tpu.memory_space<vmem>>[vector<16xi32>], vector<16xi32>,
      %parallel_loop3A_567 = arith.constant 3 : i32
      %parallel_loop3A_568 = vector.broadcast %parallel_loop3A_567 : i32 to vector<16xi32>
      %parallel_loop3A_569 = arith.addi %parallel_loop3A_508, %parallel_loop3A_568 : vector<16xi32>
      tpu.vector_store_idx %arg9[%parallel_loop3A_569], %parallel_loop3A_534 : memref<16000xi32, #tpu.memory_space<vmem>>[vector<16xi32>], vector<16xi32>,
    } {sc.loop_unroll_factor = 4 : i64, sc.parallel_access}
    %add3A_219 = arith.constant 192 : i32
    %add3A_220 = arith.addi %add3A, %add3A_219 : i32
    %min3A_221 = arith.constant 499 : i32
    %min3A_222 = arith.minsi %add3A_220, %min3A_221 : i32
    %mul3A_223 = arith.constant 4000 : i32
    %mul3A_224 = arith.muli %min3A_222, %mul3A_223 : i32
    %mul3A_225 = arith.constant 4 : i32
    %mul3A_226 = arith.muli %mul3A_224, %mul3A_225 : i32
    %dma_start3A_227 = tpu.memref_slice %arg4[%mul3A_226] : memref<8000000xi32, #tpu.memory_space<hbm>> -> memref<16000xi32, #tpu.memory_space<hbm>>
    %dma_start3A_228 = tpu.memref_slice %arg4[%mul3A_226] : memref<8000000xi32, #tpu.memory_space<hbm>> -> memref<16000xi32, #tpu.memory_space<hbm>>
    tpu.enqueue_dma source(%arg9 : memref<16000xi32, #tpu.memory_space<vmem>>) target(%dma_start3A_228 : memref<16000xi32, #tpu.memory_space<hbm>>) target_semaphore(%arg13 : memref<!tpu.dma_semaphore, #tpu.memory_space<semaphore_mem>>)
    %add3A_229 = arith.constant 256 : i32
    %add3A_230 = arith.addi %add3A, %add3A_229 : i32
    %min3A_231 = arith.constant 499 : i32
    %min3A_232 = arith.minsi %add3A_230, %min3A_231 : i32
    %mul3A_233 = arith.constant 4000 : i32
    %mul3A_234 = arith.muli %min3A_232, %mul3A_233 : i32
    %mul3A_235 = arith.constant 5 : i32
    %mul3A_236 = arith.muli %mul3A_234, %mul3A_235 : i32
    %dma_start3A_237 = tpu.memref_slice %arg2[%mul3A_236] : memref<10000000xf32, #tpu.memory_space<hbm>> -> memref<20000xf32, #tpu.memory_space<hbm>>
    %dma_start3A_238 = tpu.memref_slice %arg2[%mul3A_236] : memref<10000000xf32, #tpu.memory_space<hbm>> -> memref<20000xf32, #tpu.memory_space<hbm>>
    tpu.enqueue_dma source(%dma_start3A_238 : memref<20000xf32, #tpu.memory_space<hbm>>) target(%arg5 : memref<20000xf32, #tpu.memory_space<vmem>>) target_semaphore(%arg11 : memref<!tpu.dma_semaphore, #tpu.memory_space<semaphore_mem>>)
    %dma_start3A_239 = tpu.memref_slice %arg3[%mul3A_234] : memref<2000000xi32, #tpu.memory_space<hbm>> -> memref<4000xi32, #tpu.memory_space<hbm>>
    %dma_start3A_240 = tpu.memref_slice %arg3[%mul3A_234] : memref<2000000xi32, #tpu.memory_space<hbm>> -> memref<4000xi32, #tpu.memory_space<hbm>>
    tpu.enqueue_dma source(%dma_start3A_240 : memref<4000xi32, #tpu.memory_space<hbm>>) target(%arg7 : memref<4000xi32, #tpu.memory_space<vmem>>) target_semaphore(%arg11 : memref<!tpu.dma_semaphore, #tpu.memory_space<semaphore_mem>>)
    %dma_wait3A_241 = tpu.memref_slice %arg2[%mul3A_205] : memref<10000000xf32, #tpu.memory_space<hbm>> -> memref<20000xf32, #tpu.memory_space<hbm>>
    %dma_wait3A_242 = tpu.memref_slice %arg2[%mul3A_205] : memref<10000000xf32, #tpu.memory_space<hbm>> -> memref<20000xf32, #tpu.memory_space<hbm>>
    tpu.wait_dma2 semaphore(%arg12 : memref<!tpu.dma_semaphore, #tpu.memory_space<semaphore_mem>>) src(%dma_wait3A_242 : memref<20000xf32, #tpu.memory_space<hbm>>) dst(%arg6 : memref<20000xf32, #tpu.memory_space<vmem>>)
    %dma_wait3A_243 = tpu.memref_slice %arg3[%mul3A_203] : memref<2000000xi32, #tpu.memory_space<hbm>> -> memref<4000xi32, #tpu.memory_space<hbm>>
    %dma_wait3A_244 = tpu.memref_slice %arg3[%mul3A_203] : memref<2000000xi32, #tpu.memory_space<hbm>> -> memref<4000xi32, #tpu.memory_space<hbm>>
    tpu.wait_dma2 semaphore(%arg12 : memref<!tpu.dma_semaphore, #tpu.memory_space<semaphore_mem>>) src(%dma_wait3A_244 : memref<4000xi32, #tpu.memory_space<hbm>>) dst(%arg8 : memref<4000xi32, #tpu.memory_space<vmem>>)
    %dma_wait3A_245 = tpu.memref_slice %arg4[%mul3A_195] : memref<8000000xi32, #tpu.memory_space<hbm>> -> memref<16000xi32, #tpu.memory_space<hbm>>
    %dma_wait3A_246 = tpu.memref_slice %arg4[%mul3A_195] : memref<8000000xi32, #tpu.memory_space<hbm>> -> memref<16000xi32, #tpu.memory_space<hbm>>
    tpu.wait_dma2 semaphore(%arg14 : memref<!tpu.dma_semaphore, #tpu.memory_space<semaphore_mem>>) src(%arg10 : memref<16000xi32, #tpu.memory_space<vmem>>) dst(%dma_wait3A_246 : memref<16000xi32, #tpu.memory_space<hbm>>)
    %parallel_loop3A_247 = arith.constant 0 : i32
    %parallel_loop3A_248 = arith.constant 250 : i32
    %parallel_loop3A_249 = arith.constant 1 : i32
    scf.for %parallel_loop3A_500 = %parallel_loop3A_247 to %parallel_loop3A_248 step %parallel_loop3A_249  : i32 {
      %parallel_loop3A_501 = arith.constant 80 : i32
      %parallel_loop3A_502 = arith.muli %parallel_loop3A_500, %parallel_loop3A_501 : i32
      %parallel_loop3A_503 = vector.broadcast %parallel_loop3A_502 : i32 to vector<16xi32>
      %parallel_loop3A_504 = arith.addi %mul3A_3, %parallel_loop3A_503 : vector<16xi32>
      %parallel_loop3A_505 = arith.constant 64 : i32
      %parallel_loop3A_506 = arith.muli %parallel_loop3A_500, %parallel_loop3A_505 : i32
      %parallel_loop3A_507 = vector.broadcast %parallel_loop3A_506 : i32 to vector<16xi32>
      %parallel_loop3A_508 = arith.addi %mul3A_7, %parallel_loop3A_507 : vector<16xi32>
      %parallel_loop3A_509 = tpu.vector_load_idx %arg6[%parallel_loop3A_504] : memref<20000xf32, #tpu.memory_space<vmem>>[vector<16xi32>], vector<16xf32>,
      %parallel_loop3A_510 = arith.constant 1 : i32
      %parallel_loop3A_511 = vector.broadcast %parallel_loop3A_510 : i32 to vector<16xi32>
      %parallel_loop3A_512 = arith.addi %parallel_loop3A_504, %parallel_loop3A_511 : vector<16xi32>
      %parallel_loop3A_513 = tpu.vector_load_idx %arg6[%parallel_loop3A_512] : memref<20000xf32, #tpu.memory_space<vmem>>[vector<16xi32>], vector<16xf32>,
      %parallel_loop3A_514 = arith.constant 2 : i32
      %parallel_loop3A_515 = vector.broadcast %parallel_loop3A_514 : i32 to vector<16xi32>
      %parallel_loop3A_516 = arith.addi %parallel_loop3A_504, %parallel_loop3A_515 : vector<16xi32>
      %parallel_loop3A_517 = tpu.vector_load_idx %arg6[%parallel_loop3A_516] : memref<20000xf32, #tpu.memory_space<vmem>>[vector<16xi32>], vector<16xf32>,
      %parallel_loop3A_518 = arith.constant 16 : i32
      %parallel_loop3A_519 = arith.muli %parallel_loop3A_500, %parallel_loop3A_518 : i32
      %parallel_loop3A_520 = arith.index_cast %parallel_loop3A_519 : i32 to index
      %parallel_loop3A_521 = tpu.vector_load %arg8[%parallel_loop3A_520] {strides = array<i32>} : memref<4000xi32, #tpu.memory_space<vmem>>, vector<16xi32>,
      %parallel_loop3A_522 = arith.constant 0.000000e+00 : f32
      %parallel_loop3A_523 = vector.broadcast %parallel_loop3A_522 : f32 to vector<16xf32>
      %parallel_loop3A_524 = arith.subf %parallel_loop3A_509, %parallel_loop3A_523 : vector<16xf32>
      %parallel_loop3A_525 = arith.constant 4.000000e-01 : f32
      %parallel_loop3A_526 = vector.broadcast %parallel_loop3A_525 : f32 to vector<16xf32>
      %parallel_loop3A_527 = arith.divf %parallel_loop3A_524, %parallel_loop3A_526 : vector<16xf32>
      %parallel_loop3A_528 = arith.constant 0.000000e+00 : f32
      %parallel_loop3A_529 = vector.broadcast %parallel_loop3A_528 : f32 to vector<16xf32>
      %parallel_loop3A_530 = arith.maximumf %parallel_loop3A_527, %parallel_loop3A_529 : vector<16xf32>
      %parallel_loop3A_531 = arith.constant 1.790000e+02 : f32
      %parallel_loop3A_532 = vector.broadcast %parallel_loop3A_531 : f32 to vector<16xf32>
      %parallel_loop3A_533 = arith.minimumf %parallel_loop3A_530, %parallel_loop3A_532 : vector<16xf32>
      %parallel_loop3A_534 = arith.fptosi %parallel_loop3A_533 : vector<16xf32> to vector<16xi32>
      %parallel_loop3A_535 = arith.constant -6.400000e+00 : f32
      %parallel_loop3A_536 = vector.broadcast %parallel_loop3A_535 : f32 to vector<16xf32>
      %parallel_loop3A_537 = arith.subf %parallel_loop3A_513, %parallel_loop3A_536 : vector<16xf32>
      %parallel_loop3A_538 = arith.constant 4.000000e-01 : f32
      %parallel_loop3A_539 = vector.broadcast %parallel_loop3A_538 : f32 to vector<16xf32>
      %parallel_loop3A_540 = arith.divf %parallel_loop3A_537, %parallel_loop3A_539 : vector<16xf32>
      %parallel_loop3A_541 = arith.constant 0.000000e+00 : f32
      %parallel_loop3A_542 = vector.broadcast %parallel_loop3A_541 : f32 to vector<16xf32>
      %parallel_loop3A_543 = arith.maximumf %parallel_loop3A_540, %parallel_loop3A_542 : vector<16xf32>
      %parallel_loop3A_544 = arith.constant 3.100000e+01 : f32
      %parallel_loop3A_545 = vector.broadcast %parallel_loop3A_544 : f32 to vector<16xf32>
      %parallel_loop3A_546 = arith.minimumf %parallel_loop3A_543, %parallel_loop3A_545 : vector<16xf32>
      %parallel_loop3A_547 = arith.fptosi %parallel_loop3A_546 : vector<16xf32> to vector<16xi32>
      %parallel_loop3A_548 = arith.constant -2.000000e+00 : f32
      %parallel_loop3A_549 = vector.broadcast %parallel_loop3A_548 : f32 to vector<16xf32>
      %parallel_loop3A_550 = arith.subf %parallel_loop3A_517, %parallel_loop3A_549 : vector<16xf32>
      %parallel_loop3A_551 = arith.constant 4.000000e-01 : f32
      %parallel_loop3A_552 = vector.broadcast %parallel_loop3A_551 : f32 to vector<16xf32>
      %parallel_loop3A_553 = arith.divf %parallel_loop3A_550, %parallel_loop3A_552 : vector<16xf32>
      %parallel_loop3A_554 = arith.constant 0.000000e+00 : f32
      %parallel_loop3A_555 = vector.broadcast %parallel_loop3A_554 : f32 to vector<16xf32>
      %parallel_loop3A_556 = arith.maximumf %parallel_loop3A_553, %parallel_loop3A_555 : vector<16xf32>
      %parallel_loop3A_557 = arith.constant 1.900000e+01 : f32
      %parallel_loop3A_558 = vector.broadcast %parallel_loop3A_557 : f32 to vector<16xf32>
      %parallel_loop3A_559 = arith.minimumf %parallel_loop3A_556, %parallel_loop3A_558 : vector<16xf32>
      %parallel_loop3A_560 = arith.fptosi %parallel_loop3A_559 : vector<16xf32> to vector<16xi32>
      tpu.vector_store_idx %arg10[%parallel_loop3A_508], %parallel_loop3A_521 : memref<16000xi32, #tpu.memory_space<vmem>>[vector<16xi32>], vector<16xi32>,
      %parallel_loop3A_561 = arith.constant 1 : i32
      %parallel_loop3A_562 = vector.broadcast %parallel_loop3A_561 : i32 to vector<16xi32>
      %parallel_loop3A_563 = arith.addi %parallel_loop3A_508, %parallel_loop3A_562 : vector<16xi32>
      tpu.vector_store_idx %arg10[%parallel_loop3A_563], %parallel_loop3A_560 : memref<16000xi32, #tpu.memory_space<vmem>>[vector<16xi32>], vector<16xi32>,
      %parallel_loop3A_564 = arith.constant 2 : i32
      %parallel_loop3A_565 = vector.broadcast %parallel_loop3A_564 : i32 to vector<16xi32>
      %parallel_loop3A_566 = arith.addi %parallel_loop3A_508, %parallel_loop3A_565 : vector<16xi32>
      tpu.vector_store_idx %arg10[%parallel_loop3A_566], %parallel_loop3A_547 : memref<16000xi32, #tpu.memory_space<vmem>>[vector<16xi32>], vector<16xi32>,
      %parallel_loop3A_567 = arith.constant 3 : i32
      %parallel_loop3A_568 = vector.broadcast %parallel_loop3A_567 : i32 to vector<16xi32>
      %parallel_loop3A_569 = arith.addi %parallel_loop3A_508, %parallel_loop3A_568 : vector<16xi32>
      tpu.vector_store_idx %arg10[%parallel_loop3A_569], %parallel_loop3A_534 : memref<16000xi32, #tpu.memory_space<vmem>>[vector<16xi32>], vector<16xi32>,
    } {sc.loop_unroll_factor = 4 : i64, sc.parallel_access}
    %add3A_250 = arith.constant 224 : i32
    %add3A_251 = arith.addi %add3A, %add3A_250 : i32
    %min3A_252 = arith.constant 499 : i32
    %min3A_253 = arith.minsi %add3A_251, %min3A_252 : i32
    %mul3A_254 = arith.constant 4000 : i32
    %mul3A_255 = arith.muli %min3A_253, %mul3A_254 : i32
    %mul3A_256 = arith.constant 4 : i32
    %mul3A_257 = arith.muli %mul3A_255, %mul3A_256 : i32
    %dma_start3A_258 = tpu.memref_slice %arg4[%mul3A_257] : memref<8000000xi32, #tpu.memory_space<hbm>> -> memref<16000xi32, #tpu.memory_space<hbm>>
    %dma_start3A_259 = tpu.memref_slice %arg4[%mul3A_257] : memref<8000000xi32, #tpu.memory_space<hbm>> -> memref<16000xi32, #tpu.memory_space<hbm>>
    tpu.enqueue_dma source(%arg10 : memref<16000xi32, #tpu.memory_space<vmem>>) target(%dma_start3A_259 : memref<16000xi32, #tpu.memory_space<hbm>>) target_semaphore(%arg14 : memref<!tpu.dma_semaphore, #tpu.memory_space<semaphore_mem>>)
    %add3A_260 = arith.constant 288 : i32
    %add3A_261 = arith.addi %add3A, %add3A_260 : i32
    %min3A_262 = arith.constant 499 : i32
    %min3A_263 = arith.minsi %add3A_261, %min3A_262 : i32
    %mul3A_264 = arith.constant 4000 : i32
    %mul3A_265 = arith.muli %min3A_263, %mul3A_264 : i32
    %mul3A_266 = arith.constant 5 : i32
    %mul3A_267 = arith.muli %mul3A_265, %mul3A_266 : i32
    %dma_start3A_268 = tpu.memref_slice %arg2[%mul3A_267] : memref<10000000xf32, #tpu.memory_space<hbm>> -> memref<20000xf32, #tpu.memory_space<hbm>>
    %dma_start3A_269 = tpu.memref_slice %arg2[%mul3A_267] : memref<10000000xf32, #tpu.memory_space<hbm>> -> memref<20000xf32, #tpu.memory_space<hbm>>
    tpu.enqueue_dma source(%dma_start3A_269 : memref<20000xf32, #tpu.memory_space<hbm>>) target(%arg6 : memref<20000xf32, #tpu.memory_space<vmem>>) target_semaphore(%arg12 : memref<!tpu.dma_semaphore, #tpu.memory_space<semaphore_mem>>)
    %dma_start3A_270 = tpu.memref_slice %arg3[%mul3A_265] : memref<2000000xi32, #tpu.memory_space<hbm>> -> memref<4000xi32, #tpu.memory_space<hbm>>
    %dma_start3A_271 = tpu.memref_slice %arg3[%mul3A_265] : memref<2000000xi32, #tpu.memory_space<hbm>> -> memref<4000xi32, #tpu.memory_space<hbm>>
    tpu.enqueue_dma source(%dma_start3A_271 : memref<4000xi32, #tpu.memory_space<hbm>>) target(%arg8 : memref<4000xi32, #tpu.memory_space<vmem>>) target_semaphore(%arg12 : memref<!tpu.dma_semaphore, #tpu.memory_space<semaphore_mem>>)
    %dma_wait3A_272 = tpu.memref_slice %arg2[%mul3A_236] : memref<10000000xf32, #tpu.memory_space<hbm>> -> memref<20000xf32, #tpu.memory_space<hbm>>
    %dma_wait3A_273 = tpu.memref_slice %arg2[%mul3A_236] : memref<10000000xf32, #tpu.memory_space<hbm>> -> memref<20000xf32, #tpu.memory_space<hbm>>
    tpu.wait_dma2 semaphore(%arg11 : memref<!tpu.dma_semaphore, #tpu.memory_space<semaphore_mem>>) src(%dma_wait3A_273 : memref<20000xf32, #tpu.memory_space<hbm>>) dst(%arg5 : memref<20000xf32, #tpu.memory_space<vmem>>)
    %dma_wait3A_274 = tpu.memref_slice %arg3[%mul3A_234] : memref<2000000xi32, #tpu.memory_space<hbm>> -> memref<4000xi32, #tpu.memory_space<hbm>>
    %dma_wait3A_275 = tpu.memref_slice %arg3[%mul3A_234] : memref<2000000xi32, #tpu.memory_space<hbm>> -> memref<4000xi32, #tpu.memory_space<hbm>>
    tpu.wait_dma2 semaphore(%arg11 : memref<!tpu.dma_semaphore, #tpu.memory_space<semaphore_mem>>) src(%dma_wait3A_275 : memref<4000xi32, #tpu.memory_space<hbm>>) dst(%arg7 : memref<4000xi32, #tpu.memory_space<vmem>>)
    %dma_wait3A_276 = tpu.memref_slice %arg4[%mul3A_226] : memref<8000000xi32, #tpu.memory_space<hbm>> -> memref<16000xi32, #tpu.memory_space<hbm>>
    %dma_wait3A_277 = tpu.memref_slice %arg4[%mul3A_226] : memref<8000000xi32, #tpu.memory_space<hbm>> -> memref<16000xi32, #tpu.memory_space<hbm>>
    tpu.wait_dma2 semaphore(%arg13 : memref<!tpu.dma_semaphore, #tpu.memory_space<semaphore_mem>>) src(%arg9 : memref<16000xi32, #tpu.memory_space<vmem>>) dst(%dma_wait3A_277 : memref<16000xi32, #tpu.memory_space<hbm>>)
    %parallel_loop3A_278 = arith.constant 0 : i32
    %parallel_loop3A_279 = arith.constant 250 : i32
    %parallel_loop3A_280 = arith.constant 1 : i32
    scf.for %parallel_loop3A_500 = %parallel_loop3A_278 to %parallel_loop3A_279 step %parallel_loop3A_280  : i32 {
      %parallel_loop3A_501 = arith.constant 80 : i32
      %parallel_loop3A_502 = arith.muli %parallel_loop3A_500, %parallel_loop3A_501 : i32
      %parallel_loop3A_503 = vector.broadcast %parallel_loop3A_502 : i32 to vector<16xi32>
      %parallel_loop3A_504 = arith.addi %mul3A_3, %parallel_loop3A_503 : vector<16xi32>
      %parallel_loop3A_505 = arith.constant 64 : i32
      %parallel_loop3A_506 = arith.muli %parallel_loop3A_500, %parallel_loop3A_505 : i32
      %parallel_loop3A_507 = vector.broadcast %parallel_loop3A_506 : i32 to vector<16xi32>
      %parallel_loop3A_508 = arith.addi %mul3A_7, %parallel_loop3A_507 : vector<16xi32>
      %parallel_loop3A_509 = tpu.vector_load_idx %arg5[%parallel_loop3A_504] : memref<20000xf32, #tpu.memory_space<vmem>>[vector<16xi32>], vector<16xf32>,
      %parallel_loop3A_510 = arith.constant 1 : i32
      %parallel_loop3A_511 = vector.broadcast %parallel_loop3A_510 : i32 to vector<16xi32>
      %parallel_loop3A_512 = arith.addi %parallel_loop3A_504, %parallel_loop3A_511 : vector<16xi32>
      %parallel_loop3A_513 = tpu.vector_load_idx %arg5[%parallel_loop3A_512] : memref<20000xf32, #tpu.memory_space<vmem>>[vector<16xi32>], vector<16xf32>,
      %parallel_loop3A_514 = arith.constant 2 : i32
      %parallel_loop3A_515 = vector.broadcast %parallel_loop3A_514 : i32 to vector<16xi32>
      %parallel_loop3A_516 = arith.addi %parallel_loop3A_504, %parallel_loop3A_515 : vector<16xi32>
      %parallel_loop3A_517 = tpu.vector_load_idx %arg5[%parallel_loop3A_516] : memref<20000xf32, #tpu.memory_space<vmem>>[vector<16xi32>], vector<16xf32>,
      %parallel_loop3A_518 = arith.constant 16 : i32
      %parallel_loop3A_519 = arith.muli %parallel_loop3A_500, %parallel_loop3A_518 : i32
      %parallel_loop3A_520 = arith.index_cast %parallel_loop3A_519 : i32 to index
      %parallel_loop3A_521 = tpu.vector_load %arg7[%parallel_loop3A_520] {strides = array<i32>} : memref<4000xi32, #tpu.memory_space<vmem>>, vector<16xi32>,
      %parallel_loop3A_522 = arith.constant 0.000000e+00 : f32
      %parallel_loop3A_523 = vector.broadcast %parallel_loop3A_522 : f32 to vector<16xf32>
      %parallel_loop3A_524 = arith.subf %parallel_loop3A_509, %parallel_loop3A_523 : vector<16xf32>
      %parallel_loop3A_525 = arith.constant 4.000000e-01 : f32
      %parallel_loop3A_526 = vector.broadcast %parallel_loop3A_525 : f32 to vector<16xf32>
      %parallel_loop3A_527 = arith.divf %parallel_loop3A_524, %parallel_loop3A_526 : vector<16xf32>
      %parallel_loop3A_528 = arith.constant 0.000000e+00 : f32
      %parallel_loop3A_529 = vector.broadcast %parallel_loop3A_528 : f32 to vector<16xf32>
      %parallel_loop3A_530 = arith.maximumf %parallel_loop3A_527, %parallel_loop3A_529 : vector<16xf32>
      %parallel_loop3A_531 = arith.constant 1.790000e+02 : f32
      %parallel_loop3A_532 = vector.broadcast %parallel_loop3A_531 : f32 to vector<16xf32>
      %parallel_loop3A_533 = arith.minimumf %parallel_loop3A_530, %parallel_loop3A_532 : vector<16xf32>
      %parallel_loop3A_534 = arith.fptosi %parallel_loop3A_533 : vector<16xf32> to vector<16xi32>
      %parallel_loop3A_535 = arith.constant -6.400000e+00 : f32
      %parallel_loop3A_536 = vector.broadcast %parallel_loop3A_535 : f32 to vector<16xf32>
      %parallel_loop3A_537 = arith.subf %parallel_loop3A_513, %parallel_loop3A_536 : vector<16xf32>
      %parallel_loop3A_538 = arith.constant 4.000000e-01 : f32
      %parallel_loop3A_539 = vector.broadcast %parallel_loop3A_538 : f32 to vector<16xf32>
      %parallel_loop3A_540 = arith.divf %parallel_loop3A_537, %parallel_loop3A_539 : vector<16xf32>
      %parallel_loop3A_541 = arith.constant 0.000000e+00 : f32
      %parallel_loop3A_542 = vector.broadcast %parallel_loop3A_541 : f32 to vector<16xf32>
      %parallel_loop3A_543 = arith.maximumf %parallel_loop3A_540, %parallel_loop3A_542 : vector<16xf32>
      %parallel_loop3A_544 = arith.constant 3.100000e+01 : f32
      %parallel_loop3A_545 = vector.broadcast %parallel_loop3A_544 : f32 to vector<16xf32>
      %parallel_loop3A_546 = arith.minimumf %parallel_loop3A_543, %parallel_loop3A_545 : vector<16xf32>
      %parallel_loop3A_547 = arith.fptosi %parallel_loop3A_546 : vector<16xf32> to vector<16xi32>
      %parallel_loop3A_548 = arith.constant -2.000000e+00 : f32
      %parallel_loop3A_549 = vector.broadcast %parallel_loop3A_548 : f32 to vector<16xf32>
      %parallel_loop3A_550 = arith.subf %parallel_loop3A_517, %parallel_loop3A_549 : vector<16xf32>
      %parallel_loop3A_551 = arith.constant 4.000000e-01 : f32
      %parallel_loop3A_552 = vector.broadcast %parallel_loop3A_551 : f32 to vector<16xf32>
      %parallel_loop3A_553 = arith.divf %parallel_loop3A_550, %parallel_loop3A_552 : vector<16xf32>
      %parallel_loop3A_554 = arith.constant 0.000000e+00 : f32
      %parallel_loop3A_555 = vector.broadcast %parallel_loop3A_554 : f32 to vector<16xf32>
      %parallel_loop3A_556 = arith.maximumf %parallel_loop3A_553, %parallel_loop3A_555 : vector<16xf32>
      %parallel_loop3A_557 = arith.constant 1.900000e+01 : f32
      %parallel_loop3A_558 = vector.broadcast %parallel_loop3A_557 : f32 to vector<16xf32>
      %parallel_loop3A_559 = arith.minimumf %parallel_loop3A_556, %parallel_loop3A_558 : vector<16xf32>
      %parallel_loop3A_560 = arith.fptosi %parallel_loop3A_559 : vector<16xf32> to vector<16xi32>
      tpu.vector_store_idx %arg9[%parallel_loop3A_508], %parallel_loop3A_521 : memref<16000xi32, #tpu.memory_space<vmem>>[vector<16xi32>], vector<16xi32>,
      %parallel_loop3A_561 = arith.constant 1 : i32
      %parallel_loop3A_562 = vector.broadcast %parallel_loop3A_561 : i32 to vector<16xi32>
      %parallel_loop3A_563 = arith.addi %parallel_loop3A_508, %parallel_loop3A_562 : vector<16xi32>
      tpu.vector_store_idx %arg9[%parallel_loop3A_563], %parallel_loop3A_560 : memref<16000xi32, #tpu.memory_space<vmem>>[vector<16xi32>], vector<16xi32>,
      %parallel_loop3A_564 = arith.constant 2 : i32
      %parallel_loop3A_565 = vector.broadcast %parallel_loop3A_564 : i32 to vector<16xi32>
      %parallel_loop3A_566 = arith.addi %parallel_loop3A_508, %parallel_loop3A_565 : vector<16xi32>
      tpu.vector_store_idx %arg9[%parallel_loop3A_566], %parallel_loop3A_547 : memref<16000xi32, #tpu.memory_space<vmem>>[vector<16xi32>], vector<16xi32>,
      %parallel_loop3A_567 = arith.constant 3 : i32
      %parallel_loop3A_568 = vector.broadcast %parallel_loop3A_567 : i32 to vector<16xi32>
      %parallel_loop3A_569 = arith.addi %parallel_loop3A_508, %parallel_loop3A_568 : vector<16xi32>
      tpu.vector_store_idx %arg9[%parallel_loop3A_569], %parallel_loop3A_534 : memref<16000xi32, #tpu.memory_space<vmem>>[vector<16xi32>], vector<16xi32>,
    } {sc.loop_unroll_factor = 4 : i64, sc.parallel_access}
    %add3A_281 = arith.constant 256 : i32
    %add3A_282 = arith.addi %add3A, %add3A_281 : i32
    %min3A_283 = arith.constant 499 : i32
    %min3A_284 = arith.minsi %add3A_282, %min3A_283 : i32
    %mul3A_285 = arith.constant 4000 : i32
    %mul3A_286 = arith.muli %min3A_284, %mul3A_285 : i32
    %mul3A_287 = arith.constant 4 : i32
    %mul3A_288 = arith.muli %mul3A_286, %mul3A_287 : i32
    %dma_start3A_289 = tpu.memref_slice %arg4[%mul3A_288] : memref<8000000xi32, #tpu.memory_space<hbm>> -> memref<16000xi32, #tpu.memory_space<hbm>>
    %dma_start3A_290 = tpu.memref_slice %arg4[%mul3A_288] : memref<8000000xi32, #tpu.memory_space<hbm>> -> memref<16000xi32, #tpu.memory_space<hbm>>
    tpu.enqueue_dma source(%arg9 : memref<16000xi32, #tpu.memory_space<vmem>>) target(%dma_start3A_290 : memref<16000xi32, #tpu.memory_space<hbm>>) target_semaphore(%arg13 : memref<!tpu.dma_semaphore, #tpu.memory_space<semaphore_mem>>)
    %add3A_291 = arith.constant 320 : i32
    %add3A_292 = arith.addi %add3A, %add3A_291 : i32
    %min3A_293 = arith.constant 499 : i32
    %min3A_294 = arith.minsi %add3A_292, %min3A_293 : i32
    %mul3A_295 = arith.constant 4000 : i32
    %mul3A_296 = arith.muli %min3A_294, %mul3A_295 : i32
    %mul3A_297 = arith.constant 5 : i32
    %mul3A_298 = arith.muli %mul3A_296, %mul3A_297 : i32
    %dma_start3A_299 = tpu.memref_slice %arg2[%mul3A_298] : memref<10000000xf32, #tpu.memory_space<hbm>> -> memref<20000xf32, #tpu.memory_space<hbm>>
    %dma_start3A_300 = tpu.memref_slice %arg2[%mul3A_298] : memref<10000000xf32, #tpu.memory_space<hbm>> -> memref<20000xf32, #tpu.memory_space<hbm>>
    tpu.enqueue_dma source(%dma_start3A_300 : memref<20000xf32, #tpu.memory_space<hbm>>) target(%arg5 : memref<20000xf32, #tpu.memory_space<vmem>>) target_semaphore(%arg11 : memref<!tpu.dma_semaphore, #tpu.memory_space<semaphore_mem>>)
    %dma_start3A_301 = tpu.memref_slice %arg3[%mul3A_296] : memref<2000000xi32, #tpu.memory_space<hbm>> -> memref<4000xi32, #tpu.memory_space<hbm>>
    %dma_start3A_302 = tpu.memref_slice %arg3[%mul3A_296] : memref<2000000xi32, #tpu.memory_space<hbm>> -> memref<4000xi32, #tpu.memory_space<hbm>>
    tpu.enqueue_dma source(%dma_start3A_302 : memref<4000xi32, #tpu.memory_space<hbm>>) target(%arg7 : memref<4000xi32, #tpu.memory_space<vmem>>) target_semaphore(%arg11 : memref<!tpu.dma_semaphore, #tpu.memory_space<semaphore_mem>>)
    %dma_wait3A_303 = tpu.memref_slice %arg2[%mul3A_267] : memref<10000000xf32, #tpu.memory_space<hbm>> -> memref<20000xf32, #tpu.memory_space<hbm>>
    %dma_wait3A_304 = tpu.memref_slice %arg2[%mul3A_267] : memref<10000000xf32, #tpu.memory_space<hbm>> -> memref<20000xf32, #tpu.memory_space<hbm>>
    tpu.wait_dma2 semaphore(%arg12 : memref<!tpu.dma_semaphore, #tpu.memory_space<semaphore_mem>>) src(%dma_wait3A_304 : memref<20000xf32, #tpu.memory_space<hbm>>) dst(%arg6 : memref<20000xf32, #tpu.memory_space<vmem>>)
    %dma_wait3A_305 = tpu.memref_slice %arg3[%mul3A_265] : memref<2000000xi32, #tpu.memory_space<hbm>> -> memref<4000xi32, #tpu.memory_space<hbm>>
    %dma_wait3A_306 = tpu.memref_slice %arg3[%mul3A_265] : memref<2000000xi32, #tpu.memory_space<hbm>> -> memref<4000xi32, #tpu.memory_space<hbm>>
    tpu.wait_dma2 semaphore(%arg12 : memref<!tpu.dma_semaphore, #tpu.memory_space<semaphore_mem>>) src(%dma_wait3A_306 : memref<4000xi32, #tpu.memory_space<hbm>>) dst(%arg8 : memref<4000xi32, #tpu.memory_space<vmem>>)
    %dma_wait3A_307 = tpu.memref_slice %arg4[%mul3A_257] : memref<8000000xi32, #tpu.memory_space<hbm>> -> memref<16000xi32, #tpu.memory_space<hbm>>
    %dma_wait3A_308 = tpu.memref_slice %arg4[%mul3A_257] : memref<8000000xi32, #tpu.memory_space<hbm>> -> memref<16000xi32, #tpu.memory_space<hbm>>
    tpu.wait_dma2 semaphore(%arg14 : memref<!tpu.dma_semaphore, #tpu.memory_space<semaphore_mem>>) src(%arg10 : memref<16000xi32, #tpu.memory_space<vmem>>) dst(%dma_wait3A_308 : memref<16000xi32, #tpu.memory_space<hbm>>)
    %parallel_loop3A_309 = arith.constant 0 : i32
    %parallel_loop3A_310 = arith.constant 250 : i32
    %parallel_loop3A_311 = arith.constant 1 : i32
    scf.for %parallel_loop3A_500 = %parallel_loop3A_309 to %parallel_loop3A_310 step %parallel_loop3A_311  : i32 {
      %parallel_loop3A_501 = arith.constant 80 : i32
      %parallel_loop3A_502 = arith.muli %parallel_loop3A_500, %parallel_loop3A_501 : i32
      %parallel_loop3A_503 = vector.broadcast %parallel_loop3A_502 : i32 to vector<16xi32>
      %parallel_loop3A_504 = arith.addi %mul3A_3, %parallel_loop3A_503 : vector<16xi32>
      %parallel_loop3A_505 = arith.constant 64 : i32
      %parallel_loop3A_506 = arith.muli %parallel_loop3A_500, %parallel_loop3A_505 : i32
      %parallel_loop3A_507 = vector.broadcast %parallel_loop3A_506 : i32 to vector<16xi32>
      %parallel_loop3A_508 = arith.addi %mul3A_7, %parallel_loop3A_507 : vector<16xi32>
      %parallel_loop3A_509 = tpu.vector_load_idx %arg6[%parallel_loop3A_504] : memref<20000xf32, #tpu.memory_space<vmem>>[vector<16xi32>], vector<16xf32>,
      %parallel_loop3A_510 = arith.constant 1 : i32
      %parallel_loop3A_511 = vector.broadcast %parallel_loop3A_510 : i32 to vector<16xi32>
      %parallel_loop3A_512 = arith.addi %parallel_loop3A_504, %parallel_loop3A_511 : vector<16xi32>
      %parallel_loop3A_513 = tpu.vector_load_idx %arg6[%parallel_loop3A_512] : memref<20000xf32, #tpu.memory_space<vmem>>[vector<16xi32>], vector<16xf32>,
      %parallel_loop3A_514 = arith.constant 2 : i32
      %parallel_loop3A_515 = vector.broadcast %parallel_loop3A_514 : i32 to vector<16xi32>
      %parallel_loop3A_516 = arith.addi %parallel_loop3A_504, %parallel_loop3A_515 : vector<16xi32>
      %parallel_loop3A_517 = tpu.vector_load_idx %arg6[%parallel_loop3A_516] : memref<20000xf32, #tpu.memory_space<vmem>>[vector<16xi32>], vector<16xf32>,
      %parallel_loop3A_518 = arith.constant 16 : i32
      %parallel_loop3A_519 = arith.muli %parallel_loop3A_500, %parallel_loop3A_518 : i32
      %parallel_loop3A_520 = arith.index_cast %parallel_loop3A_519 : i32 to index
      %parallel_loop3A_521 = tpu.vector_load %arg8[%parallel_loop3A_520] {strides = array<i32>} : memref<4000xi32, #tpu.memory_space<vmem>>, vector<16xi32>,
      %parallel_loop3A_522 = arith.constant 0.000000e+00 : f32
      %parallel_loop3A_523 = vector.broadcast %parallel_loop3A_522 : f32 to vector<16xf32>
      %parallel_loop3A_524 = arith.subf %parallel_loop3A_509, %parallel_loop3A_523 : vector<16xf32>
      %parallel_loop3A_525 = arith.constant 4.000000e-01 : f32
      %parallel_loop3A_526 = vector.broadcast %parallel_loop3A_525 : f32 to vector<16xf32>
      %parallel_loop3A_527 = arith.divf %parallel_loop3A_524, %parallel_loop3A_526 : vector<16xf32>
      %parallel_loop3A_528 = arith.constant 0.000000e+00 : f32
      %parallel_loop3A_529 = vector.broadcast %parallel_loop3A_528 : f32 to vector<16xf32>
      %parallel_loop3A_530 = arith.maximumf %parallel_loop3A_527, %parallel_loop3A_529 : vector<16xf32>
      %parallel_loop3A_531 = arith.constant 1.790000e+02 : f32
      %parallel_loop3A_532 = vector.broadcast %parallel_loop3A_531 : f32 to vector<16xf32>
      %parallel_loop3A_533 = arith.minimumf %parallel_loop3A_530, %parallel_loop3A_532 : vector<16xf32>
      %parallel_loop3A_534 = arith.fptosi %parallel_loop3A_533 : vector<16xf32> to vector<16xi32>
      %parallel_loop3A_535 = arith.constant -6.400000e+00 : f32
      %parallel_loop3A_536 = vector.broadcast %parallel_loop3A_535 : f32 to vector<16xf32>
      %parallel_loop3A_537 = arith.subf %parallel_loop3A_513, %parallel_loop3A_536 : vector<16xf32>
      %parallel_loop3A_538 = arith.constant 4.000000e-01 : f32
      %parallel_loop3A_539 = vector.broadcast %parallel_loop3A_538 : f32 to vector<16xf32>
      %parallel_loop3A_540 = arith.divf %parallel_loop3A_537, %parallel_loop3A_539 : vector<16xf32>
      %parallel_loop3A_541 = arith.constant 0.000000e+00 : f32
      %parallel_loop3A_542 = vector.broadcast %parallel_loop3A_541 : f32 to vector<16xf32>
      %parallel_loop3A_543 = arith.maximumf %parallel_loop3A_540, %parallel_loop3A_542 : vector<16xf32>
      %parallel_loop3A_544 = arith.constant 3.100000e+01 : f32
      %parallel_loop3A_545 = vector.broadcast %parallel_loop3A_544 : f32 to vector<16xf32>
      %parallel_loop3A_546 = arith.minimumf %parallel_loop3A_543, %parallel_loop3A_545 : vector<16xf32>
      %parallel_loop3A_547 = arith.fptosi %parallel_loop3A_546 : vector<16xf32> to vector<16xi32>
      %parallel_loop3A_548 = arith.constant -2.000000e+00 : f32
      %parallel_loop3A_549 = vector.broadcast %parallel_loop3A_548 : f32 to vector<16xf32>
      %parallel_loop3A_550 = arith.subf %parallel_loop3A_517, %parallel_loop3A_549 : vector<16xf32>
      %parallel_loop3A_551 = arith.constant 4.000000e-01 : f32
      %parallel_loop3A_552 = vector.broadcast %parallel_loop3A_551 : f32 to vector<16xf32>
      %parallel_loop3A_553 = arith.divf %parallel_loop3A_550, %parallel_loop3A_552 : vector<16xf32>
      %parallel_loop3A_554 = arith.constant 0.000000e+00 : f32
      %parallel_loop3A_555 = vector.broadcast %parallel_loop3A_554 : f32 to vector<16xf32>
      %parallel_loop3A_556 = arith.maximumf %parallel_loop3A_553, %parallel_loop3A_555 : vector<16xf32>
      %parallel_loop3A_557 = arith.constant 1.900000e+01 : f32
      %parallel_loop3A_558 = vector.broadcast %parallel_loop3A_557 : f32 to vector<16xf32>
      %parallel_loop3A_559 = arith.minimumf %parallel_loop3A_556, %parallel_loop3A_558 : vector<16xf32>
      %parallel_loop3A_560 = arith.fptosi %parallel_loop3A_559 : vector<16xf32> to vector<16xi32>
      tpu.vector_store_idx %arg10[%parallel_loop3A_508], %parallel_loop3A_521 : memref<16000xi32, #tpu.memory_space<vmem>>[vector<16xi32>], vector<16xi32>,
      %parallel_loop3A_561 = arith.constant 1 : i32
      %parallel_loop3A_562 = vector.broadcast %parallel_loop3A_561 : i32 to vector<16xi32>
      %parallel_loop3A_563 = arith.addi %parallel_loop3A_508, %parallel_loop3A_562 : vector<16xi32>
      tpu.vector_store_idx %arg10[%parallel_loop3A_563], %parallel_loop3A_560 : memref<16000xi32, #tpu.memory_space<vmem>>[vector<16xi32>], vector<16xi32>,
      %parallel_loop3A_564 = arith.constant 2 : i32
      %parallel_loop3A_565 = vector.broadcast %parallel_loop3A_564 : i32 to vector<16xi32>
      %parallel_loop3A_566 = arith.addi %parallel_loop3A_508, %parallel_loop3A_565 : vector<16xi32>
      tpu.vector_store_idx %arg10[%parallel_loop3A_566], %parallel_loop3A_547 : memref<16000xi32, #tpu.memory_space<vmem>>[vector<16xi32>], vector<16xi32>,
      %parallel_loop3A_567 = arith.constant 3 : i32
      %parallel_loop3A_568 = vector.broadcast %parallel_loop3A_567 : i32 to vector<16xi32>
      %parallel_loop3A_569 = arith.addi %parallel_loop3A_508, %parallel_loop3A_568 : vector<16xi32>
      tpu.vector_store_idx %arg10[%parallel_loop3A_569], %parallel_loop3A_534 : memref<16000xi32, #tpu.memory_space<vmem>>[vector<16xi32>], vector<16xi32>,
    } {sc.loop_unroll_factor = 4 : i64, sc.parallel_access}
    %add3A_312 = arith.constant 288 : i32
    %add3A_313 = arith.addi %add3A, %add3A_312 : i32
    %min3A_314 = arith.constant 499 : i32
    %min3A_315 = arith.minsi %add3A_313, %min3A_314 : i32
    %mul3A_316 = arith.constant 4000 : i32
    %mul3A_317 = arith.muli %min3A_315, %mul3A_316 : i32
    %mul3A_318 = arith.constant 4 : i32
    %mul3A_319 = arith.muli %mul3A_317, %mul3A_318 : i32
    %dma_start3A_320 = tpu.memref_slice %arg4[%mul3A_319] : memref<8000000xi32, #tpu.memory_space<hbm>> -> memref<16000xi32, #tpu.memory_space<hbm>>
    %dma_start3A_321 = tpu.memref_slice %arg4[%mul3A_319] : memref<8000000xi32, #tpu.memory_space<hbm>> -> memref<16000xi32, #tpu.memory_space<hbm>>
    tpu.enqueue_dma source(%arg10 : memref<16000xi32, #tpu.memory_space<vmem>>) target(%dma_start3A_321 : memref<16000xi32, #tpu.memory_space<hbm>>) target_semaphore(%arg14 : memref<!tpu.dma_semaphore, #tpu.memory_space<semaphore_mem>>)
    %add3A_322 = arith.constant 352 : i32
    %add3A_323 = arith.addi %add3A, %add3A_322 : i32
    %min3A_324 = arith.constant 499 : i32
    %min3A_325 = arith.minsi %add3A_323, %min3A_324 : i32
    %mul3A_326 = arith.constant 4000 : i32
    %mul3A_327 = arith.muli %min3A_325, %mul3A_326 : i32
    %mul3A_328 = arith.constant 5 : i32
    %mul3A_329 = arith.muli %mul3A_327, %mul3A_328 : i32
    %dma_start3A_330 = tpu.memref_slice %arg2[%mul3A_329] : memref<10000000xf32, #tpu.memory_space<hbm>> -> memref<20000xf32, #tpu.memory_space<hbm>>
    %dma_start3A_331 = tpu.memref_slice %arg2[%mul3A_329] : memref<10000000xf32, #tpu.memory_space<hbm>> -> memref<20000xf32, #tpu.memory_space<hbm>>
    tpu.enqueue_dma source(%dma_start3A_331 : memref<20000xf32, #tpu.memory_space<hbm>>) target(%arg6 : memref<20000xf32, #tpu.memory_space<vmem>>) target_semaphore(%arg12 : memref<!tpu.dma_semaphore, #tpu.memory_space<semaphore_mem>>)
    %dma_start3A_332 = tpu.memref_slice %arg3[%mul3A_327] : memref<2000000xi32, #tpu.memory_space<hbm>> -> memref<4000xi32, #tpu.memory_space<hbm>>
    %dma_start3A_333 = tpu.memref_slice %arg3[%mul3A_327] : memref<2000000xi32, #tpu.memory_space<hbm>> -> memref<4000xi32, #tpu.memory_space<hbm>>
    tpu.enqueue_dma source(%dma_start3A_333 : memref<4000xi32, #tpu.memory_space<hbm>>) target(%arg8 : memref<4000xi32, #tpu.memory_space<vmem>>) target_semaphore(%arg12 : memref<!tpu.dma_semaphore, #tpu.memory_space<semaphore_mem>>)
    %dma_wait3A_334 = tpu.memref_slice %arg2[%mul3A_298] : memref<10000000xf32, #tpu.memory_space<hbm>> -> memref<20000xf32, #tpu.memory_space<hbm>>
    %dma_wait3A_335 = tpu.memref_slice %arg2[%mul3A_298] : memref<10000000xf32, #tpu.memory_space<hbm>> -> memref<20000xf32, #tpu.memory_space<hbm>>
    tpu.wait_dma2 semaphore(%arg11 : memref<!tpu.dma_semaphore, #tpu.memory_space<semaphore_mem>>) src(%dma_wait3A_335 : memref<20000xf32, #tpu.memory_space<hbm>>) dst(%arg5 : memref<20000xf32, #tpu.memory_space<vmem>>)
    %dma_wait3A_336 = tpu.memref_slice %arg3[%mul3A_296] : memref<2000000xi32, #tpu.memory_space<hbm>> -> memref<4000xi32, #tpu.memory_space<hbm>>
    %dma_wait3A_337 = tpu.memref_slice %arg3[%mul3A_296] : memref<2000000xi32, #tpu.memory_space<hbm>> -> memref<4000xi32, #tpu.memory_space<hbm>>
    tpu.wait_dma2 semaphore(%arg11 : memref<!tpu.dma_semaphore, #tpu.memory_space<semaphore_mem>>) src(%dma_wait3A_337 : memref<4000xi32, #tpu.memory_space<hbm>>) dst(%arg7 : memref<4000xi32, #tpu.memory_space<vmem>>)
    %dma_wait3A_338 = tpu.memref_slice %arg4[%mul3A_288] : memref<8000000xi32, #tpu.memory_space<hbm>> -> memref<16000xi32, #tpu.memory_space<hbm>>
    %dma_wait3A_339 = tpu.memref_slice %arg4[%mul3A_288] : memref<8000000xi32, #tpu.memory_space<hbm>> -> memref<16000xi32, #tpu.memory_space<hbm>>
    tpu.wait_dma2 semaphore(%arg13 : memref<!tpu.dma_semaphore, #tpu.memory_space<semaphore_mem>>) src(%arg9 : memref<16000xi32, #tpu.memory_space<vmem>>) dst(%dma_wait3A_339 : memref<16000xi32, #tpu.memory_space<hbm>>)
    %parallel_loop3A_340 = arith.constant 0 : i32
    %parallel_loop3A_341 = arith.constant 250 : i32
    %parallel_loop3A_342 = arith.constant 1 : i32
    scf.for %parallel_loop3A_500 = %parallel_loop3A_340 to %parallel_loop3A_341 step %parallel_loop3A_342  : i32 {
      %parallel_loop3A_501 = arith.constant 80 : i32
      %parallel_loop3A_502 = arith.muli %parallel_loop3A_500, %parallel_loop3A_501 : i32
      %parallel_loop3A_503 = vector.broadcast %parallel_loop3A_502 : i32 to vector<16xi32>
      %parallel_loop3A_504 = arith.addi %mul3A_3, %parallel_loop3A_503 : vector<16xi32>
      %parallel_loop3A_505 = arith.constant 64 : i32
      %parallel_loop3A_506 = arith.muli %parallel_loop3A_500, %parallel_loop3A_505 : i32
      %parallel_loop3A_507 = vector.broadcast %parallel_loop3A_506 : i32 to vector<16xi32>
      %parallel_loop3A_508 = arith.addi %mul3A_7, %parallel_loop3A_507 : vector<16xi32>
      %parallel_loop3A_509 = tpu.vector_load_idx %arg5[%parallel_loop3A_504] : memref<20000xf32, #tpu.memory_space<vmem>>[vector<16xi32>], vector<16xf32>,
      %parallel_loop3A_510 = arith.constant 1 : i32
      %parallel_loop3A_511 = vector.broadcast %parallel_loop3A_510 : i32 to vector<16xi32>
      %parallel_loop3A_512 = arith.addi %parallel_loop3A_504, %parallel_loop3A_511 : vector<16xi32>
      %parallel_loop3A_513 = tpu.vector_load_idx %arg5[%parallel_loop3A_512] : memref<20000xf32, #tpu.memory_space<vmem>>[vector<16xi32>], vector<16xf32>,
      %parallel_loop3A_514 = arith.constant 2 : i32
      %parallel_loop3A_515 = vector.broadcast %parallel_loop3A_514 : i32 to vector<16xi32>
      %parallel_loop3A_516 = arith.addi %parallel_loop3A_504, %parallel_loop3A_515 : vector<16xi32>
      %parallel_loop3A_517 = tpu.vector_load_idx %arg5[%parallel_loop3A_516] : memref<20000xf32, #tpu.memory_space<vmem>>[vector<16xi32>], vector<16xf32>,
      %parallel_loop3A_518 = arith.constant 16 : i32
      %parallel_loop3A_519 = arith.muli %parallel_loop3A_500, %parallel_loop3A_518 : i32
      %parallel_loop3A_520 = arith.index_cast %parallel_loop3A_519 : i32 to index
      %parallel_loop3A_521 = tpu.vector_load %arg7[%parallel_loop3A_520] {strides = array<i32>} : memref<4000xi32, #tpu.memory_space<vmem>>, vector<16xi32>,
      %parallel_loop3A_522 = arith.constant 0.000000e+00 : f32
      %parallel_loop3A_523 = vector.broadcast %parallel_loop3A_522 : f32 to vector<16xf32>
      %parallel_loop3A_524 = arith.subf %parallel_loop3A_509, %parallel_loop3A_523 : vector<16xf32>
      %parallel_loop3A_525 = arith.constant 4.000000e-01 : f32
      %parallel_loop3A_526 = vector.broadcast %parallel_loop3A_525 : f32 to vector<16xf32>
      %parallel_loop3A_527 = arith.divf %parallel_loop3A_524, %parallel_loop3A_526 : vector<16xf32>
      %parallel_loop3A_528 = arith.constant 0.000000e+00 : f32
      %parallel_loop3A_529 = vector.broadcast %parallel_loop3A_528 : f32 to vector<16xf32>
      %parallel_loop3A_530 = arith.maximumf %parallel_loop3A_527, %parallel_loop3A_529 : vector<16xf32>
      %parallel_loop3A_531 = arith.constant 1.790000e+02 : f32
      %parallel_loop3A_532 = vector.broadcast %parallel_loop3A_531 : f32 to vector<16xf32>
      %parallel_loop3A_533 = arith.minimumf %parallel_loop3A_530, %parallel_loop3A_532 : vector<16xf32>
      %parallel_loop3A_534 = arith.fptosi %parallel_loop3A_533 : vector<16xf32> to vector<16xi32>
      %parallel_loop3A_535 = arith.constant -6.400000e+00 : f32
      %parallel_loop3A_536 = vector.broadcast %parallel_loop3A_535 : f32 to vector<16xf32>
      %parallel_loop3A_537 = arith.subf %parallel_loop3A_513, %parallel_loop3A_536 : vector<16xf32>
      %parallel_loop3A_538 = arith.constant 4.000000e-01 : f32
      %parallel_loop3A_539 = vector.broadcast %parallel_loop3A_538 : f32 to vector<16xf32>
      %parallel_loop3A_540 = arith.divf %parallel_loop3A_537, %parallel_loop3A_539 : vector<16xf32>
      %parallel_loop3A_541 = arith.constant 0.000000e+00 : f32
      %parallel_loop3A_542 = vector.broadcast %parallel_loop3A_541 : f32 to vector<16xf32>
      %parallel_loop3A_543 = arith.maximumf %parallel_loop3A_540, %parallel_loop3A_542 : vector<16xf32>
      %parallel_loop3A_544 = arith.constant 3.100000e+01 : f32
      %parallel_loop3A_545 = vector.broadcast %parallel_loop3A_544 : f32 to vector<16xf32>
      %parallel_loop3A_546 = arith.minimumf %parallel_loop3A_543, %parallel_loop3A_545 : vector<16xf32>
      %parallel_loop3A_547 = arith.fptosi %parallel_loop3A_546 : vector<16xf32> to vector<16xi32>
      %parallel_loop3A_548 = arith.constant -2.000000e+00 : f32
      %parallel_loop3A_549 = vector.broadcast %parallel_loop3A_548 : f32 to vector<16xf32>
      %parallel_loop3A_550 = arith.subf %parallel_loop3A_517, %parallel_loop3A_549 : vector<16xf32>
      %parallel_loop3A_551 = arith.constant 4.000000e-01 : f32
      %parallel_loop3A_552 = vector.broadcast %parallel_loop3A_551 : f32 to vector<16xf32>
      %parallel_loop3A_553 = arith.divf %parallel_loop3A_550, %parallel_loop3A_552 : vector<16xf32>
      %parallel_loop3A_554 = arith.constant 0.000000e+00 : f32
      %parallel_loop3A_555 = vector.broadcast %parallel_loop3A_554 : f32 to vector<16xf32>
      %parallel_loop3A_556 = arith.maximumf %parallel_loop3A_553, %parallel_loop3A_555 : vector<16xf32>
      %parallel_loop3A_557 = arith.constant 1.900000e+01 : f32
      %parallel_loop3A_558 = vector.broadcast %parallel_loop3A_557 : f32 to vector<16xf32>
      %parallel_loop3A_559 = arith.minimumf %parallel_loop3A_556, %parallel_loop3A_558 : vector<16xf32>
      %parallel_loop3A_560 = arith.fptosi %parallel_loop3A_559 : vector<16xf32> to vector<16xi32>
      tpu.vector_store_idx %arg9[%parallel_loop3A_508], %parallel_loop3A_521 : memref<16000xi32, #tpu.memory_space<vmem>>[vector<16xi32>], vector<16xi32>,
      %parallel_loop3A_561 = arith.constant 1 : i32
      %parallel_loop3A_562 = vector.broadcast %parallel_loop3A_561 : i32 to vector<16xi32>
      %parallel_loop3A_563 = arith.addi %parallel_loop3A_508, %parallel_loop3A_562 : vector<16xi32>
      tpu.vector_store_idx %arg9[%parallel_loop3A_563], %parallel_loop3A_560 : memref<16000xi32, #tpu.memory_space<vmem>>[vector<16xi32>], vector<16xi32>,
      %parallel_loop3A_564 = arith.constant 2 : i32
      %parallel_loop3A_565 = vector.broadcast %parallel_loop3A_564 : i32 to vector<16xi32>
      %parallel_loop3A_566 = arith.addi %parallel_loop3A_508, %parallel_loop3A_565 : vector<16xi32>
      tpu.vector_store_idx %arg9[%parallel_loop3A_566], %parallel_loop3A_547 : memref<16000xi32, #tpu.memory_space<vmem>>[vector<16xi32>], vector<16xi32>,
      %parallel_loop3A_567 = arith.constant 3 : i32
      %parallel_loop3A_568 = vector.broadcast %parallel_loop3A_567 : i32 to vector<16xi32>
      %parallel_loop3A_569 = arith.addi %parallel_loop3A_508, %parallel_loop3A_568 : vector<16xi32>
      tpu.vector_store_idx %arg9[%parallel_loop3A_569], %parallel_loop3A_534 : memref<16000xi32, #tpu.memory_space<vmem>>[vector<16xi32>], vector<16xi32>,
    } {sc.loop_unroll_factor = 4 : i64, sc.parallel_access}
    %add3A_343 = arith.constant 320 : i32
    %add3A_344 = arith.addi %add3A, %add3A_343 : i32
    %min3A_345 = arith.constant 499 : i32
    %min3A_346 = arith.minsi %add3A_344, %min3A_345 : i32
    %mul3A_347 = arith.constant 4000 : i32
    %mul3A_348 = arith.muli %min3A_346, %mul3A_347 : i32
    %mul3A_349 = arith.constant 4 : i32
    %mul3A_350 = arith.muli %mul3A_348, %mul3A_349 : i32
    %dma_start3A_351 = tpu.memref_slice %arg4[%mul3A_350] : memref<8000000xi32, #tpu.memory_space<hbm>> -> memref<16000xi32, #tpu.memory_space<hbm>>
    %dma_start3A_352 = tpu.memref_slice %arg4[%mul3A_350] : memref<8000000xi32, #tpu.memory_space<hbm>> -> memref<16000xi32, #tpu.memory_space<hbm>>
    tpu.enqueue_dma source(%arg9 : memref<16000xi32, #tpu.memory_space<vmem>>) target(%dma_start3A_352 : memref<16000xi32, #tpu.memory_space<hbm>>) target_semaphore(%arg13 : memref<!tpu.dma_semaphore, #tpu.memory_space<semaphore_mem>>)
    %add3A_353 = arith.constant 384 : i32
    %add3A_354 = arith.addi %add3A, %add3A_353 : i32
    %min3A_355 = arith.constant 499 : i32
    %min3A_356 = arith.minsi %add3A_354, %min3A_355 : i32
    %mul3A_357 = arith.constant 4000 : i32
    %mul3A_358 = arith.muli %min3A_356, %mul3A_357 : i32
    %mul3A_359 = arith.constant 5 : i32
    %mul3A_360 = arith.muli %mul3A_358, %mul3A_359 : i32
    %dma_start3A_361 = tpu.memref_slice %arg2[%mul3A_360] : memref<10000000xf32, #tpu.memory_space<hbm>> -> memref<20000xf32, #tpu.memory_space<hbm>>
    %dma_start3A_362 = tpu.memref_slice %arg2[%mul3A_360] : memref<10000000xf32, #tpu.memory_space<hbm>> -> memref<20000xf32, #tpu.memory_space<hbm>>
    tpu.enqueue_dma source(%dma_start3A_362 : memref<20000xf32, #tpu.memory_space<hbm>>) target(%arg5 : memref<20000xf32, #tpu.memory_space<vmem>>) target_semaphore(%arg11 : memref<!tpu.dma_semaphore, #tpu.memory_space<semaphore_mem>>)
    %dma_start3A_363 = tpu.memref_slice %arg3[%mul3A_358] : memref<2000000xi32, #tpu.memory_space<hbm>> -> memref<4000xi32, #tpu.memory_space<hbm>>
    %dma_start3A_364 = tpu.memref_slice %arg3[%mul3A_358] : memref<2000000xi32, #tpu.memory_space<hbm>> -> memref<4000xi32, #tpu.memory_space<hbm>>
    tpu.enqueue_dma source(%dma_start3A_364 : memref<4000xi32, #tpu.memory_space<hbm>>) target(%arg7 : memref<4000xi32, #tpu.memory_space<vmem>>) target_semaphore(%arg11 : memref<!tpu.dma_semaphore, #tpu.memory_space<semaphore_mem>>)
    %dma_wait3A_365 = tpu.memref_slice %arg2[%mul3A_329] : memref<10000000xf32, #tpu.memory_space<hbm>> -> memref<20000xf32, #tpu.memory_space<hbm>>
    %dma_wait3A_366 = tpu.memref_slice %arg2[%mul3A_329] : memref<10000000xf32, #tpu.memory_space<hbm>> -> memref<20000xf32, #tpu.memory_space<hbm>>
    tpu.wait_dma2 semaphore(%arg12 : memref<!tpu.dma_semaphore, #tpu.memory_space<semaphore_mem>>) src(%dma_wait3A_366 : memref<20000xf32, #tpu.memory_space<hbm>>) dst(%arg6 : memref<20000xf32, #tpu.memory_space<vmem>>)
    %dma_wait3A_367 = tpu.memref_slice %arg3[%mul3A_327] : memref<2000000xi32, #tpu.memory_space<hbm>> -> memref<4000xi32, #tpu.memory_space<hbm>>
    %dma_wait3A_368 = tpu.memref_slice %arg3[%mul3A_327] : memref<2000000xi32, #tpu.memory_space<hbm>> -> memref<4000xi32, #tpu.memory_space<hbm>>
    tpu.wait_dma2 semaphore(%arg12 : memref<!tpu.dma_semaphore, #tpu.memory_space<semaphore_mem>>) src(%dma_wait3A_368 : memref<4000xi32, #tpu.memory_space<hbm>>) dst(%arg8 : memref<4000xi32, #tpu.memory_space<vmem>>)
    %dma_wait3A_369 = tpu.memref_slice %arg4[%mul3A_319] : memref<8000000xi32, #tpu.memory_space<hbm>> -> memref<16000xi32, #tpu.memory_space<hbm>>
    %dma_wait3A_370 = tpu.memref_slice %arg4[%mul3A_319] : memref<8000000xi32, #tpu.memory_space<hbm>> -> memref<16000xi32, #tpu.memory_space<hbm>>
    tpu.wait_dma2 semaphore(%arg14 : memref<!tpu.dma_semaphore, #tpu.memory_space<semaphore_mem>>) src(%arg10 : memref<16000xi32, #tpu.memory_space<vmem>>) dst(%dma_wait3A_370 : memref<16000xi32, #tpu.memory_space<hbm>>)
    %parallel_loop3A_371 = arith.constant 0 : i32
    %parallel_loop3A_372 = arith.constant 250 : i32
    %parallel_loop3A_373 = arith.constant 1 : i32
    scf.for %parallel_loop3A_500 = %parallel_loop3A_371 to %parallel_loop3A_372 step %parallel_loop3A_373  : i32 {
      %parallel_loop3A_501 = arith.constant 80 : i32
      %parallel_loop3A_502 = arith.muli %parallel_loop3A_500, %parallel_loop3A_501 : i32
      %parallel_loop3A_503 = vector.broadcast %parallel_loop3A_502 : i32 to vector<16xi32>
      %parallel_loop3A_504 = arith.addi %mul3A_3, %parallel_loop3A_503 : vector<16xi32>
      %parallel_loop3A_505 = arith.constant 64 : i32
      %parallel_loop3A_506 = arith.muli %parallel_loop3A_500, %parallel_loop3A_505 : i32
      %parallel_loop3A_507 = vector.broadcast %parallel_loop3A_506 : i32 to vector<16xi32>
      %parallel_loop3A_508 = arith.addi %mul3A_7, %parallel_loop3A_507 : vector<16xi32>
      %parallel_loop3A_509 = tpu.vector_load_idx %arg6[%parallel_loop3A_504] : memref<20000xf32, #tpu.memory_space<vmem>>[vector<16xi32>], vector<16xf32>,
      %parallel_loop3A_510 = arith.constant 1 : i32
      %parallel_loop3A_511 = vector.broadcast %parallel_loop3A_510 : i32 to vector<16xi32>
      %parallel_loop3A_512 = arith.addi %parallel_loop3A_504, %parallel_loop3A_511 : vector<16xi32>
      %parallel_loop3A_513 = tpu.vector_load_idx %arg6[%parallel_loop3A_512] : memref<20000xf32, #tpu.memory_space<vmem>>[vector<16xi32>], vector<16xf32>,
      %parallel_loop3A_514 = arith.constant 2 : i32
      %parallel_loop3A_515 = vector.broadcast %parallel_loop3A_514 : i32 to vector<16xi32>
      %parallel_loop3A_516 = arith.addi %parallel_loop3A_504, %parallel_loop3A_515 : vector<16xi32>
      %parallel_loop3A_517 = tpu.vector_load_idx %arg6[%parallel_loop3A_516] : memref<20000xf32, #tpu.memory_space<vmem>>[vector<16xi32>], vector<16xf32>,
      %parallel_loop3A_518 = arith.constant 16 : i32
      %parallel_loop3A_519 = arith.muli %parallel_loop3A_500, %parallel_loop3A_518 : i32
      %parallel_loop3A_520 = arith.index_cast %parallel_loop3A_519 : i32 to index
      %parallel_loop3A_521 = tpu.vector_load %arg8[%parallel_loop3A_520] {strides = array<i32>} : memref<4000xi32, #tpu.memory_space<vmem>>, vector<16xi32>,
      %parallel_loop3A_522 = arith.constant 0.000000e+00 : f32
      %parallel_loop3A_523 = vector.broadcast %parallel_loop3A_522 : f32 to vector<16xf32>
      %parallel_loop3A_524 = arith.subf %parallel_loop3A_509, %parallel_loop3A_523 : vector<16xf32>
      %parallel_loop3A_525 = arith.constant 4.000000e-01 : f32
      %parallel_loop3A_526 = vector.broadcast %parallel_loop3A_525 : f32 to vector<16xf32>
      %parallel_loop3A_527 = arith.divf %parallel_loop3A_524, %parallel_loop3A_526 : vector<16xf32>
      %parallel_loop3A_528 = arith.constant 0.000000e+00 : f32
      %parallel_loop3A_529 = vector.broadcast %parallel_loop3A_528 : f32 to vector<16xf32>
      %parallel_loop3A_530 = arith.maximumf %parallel_loop3A_527, %parallel_loop3A_529 : vector<16xf32>
      %parallel_loop3A_531 = arith.constant 1.790000e+02 : f32
      %parallel_loop3A_532 = vector.broadcast %parallel_loop3A_531 : f32 to vector<16xf32>
      %parallel_loop3A_533 = arith.minimumf %parallel_loop3A_530, %parallel_loop3A_532 : vector<16xf32>
      %parallel_loop3A_534 = arith.fptosi %parallel_loop3A_533 : vector<16xf32> to vector<16xi32>
      %parallel_loop3A_535 = arith.constant -6.400000e+00 : f32
      %parallel_loop3A_536 = vector.broadcast %parallel_loop3A_535 : f32 to vector<16xf32>
      %parallel_loop3A_537 = arith.subf %parallel_loop3A_513, %parallel_loop3A_536 : vector<16xf32>
      %parallel_loop3A_538 = arith.constant 4.000000e-01 : f32
      %parallel_loop3A_539 = vector.broadcast %parallel_loop3A_538 : f32 to vector<16xf32>
      %parallel_loop3A_540 = arith.divf %parallel_loop3A_537, %parallel_loop3A_539 : vector<16xf32>
      %parallel_loop3A_541 = arith.constant 0.000000e+00 : f32
      %parallel_loop3A_542 = vector.broadcast %parallel_loop3A_541 : f32 to vector<16xf32>
      %parallel_loop3A_543 = arith.maximumf %parallel_loop3A_540, %parallel_loop3A_542 : vector<16xf32>
      %parallel_loop3A_544 = arith.constant 3.100000e+01 : f32
      %parallel_loop3A_545 = vector.broadcast %parallel_loop3A_544 : f32 to vector<16xf32>
      %parallel_loop3A_546 = arith.minimumf %parallel_loop3A_543, %parallel_loop3A_545 : vector<16xf32>
      %parallel_loop3A_547 = arith.fptosi %parallel_loop3A_546 : vector<16xf32> to vector<16xi32>
      %parallel_loop3A_548 = arith.constant -2.000000e+00 : f32
      %parallel_loop3A_549 = vector.broadcast %parallel_loop3A_548 : f32 to vector<16xf32>
      %parallel_loop3A_550 = arith.subf %parallel_loop3A_517, %parallel_loop3A_549 : vector<16xf32>
      %parallel_loop3A_551 = arith.constant 4.000000e-01 : f32
      %parallel_loop3A_552 = vector.broadcast %parallel_loop3A_551 : f32 to vector<16xf32>
      %parallel_loop3A_553 = arith.divf %parallel_loop3A_550, %parallel_loop3A_552 : vector<16xf32>
      %parallel_loop3A_554 = arith.constant 0.000000e+00 : f32
      %parallel_loop3A_555 = vector.broadcast %parallel_loop3A_554 : f32 to vector<16xf32>
      %parallel_loop3A_556 = arith.maximumf %parallel_loop3A_553, %parallel_loop3A_555 : vector<16xf32>
      %parallel_loop3A_557 = arith.constant 1.900000e+01 : f32
      %parallel_loop3A_558 = vector.broadcast %parallel_loop3A_557 : f32 to vector<16xf32>
      %parallel_loop3A_559 = arith.minimumf %parallel_loop3A_556, %parallel_loop3A_558 : vector<16xf32>
      %parallel_loop3A_560 = arith.fptosi %parallel_loop3A_559 : vector<16xf32> to vector<16xi32>
      tpu.vector_store_idx %arg10[%parallel_loop3A_508], %parallel_loop3A_521 : memref<16000xi32, #tpu.memory_space<vmem>>[vector<16xi32>], vector<16xi32>,
      %parallel_loop3A_561 = arith.constant 1 : i32
      %parallel_loop3A_562 = vector.broadcast %parallel_loop3A_561 : i32 to vector<16xi32>
      %parallel_loop3A_563 = arith.addi %parallel_loop3A_508, %parallel_loop3A_562 : vector<16xi32>
      tpu.vector_store_idx %arg10[%parallel_loop3A_563], %parallel_loop3A_560 : memref<16000xi32, #tpu.memory_space<vmem>>[vector<16xi32>], vector<16xi32>,
      %parallel_loop3A_564 = arith.constant 2 : i32
      %parallel_loop3A_565 = vector.broadcast %parallel_loop3A_564 : i32 to vector<16xi32>
      %parallel_loop3A_566 = arith.addi %parallel_loop3A_508, %parallel_loop3A_565 : vector<16xi32>
      tpu.vector_store_idx %arg10[%parallel_loop3A_566], %parallel_loop3A_547 : memref<16000xi32, #tpu.memory_space<vmem>>[vector<16xi32>], vector<16xi32>,
      %parallel_loop3A_567 = arith.constant 3 : i32
      %parallel_loop3A_568 = vector.broadcast %parallel_loop3A_567 : i32 to vector<16xi32>
      %parallel_loop3A_569 = arith.addi %parallel_loop3A_508, %parallel_loop3A_568 : vector<16xi32>
      tpu.vector_store_idx %arg10[%parallel_loop3A_569], %parallel_loop3A_534 : memref<16000xi32, #tpu.memory_space<vmem>>[vector<16xi32>], vector<16xi32>,
    } {sc.loop_unroll_factor = 4 : i64, sc.parallel_access}
    %add3A_374 = arith.constant 352 : i32
    %add3A_375 = arith.addi %add3A, %add3A_374 : i32
    %min3A_376 = arith.constant 499 : i32
    %min3A_377 = arith.minsi %add3A_375, %min3A_376 : i32
    %mul3A_378 = arith.constant 4000 : i32
    %mul3A_379 = arith.muli %min3A_377, %mul3A_378 : i32
    %mul3A_380 = arith.constant 4 : i32
    %mul3A_381 = arith.muli %mul3A_379, %mul3A_380 : i32
    %dma_start3A_382 = tpu.memref_slice %arg4[%mul3A_381] : memref<8000000xi32, #tpu.memory_space<hbm>> -> memref<16000xi32, #tpu.memory_space<hbm>>
    %dma_start3A_383 = tpu.memref_slice %arg4[%mul3A_381] : memref<8000000xi32, #tpu.memory_space<hbm>> -> memref<16000xi32, #tpu.memory_space<hbm>>
    tpu.enqueue_dma source(%arg10 : memref<16000xi32, #tpu.memory_space<vmem>>) target(%dma_start3A_383 : memref<16000xi32, #tpu.memory_space<hbm>>) target_semaphore(%arg14 : memref<!tpu.dma_semaphore, #tpu.memory_space<semaphore_mem>>)
    %add3A_384 = arith.constant 416 : i32
    %add3A_385 = arith.addi %add3A, %add3A_384 : i32
    %min3A_386 = arith.constant 499 : i32
    %min3A_387 = arith.minsi %add3A_385, %min3A_386 : i32
    %mul3A_388 = arith.constant 4000 : i32
    %mul3A_389 = arith.muli %min3A_387, %mul3A_388 : i32
    %mul3A_390 = arith.constant 5 : i32
    %mul3A_391 = arith.muli %mul3A_389, %mul3A_390 : i32
    %dma_start3A_392 = tpu.memref_slice %arg2[%mul3A_391] : memref<10000000xf32, #tpu.memory_space<hbm>> -> memref<20000xf32, #tpu.memory_space<hbm>>
    %dma_start3A_393 = tpu.memref_slice %arg2[%mul3A_391] : memref<10000000xf32, #tpu.memory_space<hbm>> -> memref<20000xf32, #tpu.memory_space<hbm>>
    tpu.enqueue_dma source(%dma_start3A_393 : memref<20000xf32, #tpu.memory_space<hbm>>) target(%arg6 : memref<20000xf32, #tpu.memory_space<vmem>>) target_semaphore(%arg12 : memref<!tpu.dma_semaphore, #tpu.memory_space<semaphore_mem>>)
    %dma_start3A_394 = tpu.memref_slice %arg3[%mul3A_389] : memref<2000000xi32, #tpu.memory_space<hbm>> -> memref<4000xi32, #tpu.memory_space<hbm>>
    %dma_start3A_395 = tpu.memref_slice %arg3[%mul3A_389] : memref<2000000xi32, #tpu.memory_space<hbm>> -> memref<4000xi32, #tpu.memory_space<hbm>>
    tpu.enqueue_dma source(%dma_start3A_395 : memref<4000xi32, #tpu.memory_space<hbm>>) target(%arg8 : memref<4000xi32, #tpu.memory_space<vmem>>) target_semaphore(%arg12 : memref<!tpu.dma_semaphore, #tpu.memory_space<semaphore_mem>>)
    %dma_wait3A_396 = tpu.memref_slice %arg2[%mul3A_360] : memref<10000000xf32, #tpu.memory_space<hbm>> -> memref<20000xf32, #tpu.memory_space<hbm>>
    %dma_wait3A_397 = tpu.memref_slice %arg2[%mul3A_360] : memref<10000000xf32, #tpu.memory_space<hbm>> -> memref<20000xf32, #tpu.memory_space<hbm>>
    tpu.wait_dma2 semaphore(%arg11 : memref<!tpu.dma_semaphore, #tpu.memory_space<semaphore_mem>>) src(%dma_wait3A_397 : memref<20000xf32, #tpu.memory_space<hbm>>) dst(%arg5 : memref<20000xf32, #tpu.memory_space<vmem>>)
    %dma_wait3A_398 = tpu.memref_slice %arg3[%mul3A_358] : memref<2000000xi32, #tpu.memory_space<hbm>> -> memref<4000xi32, #tpu.memory_space<hbm>>
    %dma_wait3A_399 = tpu.memref_slice %arg3[%mul3A_358] : memref<2000000xi32, #tpu.memory_space<hbm>> -> memref<4000xi32, #tpu.memory_space<hbm>>
    tpu.wait_dma2 semaphore(%arg11 : memref<!tpu.dma_semaphore, #tpu.memory_space<semaphore_mem>>) src(%dma_wait3A_399 : memref<4000xi32, #tpu.memory_space<hbm>>) dst(%arg7 : memref<4000xi32, #tpu.memory_space<vmem>>)
    %dma_wait3A_400 = tpu.memref_slice %arg4[%mul3A_350] : memref<8000000xi32, #tpu.memory_space<hbm>> -> memref<16000xi32, #tpu.memory_space<hbm>>
    %dma_wait3A_401 = tpu.memref_slice %arg4[%mul3A_350] : memref<8000000xi32, #tpu.memory_space<hbm>> -> memref<16000xi32, #tpu.memory_space<hbm>>
    tpu.wait_dma2 semaphore(%arg13 : memref<!tpu.dma_semaphore, #tpu.memory_space<semaphore_mem>>) src(%arg9 : memref<16000xi32, #tpu.memory_space<vmem>>) dst(%dma_wait3A_401 : memref<16000xi32, #tpu.memory_space<hbm>>)
    %parallel_loop3A_402 = arith.constant 0 : i32
    %parallel_loop3A_403 = arith.constant 250 : i32
    %parallel_loop3A_404 = arith.constant 1 : i32
    scf.for %parallel_loop3A_500 = %parallel_loop3A_402 to %parallel_loop3A_403 step %parallel_loop3A_404  : i32 {
      %parallel_loop3A_501 = arith.constant 80 : i32
      %parallel_loop3A_502 = arith.muli %parallel_loop3A_500, %parallel_loop3A_501 : i32
      %parallel_loop3A_503 = vector.broadcast %parallel_loop3A_502 : i32 to vector<16xi32>
      %parallel_loop3A_504 = arith.addi %mul3A_3, %parallel_loop3A_503 : vector<16xi32>
      %parallel_loop3A_505 = arith.constant 64 : i32
      %parallel_loop3A_506 = arith.muli %parallel_loop3A_500, %parallel_loop3A_505 : i32
      %parallel_loop3A_507 = vector.broadcast %parallel_loop3A_506 : i32 to vector<16xi32>
      %parallel_loop3A_508 = arith.addi %mul3A_7, %parallel_loop3A_507 : vector<16xi32>
      %parallel_loop3A_509 = tpu.vector_load_idx %arg5[%parallel_loop3A_504] : memref<20000xf32, #tpu.memory_space<vmem>>[vector<16xi32>], vector<16xf32>,
      %parallel_loop3A_510 = arith.constant 1 : i32
      %parallel_loop3A_511 = vector.broadcast %parallel_loop3A_510 : i32 to vector<16xi32>
      %parallel_loop3A_512 = arith.addi %parallel_loop3A_504, %parallel_loop3A_511 : vector<16xi32>
      %parallel_loop3A_513 = tpu.vector_load_idx %arg5[%parallel_loop3A_512] : memref<20000xf32, #tpu.memory_space<vmem>>[vector<16xi32>], vector<16xf32>,
      %parallel_loop3A_514 = arith.constant 2 : i32
      %parallel_loop3A_515 = vector.broadcast %parallel_loop3A_514 : i32 to vector<16xi32>
      %parallel_loop3A_516 = arith.addi %parallel_loop3A_504, %parallel_loop3A_515 : vector<16xi32>
      %parallel_loop3A_517 = tpu.vector_load_idx %arg5[%parallel_loop3A_516] : memref<20000xf32, #tpu.memory_space<vmem>>[vector<16xi32>], vector<16xf32>,
      %parallel_loop3A_518 = arith.constant 16 : i32
      %parallel_loop3A_519 = arith.muli %parallel_loop3A_500, %parallel_loop3A_518 : i32
      %parallel_loop3A_520 = arith.index_cast %parallel_loop3A_519 : i32 to index
      %parallel_loop3A_521 = tpu.vector_load %arg7[%parallel_loop3A_520] {strides = array<i32>} : memref<4000xi32, #tpu.memory_space<vmem>>, vector<16xi32>,
      %parallel_loop3A_522 = arith.constant 0.000000e+00 : f32
      %parallel_loop3A_523 = vector.broadcast %parallel_loop3A_522 : f32 to vector<16xf32>
      %parallel_loop3A_524 = arith.subf %parallel_loop3A_509, %parallel_loop3A_523 : vector<16xf32>
      %parallel_loop3A_525 = arith.constant 4.000000e-01 : f32
      %parallel_loop3A_526 = vector.broadcast %parallel_loop3A_525 : f32 to vector<16xf32>
      %parallel_loop3A_527 = arith.divf %parallel_loop3A_524, %parallel_loop3A_526 : vector<16xf32>
      %parallel_loop3A_528 = arith.constant 0.000000e+00 : f32
      %parallel_loop3A_529 = vector.broadcast %parallel_loop3A_528 : f32 to vector<16xf32>
      %parallel_loop3A_530 = arith.maximumf %parallel_loop3A_527, %parallel_loop3A_529 : vector<16xf32>
      %parallel_loop3A_531 = arith.constant 1.790000e+02 : f32
      %parallel_loop3A_532 = vector.broadcast %parallel_loop3A_531 : f32 to vector<16xf32>
      %parallel_loop3A_533 = arith.minimumf %parallel_loop3A_530, %parallel_loop3A_532 : vector<16xf32>
      %parallel_loop3A_534 = arith.fptosi %parallel_loop3A_533 : vector<16xf32> to vector<16xi32>
      %parallel_loop3A_535 = arith.constant -6.400000e+00 : f32
      %parallel_loop3A_536 = vector.broadcast %parallel_loop3A_535 : f32 to vector<16xf32>
      %parallel_loop3A_537 = arith.subf %parallel_loop3A_513, %parallel_loop3A_536 : vector<16xf32>
      %parallel_loop3A_538 = arith.constant 4.000000e-01 : f32
      %parallel_loop3A_539 = vector.broadcast %parallel_loop3A_538 : f32 to vector<16xf32>
      %parallel_loop3A_540 = arith.divf %parallel_loop3A_537, %parallel_loop3A_539 : vector<16xf32>
      %parallel_loop3A_541 = arith.constant 0.000000e+00 : f32
      %parallel_loop3A_542 = vector.broadcast %parallel_loop3A_541 : f32 to vector<16xf32>
      %parallel_loop3A_543 = arith.maximumf %parallel_loop3A_540, %parallel_loop3A_542 : vector<16xf32>
      %parallel_loop3A_544 = arith.constant 3.100000e+01 : f32
      %parallel_loop3A_545 = vector.broadcast %parallel_loop3A_544 : f32 to vector<16xf32>
      %parallel_loop3A_546 = arith.minimumf %parallel_loop3A_543, %parallel_loop3A_545 : vector<16xf32>
      %parallel_loop3A_547 = arith.fptosi %parallel_loop3A_546 : vector<16xf32> to vector<16xi32>
      %parallel_loop3A_548 = arith.constant -2.000000e+00 : f32
      %parallel_loop3A_549 = vector.broadcast %parallel_loop3A_548 : f32 to vector<16xf32>
      %parallel_loop3A_550 = arith.subf %parallel_loop3A_517, %parallel_loop3A_549 : vector<16xf32>
      %parallel_loop3A_551 = arith.constant 4.000000e-01 : f32
      %parallel_loop3A_552 = vector.broadcast %parallel_loop3A_551 : f32 to vector<16xf32>
      %parallel_loop3A_553 = arith.divf %parallel_loop3A_550, %parallel_loop3A_552 : vector<16xf32>
      %parallel_loop3A_554 = arith.constant 0.000000e+00 : f32
      %parallel_loop3A_555 = vector.broadcast %parallel_loop3A_554 : f32 to vector<16xf32>
      %parallel_loop3A_556 = arith.maximumf %parallel_loop3A_553, %parallel_loop3A_555 : vector<16xf32>
      %parallel_loop3A_557 = arith.constant 1.900000e+01 : f32
      %parallel_loop3A_558 = vector.broadcast %parallel_loop3A_557 : f32 to vector<16xf32>
      %parallel_loop3A_559 = arith.minimumf %parallel_loop3A_556, %parallel_loop3A_558 : vector<16xf32>
      %parallel_loop3A_560 = arith.fptosi %parallel_loop3A_559 : vector<16xf32> to vector<16xi32>
      tpu.vector_store_idx %arg9[%parallel_loop3A_508], %parallel_loop3A_521 : memref<16000xi32, #tpu.memory_space<vmem>>[vector<16xi32>], vector<16xi32>,
      %parallel_loop3A_561 = arith.constant 1 : i32
      %parallel_loop3A_562 = vector.broadcast %parallel_loop3A_561 : i32 to vector<16xi32>
      %parallel_loop3A_563 = arith.addi %parallel_loop3A_508, %parallel_loop3A_562 : vector<16xi32>
      tpu.vector_store_idx %arg9[%parallel_loop3A_563], %parallel_loop3A_560 : memref<16000xi32, #tpu.memory_space<vmem>>[vector<16xi32>], vector<16xi32>,
      %parallel_loop3A_564 = arith.constant 2 : i32
      %parallel_loop3A_565 = vector.broadcast %parallel_loop3A_564 : i32 to vector<16xi32>
      %parallel_loop3A_566 = arith.addi %parallel_loop3A_508, %parallel_loop3A_565 : vector<16xi32>
      tpu.vector_store_idx %arg9[%parallel_loop3A_566], %parallel_loop3A_547 : memref<16000xi32, #tpu.memory_space<vmem>>[vector<16xi32>], vector<16xi32>,
      %parallel_loop3A_567 = arith.constant 3 : i32
      %parallel_loop3A_568 = vector.broadcast %parallel_loop3A_567 : i32 to vector<16xi32>
      %parallel_loop3A_569 = arith.addi %parallel_loop3A_508, %parallel_loop3A_568 : vector<16xi32>
      tpu.vector_store_idx %arg9[%parallel_loop3A_569], %parallel_loop3A_534 : memref<16000xi32, #tpu.memory_space<vmem>>[vector<16xi32>], vector<16xi32>,
    } {sc.loop_unroll_factor = 4 : i64, sc.parallel_access}
    %add3A_405 = arith.constant 384 : i32
    %add3A_406 = arith.addi %add3A, %add3A_405 : i32
    %min3A_407 = arith.constant 499 : i32
    %min3A_408 = arith.minsi %add3A_406, %min3A_407 : i32
    %mul3A_409 = arith.constant 4000 : i32
    %mul3A_410 = arith.muli %min3A_408, %mul3A_409 : i32
    %mul3A_411 = arith.constant 4 : i32
    %mul3A_412 = arith.muli %mul3A_410, %mul3A_411 : i32
    %dma_start3A_413 = tpu.memref_slice %arg4[%mul3A_412] : memref<8000000xi32, #tpu.memory_space<hbm>> -> memref<16000xi32, #tpu.memory_space<hbm>>
    %dma_start3A_414 = tpu.memref_slice %arg4[%mul3A_412] : memref<8000000xi32, #tpu.memory_space<hbm>> -> memref<16000xi32, #tpu.memory_space<hbm>>
    tpu.enqueue_dma source(%arg9 : memref<16000xi32, #tpu.memory_space<vmem>>) target(%dma_start3A_414 : memref<16000xi32, #tpu.memory_space<hbm>>) target_semaphore(%arg13 : memref<!tpu.dma_semaphore, #tpu.memory_space<semaphore_mem>>)
    %add3A_415 = arith.constant 448 : i32
    %add3A_416 = arith.addi %add3A, %add3A_415 : i32
    %min3A_417 = arith.constant 499 : i32
    %min3A_418 = arith.minsi %add3A_416, %min3A_417 : i32
    %mul3A_419 = arith.constant 4000 : i32
    %mul3A_420 = arith.muli %min3A_418, %mul3A_419 : i32
    %mul3A_421 = arith.constant 5 : i32
    %mul3A_422 = arith.muli %mul3A_420, %mul3A_421 : i32
    %dma_start3A_423 = tpu.memref_slice %arg2[%mul3A_422] : memref<10000000xf32, #tpu.memory_space<hbm>> -> memref<20000xf32, #tpu.memory_space<hbm>>
    %dma_start3A_424 = tpu.memref_slice %arg2[%mul3A_422] : memref<10000000xf32, #tpu.memory_space<hbm>> -> memref<20000xf32, #tpu.memory_space<hbm>>
    tpu.enqueue_dma source(%dma_start3A_424 : memref<20000xf32, #tpu.memory_space<hbm>>) target(%arg5 : memref<20000xf32, #tpu.memory_space<vmem>>) target_semaphore(%arg11 : memref<!tpu.dma_semaphore, #tpu.memory_space<semaphore_mem>>)
    %dma_start3A_425 = tpu.memref_slice %arg3[%mul3A_420] : memref<2000000xi32, #tpu.memory_space<hbm>> -> memref<4000xi32, #tpu.memory_space<hbm>>
    %dma_start3A_426 = tpu.memref_slice %arg3[%mul3A_420] : memref<2000000xi32, #tpu.memory_space<hbm>> -> memref<4000xi32, #tpu.memory_space<hbm>>
    tpu.enqueue_dma source(%dma_start3A_426 : memref<4000xi32, #tpu.memory_space<hbm>>) target(%arg7 : memref<4000xi32, #tpu.memory_space<vmem>>) target_semaphore(%arg11 : memref<!tpu.dma_semaphore, #tpu.memory_space<semaphore_mem>>)
    %dma_wait3A_427 = tpu.memref_slice %arg2[%mul3A_391] : memref<10000000xf32, #tpu.memory_space<hbm>> -> memref<20000xf32, #tpu.memory_space<hbm>>
    %dma_wait3A_428 = tpu.memref_slice %arg2[%mul3A_391] : memref<10000000xf32, #tpu.memory_space<hbm>> -> memref<20000xf32, #tpu.memory_space<hbm>>
    tpu.wait_dma2 semaphore(%arg12 : memref<!tpu.dma_semaphore, #tpu.memory_space<semaphore_mem>>) src(%dma_wait3A_428 : memref<20000xf32, #tpu.memory_space<hbm>>) dst(%arg6 : memref<20000xf32, #tpu.memory_space<vmem>>)
    %dma_wait3A_429 = tpu.memref_slice %arg3[%mul3A_389] : memref<2000000xi32, #tpu.memory_space<hbm>> -> memref<4000xi32, #tpu.memory_space<hbm>>
    %dma_wait3A_430 = tpu.memref_slice %arg3[%mul3A_389] : memref<2000000xi32, #tpu.memory_space<hbm>> -> memref<4000xi32, #tpu.memory_space<hbm>>
    tpu.wait_dma2 semaphore(%arg12 : memref<!tpu.dma_semaphore, #tpu.memory_space<semaphore_mem>>) src(%dma_wait3A_430 : memref<4000xi32, #tpu.memory_space<hbm>>) dst(%arg8 : memref<4000xi32, #tpu.memory_space<vmem>>)
    %dma_wait3A_431 = tpu.memref_slice %arg4[%mul3A_381] : memref<8000000xi32, #tpu.memory_space<hbm>> -> memref<16000xi32, #tpu.memory_space<hbm>>
    %dma_wait3A_432 = tpu.memref_slice %arg4[%mul3A_381] : memref<8000000xi32, #tpu.memory_space<hbm>> -> memref<16000xi32, #tpu.memory_space<hbm>>
    tpu.wait_dma2 semaphore(%arg14 : memref<!tpu.dma_semaphore, #tpu.memory_space<semaphore_mem>>) src(%arg10 : memref<16000xi32, #tpu.memory_space<vmem>>) dst(%dma_wait3A_432 : memref<16000xi32, #tpu.memory_space<hbm>>)
    %parallel_loop3A_433 = arith.constant 0 : i32
    %parallel_loop3A_434 = arith.constant 250 : i32
    %parallel_loop3A_435 = arith.constant 1 : i32
    scf.for %parallel_loop3A_500 = %parallel_loop3A_433 to %parallel_loop3A_434 step %parallel_loop3A_435  : i32 {
      %parallel_loop3A_501 = arith.constant 80 : i32
      %parallel_loop3A_502 = arith.muli %parallel_loop3A_500, %parallel_loop3A_501 : i32
      %parallel_loop3A_503 = vector.broadcast %parallel_loop3A_502 : i32 to vector<16xi32>
      %parallel_loop3A_504 = arith.addi %mul3A_3, %parallel_loop3A_503 : vector<16xi32>
      %parallel_loop3A_505 = arith.constant 64 : i32
      %parallel_loop3A_506 = arith.muli %parallel_loop3A_500, %parallel_loop3A_505 : i32
      %parallel_loop3A_507 = vector.broadcast %parallel_loop3A_506 : i32 to vector<16xi32>
      %parallel_loop3A_508 = arith.addi %mul3A_7, %parallel_loop3A_507 : vector<16xi32>
      %parallel_loop3A_509 = tpu.vector_load_idx %arg6[%parallel_loop3A_504] : memref<20000xf32, #tpu.memory_space<vmem>>[vector<16xi32>], vector<16xf32>,
      %parallel_loop3A_510 = arith.constant 1 : i32
      %parallel_loop3A_511 = vector.broadcast %parallel_loop3A_510 : i32 to vector<16xi32>
      %parallel_loop3A_512 = arith.addi %parallel_loop3A_504, %parallel_loop3A_511 : vector<16xi32>
      %parallel_loop3A_513 = tpu.vector_load_idx %arg6[%parallel_loop3A_512] : memref<20000xf32, #tpu.memory_space<vmem>>[vector<16xi32>], vector<16xf32>,
      %parallel_loop3A_514 = arith.constant 2 : i32
      %parallel_loop3A_515 = vector.broadcast %parallel_loop3A_514 : i32 to vector<16xi32>
      %parallel_loop3A_516 = arith.addi %parallel_loop3A_504, %parallel_loop3A_515 : vector<16xi32>
      %parallel_loop3A_517 = tpu.vector_load_idx %arg6[%parallel_loop3A_516] : memref<20000xf32, #tpu.memory_space<vmem>>[vector<16xi32>], vector<16xf32>,
      %parallel_loop3A_518 = arith.constant 16 : i32
      %parallel_loop3A_519 = arith.muli %parallel_loop3A_500, %parallel_loop3A_518 : i32
      %parallel_loop3A_520 = arith.index_cast %parallel_loop3A_519 : i32 to index
      %parallel_loop3A_521 = tpu.vector_load %arg8[%parallel_loop3A_520] {strides = array<i32>} : memref<4000xi32, #tpu.memory_space<vmem>>, vector<16xi32>,
      %parallel_loop3A_522 = arith.constant 0.000000e+00 : f32
      %parallel_loop3A_523 = vector.broadcast %parallel_loop3A_522 : f32 to vector<16xf32>
      %parallel_loop3A_524 = arith.subf %parallel_loop3A_509, %parallel_loop3A_523 : vector<16xf32>
      %parallel_loop3A_525 = arith.constant 4.000000e-01 : f32
      %parallel_loop3A_526 = vector.broadcast %parallel_loop3A_525 : f32 to vector<16xf32>
      %parallel_loop3A_527 = arith.divf %parallel_loop3A_524, %parallel_loop3A_526 : vector<16xf32>
      %parallel_loop3A_528 = arith.constant 0.000000e+00 : f32
      %parallel_loop3A_529 = vector.broadcast %parallel_loop3A_528 : f32 to vector<16xf32>
      %parallel_loop3A_530 = arith.maximumf %parallel_loop3A_527, %parallel_loop3A_529 : vector<16xf32>
      %parallel_loop3A_531 = arith.constant 1.790000e+02 : f32
      %parallel_loop3A_532 = vector.broadcast %parallel_loop3A_531 : f32 to vector<16xf32>
      %parallel_loop3A_533 = arith.minimumf %parallel_loop3A_530, %parallel_loop3A_532 : vector<16xf32>
      %parallel_loop3A_534 = arith.fptosi %parallel_loop3A_533 : vector<16xf32> to vector<16xi32>
      %parallel_loop3A_535 = arith.constant -6.400000e+00 : f32
      %parallel_loop3A_536 = vector.broadcast %parallel_loop3A_535 : f32 to vector<16xf32>
      %parallel_loop3A_537 = arith.subf %parallel_loop3A_513, %parallel_loop3A_536 : vector<16xf32>
      %parallel_loop3A_538 = arith.constant 4.000000e-01 : f32
      %parallel_loop3A_539 = vector.broadcast %parallel_loop3A_538 : f32 to vector<16xf32>
      %parallel_loop3A_540 = arith.divf %parallel_loop3A_537, %parallel_loop3A_539 : vector<16xf32>
      %parallel_loop3A_541 = arith.constant 0.000000e+00 : f32
      %parallel_loop3A_542 = vector.broadcast %parallel_loop3A_541 : f32 to vector<16xf32>
      %parallel_loop3A_543 = arith.maximumf %parallel_loop3A_540, %parallel_loop3A_542 : vector<16xf32>
      %parallel_loop3A_544 = arith.constant 3.100000e+01 : f32
      %parallel_loop3A_545 = vector.broadcast %parallel_loop3A_544 : f32 to vector<16xf32>
      %parallel_loop3A_546 = arith.minimumf %parallel_loop3A_543, %parallel_loop3A_545 : vector<16xf32>
      %parallel_loop3A_547 = arith.fptosi %parallel_loop3A_546 : vector<16xf32> to vector<16xi32>
      %parallel_loop3A_548 = arith.constant -2.000000e+00 : f32
      %parallel_loop3A_549 = vector.broadcast %parallel_loop3A_548 : f32 to vector<16xf32>
      %parallel_loop3A_550 = arith.subf %parallel_loop3A_517, %parallel_loop3A_549 : vector<16xf32>
      %parallel_loop3A_551 = arith.constant 4.000000e-01 : f32
      %parallel_loop3A_552 = vector.broadcast %parallel_loop3A_551 : f32 to vector<16xf32>
      %parallel_loop3A_553 = arith.divf %parallel_loop3A_550, %parallel_loop3A_552 : vector<16xf32>
      %parallel_loop3A_554 = arith.constant 0.000000e+00 : f32
      %parallel_loop3A_555 = vector.broadcast %parallel_loop3A_554 : f32 to vector<16xf32>
      %parallel_loop3A_556 = arith.maximumf %parallel_loop3A_553, %parallel_loop3A_555 : vector<16xf32>
      %parallel_loop3A_557 = arith.constant 1.900000e+01 : f32
      %parallel_loop3A_558 = vector.broadcast %parallel_loop3A_557 : f32 to vector<16xf32>
      %parallel_loop3A_559 = arith.minimumf %parallel_loop3A_556, %parallel_loop3A_558 : vector<16xf32>
      %parallel_loop3A_560 = arith.fptosi %parallel_loop3A_559 : vector<16xf32> to vector<16xi32>
      tpu.vector_store_idx %arg10[%parallel_loop3A_508], %parallel_loop3A_521 : memref<16000xi32, #tpu.memory_space<vmem>>[vector<16xi32>], vector<16xi32>,
      %parallel_loop3A_561 = arith.constant 1 : i32
      %parallel_loop3A_562 = vector.broadcast %parallel_loop3A_561 : i32 to vector<16xi32>
      %parallel_loop3A_563 = arith.addi %parallel_loop3A_508, %parallel_loop3A_562 : vector<16xi32>
      tpu.vector_store_idx %arg10[%parallel_loop3A_563], %parallel_loop3A_560 : memref<16000xi32, #tpu.memory_space<vmem>>[vector<16xi32>], vector<16xi32>,
      %parallel_loop3A_564 = arith.constant 2 : i32
      %parallel_loop3A_565 = vector.broadcast %parallel_loop3A_564 : i32 to vector<16xi32>
      %parallel_loop3A_566 = arith.addi %parallel_loop3A_508, %parallel_loop3A_565 : vector<16xi32>
      tpu.vector_store_idx %arg10[%parallel_loop3A_566], %parallel_loop3A_547 : memref<16000xi32, #tpu.memory_space<vmem>>[vector<16xi32>], vector<16xi32>,
      %parallel_loop3A_567 = arith.constant 3 : i32
      %parallel_loop3A_568 = vector.broadcast %parallel_loop3A_567 : i32 to vector<16xi32>
      %parallel_loop3A_569 = arith.addi %parallel_loop3A_508, %parallel_loop3A_568 : vector<16xi32>
      tpu.vector_store_idx %arg10[%parallel_loop3A_569], %parallel_loop3A_534 : memref<16000xi32, #tpu.memory_space<vmem>>[vector<16xi32>], vector<16xi32>,
    } {sc.loop_unroll_factor = 4 : i64, sc.parallel_access}
    %add3A_436 = arith.constant 416 : i32
    %add3A_437 = arith.addi %add3A, %add3A_436 : i32
    %min3A_438 = arith.constant 499 : i32
    %min3A_439 = arith.minsi %add3A_437, %min3A_438 : i32
    %mul3A_440 = arith.constant 4000 : i32
    %mul3A_441 = arith.muli %min3A_439, %mul3A_440 : i32
    %mul3A_442 = arith.constant 4 : i32
    %mul3A_443 = arith.muli %mul3A_441, %mul3A_442 : i32
    %dma_start3A_444 = tpu.memref_slice %arg4[%mul3A_443] : memref<8000000xi32, #tpu.memory_space<hbm>> -> memref<16000xi32, #tpu.memory_space<hbm>>
    %dma_start3A_445 = tpu.memref_slice %arg4[%mul3A_443] : memref<8000000xi32, #tpu.memory_space<hbm>> -> memref<16000xi32, #tpu.memory_space<hbm>>
    tpu.enqueue_dma source(%arg10 : memref<16000xi32, #tpu.memory_space<vmem>>) target(%dma_start3A_445 : memref<16000xi32, #tpu.memory_space<hbm>>) target_semaphore(%arg14 : memref<!tpu.dma_semaphore, #tpu.memory_space<semaphore_mem>>)
    %add3A_446 = arith.constant 480 : i32
    %add3A_447 = arith.addi %add3A, %add3A_446 : i32
    %min3A_448 = arith.constant 499 : i32
    %min3A_449 = arith.minsi %add3A_447, %min3A_448 : i32
    %mul3A_450 = arith.constant 4000 : i32
    %mul3A_451 = arith.muli %min3A_449, %mul3A_450 : i32
    %mul3A_452 = arith.constant 5 : i32
    %mul3A_453 = arith.muli %mul3A_451, %mul3A_452 : i32
    %dma_start3A_454 = tpu.memref_slice %arg2[%mul3A_453] : memref<10000000xf32, #tpu.memory_space<hbm>> -> memref<20000xf32, #tpu.memory_space<hbm>>
    %dma_start3A_455 = tpu.memref_slice %arg2[%mul3A_453] : memref<10000000xf32, #tpu.memory_space<hbm>> -> memref<20000xf32, #tpu.memory_space<hbm>>
    tpu.enqueue_dma source(%dma_start3A_455 : memref<20000xf32, #tpu.memory_space<hbm>>) target(%arg6 : memref<20000xf32, #tpu.memory_space<vmem>>) target_semaphore(%arg12 : memref<!tpu.dma_semaphore, #tpu.memory_space<semaphore_mem>>)
    %dma_start3A_456 = tpu.memref_slice %arg3[%mul3A_451] : memref<2000000xi32, #tpu.memory_space<hbm>> -> memref<4000xi32, #tpu.memory_space<hbm>>
    %dma_start3A_457 = tpu.memref_slice %arg3[%mul3A_451] : memref<2000000xi32, #tpu.memory_space<hbm>> -> memref<4000xi32, #tpu.memory_space<hbm>>
    tpu.enqueue_dma source(%dma_start3A_457 : memref<4000xi32, #tpu.memory_space<hbm>>) target(%arg8 : memref<4000xi32, #tpu.memory_space<vmem>>) target_semaphore(%arg12 : memref<!tpu.dma_semaphore, #tpu.memory_space<semaphore_mem>>)
    %dma_wait3A_458 = tpu.memref_slice %arg2[%mul3A_422] : memref<10000000xf32, #tpu.memory_space<hbm>> -> memref<20000xf32, #tpu.memory_space<hbm>>
    %dma_wait3A_459 = tpu.memref_slice %arg2[%mul3A_422] : memref<10000000xf32, #tpu.memory_space<hbm>> -> memref<20000xf32, #tpu.memory_space<hbm>>
    tpu.wait_dma2 semaphore(%arg11 : memref<!tpu.dma_semaphore, #tpu.memory_space<semaphore_mem>>) src(%dma_wait3A_459 : memref<20000xf32, #tpu.memory_space<hbm>>) dst(%arg5 : memref<20000xf32, #tpu.memory_space<vmem>>)
    %dma_wait3A_460 = tpu.memref_slice %arg3[%mul3A_420] : memref<2000000xi32, #tpu.memory_space<hbm>> -> memref<4000xi32, #tpu.memory_space<hbm>>
    %dma_wait3A_461 = tpu.memref_slice %arg3[%mul3A_420] : memref<2000000xi32, #tpu.memory_space<hbm>> -> memref<4000xi32, #tpu.memory_space<hbm>>
    tpu.wait_dma2 semaphore(%arg11 : memref<!tpu.dma_semaphore, #tpu.memory_space<semaphore_mem>>) src(%dma_wait3A_461 : memref<4000xi32, #tpu.memory_space<hbm>>) dst(%arg7 : memref<4000xi32, #tpu.memory_space<vmem>>)
    %dma_wait3A_462 = tpu.memref_slice %arg4[%mul3A_412] : memref<8000000xi32, #tpu.memory_space<hbm>> -> memref<16000xi32, #tpu.memory_space<hbm>>
    %dma_wait3A_463 = tpu.memref_slice %arg4[%mul3A_412] : memref<8000000xi32, #tpu.memory_space<hbm>> -> memref<16000xi32, #tpu.memory_space<hbm>>
    tpu.wait_dma2 semaphore(%arg13 : memref<!tpu.dma_semaphore, #tpu.memory_space<semaphore_mem>>) src(%arg9 : memref<16000xi32, #tpu.memory_space<vmem>>) dst(%dma_wait3A_463 : memref<16000xi32, #tpu.memory_space<hbm>>)
    %parallel_loop3A_464 = arith.constant 0 : i32
    %parallel_loop3A_465 = arith.constant 250 : i32
    %parallel_loop3A_466 = arith.constant 1 : i32
    scf.for %parallel_loop3A_500 = %parallel_loop3A_464 to %parallel_loop3A_465 step %parallel_loop3A_466  : i32 {
      %parallel_loop3A_501 = arith.constant 80 : i32
      %parallel_loop3A_502 = arith.muli %parallel_loop3A_500, %parallel_loop3A_501 : i32
      %parallel_loop3A_503 = vector.broadcast %parallel_loop3A_502 : i32 to vector<16xi32>
      %parallel_loop3A_504 = arith.addi %mul3A_3, %parallel_loop3A_503 : vector<16xi32>
      %parallel_loop3A_505 = arith.constant 64 : i32
      %parallel_loop3A_506 = arith.muli %parallel_loop3A_500, %parallel_loop3A_505 : i32
      %parallel_loop3A_507 = vector.broadcast %parallel_loop3A_506 : i32 to vector<16xi32>
      %parallel_loop3A_508 = arith.addi %mul3A_7, %parallel_loop3A_507 : vector<16xi32>
      %parallel_loop3A_509 = tpu.vector_load_idx %arg5[%parallel_loop3A_504] : memref<20000xf32, #tpu.memory_space<vmem>>[vector<16xi32>], vector<16xf32>,
      %parallel_loop3A_510 = arith.constant 1 : i32
      %parallel_loop3A_511 = vector.broadcast %parallel_loop3A_510 : i32 to vector<16xi32>
      %parallel_loop3A_512 = arith.addi %parallel_loop3A_504, %parallel_loop3A_511 : vector<16xi32>
      %parallel_loop3A_513 = tpu.vector_load_idx %arg5[%parallel_loop3A_512] : memref<20000xf32, #tpu.memory_space<vmem>>[vector<16xi32>], vector<16xf32>,
      %parallel_loop3A_514 = arith.constant 2 : i32
      %parallel_loop3A_515 = vector.broadcast %parallel_loop3A_514 : i32 to vector<16xi32>
      %parallel_loop3A_516 = arith.addi %parallel_loop3A_504, %parallel_loop3A_515 : vector<16xi32>
      %parallel_loop3A_517 = tpu.vector_load_idx %arg5[%parallel_loop3A_516] : memref<20000xf32, #tpu.memory_space<vmem>>[vector<16xi32>], vector<16xf32>,
      %parallel_loop3A_518 = arith.constant 16 : i32
      %parallel_loop3A_519 = arith.muli %parallel_loop3A_500, %parallel_loop3A_518 : i32
      %parallel_loop3A_520 = arith.index_cast %parallel_loop3A_519 : i32 to index
      %parallel_loop3A_521 = tpu.vector_load %arg7[%parallel_loop3A_520] {strides = array<i32>} : memref<4000xi32, #tpu.memory_space<vmem>>, vector<16xi32>,
      %parallel_loop3A_522 = arith.constant 0.000000e+00 : f32
      %parallel_loop3A_523 = vector.broadcast %parallel_loop3A_522 : f32 to vector<16xf32>
      %parallel_loop3A_524 = arith.subf %parallel_loop3A_509, %parallel_loop3A_523 : vector<16xf32>
      %parallel_loop3A_525 = arith.constant 4.000000e-01 : f32
      %parallel_loop3A_526 = vector.broadcast %parallel_loop3A_525 : f32 to vector<16xf32>
      %parallel_loop3A_527 = arith.divf %parallel_loop3A_524, %parallel_loop3A_526 : vector<16xf32>
      %parallel_loop3A_528 = arith.constant 0.000000e+00 : f32
      %parallel_loop3A_529 = vector.broadcast %parallel_loop3A_528 : f32 to vector<16xf32>
      %parallel_loop3A_530 = arith.maximumf %parallel_loop3A_527, %parallel_loop3A_529 : vector<16xf32>
      %parallel_loop3A_531 = arith.constant 1.790000e+02 : f32
      %parallel_loop3A_532 = vector.broadcast %parallel_loop3A_531 : f32 to vector<16xf32>
      %parallel_loop3A_533 = arith.minimumf %parallel_loop3A_530, %parallel_loop3A_532 : vector<16xf32>
      %parallel_loop3A_534 = arith.fptosi %parallel_loop3A_533 : vector<16xf32> to vector<16xi32>
      %parallel_loop3A_535 = arith.constant -6.400000e+00 : f32
      %parallel_loop3A_536 = vector.broadcast %parallel_loop3A_535 : f32 to vector<16xf32>
      %parallel_loop3A_537 = arith.subf %parallel_loop3A_513, %parallel_loop3A_536 : vector<16xf32>
      %parallel_loop3A_538 = arith.constant 4.000000e-01 : f32
      %parallel_loop3A_539 = vector.broadcast %parallel_loop3A_538 : f32 to vector<16xf32>
      %parallel_loop3A_540 = arith.divf %parallel_loop3A_537, %parallel_loop3A_539 : vector<16xf32>
      %parallel_loop3A_541 = arith.constant 0.000000e+00 : f32
      %parallel_loop3A_542 = vector.broadcast %parallel_loop3A_541 : f32 to vector<16xf32>
      %parallel_loop3A_543 = arith.maximumf %parallel_loop3A_540, %parallel_loop3A_542 : vector<16xf32>
      %parallel_loop3A_544 = arith.constant 3.100000e+01 : f32
      %parallel_loop3A_545 = vector.broadcast %parallel_loop3A_544 : f32 to vector<16xf32>
      %parallel_loop3A_546 = arith.minimumf %parallel_loop3A_543, %parallel_loop3A_545 : vector<16xf32>
      %parallel_loop3A_547 = arith.fptosi %parallel_loop3A_546 : vector<16xf32> to vector<16xi32>
      %parallel_loop3A_548 = arith.constant -2.000000e+00 : f32
      %parallel_loop3A_549 = vector.broadcast %parallel_loop3A_548 : f32 to vector<16xf32>
      %parallel_loop3A_550 = arith.subf %parallel_loop3A_517, %parallel_loop3A_549 : vector<16xf32>
      %parallel_loop3A_551 = arith.constant 4.000000e-01 : f32
      %parallel_loop3A_552 = vector.broadcast %parallel_loop3A_551 : f32 to vector<16xf32>
      %parallel_loop3A_553 = arith.divf %parallel_loop3A_550, %parallel_loop3A_552 : vector<16xf32>
      %parallel_loop3A_554 = arith.constant 0.000000e+00 : f32
      %parallel_loop3A_555 = vector.broadcast %parallel_loop3A_554 : f32 to vector<16xf32>
      %parallel_loop3A_556 = arith.maximumf %parallel_loop3A_553, %parallel_loop3A_555 : vector<16xf32>
      %parallel_loop3A_557 = arith.constant 1.900000e+01 : f32
      %parallel_loop3A_558 = vector.broadcast %parallel_loop3A_557 : f32 to vector<16xf32>
      %parallel_loop3A_559 = arith.minimumf %parallel_loop3A_556, %parallel_loop3A_558 : vector<16xf32>
      %parallel_loop3A_560 = arith.fptosi %parallel_loop3A_559 : vector<16xf32> to vector<16xi32>
      tpu.vector_store_idx %arg9[%parallel_loop3A_508], %parallel_loop3A_521 : memref<16000xi32, #tpu.memory_space<vmem>>[vector<16xi32>], vector<16xi32>,
      %parallel_loop3A_561 = arith.constant 1 : i32
      %parallel_loop3A_562 = vector.broadcast %parallel_loop3A_561 : i32 to vector<16xi32>
      %parallel_loop3A_563 = arith.addi %parallel_loop3A_508, %parallel_loop3A_562 : vector<16xi32>
      tpu.vector_store_idx %arg9[%parallel_loop3A_563], %parallel_loop3A_560 : memref<16000xi32, #tpu.memory_space<vmem>>[vector<16xi32>], vector<16xi32>,
      %parallel_loop3A_564 = arith.constant 2 : i32
      %parallel_loop3A_565 = vector.broadcast %parallel_loop3A_564 : i32 to vector<16xi32>
      %parallel_loop3A_566 = arith.addi %parallel_loop3A_508, %parallel_loop3A_565 : vector<16xi32>
      tpu.vector_store_idx %arg9[%parallel_loop3A_566], %parallel_loop3A_547 : memref<16000xi32, #tpu.memory_space<vmem>>[vector<16xi32>], vector<16xi32>,
      %parallel_loop3A_567 = arith.constant 3 : i32
      %parallel_loop3A_568 = vector.broadcast %parallel_loop3A_567 : i32 to vector<16xi32>
      %parallel_loop3A_569 = arith.addi %parallel_loop3A_508, %parallel_loop3A_568 : vector<16xi32>
      tpu.vector_store_idx %arg9[%parallel_loop3A_569], %parallel_loop3A_534 : memref<16000xi32, #tpu.memory_space<vmem>>[vector<16xi32>], vector<16xi32>,
    } {sc.loop_unroll_factor = 4 : i64, sc.parallel_access}
    %add3A_467 = arith.constant 448 : i32
    %add3A_468 = arith.addi %add3A, %add3A_467 : i32
    %min3A_469 = arith.constant 499 : i32
    %min3A_470 = arith.minsi %add3A_468, %min3A_469 : i32
    %mul3A_471 = arith.constant 4000 : i32
    %mul3A_472 = arith.muli %min3A_470, %mul3A_471 : i32
    %mul3A_473 = arith.constant 4 : i32
    %mul3A_474 = arith.muli %mul3A_472, %mul3A_473 : i32
    %dma_start3A_475 = tpu.memref_slice %arg4[%mul3A_474] : memref<8000000xi32, #tpu.memory_space<hbm>> -> memref<16000xi32, #tpu.memory_space<hbm>>
    %dma_start3A_476 = tpu.memref_slice %arg4[%mul3A_474] : memref<8000000xi32, #tpu.memory_space<hbm>> -> memref<16000xi32, #tpu.memory_space<hbm>>
    tpu.enqueue_dma source(%arg9 : memref<16000xi32, #tpu.memory_space<vmem>>) target(%dma_start3A_476 : memref<16000xi32, #tpu.memory_space<hbm>>) target_semaphore(%arg13 : memref<!tpu.dma_semaphore, #tpu.memory_space<semaphore_mem>>)
    %dma_wait3A_477 = tpu.memref_slice %arg2[%mul3A_453] : memref<10000000xf32, #tpu.memory_space<hbm>> -> memref<20000xf32, #tpu.memory_space<hbm>>
    %dma_wait3A_478 = tpu.memref_slice %arg2[%mul3A_453] : memref<10000000xf32, #tpu.memory_space<hbm>> -> memref<20000xf32, #tpu.memory_space<hbm>>
    tpu.wait_dma2 semaphore(%arg12 : memref<!tpu.dma_semaphore, #tpu.memory_space<semaphore_mem>>) src(%dma_wait3A_478 : memref<20000xf32, #tpu.memory_space<hbm>>) dst(%arg6 : memref<20000xf32, #tpu.memory_space<vmem>>)
    %dma_wait3A_479 = tpu.memref_slice %arg3[%mul3A_451] : memref<2000000xi32, #tpu.memory_space<hbm>> -> memref<4000xi32, #tpu.memory_space<hbm>>
    %dma_wait3A_480 = tpu.memref_slice %arg3[%mul3A_451] : memref<2000000xi32, #tpu.memory_space<hbm>> -> memref<4000xi32, #tpu.memory_space<hbm>>
    tpu.wait_dma2 semaphore(%arg12 : memref<!tpu.dma_semaphore, #tpu.memory_space<semaphore_mem>>) src(%dma_wait3A_480 : memref<4000xi32, #tpu.memory_space<hbm>>) dst(%arg8 : memref<4000xi32, #tpu.memory_space<vmem>>)
    %dma_wait3A_481 = tpu.memref_slice %arg4[%mul3A_443] : memref<8000000xi32, #tpu.memory_space<hbm>> -> memref<16000xi32, #tpu.memory_space<hbm>>
    %dma_wait3A_482 = tpu.memref_slice %arg4[%mul3A_443] : memref<8000000xi32, #tpu.memory_space<hbm>> -> memref<16000xi32, #tpu.memory_space<hbm>>
    tpu.wait_dma2 semaphore(%arg14 : memref<!tpu.dma_semaphore, #tpu.memory_space<semaphore_mem>>) src(%arg10 : memref<16000xi32, #tpu.memory_space<vmem>>) dst(%dma_wait3A_482 : memref<16000xi32, #tpu.memory_space<hbm>>)
    %parallel_loop3A_483 = arith.constant 0 : i32
    %parallel_loop3A_484 = arith.constant 250 : i32
    %parallel_loop3A_485 = arith.constant 1 : i32
    scf.for %parallel_loop3A_500 = %parallel_loop3A_483 to %parallel_loop3A_484 step %parallel_loop3A_485  : i32 {
      %parallel_loop3A_501 = arith.constant 80 : i32
      %parallel_loop3A_502 = arith.muli %parallel_loop3A_500, %parallel_loop3A_501 : i32
      %parallel_loop3A_503 = vector.broadcast %parallel_loop3A_502 : i32 to vector<16xi32>
      %parallel_loop3A_504 = arith.addi %mul3A_3, %parallel_loop3A_503 : vector<16xi32>
      %parallel_loop3A_505 = arith.constant 64 : i32
      %parallel_loop3A_506 = arith.muli %parallel_loop3A_500, %parallel_loop3A_505 : i32
      %parallel_loop3A_507 = vector.broadcast %parallel_loop3A_506 : i32 to vector<16xi32>
      %parallel_loop3A_508 = arith.addi %mul3A_7, %parallel_loop3A_507 : vector<16xi32>
      %parallel_loop3A_509 = tpu.vector_load_idx %arg6[%parallel_loop3A_504] : memref<20000xf32, #tpu.memory_space<vmem>>[vector<16xi32>], vector<16xf32>,
      %parallel_loop3A_510 = arith.constant 1 : i32
      %parallel_loop3A_511 = vector.broadcast %parallel_loop3A_510 : i32 to vector<16xi32>
      %parallel_loop3A_512 = arith.addi %parallel_loop3A_504, %parallel_loop3A_511 : vector<16xi32>
      %parallel_loop3A_513 = tpu.vector_load_idx %arg6[%parallel_loop3A_512] : memref<20000xf32, #tpu.memory_space<vmem>>[vector<16xi32>], vector<16xf32>,
      %parallel_loop3A_514 = arith.constant 2 : i32
      %parallel_loop3A_515 = vector.broadcast %parallel_loop3A_514 : i32 to vector<16xi32>
      %parallel_loop3A_516 = arith.addi %parallel_loop3A_504, %parallel_loop3A_515 : vector<16xi32>
      %parallel_loop3A_517 = tpu.vector_load_idx %arg6[%parallel_loop3A_516] : memref<20000xf32, #tpu.memory_space<vmem>>[vector<16xi32>], vector<16xf32>,
      %parallel_loop3A_518 = arith.constant 16 : i32
      %parallel_loop3A_519 = arith.muli %parallel_loop3A_500, %parallel_loop3A_518 : i32
      %parallel_loop3A_520 = arith.index_cast %parallel_loop3A_519 : i32 to index
      %parallel_loop3A_521 = tpu.vector_load %arg8[%parallel_loop3A_520] {strides = array<i32>} : memref<4000xi32, #tpu.memory_space<vmem>>, vector<16xi32>,
      %parallel_loop3A_522 = arith.constant 0.000000e+00 : f32
      %parallel_loop3A_523 = vector.broadcast %parallel_loop3A_522 : f32 to vector<16xf32>
      %parallel_loop3A_524 = arith.subf %parallel_loop3A_509, %parallel_loop3A_523 : vector<16xf32>
      %parallel_loop3A_525 = arith.constant 4.000000e-01 : f32
      %parallel_loop3A_526 = vector.broadcast %parallel_loop3A_525 : f32 to vector<16xf32>
      %parallel_loop3A_527 = arith.divf %parallel_loop3A_524, %parallel_loop3A_526 : vector<16xf32>
      %parallel_loop3A_528 = arith.constant 0.000000e+00 : f32
      %parallel_loop3A_529 = vector.broadcast %parallel_loop3A_528 : f32 to vector<16xf32>
      %parallel_loop3A_530 = arith.maximumf %parallel_loop3A_527, %parallel_loop3A_529 : vector<16xf32>
      %parallel_loop3A_531 = arith.constant 1.790000e+02 : f32
      %parallel_loop3A_532 = vector.broadcast %parallel_loop3A_531 : f32 to vector<16xf32>
      %parallel_loop3A_533 = arith.minimumf %parallel_loop3A_530, %parallel_loop3A_532 : vector<16xf32>
      %parallel_loop3A_534 = arith.fptosi %parallel_loop3A_533 : vector<16xf32> to vector<16xi32>
      %parallel_loop3A_535 = arith.constant -6.400000e+00 : f32
      %parallel_loop3A_536 = vector.broadcast %parallel_loop3A_535 : f32 to vector<16xf32>
      %parallel_loop3A_537 = arith.subf %parallel_loop3A_513, %parallel_loop3A_536 : vector<16xf32>
      %parallel_loop3A_538 = arith.constant 4.000000e-01 : f32
      %parallel_loop3A_539 = vector.broadcast %parallel_loop3A_538 : f32 to vector<16xf32>
      %parallel_loop3A_540 = arith.divf %parallel_loop3A_537, %parallel_loop3A_539 : vector<16xf32>
      %parallel_loop3A_541 = arith.constant 0.000000e+00 : f32
      %parallel_loop3A_542 = vector.broadcast %parallel_loop3A_541 : f32 to vector<16xf32>
      %parallel_loop3A_543 = arith.maximumf %parallel_loop3A_540, %parallel_loop3A_542 : vector<16xf32>
      %parallel_loop3A_544 = arith.constant 3.100000e+01 : f32
      %parallel_loop3A_545 = vector.broadcast %parallel_loop3A_544 : f32 to vector<16xf32>
      %parallel_loop3A_546 = arith.minimumf %parallel_loop3A_543, %parallel_loop3A_545 : vector<16xf32>
      %parallel_loop3A_547 = arith.fptosi %parallel_loop3A_546 : vector<16xf32> to vector<16xi32>
      %parallel_loop3A_548 = arith.constant -2.000000e+00 : f32
      %parallel_loop3A_549 = vector.broadcast %parallel_loop3A_548 : f32 to vector<16xf32>
      %parallel_loop3A_550 = arith.subf %parallel_loop3A_517, %parallel_loop3A_549 : vector<16xf32>
      %parallel_loop3A_551 = arith.constant 4.000000e-01 : f32
      %parallel_loop3A_552 = vector.broadcast %parallel_loop3A_551 : f32 to vector<16xf32>
      %parallel_loop3A_553 = arith.divf %parallel_loop3A_550, %parallel_loop3A_552 : vector<16xf32>
      %parallel_loop3A_554 = arith.constant 0.000000e+00 : f32
      %parallel_loop3A_555 = vector.broadcast %parallel_loop3A_554 : f32 to vector<16xf32>
      %parallel_loop3A_556 = arith.maximumf %parallel_loop3A_553, %parallel_loop3A_555 : vector<16xf32>
      %parallel_loop3A_557 = arith.constant 1.900000e+01 : f32
      %parallel_loop3A_558 = vector.broadcast %parallel_loop3A_557 : f32 to vector<16xf32>
      %parallel_loop3A_559 = arith.minimumf %parallel_loop3A_556, %parallel_loop3A_558 : vector<16xf32>
      %parallel_loop3A_560 = arith.fptosi %parallel_loop3A_559 : vector<16xf32> to vector<16xi32>
      tpu.vector_store_idx %arg10[%parallel_loop3A_508], %parallel_loop3A_521 : memref<16000xi32, #tpu.memory_space<vmem>>[vector<16xi32>], vector<16xi32>,
      %parallel_loop3A_561 = arith.constant 1 : i32
      %parallel_loop3A_562 = vector.broadcast %parallel_loop3A_561 : i32 to vector<16xi32>
      %parallel_loop3A_563 = arith.addi %parallel_loop3A_508, %parallel_loop3A_562 : vector<16xi32>
      tpu.vector_store_idx %arg10[%parallel_loop3A_563], %parallel_loop3A_560 : memref<16000xi32, #tpu.memory_space<vmem>>[vector<16xi32>], vector<16xi32>,
      %parallel_loop3A_564 = arith.constant 2 : i32
      %parallel_loop3A_565 = vector.broadcast %parallel_loop3A_564 : i32 to vector<16xi32>
      %parallel_loop3A_566 = arith.addi %parallel_loop3A_508, %parallel_loop3A_565 : vector<16xi32>
      tpu.vector_store_idx %arg10[%parallel_loop3A_566], %parallel_loop3A_547 : memref<16000xi32, #tpu.memory_space<vmem>>[vector<16xi32>], vector<16xi32>,
      %parallel_loop3A_567 = arith.constant 3 : i32
      %parallel_loop3A_568 = vector.broadcast %parallel_loop3A_567 : i32 to vector<16xi32>
      %parallel_loop3A_569 = arith.addi %parallel_loop3A_508, %parallel_loop3A_568 : vector<16xi32>
      tpu.vector_store_idx %arg10[%parallel_loop3A_569], %parallel_loop3A_534 : memref<16000xi32, #tpu.memory_space<vmem>>[vector<16xi32>], vector<16xi32>,
    } {sc.loop_unroll_factor = 4 : i64, sc.parallel_access}
    %add3A_486 = arith.constant 480 : i32
    %add3A_487 = arith.addi %add3A, %add3A_486 : i32
    %min3A_488 = arith.constant 499 : i32
    %min3A_489 = arith.minsi %add3A_487, %min3A_488 : i32
    %mul3A_490 = arith.constant 4000 : i32
    %mul3A_491 = arith.muli %min3A_489, %mul3A_490 : i32
    %mul3A_492 = arith.constant 4 : i32
    %mul3A_493 = arith.muli %mul3A_491, %mul3A_492 : i32
    %dma_start3A_494 = tpu.memref_slice %arg4[%mul3A_493] : memref<8000000xi32, #tpu.memory_space<hbm>> -> memref<16000xi32, #tpu.memory_space<hbm>>
    %dma_start3A_495 = tpu.memref_slice %arg4[%mul3A_493] : memref<8000000xi32, #tpu.memory_space<hbm>> -> memref<16000xi32, #tpu.memory_space<hbm>>
    tpu.enqueue_dma source(%arg10 : memref<16000xi32, #tpu.memory_space<vmem>>) target(%dma_start3A_495 : memref<16000xi32, #tpu.memory_space<hbm>>) target_semaphore(%arg14 : memref<!tpu.dma_semaphore, #tpu.memory_space<semaphore_mem>>)
    %dma_wait3A_496 = tpu.memref_slice %arg4[%mul3A_474] : memref<8000000xi32, #tpu.memory_space<hbm>> -> memref<16000xi32, #tpu.memory_space<hbm>>
    %dma_wait3A_497 = tpu.memref_slice %arg4[%mul3A_474] : memref<8000000xi32, #tpu.memory_space<hbm>> -> memref<16000xi32, #tpu.memory_space<hbm>>
    tpu.wait_dma2 semaphore(%arg13 : memref<!tpu.dma_semaphore, #tpu.memory_space<semaphore_mem>>) src(%arg9 : memref<16000xi32, #tpu.memory_space<vmem>>) dst(%dma_wait3A_497 : memref<16000xi32, #tpu.memory_space<hbm>>)
    %dma_wait3A_498 = tpu.memref_slice %arg4[%mul3A_493] : memref<8000000xi32, #tpu.memory_space<hbm>> -> memref<16000xi32, #tpu.memory_space<hbm>>
    %dma_wait3A_499 = tpu.memref_slice %arg4[%mul3A_493] : memref<8000000xi32, #tpu.memory_space<hbm>> -> memref<16000xi32, #tpu.memory_space<hbm>>
    tpu.wait_dma2 semaphore(%arg14 : memref<!tpu.dma_semaphore, #tpu.memory_space<semaphore_mem>>) src(%arg10 : memref<16000xi32, #tpu.memory_space<vmem>>) dst(%dma_wait3A_499 : memref<16000xi32, #tpu.memory_space<hbm>>)
    return
  }
}

</mosaic_0001>

<sc_bundles>
// kernel: kernel.3.cloned.1.call-start
scs
__scs_entry_jumppad:
0x0: {  	(pc) =	sbr.rel $0x88, $3  }
0x1: {  	(tag) =	ssettag $0x0;
	lr =	simm.s32 $0x1  }
0x2: {  	[smem:$0x3F9F] =	sst lr;
	_ =	strace $0xD0000000  }
0x3: {  	_ = 	snop  }
0x4: {  	_ = 	snop  }
0x5: {  	_ = 	snop  }
0x6: {  	_ = 	snop  }
0x7: {  	_ = 	snop  }
__scs_overlays_trampoline_lowered:
0x8: {  	[smem:$0x3FAE] =	sst s0  }
0x9: {  	[smem:$0x3FAF] =	sst s1  }
0xa: {  	[smem:$0x3FB0] =	sst s2  }
0xb: {  	[smem:$0x3FB1] =	sst s3  }
0xc: {  	[smem:$0x3FB2] =	sst s4  }
0xd: {  	[smem:$0x3FB3] =	sst s5  }
0xe: {  	[smem:$0x3FB4] =	sst s6  }
0xf: {  	[smem:$0x3FB5] =	sst s7  }
0x10: {  	[smem:$0x3FB6] =	sst s8  }
0x11: {  	[smem:$0x3FB7] =	sst s9;
	s0 =	simm.s32 @!p0 $0x0  }
0x12: {  	s1 =	sld [smem:$0x3F9D];
	s0 =	simm.s32 @p0 $0x1  }
0x13: {  	[smem:$0x3FB8] =	sst s0;
	s0 =	simm.s32 @!p1 $0x0  }
0x14: {  	s2 =	sld [smem:$0x3F9C];
	s0 =	simm.s32 @p1 $0x1  }
0x15: {  	[smem:$0x3FB9] =	sst s0;
	s0 =	simm.s32 @!p2 $0x0  }
0x16: {  	s3 =	sld [smem:$0x3FDB];
	s0 =	simm.s32 @p2 $0x1  }
0x17: {  	s4 =	simm.s32 $0x1BF5;
	[smem:$0x3FBB] =	sst s0  }
0x18: {  	s0 =	sld [smem:$0x3F9E];
	_ =	swait.ge [sflag:s4], $0x0  }
0x19: {  	s7 =	sld [smem:$0x3F9F]  }
0x1a: {  	s8 =	sadd.s32 $0xFFFFE003, lr  }
0x1b: {  	s9 =	sadd.s32 $0xFFFFFEF7, lr;
	s5 =	simm.s32 $0xFFFFFFFF;
	p2 =	slt.u32 s8, $0xFFFFF086  }
0x1c: {  	p1 =	slt.u32 s9, $0xF7A;
	s5 =	simm.s32 @!p2 $0x0  }
0x1d: {  	s5 =	simm.s32 @p1 $0x1;
	p0 =	seq.s32 s7, s2  }
0x1e: {  	s7 =	smul.u32 @!p0 $0xF7A, s2;
	p2 =	seq.s32 @!p0 s5, $0x0  }
0x1f: {  	s9 =	smul.u32 $0xF7A, s1;
	s8 =	simm.s32 @!p0 $0x1BF5;
	p2 =	por !p2, p0  }
0x20: {  	[sflag:s8] =	ssyncset.s32 @!p0 $0xFFFFF086;
	s6 =	sadd.s32 @!p0 s3, s7;
	s7 =	simm.s32 @!p0 $0x108  }
0x21: {  	s3 =	sadd.s32 s3, s9;
	s6 =	sadd.s32 @!p0 $0x88, s6;
	s7 =	simm.s32 @p2 $0x1082  }
0x22: {  	[simem:s7], [sflag:s8] =	dma.local @!p0 [hbm:s6], $0xF7A  }
0x23: {  	s9 =	sor.u32 $0xD0000000, s2;
	s6 =	simm.s32 $0x108;
	_ =	swait.ge @!p0 [sflag:s8], $0x0  }
0x24: {  	s3 =	sadd.s32 $0x88, s3;
	s6 =	simm.s32 @!p1 $0x1082;
	[sflag:s4] =	ssyncset.s32 $0xFFFFF086  }
0x25: {  	[simem:s6], [sflag:s4] =	dma.local [hbm:s3], $0xF7A  }
0x26: {  	[smem:$0x3F9F] =	sst s1;
	(tag) =	ssettag s2;
	_ =	strace s9  }
0x27: {  	s1 =	sld [smem:$0x3FAF]  }
0x28: {  	s2 =	sld [smem:$0x3FB0]  }
0x29: {  	s4 =	sld [smem:$0x3FB2]  }
0x2a: {  	p0 =	seq.s32 s5, $0x0;
	s5 =	sld [smem:$0x3FB3]  }
0x2b: {  	s6 =	sld [smem:$0x3FB4]  }
0x2c: {  	s7 =	sld [smem:$0x3FB5]  }
0x2d: {  	s3 =	simm.s32 $0x108;
	s8 =	sld [smem:$0x3FB6]  }
0x2e: {  	s3 =	simm.s32 @!p0 $0x1082;
	s9 =	sld [smem:$0x3FB7]  }
0x2f: {  	lr =	sadd.s32 s0, s3;
	s0 =	sld [smem:$0x3FAE]  }
0x30: {  	s3 =	sld [smem:$0x3FB1]  }
0x31: {  	[smem:$0x3FBA] =	sst s10  }
0x32: {  	s10 =	sld [smem:$0x3FB8];
	_ =	sdelay $0x3  }
0x33: {  	p0 =	seq.s32 s10, $0x1;
	s10 =	sld [smem:$0x3FBA];
	_ =	sdelay $0x3  }
0x34: {  	[smem:$0x3FBA] =	sst s10  }
0x35: {  	s10 =	sld [smem:$0x3FB9];
	_ =	sdelay $0x3  }
0x36: {  	p1 =	seq.s32 s10, $0x1;
	s10 =	sld [smem:$0x3FBA];
	_ =	sdelay $0x3  }
0x37: {  	[smem:$0x3FBA] =	sst s10  }
0x38: {  	s10 =	sld [smem:$0x3FBB]  }
0x39: {  	_ = 	snop;
	(pc) =	sbr.ind lr, $3  }
0x3a: {  	_ = 	snop  }
0x3b: {  	_ = 	snop  }
0x3c: {  	p2 =	seq.s32 s10, $0x1;
	s10 =	sld [smem:$0x3FBA]  }
0x3d: {  	_ =	shalt  }
0x3e: {  	_ =	shalt  }
0x3f: {  	_ =	shalt  }
0x40: {  	_ =	shalt  }
0x41: {  	_ =	shalt  }
0x42: {  	_ =	shalt  }
0x43: {  	_ =	shalt  }
0x44: {  	_ =	shalt  }
0x45: {  	_ =	shalt  }
0x46: {  	_ =	shalt  }
0x47: {  	_ =	shalt  }
0x48: {  	_ =	shalt  }
0x49: {  	_ =	shalt  }
0x4a: {  	_ =	shalt  }
0x4b: {  	_ =	shalt  }
0x4c: {  	_ =	shalt  }
0x4d: {  	_ =	shalt  }
0x4e: {  	_ =	shalt  }
0x4f: {  	_ =	shalt  }
0x50: {  	_ =	shalt  }
0x51: {  	_ =	shalt  }
0x52: {  	_ =	shalt  }
0x53: {  	_ =	shalt  }
0x54: {  	_ =	shalt  }
0x55: {  	_ =	shalt  }
0x56: {  	_ =	shalt  }
0x57: {  	_ =	shalt  }
0x58: {  	_ =	shalt  }
0x59: {  	_ =	shalt  }
0x5a: {  	_ =	shalt  }
0x5b: {  	_ =	shalt  }
0x5c: {  	_ =	shalt  }
0x5d: {  	_ =	shalt  }
0x5e: {  	_ =	shalt  }
0x5f: {  	_ =	shalt  }
0x60: {  	_ =	shalt  }
0x61: {  	_ =	shalt  }
0x62: {  	_ =	shalt  }
0x63: {  	_ =	shalt  }
0x64: {  	_ =	shalt  }
0x65: {  	_ =	shalt  }
0x66: {  	_ =	shalt  }
0x67: {  	_ =	shalt  }
0x68: {  	_ =	shalt  }
0x69: {  	_ =	shalt  }
0x6a: {  	_ =	shalt  }
0x6b: {  	_ =	shalt  }
0x6c: {  	_ =	shalt  }
0x6d: {  	_ =	shalt  }
0x6e: {  	_ =	shalt  }
0x6f: {  	_ =	shalt  }
0x70: {  	_ =	shalt  }
0x71: {  	_ =	shalt  }
0x72: {  	_ =	shalt  }
0x73: {  	_ =	shalt  }
0x74: {  	_ =	shalt  }
0x75: {  	_ =	shalt  }
0x76: {  	_ =	shalt  }
0x77: {  	_ =	shalt  }
0x78: {  	_ =	shalt  }
0x79: {  	_ =	shalt  }
0x7a: {  	_ =	shalt  }
0x7b: {  	_ =	shalt  }
0x7c: {  	_ =	shalt  }
0x7d: {  	_ =	shalt  }
0x7e: {  	_ =	shalt  }
0x7f: {  	_ =	shalt  }
0x80: {  	_ =	shalt  }
0x81: {  	_ =	shalt  }
0x82: {  	_ =	shalt  }
0x83: {  	_ =	shalt  }
0x84: {  	_ =	shalt  }
0x85: {  	_ =	shalt  }
0x86: {  	_ =	shalt  }
0x87: {  	_ =	shalt  }
.Lfunc_end0:
.L_simem_size_0:
called_computation_lowered:
.L_overlay_start_0:
0x88: {  	s2 =	sld [smem:$0x3FD9]  }
0x89: {  	s3 =	sld [smem:$0x3FFE];
	_ =	sdelay $0x1  }
0x8a: {  	s1 =	srdreg.scid  }
0x8b: {  	s0 =	sand.u32 $0x1, s1  }
0x8c: {  	s14 =	sshll.u32 s0, $0xA;
	s2 =	sadd.s32 s3, s2  }
0x8d: {  	s2 =	sadd.s32 s2, s14  }
0x8e: {  	[smem:$0x3FC6] =	sst s2  }
0x8f: {  	_ = 	snop  }
0x90: {  	s2 =	sld [smem:$0x3FD0];
	_ =	sdelay $0x2  }
0x91: {  	s4 =	simm.s32 $0xA;
	s5 =	simm.s32 $0x10;
	s15 =	sld [smem:$0x3FC8]  }
0x92: {  	[smem:s5], [sflag:s4] =	dma.local [hbm:s2], $0x1  }
0x93: {  	_ =	swait.eq [sflag:s4], $0x1  }
0x94: {  	[sflag:s4] =	ssyncset.done $0x0  }
0x95: {  	[sflag:s4] =	ssyncadd.s32 $0xFFFFFFFF  }
0x96: {  	s16 =	sld [smem:$0x10];
	(tm) =	ssettm $0x1  }
0x97: {  	s17 =	sld [smem:$0x3FFB];
	_ =	sdelay $0x3  }
0x98: {  	_ =	strace s17  }
0x99: {  	s4 =	sld [smem:$0x3FFC];
	_ =	sdelay $0x3  }
0x9a: {  	_ =	strace s4  }
0x9b: {  	s4 =	sld [smem:$0x3FFD];
	_ =	sdelay $0x3  }
0x9c: {  	_ =	strace s4  }
0x9d: {  	_ =	strace $0x8FFFFFFF  }
0x9e: {  	s18 =	sld [smem:$0x3FDB];
	_ =	sdelay $0x1  }
0x9f: {  	s19 =	simm.s32 $_scs_section_size  }
0xa0: {  	s6 =	simm.s32 $_size__tile_overlayer_lowered;
	s7 =	simm.s32 $_tile_overlayer_lowered  }
0xa1: {  	s22 =	simm.s32 $0x1BFF;
	s21 =	sshll.u32 s7, $0x1;
	s4 =	sadd.s32 s19, s18  }
0xa2: {  	s8 =	simm.s32 $0x0;
	s20 =	sshll.u32 s6, $0x1;
	s6 =	sadd.s32 s21, s4  }
0xa3: {  	[timem:s8], [sflag:s22] =	dma.local [hbm:s6], s20  }
0xa4: {  	_ =	swait.ge [sflag:s22], s20  }
0xa5: {  	s5 =	ssub.s32 $0x0, s20;
	[sflag:s22] =	ssyncset.done $0x0  }
0xa6: {  	[sflag:s22] =	ssyncadd.s32 s5;
	_ =	sdelay $0x1  }
0xa7: {  	s23 =	simm.s32 $0x1B8B  }
0xa8: {  	_ =	swait.ge [sflag:s23], $0x1  }
0xa9: {  	[sflag:s23] =	ssyncset.done $0x0  }
0xaa: {  	s25 =	simm.s32 $0x1B8E;
	s24 =	sld [smem:$0x3FFE];
	[sflag:s23] =	ssyncadd.s32 $0xFFFFFFFF  }
0xab: {  	s26 =	simm.s32 $execute0_lowered;
	[smem:$0x3FD2] =	sst s25  }
0xac: {  	s6 =	sshll.u32 s26, $0x1;
	_ =	strace $0x80000046;
	[dreg:$0x1] =	wrdreg $0xFFFFFFFF  }
0xad: {  	s28 =	simm.s32 $_size_execute0_lowered;
	s4 =	sadd.s32 s4, s6;
	[dreg:$0x0] =	wrdreg $0x0  }
0xae: {  	s6 =	sshll.u32 s28, $0x1;
	[dreg:$0x2] =	wrdreg s4  }
0xaf: {  	[dreg:$0x3] =	wrdreg s6  }
0xb0: {  	[dreg:$0x4] =	wrdreg $0xC0  }
0xb1: {  	_ =	task [dreg:s8], $0x5FFFF  }
0xb2: {  	[dreg:$0x1] =	wrdreg $0xFFFFFFFF  }
0xb3: {  	[dreg:$0x0] =	wrdreg $0x60  }
0xb4: {  	[dreg:$0x2] =	wrdreg s16  }
0xb5: {  	[dreg:$0x3] =	wrdreg s15  }
0xb6: {  	[dreg:$0x4] =	wrdreg s24  }
0xb7: {  	[dreg:$0x5] =	wrdreg $0x9  }
0xb8: {  	_ =	task.clear_ibuf [dreg:s8], $0x6FFFF;
	_ =	strace $0x90000046  }
0xb9: {  	s29 =	simm.s32 $0x9;
	_ =	strace $0x80000048  }
0xba: {  	_ =	swait.ge [sflag:s29], $0x1  }
0xbb: {  	[sflag:s29] =	ssyncadd.s32 $0xFFFFFFFF  }
0xbc: {  	_ =	strace $0x90000048  }
0xbd: {  	_ =	sfence  }
0xbe: {  	s30 =	sld [smem:$0x0];
	_ =	sdelay $0x2  }
0xbf: {  	s31 =	sshll.u32 s1, $0xD;
	s1 =	sshrl.u32 s1, $0x2  }
0xc0: {  	s3 =	sand.u32 $0x4000, s31;
	s1 =	sadd.s32 s1, s30  }
0xc1: {  	s0 =	sor.u32 s3, s0;
	s1 =	sshll.u32 s1, $0x11  }
0xc2: {  	s0 =	sor.u32 s1, s0  }
0xc3: {  	s0 =	sadd.s32 $0x8F2B, s0  }
0xc4: {  	[sflag:s0] =	ssyncadd.remote.s32 $0x1  }
0xc5: {  	_ =	sfence.sel $0xFFFF  }
0xc6: {  	[dreg:$0x0] =	wrdreg $0xFFFFFFFF;
	(pc) =	sbr.abs _section_cstart, $3  }
0xc7: {  	[dreg:$0x1] =	wrdreg $0xFFFFFFFF  }
0xc8: {  	_ =	task.clear_ibuf [dreg:s8], $0x2FFFF;
	_ =	strace $0x9FFFFFFF  }
0xc9: {  	(tm) =	ssettm $0x7FFFFFFF  }
tec
execute0_lowered:
.L_overlay_start_1:
0x0: {  	(tag) =	ssettag $0x1  }
0x1: {  	s0 =	srdreg.scid;
	s1 =	stileid.u32  }
0x2: {  	s0 =	sand.u32 $0x1, s0;
	s1 =	sshll.u32 s1, $0x1  }
0x3: {  	s12 =	sor.u32 s0, s1  }
0x4: {  	s6 =	smul.u32 $0x9C4, s12  }
0x5: {  	s7 =	smul.u32 $0x1F4, s12  }
0x6: {  	s2 =	sor.u32 $0x20, s12;
	s1 =	smul.u32 $0x7D0, s12  }
0x7: {  	s9 =	smul.u32 $0x9C4, s2  }
0x8: {  	s3 =	sor.u32 $0x40, s12;
	s8 =	smul.u32 $0x1F4, s2  }
0x9: {  	s13 =	smul.u32 $0x9C4, s3  }
0xa: {  	s10 =	smul.u32 $0x1F4, s3  }
0xb: {  	s4 =	sor.u32 $0x60, s12;
	s2 =	smul.u32 $0x7D0, s2  }
0xc: {  	s5 =	sor.u32 $0x80, s12;
	s14 =	smul.u32 $0x9C4, s4  }
0xd: {  	s17 =	sor.u32 $0xA0, s12;
	s15 =	smul.u32 $0x9C4, s5  }
0xe: {  	s18 =	smul.u32 $0x9C4, s17  }
0xf: {  	s0 =	ssub.s32 $0x2, s0;
	s20 =	sor.u32 $0xC0, s12;
	s19 =	smul.u32 $0x1F4, s17  }
0x10: {  	s23 =	rddreg [dreg:$0x0];
	s21 =	sshrl.u32 s0, $0x1;
	s22 =	smul.u32 $0x9C4, s20  }
0x11: {  	s28 =	sor.u32 $0x180, s12;
	s0 =	ssub.s32 s0, s21;
	s21 =	smul.u32 $0x1F4, s20  }
0x12: {  	s30 =	sor.u32 $0x1A0, s12;
	s29 =	smul.u32 $0x9C4, s28;
	s6 =	sadd.s32 s23, s6  }
0x13: {  	s31 =	smul.u32 $0x9C4, s30;
	[dreg:$0x4] =	wrdreg s6  }
0x14: {  	s9 =	sadd.s32 s23, s9;
	s6 =	smul.u32 $0x7D0, s17;
	s24 =	sadd.s32 s23, s13  }
0x15: {  	s17 =	sor.u32 $0xE0, s12;
	s25 =	sadd.s32 s23, s14;
	[dreg:$0x5] =	wrdreg s9  }
0x16: {  	s14 =	sor.u32 $0x100, s12;
	s15 =	sadd.s32 s23, s15;
	[dreg:$0x6] =	wrdreg s24  }
0x17: {  	s18 =	sadd.s32 s23, s18;
	s9 =	smul.u32 $0x7D0, s20;
	[dreg:$0x7] =	wrdreg s25  }
0x18: {  	s22 =	sadd.s32 s23, s22;
	s26 =	smul.u32 $0x9C4, s17;
	[dreg:$0x8] =	wrdreg s15  }
0x19: {  	s15 =	smul.u32 $0x9C4, s14;
	s20 =	sor.u32 $0x120, s12;
	[dreg:$0x9] =	wrdreg s18  }
0x1a: {  	s24 =	sor.u32 $0x140, s12;
	[dreg:$0xa] =	wrdreg s22;
	s18 =	smul.u32 $0x9C4, s20  }
0x1b: {  	s25 =	sor.u32 $0x160, s12;
	s22 =	smul.u32 $0x9C4, s24;
	s13 =	sadd.s32 s23, s26  }
0x1c: {  	s26 =	smul.u32 $0x9C4, s25;
	s15 =	sadd.s32 s23, s15;
	[dreg:$0xb] =	wrdreg s13  }
0x1d: {  	[dreg:$0xc] =	wrdreg s15;
	s13 =	sor.u32 $0x1C0, s12;
	s18 =	sadd.s32 s23, s18  }
0x1e: {  	s12 =	smin.u32 s12, $0x13;
	s22 =	sadd.s32 s23, s22;
	[dreg:$0xd] =	wrdreg s18  }
0x1f: {  	s15 =	sor.u32 $0x1E0, s12;
	[dreg:$0xe] =	wrdreg s22;
	s22 =	sadd.s32 s23, s26  }
0x20: {  	s12 =	smul.u32 $0x9C4, s13;
	s26 =	sadd.s32 s23, s29;
	[dreg:$0xf] =	wrdreg s22  }
0x21: {  	s11 =	smul.u32 $0x1F4, s4;
	[dreg:$0x10] =	wrdreg s26;
	s26 =	sadd.s32 s23, s31  }
0x22: {  	s18 =	smul.u32 $0x9C4, s15;
	[dreg:$0x11] =	wrdreg s26;
	s12 =	sadd.s32 s23, s12  }
0x23: {  	s3 =	smul.u32 $0x7D0, s3;
	[dreg:$0x12] =	wrdreg s12  }
0x24: {  	s22 =	smul.u32 $0x1F4, s17;
	s23 =	sadd.s32 s23, s18;
	s18 =	rddreg [dreg:$0x1]  }
0x25: {  	s12 =	smul.u32 $0x7D0, s17;
	s17 =	simm.s32 $0x0;
	[dreg:$0x13] =	wrdreg s23  }
0x26: {  	s16 =	smul.u32 $0x1F4, s5;
	[smem:$0x7FF] =	sst s17;
	s7 =	sadd.s32 s18, s7  }
0x27: {  	s4 =	smul.u32 $0x7D0, s4;
	s8 =	sadd.s32 s18, s8;
	[dreg:$0x14] =	wrdreg s7  }
0x28: {  	s5 =	smul.u32 $0x7D0, s5;
	s10 =	sadd.s32 s18, s10;
	[dreg:$0x15] =	wrdreg s8  }
0x29: {  	s26 =	smul.u32 $0x1F4, s14;
	s11 =	sadd.s32 s18, s11;
	[dreg:$0x16] =	wrdreg s10  }
0x2a: {  	s14 =	smul.u32 $0x7D0, s14;
	s16 =	sadd.s32 s18, s16;
	[dreg:$0x17] =	wrdreg s11  }
0x2b: {  	s19 =	sadd.s32 s18, s19;
	s21 =	sadd.s32 s18, s21;
	[dreg:$0x18] =	wrdreg s16  }
0x2c: {  	s23 =	sadd.s32 s18, s26;
	s26 =	smul.u32 $0x1F4, s30;
	[dreg:$0x19] =	wrdreg s19  }
0x2d: {  	s22 =	sadd.s32 s18, s22;
	s7 =	smul.u32 $0x1F4, s20;
	[dreg:$0x1a] =	wrdreg s21  }
0x2e: {  	s8 =	smul.u32 $0x1F4, s24;
	[dreg:$0x1b] =	wrdreg s22  }
0x2f: {  	s11 =	smul.u32 $0x1F4, s28;
	[dreg:$0x1c] =	wrdreg s23;
	s26 =	sadd.s32 s18, s26  }
0x30: {  	s29 =	simm.s32 $0x3;
	s10 =	smul.u32 $0x1F4, s25;
	[smem:$0x7F4] =	sst s26  }
0x31: {  	s7 =	sadd.s32 s18, s7;
	s22 =	sadd.s32 s18, s11;
	s11 =	rddreg [dreg:$0x2]  }
0x32: {  	s19 =	smul.u32 $0x1F4, s13;
	s8 =	sadd.s32 s18, s8;
	[dreg:$0x1d] =	wrdreg s7  }
0x33: {  	s23 =	smul.u32 $0x1F4, s15;
	s21 =	sadd.s32 s18, s10;
	[dreg:$0x1e] =	wrdreg s8  }
0x34: {  	s31 =	simm.s32 $0x0;
	s26 =	smul.u32 $0x7D0, s20;
	[dreg:$0x1f] =	wrdreg s21  }
0x35: {  	[smem:$0x7F3] =	sst s22;
	s7 =	sadd.s32 s18, s19;
	s8 =	sadd.s32 s18, s23  }
0x36: {  	s19 =	sadd.s32 $0x400, s11;
	s18 =	smul.u32 $0x7D0, s25;
	[smem:$0x7F5] =	sst s7  }
0x37: {  	s22 =	smul.u32 $0x7D0, s28;
	[smem:$0x7F6] =	sst s8;
	s1 =	sadd.s32 s19, s1  }
0x38: {  	s7 =	sadd.s32 s19, s2;
	_ =	strace $0x80000047;
	[smem:$0x7F7] =	sst s1  }
0x39: {  	v0 =	vimm.f32 $4.000000060e-01;
	s25 =	smul.u32 $0x7D0, s13;
	s10 =	sadd.s32 s19, s3;
	[smem:$0x7F8] =	sst s7  }
0x3a: {  	s28 =	simm.s32 $0xFB80;
	s16 =	sadd.s32 s19, s4;
	[smem:$0x7F9] =	sst s10;
	(erf) = vrcp.f32 v0  }
0x3b: {  	s8 =	smul.u32 $0x7D0, s24;
	s20 =	sadd.s32 s19, s5;
	[smem:$0x7FA] =	sst s16  }
0x3c: {  	s21 =	sadd.s32 s19, s6;
	s23 =	sadd.s32 s19, s9;
	[smem:$0x7FB] =	sst s20  }
0x3d: {  	s24 =	smul.u32 $0x7D0, s30;
	s11 =	sadd.s32 s19, s14;
	[smem:$0x7FC] =	sst s21  }
0x3e: {  	v1 =	vlaneseq.u32;
	s30 =	simm.s32 $0x4;
	[smem:$0x7FD] =	sst s23;
	s10 =	sadd.s32 s19, s12  }
0x3f: {  	s12 =	sadd.s32 s19, s26;
	s14 =	sadd.s32 s19, s18;
	s26 =	smul.u32 $0x7D0, s15;
	v0 =	vmul.u32 $0x5, v1  }
0x40: {  	s15 =	sadd.s32 s19, s22;
	s18 =	sadd.s32 s19, s25;
	s20 =	smax.u32 s0, $0x1;
	v1 =	vmul.u32 $0x4, v1  }
0x41: {  	s21 =	simm.s32 $0x9D00;
	s22 =	simm.s32 $0x4E80;
	s23 =	simm.s32 $0xAD00;
	v2 =	vadd.s32 $0x1, v0;
	v3 =	vadd.s32 $0x2, v0  }
0x42: {  	s25 =	simm.s32 $0xBD00;
	s13 =	sadd.s32 s19, s8;
	s16 =	sadd.s32 s19, s24;
	v4 =	vor.u32 $0x1, v1;
	v5 =	vor.u32 $0x2, v1;
	v6 =	vor.u32 $0x3, v1  }
0x43: {  	s24 =	simm.s32 $0x1;
	s19 =	sadd.s32 s19, s26;
	s26 =	simm.s32 $0x2;
	v8 =	vor.u32 $0x41, v1;
	v9 =	vor.u32 $0x42, v1;
	v10 =	vor.u32 $0x43, v1;
	v7 =	vpop (erf)  }
.LBB2_1:
0x44: {  	s0 =	rddreg [dreg:$0x4]  }
0x45: {  	[tilespmem:s17], [sflag:$0x1] =	stream.linear.gather [hbm4b:s0+s17], $0x4E20, $0x38;
	[tilespmem:$0x13A00] =	vst v63  }
0x46: {  	s3 =	rddreg [dreg:$0x14]  }
0x47: {  	[tilespmem:s21], [sflag:$0x1] =	stream.linear.gather [hbm4b:s3+s17], $0xFA0, $0x38;
	[tilespmem:$0x13A00] =	vst v63  }
0x48: {  	s4 =	rddreg [dreg:$0x5]  }
0x49: {  	[tilespmem:s22], [sflag:$0x2] =	stream.linear.gather [hbm4b:s4+s17], $0x4E20, $0x38;
	[tilespmem:$0x13A00] =	vst v63  }
0x4a: {  	s5 =	rddreg [dreg:$0x15]  }
0x4b: {  	[tilespmem:s23], [sflag:$0x2] =	stream.linear.gather [hbm4b:s5+s17], $0xFA0, $0x38;
	[tilespmem:$0x13A00] =	vst v63  }
0x4c: {  	_ =	swait.ge [sflag:s24], $0x4E20  }
0x4d: {  	v11 =	vadd.s32 s17, v2;
	s6 =	simm.s32 $0xF0;
	[sflag:s24] =	ssyncset.done $0x0  }
0x4e: {  	v12 =	vadd.s32 s6, v3;
	[sflag:s24] =	ssyncadd.s32 $0xFFFFB1E0  }
0x4f: {  	s1 =	simm.s32 $0x50;
	v13 =	vadd.s32 s6, v2;
	_ =	swait.ge [sflag:s24], $0xFA0  }
0x50: {  	v14 =	vadd.s32 s1, v2;
	[sflag:s24] =	ssyncset.done $0x0  }
0x51: {  	v15 =	vadd.s32 s6, v0;
	[sflag:s24] =	ssyncadd.s32 $0xFFFFF060  }
0x52: {  	s7 =	simm.s32 $0xA0;
	v16 =	vadd.s32 s1, v3;
	v11 =	vld.idx.msk [tilespmem:v11+s17+$0x0], $0xffff  }
0x53: {  	v17 =	vadd.s32 s7, v2;
	v12 =	vld.idx.msk [tilespmem:v12+s17+$0x0], $0xffff  }
0x54: {  	v21 =	vadd.s32 s1, v0;
	v13 =	vld.idx.msk [tilespmem:v13+s17+$0x0], $0xffff  }
0x55: {  	v18 =	vadd.s32 s17, v0;
	v14 =	vld.idx.msk [tilespmem:v14+s17+$0x0], $0xffff  }
0x56: {  	v22 =	vadd.s32 s7, v0;
	v15 =	vld.idx.msk [tilespmem:v15+s17+$0x0], $0xffff  }
0x57: {  	v19 =	vadd.s32 s7, v3;
	v16 =	vld.idx.msk [tilespmem:v16+s17+$0x0], $0xffff  }
0x58: {  	v20 =	vadd.s32 s17, v3;
	v17 =	vld.idx.msk [tilespmem:v17+s17+$0x0], $0xffff  }
0x59: {  	v21 =	vld.idx.msk [tilespmem:v21+s17+$0x0], $0xffff  }
0x5a: {  	v18 =	vld.idx.msk [tilespmem:v18+s17+$0x0], $0xffff  }
0x5b: {  	v23 =	vor.u32 s17, v1;
	s8 =	simm.s32 $0xC0;
	v22 =	vld.idx.msk [tilespmem:v22+s17+$0x0], $0xffff  }
0x5c: {  	v24 =	vor.u32 s8, v1;
	v25 =	vor.u32 s8, v8;
	v26 =	vor.u32 s8, v9;
	v19 =	vld.idx.msk [tilespmem:v19+s17+$0x0], $0xffff  }
0x5d: {  	v27 =	vor.u32 s8, v10;
	v20 =	vld.idx.msk [tilespmem:v20+s17+$0x0], $0xffff;
	v11 =	vadd.f32 $6.400000100e+00, v11;
	v12 =	vadd.f32 $2.000000000e+00, v12  }
0x5e: {  	v13 =	vadd.f32 $6.400000100e+00, v13;
	v14 =	vadd.f32 $6.400000100e+00, v14;
	v15 =	vmul.f32 v15, v7  }
0x5f: {  	v16 =	vadd.f32 $2.000000000e+00, v16;
	v21 =	vmul.f32 v21, v7;
	v18 =	vmul.f32 v18, v7  }
0x60: {  	v17 =	vadd.f32 $6.400000100e+00, v17;
	v22 =	vmul.f32 v22, v7;
	v11 =	vmul.f32 v11, v7  }
0x61: {  	v19 =	vadd.f32 $2.000000000e+00, v19;
	v12 =	vmul.f32 v12, v7;
	v13 =	vmul.f32 v13, v7  }
0x62: {  	v20 =	vadd.f32 $2.000000000e+00, v20;
	v14 =	vmul.f32 v14, v7;
	v16 =	vmul.f32 v16, v7  }
0x63: {  	v15 =	vmax.f32 v15, $0.0e+00;
	v17 =	vmul.f32 v17, v7;
	v19 =	vmul.f32 v19, v7  }
0x64: {  	s9 =	simm.s32 $0x0;
	v20 =	vmul.f32 v20, v7;
	v62 =	vmax.f32 v18, $0.0e+00;
	v15 =	vmin.f32 v15, $1.790000000e+02  }
0x65: {  	v29 =	vld [tilespmem:s9+$0x9D00];
	v21 =	vmax.f32 v21, $0.0e+00;
	v22 =	vmax.f32 v22, $0.0e+00;
	v15 =	vtrunc.f32 v15  }
0x66: {  	v12 =	vmax.f32 v12, $0.0e+00;
	v13 =	vmax.f32 v13, $0.0e+00;
	v28 =	vcvt.f32.s32 v15;
	v15 =	vld [tilespmem:s9+$0x9D30]  }
0x67: {  	v11 =	vmax.f32 v11, $0.0e+00;
	v14 =	vmax.f32 v14, $0.0e+00;
	v16 =	vmax.f32 v16, $0.0e+00  }
0x68: {  	v20 =	vmax.f32 v20, $0.0e+00;
	v17 =	vmax.f32 v17, $0.0e+00;
	v12 =	vmin.f32 v12, $1.900000000e+01  }
0x69: {  	v19 =	vmax.f32 v19, $0.0e+00;
	v13 =	vmin.f32 v13, $3.100000000e+01;
	v12 =	vtrunc.f32 v12  }
0x6a: {  	[tilespmem:v23+s25+$0x0] =	vst.idx.msk $0xffff, v29;
	v63 =	vmin.f32 v14, $3.100000000e+01;
	v13 =	vtrunc.f32 v13;
	v12 =	vcvt.f32.s32 v12  }
0x6b: {  	v30 =	vmin.f32 v16, $1.900000000e+01;
	v16 =	vmin.f32 v17, $3.100000000e+01;
	v13 =	vcvt.f32.s32 v13;
	[tilespmem:v24+s25+$0x0] =	vst.idx.msk $0xffff, v15  }
0x6c: {  	s6 =	simm.s32 $0x40;
	v14 =	vmin.f32 v20, $1.900000000e+01;
	v18 =	vmin.f32 v19, $1.900000000e+01;
	v20 =	vmin.f32 v21, $1.790000000e+02;
	[tilespmem:v25+s25+$0x0] =	vst.idx.msk $0xffff, v12  }
0x6d: {  	s2 =	simm.s32 $0x0;
	s0 =	simm.s32 $0x4D80;
	s1 =	simm.s32 $0x3E00;
	v17 =	vmin.f32 v22, $1.790000000e+02;
	v22 =	vor.u32 s6, v1;
	v15 =	vmin.f32 v11, $3.100000000e+01;
	v11 =	vld [tilespmem:s9+$0x9D20];
	[tilespmem:v26+s25+$0x0] =	vst.idx.msk $0xffff, v13  }
0x6e: {  	s3 =	simm.s32 $0x0;
	s4 =	simm.s32 $0x80;
	s5 =	simm.s32 $0x140;
	v19 =	vtrunc.f32 v63;
	v21 =	vtrunc.f32 v30;
	v12 =	vld [tilespmem:s9+$0x9D10];
	v13 =	vmin.f32 v62, $1.790000000e+02;
	[tilespmem:v27+s25+$0x0] =	vst.idx.msk $0xffff, v28  }
.LBB2_2:
0x6f: {  	v23 =	vadd.s32 s5, v0;
	v24 =	vadd.s32 s5, v2;
	v25 =	vadd.s32 s5, v3;
	s7 =	sadd.s32 $0x50, s5;
	s8 =	sadd.s32 $0xA0, s5;
	s9 =	sadd.s32 $0xF0, s5  }
0x70: {  	v26 =	vadd.s32 s7, v2;
	v27 =	vadd.s32 s7, v3;
	v28 =	vadd.s32 s9, v3  }
0x71: {  	s3 =	sadd.s32 $0x4, s3;
	v29 =	vadd.s32 s8, v2;
	v30 =	vadd.s32 s8, v3;
	v31 =	vadd.s32 s9, v2  }
0x72: {  	v16 =	vtrunc.f32 v16;
	v32 =	vadd.s32 s7, v0;
	v33 =	vadd.s32 s8, v0;
	p0 =	slt.u32 s3, $0xF4  }
0x73: {  	v15 =	vtrunc.f32 v15;
	v18 =	vtrunc.f32 v18;
	[tilespmem:v22+s25+$0x0] =	vst.idx.msk $0xffff, v12;
	v12 =	vor.u32 s6, v8  }
0x74: {  	v14 =	vtrunc.f32 v14;
	v20 =	vtrunc.f32 v20;
	v22 =	vld.idx.msk [tilespmem:v24+s17+$0x0], $0xffff;
	v24 =	vadd.s32 s9, v0  }
0x75: {  	v13 =	vtrunc.f32 v13;
	v34 =	vor.u32 s6, v9;
	v17 =	vtrunc.f32 v17;
	v28 =	vld.idx.msk [tilespmem:v28+s17+$0x0], $0xffff  }
0x76: {  	v19 =	vcvt.f32.s32 v19;
	v21 =	vcvt.f32.s32 v21;
	v35 =	vor.u32 s6, v10;
	v31 =	vld.idx.msk [tilespmem:v31+s17+$0x0], $0xffff  }
0x77: {  	v36 =	vor.u32 s4, v1;
	v16 =	vcvt.f32.s32 v16;
	v18 =	vcvt.f32.s32 v18;
	v26 =	vld.idx.msk [tilespmem:v26+s17+$0x0], $0xffff  }
0x78: {  	v15 =	vcvt.f32.s32 v15;
	v14 =	vcvt.f32.s32 v14;
	v27 =	vld.idx.msk [tilespmem:v27+s17+$0x0], $0xffff;
	[tilespmem:v12+s25+$0x0] =	vst.idx.msk $0xffff, v21;
	v12 =	vor.u32 s4, v4  }
0x79: {  	v20 =	vcvt.f32.s32 v20;
	v17 =	vcvt.f32.s32 v17;
	v21 =	vld.idx.msk [tilespmem:v24+s17+$0x0], $0xffff;
	v24 =	vor.u32 s4, v5  }
0x7a: {  	v13 =	vcvt.f32.s32 v13;
	v22 =	vadd.f32 $6.400000100e+00, v22;
	v29 =	vld.idx.msk [tilespmem:v29+s17+$0x0], $0xffff;
	[tilespmem:v34+s25+$0x0] =	vst.idx.msk $0xffff, v19;
	v19 =	vor.u32 s4, v6  }
0x7b: {  	v37 =	vor.u32 s2, v5;
	v28 =	vadd.f32 $2.000000000e+00, v28;
	v34 =	vor.u32 s2, v4;
	v30 =	vld.idx.msk [tilespmem:v30+s17+$0x0], $0xffff;
	[tilespmem:v35+s25+$0x0] =	vst.idx.msk $0xffff, v20  }
0x7c: {  	v22 =	vmul.f32 v22, v7;
	v20 =	vld.idx.msk [tilespmem:v25+s17+$0x0], $0xffff;
	v25 =	vadd.f32 $6.400000100e+00, v31;
	v31 =	vor.u32 s2, v6;
	[tilespmem:v36+s25+$0x0] =	vst.idx.msk $0xffff, v11;
	s2 =	sadd.s32 $0x100, s2  }
0x7d: {  	v26 =	vadd.f32 $6.400000100e+00, v26;
	v11 =	vmul.f32 v28, v7;
	s7 =	sshra.s32 s2, $0x2;
	v35 =	vor.u32 s2, v1;
	s6 =	sadd.s32 $0x40, s2;
	v32 =	vld.idx.msk [tilespmem:v32+s17+$0x0], $0xffff;
	s8 =	sadd.s32 $0xC0, s2;
	[tilespmem:v12+s25+$0x0] =	vst.idx.msk $0xffff, v18  }
0x7e: {  	s4 =	sadd.s32 $0x80, s2;
	v18 =	vld [tilespmem:s7+$0x9D30];
	v12 =	vmul.f32 v25, v7;
	v25 =	vor.u32 s8, v1;
	v28 =	vor.u32 s8, v8;
	[tilespmem:v24+s25+$0x0] =	vst.idx.msk $0xffff, v16  }
0x7f: {  	v21 =	vmul.f32 v21, v7;
	v11 =	vmax.f32 v11, $0.0e+00;
	v24 =	vor.u32 s8, v9;
	v16 =	vld.idx.msk [tilespmem:v33+s17+$0x0], $0xffff;
	[tilespmem:v19+s25+$0x0] =	vst.idx.msk $0xffff, v17  }
0x80: {  	v11 =	vmin.f32 v11, $1.900000000e+01;
	v19 =	vor.u32 s8, v10;
	v17 =	vld.idx.msk [tilespmem:v23+s17+$0x0], $0xffff;
	v12 =	vmax.f32 v12, $0.0e+00;
	[tilespmem:v34+s25+$0x0] =	vst.idx.msk $0xffff, v14  }
0x81: {  	v21 =	vmax.f32 v21, $0.0e+00;
	v11 =	vtrunc.f32 v11;
	v14 =	vld [tilespmem:s7+$0x9D00];
	v23 =	vmin.f32 v12, $3.100000000e+01;
	[tilespmem:v37+s25+$0x0] =	vst.idx.msk $0xffff, v15  }
0x82: {  	v15 =	vmin.f32 v21, $1.790000000e+02;
	v12 =	vld [tilespmem:s7+$0x9D10];
	v21 =	vtrunc.f32 v23;
	v23 =	vcvt.f32.s32 v11;
	[tilespmem:v31+s25+$0x0] =	vst.idx.msk $0xffff, v13  }
0x83: {  	v13 =	vadd.f32 $2.000000000e+00, v27;
	v15 =	vtrunc.f32 v15;
	v11 =	vld [tilespmem:s7+$0x9D20];
	v21 =	vcvt.f32.s32 v21;
	[tilespmem:v25+s25+$0x0] =	vst.idx.msk $0xffff, v18  }
0x84: {  	v18 =	vadd.f32 $6.400000100e+00, v29;
	v25 =	vadd.f32 $2.000000000e+00, v30;
	v15 =	vcvt.f32.s32 v15;
	[tilespmem:v28+s25+$0x0] =	vst.idx.msk $0xffff, v23  }
0x85: {  	v20 =	vadd.f32 $2.000000000e+00, v20;
	v23 =	vmul.f32 v26, v7;
	v13 =	vmul.f32 v13, v7;
	[tilespmem:v24+s25+$0x0] =	vst.idx.msk $0xffff, v21  }
0x86: {  	v21 =	vmax.f32 v22, $0.0e+00;
	v18 =	vmul.f32 v18, v7;
	v22 =	vmul.f32 v25, v7;
	[tilespmem:v19+s25+$0x0] =	vst.idx.msk $0xffff, v15  }
0x87: {  	v15 =	vmul.f32 v20, v7;
	v19 =	vmax.f32 v23, $0.0e+00;
	[tilespmem:v35+s25+$0x0] =	vst.idx.msk $0xffff, v14;
	v14 =	vmul.f32 v32, v7  }
0x88: {  	v16 =	vmul.f32 v16, v7;
	v17 =	vmul.f32 v17, v7;
	v13 =	vmax.f32 v13, $0.0e+00  }
0x89: {  	v20 =	vmax.f32 v15, $0.0e+00;
	v15 =	vmax.f32 v18, $0.0e+00;
	v18 =	vmax.f32 v22, $0.0e+00  }
.Ltmp0:
0x8a: {  	v23 =	vmax.f32 v16, $0.0e+00;
	v17 =	vmax.f32 v17, $0.0e+00;
	v22 =	vmax.f32 v14, $0.0e+00;
	(pc) =	sbr.rel @p0 .LBB2_2-.Ltmp0, $4  }
0x8b: {  	v19 =	vmin.f32 v19, $3.100000000e+01;
	v24 =	vmin.f32 v13, $1.900000000e+01;
	v16 =	vmin.f32 v15, $3.100000000e+01  }
0x8c: {  	v15 =	vmin.f32 v21, $3.100000000e+01;
	v14 =	vmin.f32 v20, $1.900000000e+01;
	v18 =	vmin.f32 v18, $1.900000000e+01  }
0x8d: {  	v13 =	vmin.f32 v17, $1.790000000e+02;
	v17 =	vmin.f32 v23, $1.790000000e+02;
	v20 =	vmin.f32 v22, $1.790000000e+02  }
0x8e: {  	s5 =	sadd.s32 $0x140, s5;
	v19 =	vtrunc.f32 v19;
	v21 =	vtrunc.f32 v24;
	v22 =	vor.u32 s6, v1  }
0x8f: {  	v23 =	vor.u32 s6, v8  }
0x90: {  	v26 =	vor.u32 s4, v1  }
0x91: {  	v24 =	vor.u32 s6, v9  }
0x92: {  	v21 =	vcvt.f32.s32 v21;
	v56 =	vor.u32 s4, v4  }
0x93: {  	v25 =	vor.u32 s6, v10;
	[tilespmem:v22+s25+$0x0] =	vst.idx.msk $0xffff, v12  }
0x94: {  	v19 =	vcvt.f32.s32 v19;
	v57 =	vor.u32 s4, v5;
	v18 =	vtrunc.f32 v18;
	[tilespmem:v23+s25+$0x0] =	vst.idx.msk $0xffff, v21  }
0x95: {  	v55 =	vtrunc.f32 v20;
	v59 =	vor.u32 s2, v4;
	v18 =	vcvt.f32.s32 v18;
	[tilespmem:v26+s25+$0x0] =	vst.idx.msk $0xffff, v11  }
0x96: {  	v58 =	vor.u32 s4, v6;
	v16 =	vtrunc.f32 v16;
	v12 =	vcvt.f32.s32 v55;
	[tilespmem:v24+s25+$0x0] =	vst.idx.msk $0xffff, v19  }
0x97: {  	v61 =	vor.u32 s2, v5;
	v16 =	vcvt.f32.s32 v16;
	v11 =	vtrunc.f32 v14;
	[tilespmem:v56+s25+$0x0] =	vst.idx.msk $0xffff, v18  }
0x98: {  	v60 =	vtrunc.f32 v17;
	v62 =	vor.u32 s2, v6;
	v11 =	vcvt.f32.s32 v11;
	[tilespmem:v25+s25+$0x0] =	vst.idx.msk $0xffff, v12  }
0x99: {  	v15 =	vtrunc.f32 v15;
	v12 =	vcvt.f32.s32 v60;
	[tilespmem:v57+s25+$0x0] =	vst.idx.msk $0xffff, v16  }
0x9a: {  	v13 =	vtrunc.f32 v13;
	v15 =	vcvt.f32.s32 v15;
	[tilespmem:v59+s25+$0x0] =	vst.idx.msk $0xffff, v11  }
0x9b: {  	v63 =	vcvt.f32.s32 v13;
	[tilespmem:v58+s25+$0x0] =	vst.idx.msk $0xffff, v12  }
0x9c: {  	[tilespmem:v61+s25+$0x0] =	vst.idx.msk $0xffff, v15  }
0x9d: {  	[tilespmem:v62+s25+$0x0] =	vst.idx.msk $0xffff, v63  }
.LBB2_4:
0x9e: {  	v11 =	vadd.s32 s0, v3  }
0x9f: {  	v12 =	vadd.s32 s0, v2;
	_ =	sdelay $0x2  }
0xa0: {  	v13 =	vadd.s32 s0, v0  }
0xa1: {  	v11 =	vld.idx.msk [tilespmem:v11+s17+$0x0], $0xffff  }
0xa2: {  	v12 =	vld.idx.msk [tilespmem:v12+s17+$0x0], $0xffff;
	_ =	sdelay $0x2  }
0xa3: {  	v13 =	vld.idx.msk [tilespmem:v13+s17+$0x0], $0xffff  }
0xa4: {  	v11 =	vadd.f32 $2.000000000e+00, v11  }
0xa5: {  	v12 =	vadd.f32 $6.400000100e+00, v12  }
0xa6: {  	s2 =	sshra.s32 s1, $0x2;
	v11 =	vmul.f32 v11, v7  }
0xa7: {  	v14 =	vor.u32 s1, v1;
	v16 =	vor.u32 s1, v4;
	v15 =	vld [tilespmem:s2+$0x9D00];
	v12 =	vmul.f32 v12, v7  }
0xa8: {  	v17 =	vor.u32 s1, v5;
	v13 =	vmul.f32 v13, v7;
	v11 =	vmax.f32 v11, $0.0e+00  }
0xa9: {  	v18 =	vor.u32 s1, v6;
	v12 =	vmax.f32 v12, $0.0e+00;
	v11 =	vmin.f32 v11, $1.900000000e+01  }
0xaa: {  	p0 =	sne.s32 s0, $0x4DD0;
	v13 =	vmax.f32 v13, $0.0e+00;
	v12 =	vmin.f32 v12, $3.100000000e+01;
	v11 =	vtrunc.f32 v11  }
.Ltmp1:
0xab: {  	v13 =	vmin.f32 v13, $1.790000000e+02;
	v12 =	vtrunc.f32 v12;
	v11 =	vcvt.f32.s32 v11;
	(pc) =	sbr.rel @p0 .LBB2_4-.Ltmp1, $4  }
0xac: {  	[tilespmem:v14+s25+$0x0] =	vst.idx.msk $0xffff, v15;
	v13 =	vtrunc.f32 v13;
	v12 =	vcvt.f32.s32 v12  }
0xad: {  	[tilespmem:v16+s25+$0x0] =	vst.idx.msk $0xffff, v11;
	v11 =	vcvt.f32.s32 v13  }
0xae: {  	[tilespmem:v17+s25+$0x0] =	vst.idx.msk $0xffff, v12  }
0xaf: {  	s1 =	sadd.s32 $0x40, s1;
	s0 =	sadd.s32 $0x50, s0;
	[tilespmem:v18+s25+$0x0] =	vst.idx.msk $0xffff, v11  }
0xb0: {  	s1 =	sld [smem:$0x7F7];
	_ =	sdelay $0x1  }
0xb1: {  	s0 =	simm.s32 $0x0  }
0xb2: {  	[hbm4b:s1+s0] =	stream.linear.scatter [tilespmem:s25], [sflag:$0x3], $0x3E80, $0x38;
	[tilespmem:$0x13A00] =	vst v63  }
0xb3: {  	s4 =	rddreg [dreg:$0x6]  }
0xb4: {  	[tilespmem:s0], [sflag:$0x1] =	stream.linear.gather [hbm4b:s4+s0], $0x4E20, $0x38;
	[tilespmem:$0x13A00] =	vst v63  }
0xb5: {  	s5 =	rddreg [dreg:$0x16]  }
0xb6: {  	[tilespmem:s21], [sflag:$0x1] =	stream.linear.gather [hbm4b:s5+s0], $0xFA0, $0x38;
	[tilespmem:$0x13A00] =	vst v63  }
0xb7: {  	_ =	swait.ge [sflag:s26], $0x4E20  }
0xb8: {  	s6 =	simm.s32 $0xF0;
	v11 =	vadd.s32 s0, v2;
	[sflag:s26] =	ssyncset.done $0x0  }
0xb9: {  	v12 =	vadd.s32 s6, v3;
	[sflag:s26] =	ssyncadd.s32 $0xFFFFB1E0  }
0xba: {  	s2 =	simm.s32 $0x50;
	v13 =	vadd.s32 s6, v2;
	_ =	swait.ge [sflag:s26], $0xFA0  }
0xbb: {  	v14 =	vadd.s32 s2, v2;
	[sflag:s26] =	ssyncset.done $0x0  }
0xbc: {  	v15 =	vadd.s32 s6, v0;
	[sflag:s26] =	ssyncadd.s32 $0xFFFFF060  }
0xbd: {  	s7 =	simm.s32 $0xA0;
	v16 =	vadd.s32 s2, v3;
	v11 =	vld.idx.msk [tilespmem:v11+s22+$0x0], $0xffff  }
0xbe: {  	v17 =	vadd.s32 s7, v2;
	v12 =	vld.idx.msk [tilespmem:v12+s22+$0x0], $0xffff  }
0xbf: {  	v21 =	vadd.s32 s2, v0;
	v13 =	vld.idx.msk [tilespmem:v13+s22+$0x0], $0xffff  }
0xc0: {  	v18 =	vadd.s32 s0, v0;
	v14 =	vld.idx.msk [tilespmem:v14+s22+$0x0], $0xffff  }
0xc1: {  	v22 =	vadd.s32 s7, v0;
	v15 =	vld.idx.msk [tilespmem:v15+s22+$0x0], $0xffff  }
0xc2: {  	v19 =	vadd.s32 s7, v3;
	v16 =	vld.idx.msk [tilespmem:v16+s22+$0x0], $0xffff  }
0xc3: {  	v20 =	vadd.s32 s0, v3;
	v17 =	vld.idx.msk [tilespmem:v17+s22+$0x0], $0xffff  }
0xc4: {  	v21 =	vld.idx.msk [tilespmem:v21+s22+$0x0], $0xffff  }
0xc5: {  	v18 =	vld.idx.msk [tilespmem:v18+s22+$0x0], $0xffff  }
0xc6: {  	s8 =	simm.s32 $0xC0;
	v23 =	vor.u32 s0, v1;
	v22 =	vld.idx.msk [tilespmem:v22+s22+$0x0], $0xffff  }
0xc7: {  	v24 =	vor.u32 s8, v1;
	v25 =	vor.u32 s8, v8;
	v26 =	vor.u32 s8, v9;
	v19 =	vld.idx.msk [tilespmem:v19+s22+$0x0], $0xffff  }
0xc8: {  	v27 =	vor.u32 s8, v10;
	v20 =	vld.idx.msk [tilespmem:v20+s22+$0x0], $0xffff;
	v11 =	vadd.f32 $6.400000100e+00, v11;
	v12 =	vadd.f32 $2.000000000e+00, v12  }
0xc9: {  	v13 =	vadd.f32 $6.400000100e+00, v13;
	v14 =	vadd.f32 $6.400000100e+00, v14;
	v15 =	vmul.f32 v15, v7  }
0xca: {  	v16 =	vadd.f32 $2.000000000e+00, v16;
	v21 =	vmul.f32 v21, v7;
	v18 =	vmul.f32 v18, v7  }
0xcb: {  	v17 =	vadd.f32 $6.400000100e+00, v17;
	v22 =	vmul.f32 v22, v7;
	v11 =	vmul.f32 v11, v7  }
0xcc: {  	v19 =	vadd.f32 $2.000000000e+00, v19;
	v12 =	vmul.f32 v12, v7;
	v13 =	vmul.f32 v13, v7  }
0xcd: {  	v20 =	vadd.f32 $2.000000000e+00, v20;
	v14 =	vmul.f32 v14, v7;
	v16 =	vmul.f32 v16, v7  }
0xce: {  	v15 =	vmax.f32 v15, $0.0e+00;
	v17 =	vmul.f32 v17, v7;
	v19 =	vmul.f32 v19, v7  }
0xcf: {  	s9 =	simm.s32 $0x0;
	v20 =	vmul.f32 v20, v7;
	v62 =	vmax.f32 v18, $0.0e+00;
	v15 =	vmin.f32 v15, $1.790000000e+02  }
0xd0: {  	v29 =	vld [tilespmem:s9+$0xAD00];
	v21 =	vmax.f32 v21, $0.0e+00;
	v22 =	vmax.f32 v22, $0.0e+00;
	v15 =	vtrunc.f32 v15  }
0xd1: {  	v12 =	vmax.f32 v12, $0.0e+00;
	v13 =	vmax.f32 v13, $0.0e+00;
	v28 =	vcvt.f32.s32 v15;
	v15 =	vld [tilespmem:s9+$0xAD30]  }
0xd2: {  	v11 =	vmax.f32 v11, $0.0e+00;
	v14 =	vmax.f32 v14, $0.0e+00;
	v16 =	vmax.f32 v16, $0.0e+00  }
0xd3: {  	v20 =	vmax.f32 v20, $0.0e+00;
	v17 =	vmax.f32 v17, $0.0e+00;
	v12 =	vmin.f32 v12, $1.900000000e+01  }
0xd4: {  	v19 =	vmax.f32 v19, $0.0e+00;
	v13 =	vmin.f32 v13, $3.100000000e+01;
	v12 =	vtrunc.f32 v12  }
0xd5: {  	[tilespmem:v23+s28+$0x0] =	vst.idx.msk $0xffff, v29;
	v63 =	vmin.f32 v14, $3.100000000e+01;
	v13 =	vtrunc.f32 v13;
	v12 =	vcvt.f32.s32 v12  }
0xd6: {  	v30 =	vmin.f32 v16, $1.900000000e+01;
	v17 =	vmin.f32 v17, $3.100000000e+01;
	v13 =	vcvt.f32.s32 v13;
	[tilespmem:v24+s28+$0x0] =	vst.idx.msk $0xffff, v15  }
0xd7: {  	s4 =	simm.s32 $0x40;
	v14 =	vmin.f32 v20, $1.900000000e+01;
	v18 =	vmin.f32 v19, $1.900000000e+01;
	v19 =	vmin.f32 v21, $1.790000000e+02;
	[tilespmem:v25+s28+$0x0] =	vst.idx.msk $0xffff, v12  }
0xd8: {  	v16 =	vmin.f32 v22, $1.790000000e+02;
	v22 =	vor.u32 s4, v1;
	v15 =	vmin.f32 v11, $3.100000000e+01;
	v11 =	vld [tilespmem:s9+$0xAD20];
	[tilespmem:v26+s28+$0x0] =	vst.idx.msk $0xffff, v13  }
0xd9: {  	s3 =	simm.s32 $0x80;
	s2 =	simm.s32 $0x140;
	s1 =	simm.s32 $0x0;
	v20 =	vtrunc.f32 v63;
	v21 =	vtrunc.f32 v30;
	v12 =	vld [tilespmem:s9+$0xAD10];
	v13 =	vmin.f32 v62, $1.790000000e+02;
	[tilespmem:v27+s28+$0x0] =	vst.idx.msk $0xffff, v28  }
.LBB2_6:
0xda: {  	v23 =	vadd.s32 s2, v0;
	v24 =	vadd.s32 s2, v2;
	v25 =	vadd.s32 s2, v3;
	s5 =	sadd.s32 $0x50, s2;
	s6 =	sadd.s32 $0xA0, s2;
	s7 =	sadd.s32 $0xF0, s2  }
0xdb: {  	v26 =	vadd.s32 s5, v2;
	v27 =	vadd.s32 s5, v3;
	v28 =	vadd.s32 s7, v3  }
0xdc: {  	s1 =	sadd.s32 $0x4, s1;
	v29 =	vadd.s32 s6, v2;
	v30 =	vadd.s32 s6, v3;
	v31 =	vadd.s32 s7, v2  }
0xdd: {  	v17 =	vtrunc.f32 v17;
	v32 =	vadd.s32 s5, v0;
	v33 =	vadd.s32 s6, v0;
	p0 =	slt.u32 s1, $0xF4  }
0xde: {  	v15 =	vtrunc.f32 v15;
	v18 =	vtrunc.f32 v18;
	[tilespmem:v22+s28+$0x0] =	vst.idx.msk $0xffff, v12;
	v12 =	vor.u32 s4, v8  }
0xdf: {  	v14 =	vtrunc.f32 v14;
	v19 =	vtrunc.f32 v19;
	v22 =	vld.idx.msk [tilespmem:v24+s22+$0x0], $0xffff;
	v24 =	vadd.s32 s7, v0  }
0xe0: {  	v13 =	vtrunc.f32 v13;
	v34 =	vor.u32 s4, v9;
	v16 =	vtrunc.f32 v16;
	v28 =	vld.idx.msk [tilespmem:v28+s22+$0x0], $0xffff  }
0xe1: {  	v20 =	vcvt.f32.s32 v20;
	v21 =	vcvt.f32.s32 v21;
	v35 =	vor.u32 s4, v10;
	v31 =	vld.idx.msk [tilespmem:v31+s22+$0x0], $0xffff  }
0xe2: {  	v36 =	vor.u32 s3, v1;
	v17 =	vcvt.f32.s32 v17;
	v18 =	vcvt.f32.s32 v18;
	v26 =	vld.idx.msk [tilespmem:v26+s22+$0x0], $0xffff  }
0xe3: {  	v15 =	vcvt.f32.s32 v15;
	v14 =	vcvt.f32.s32 v14;
	v27 =	vld.idx.msk [tilespmem:v27+s22+$0x0], $0xffff;
	[tilespmem:v12+s28+$0x0] =	vst.idx.msk $0xffff, v21;
	v12 =	vor.u32 s3, v4  }
0xe4: {  	v19 =	vcvt.f32.s32 v19;
	v16 =	vcvt.f32.s32 v16;
	v21 =	vld.idx.msk [tilespmem:v24+s22+$0x0], $0xffff;
	v24 =	vor.u32 s3, v5  }
0xe5: {  	v13 =	vcvt.f32.s32 v13;
	v22 =	vadd.f32 $6.400000100e+00, v22;
	v29 =	vld.idx.msk [tilespmem:v29+s22+$0x0], $0xffff;
	[tilespmem:v34+s28+$0x0] =	vst.idx.msk $0xffff, v20;
	v20 =	vor.u32 s3, v6  }
0xe6: {  	v37 =	vor.u32 s0, v5;
	v28 =	vadd.f32 $2.000000000e+00, v28;
	v34 =	vor.u32 s0, v4;
	v30 =	vld.idx.msk [tilespmem:v30+s22+$0x0], $0xffff;
	[tilespmem:v35+s28+$0x0] =	vst.idx.msk $0xffff, v19  }
0xe7: {  	v22 =	vmul.f32 v22, v7;
	v19 =	vld.idx.msk [tilespmem:v25+s22+$0x0], $0xffff;
	v25 =	vadd.f32 $6.400000100e+00, v31;
	v31 =	vor.u32 s0, v6;
	[tilespmem:v36+s28+$0x0] =	vst.idx.msk $0xffff, v11;
	s0 =	sadd.s32 $0x100, s0  }
0xe8: {  	v26 =	vadd.f32 $6.400000100e+00, v26;
	v11 =	vmul.f32 v28, v7;
	s5 =	sshra.s32 s0, $0x2;
	v35 =	vor.u32 s0, v1;
	s4 =	sadd.s32 $0x40, s0;
	v32 =	vld.idx.msk [tilespmem:v32+s22+$0x0], $0xffff;
	s6 =	sadd.s32 $0xC0, s0;
	[tilespmem:v12+s28+$0x0] =	vst.idx.msk $0xffff, v18  }
0xe9: {  	s3 =	sadd.s32 $0x80, s0;
	v18 =	vld [tilespmem:s5+$0xAD30];
	v12 =	vmul.f32 v25, v7;
	v25 =	vor.u32 s6, v1;
	v28 =	vor.u32 s6, v8;
	[tilespmem:v24+s28+$0x0] =	vst.idx.msk $0xffff, v17  }
0xea: {  	v21 =	vmul.f32 v21, v7;
	v11 =	vmax.f32 v11, $0.0e+00;
	v24 =	vor.u32 s6, v9;
	v17 =	vld.idx.msk [tilespmem:v33+s22+$0x0], $0xffff;
	[tilespmem:v20+s28+$0x0] =	vst.idx.msk $0xffff, v16  }
0xeb: {  	v11 =	vmin.f32 v11, $1.900000000e+01;
	v20 =	vor.u32 s6, v10;
	v16 =	vld.idx.msk [tilespmem:v23+s22+$0x0], $0xffff;
	v12 =	vmax.f32 v12, $0.0e+00;
	[tilespmem:v34+s28+$0x0] =	vst.idx.msk $0xffff, v14  }
0xec: {  	v21 =	vmax.f32 v21, $0.0e+00;
	v11 =	vtrunc.f32 v11;
	v14 =	vld [tilespmem:s5+$0xAD00];
	v23 =	vmin.f32 v12, $3.100000000e+01;
	[tilespmem:v37+s28+$0x0] =	vst.idx.msk $0xffff, v15  }
0xed: {  	v15 =	vmin.f32 v21, $1.790000000e+02;
	v12 =	vld [tilespmem:s5+$0xAD10];
	v21 =	vtrunc.f32 v23;
	v23 =	vcvt.f32.s32 v11;
	[tilespmem:v31+s28+$0x0] =	vst.idx.msk $0xffff, v13  }
0xee: {  	v13 =	vadd.f32 $2.000000000e+00, v27;
	v15 =	vtrunc.f32 v15;
	v11 =	vld [tilespmem:s5+$0xAD20];
	v21 =	vcvt.f32.s32 v21;
	[tilespmem:v25+s28+$0x0] =	vst.idx.msk $0xffff, v18  }
0xef: {  	v18 =	vadd.f32 $6.400000100e+00, v29;
	v25 =	vadd.f32 $2.000000000e+00, v30;
	v15 =	vcvt.f32.s32 v15;
	[tilespmem:v28+s28+$0x0] =	vst.idx.msk $0xffff, v23  }
0xf0: {  	v19 =	vadd.f32 $2.000000000e+00, v19;
	v23 =	vmul.f32 v26, v7;
	v13 =	vmul.f32 v13, v7;
	[tilespmem:v24+s28+$0x0] =	vst.idx.msk $0xffff, v21  }
0xf1: {  	s6 =	simm.s32 $0x3E00;
	s5 =	simm.s32 $0x4D80;
	v21 =	vmax.f32 v22, $0.0e+00;
	v18 =	vmul.f32 v18, v7;
	v22 =	vmul.f32 v25, v7;
	[tilespmem:v20+s28+$0x0] =	vst.idx.msk $0xffff, v15  }
0xf2: {  	v15 =	vmul.f32 v19, v7;
	v19 =	vmax.f32 v23, $0.0e+00;
	[tilespmem:v35+s28+$0x0] =	vst.idx.msk $0xffff, v14;
	v14 =	vmul.f32 v32, v7  }
0xf3: {  	v17 =	vmul.f32 v17, v7;
	v16 =	vmul.f32 v16, v7;
	v13 =	vmax.f32 v13, $0.0e+00  }
0xf4: {  	v20 =	vmax.f32 v15, $0.0e+00;
	v15 =	vmax.f32 v18, $0.0e+00;
	v18 =	vmax.f32 v22, $0.0e+00  }
.Ltmp2:
0xf5: {  	v23 =	vmax.f32 v17, $0.0e+00;
	v16 =	vmax.f32 v16, $0.0e+00;
	v22 =	vmax.f32 v14, $0.0e+00;
	(pc) =	sbr.rel @p0 .LBB2_6-.Ltmp2, $4  }
0xf6: {  	v24 =	vmin.f32 v19, $3.100000000e+01;
	v25 =	vmin.f32 v13, $1.900000000e+01;
	v17 =	vmin.f32 v15, $3.100000000e+01  }
0xf7: {  	v15 =	vmin.f32 v21, $3.100000000e+01;
	v14 =	vmin.f32 v20, $1.900000000e+01;
	v18 =	vmin.f32 v18, $1.900000000e+01  }
0xf8: {  	v13 =	vmin.f32 v16, $1.790000000e+02;
	v16 =	vmin.f32 v23, $1.790000000e+02;
	v19 =	vmin.f32 v22, $1.790000000e+02  }
0xf9: {  	s2 =	sadd.s32 $0x140, s2;
	v20 =	vtrunc.f32 v24;
	v21 =	vtrunc.f32 v25;
	v22 =	vor.u32 s4, v1  }
0xfa: {  	v23 =	vor.u32 s4, v8  }
0xfb: {  	v26 =	vor.u32 s3, v1  }
0xfc: {  	v24 =	vor.u32 s4, v9  }
0xfd: {  	v21 =	vcvt.f32.s32 v21;
	v55 =	vor.u32 s3, v4  }
0xfe: {  	v25 =	vor.u32 s4, v10;
	[tilespmem:v22+s28+$0x0] =	vst.idx.msk $0xffff, v12  }
0xff: {  	v54 =	vcvt.f32.s32 v20;
	v56 =	vor.u32 s3, v5;
	v18 =	vtrunc.f32 v18;
	[tilespmem:v23+s28+$0x0] =	vst.idx.msk $0xffff, v21  }
0x100: {  	v53 =	vtrunc.f32 v19;
	v58 =	vor.u32 s0, v4;
	v18 =	vcvt.f32.s32 v18;
	[tilespmem:v26+s28+$0x0] =	vst.idx.msk $0xffff, v11  }
0x101: {  	v57 =	vor.u32 s3, v6;
	v17 =	vtrunc.f32 v17;
	v12 =	vcvt.f32.s32 v53;
	[tilespmem:v24+s28+$0x0] =	vst.idx.msk $0xffff, v54  }
0x102: {  	v61 =	vor.u32 s0, v5;
	v60 =	vcvt.f32.s32 v17;
	v11 =	vtrunc.f32 v14;
	[tilespmem:v55+s28+$0x0] =	vst.idx.msk $0xffff, v18  }
0x103: {  	v59 =	vtrunc.f32 v16;
	v62 =	vor.u32 s0, v6;
	v11 =	vcvt.f32.s32 v11;
	[tilespmem:v25+s28+$0x0] =	vst.idx.msk $0xffff, v12  }
0x104: {  	v15 =	vtrunc.f32 v15;
	v12 =	vcvt.f32.s32 v59;
	[tilespmem:v56+s28+$0x0] =	vst.idx.msk $0xffff, v60  }
0x105: {  	v13 =	vtrunc.f32 v13;
	v15 =	vcvt.f32.s32 v15;
	[tilespmem:v58+s28+$0x0] =	vst.idx.msk $0xffff, v11  }
0x106: {  	v63 =	vcvt.f32.s32 v13;
	[tilespmem:v57+s28+$0x0] =	vst.idx.msk $0xffff, v12  }
0x107: {  	[tilespmem:v61+s28+$0x0] =	vst.idx.msk $0xffff, v15  }
0x108: {  	[tilespmem:v62+s28+$0x0] =	vst.idx.msk $0xffff, v63  }
.LBB2_8:
0x109: {  	v11 =	vadd.s32 s5, v3  }
0x10a: {  	v12 =	vadd.s32 s5, v2;
	_ =	sdelay $0x2  }
0x10b: {  	v13 =	vadd.s32 s5, v0  }
0x10c: {  	v11 =	vld.idx.msk [tilespmem:v11+s22+$0x0], $0xffff  }
0x10d: {  	v12 =	vld.idx.msk [tilespmem:v12+s22+$0x0], $0xffff;
	_ =	sdelay $0x2  }
0x10e: {  	v13 =	vld.idx.msk [tilespmem:v13+s22+$0x0], $0xffff  }
0x10f: {  	v11 =	vadd.f32 $2.000000000e+00, v11  }
0x110: {  	v12 =	vadd.f32 $6.400000100e+00, v12  }
0x111: {  	s0 =	sshra.s32 s6, $0x2;
	v11 =	vmul.f32 v11, v7  }
0x112: {  	v14 =	vor.u32 s6, v1;
	v16 =	vor.u32 s6, v4;
	v15 =	vld [tilespmem:s0+$0xAD00];
	v12 =	vmul.f32 v12, v7  }
0x113: {  	v17 =	vor.u32 s6, v5;
	v13 =	vmul.f32 v13, v7;
	v11 =	vmax.f32 v11, $0.0e+00  }
0x114: {  	v18 =	vor.u32 s6, v6;
	v12 =	vmax.f32 v12, $0.0e+00;
	v11 =	vmin.f32 v11, $1.900000000e+01  }
0x115: {  	p0 =	sne.s32 s5, $0x4DD0;
	v13 =	vmax.f32 v13, $0.0e+00;
	v12 =	vmin.f32 v12, $3.100000000e+01;
	v11 =	vtrunc.f32 v11  }
.Ltmp3:
0x116: {  	v13 =	vmin.f32 v13, $1.790000000e+02;
	v12 =	vtrunc.f32 v12;
	v11 =	vcvt.f32.s32 v11;
	(pc) =	sbr.rel @p0 .LBB2_8-.Ltmp3, $4  }
0x117: {  	[tilespmem:v14+s28+$0x0] =	vst.idx.msk $0xffff, v15;
	v13 =	vtrunc.f32 v13;
	v12 =	vcvt.f32.s32 v12  }
0x118: {  	[tilespmem:v16+s28+$0x0] =	vst.idx.msk $0xffff, v11;
	v11 =	vcvt.f32.s32 v13  }
0x119: {  	[tilespmem:v17+s28+$0x0] =	vst.idx.msk $0xffff, v12  }
0x11a: {  	s6 =	sadd.s32 $0x40, s6;
	s5 =	sadd.s32 $0x50, s5;
	[tilespmem:v18+s28+$0x0] =	vst.idx.msk $0xffff, v11  }
0x11b: {  	s1 =	sld [smem:$0x7F8];
	_ =	sdelay $0x1  }
0x11c: {  	s0 =	simm.s32 $0x0  }
0x11d: {  	[hbm4b:s1+s0] =	stream.linear.scatter [tilespmem:s28], [sflag:$0x4], $0x3E80, $0x38;
	[tilespmem:$0x13A00] =	vst v63  }
0x11e: {  	s4 =	rddreg [dreg:$0x7]  }
0x11f: {  	[tilespmem:s22], [sflag:$0x2] =	stream.linear.gather [hbm4b:s4+s0], $0x4E20, $0x38;
	[tilespmem:$0x13A00] =	vst v63  }
0x120: {  	s5 =	rddreg [dreg:$0x17]  }
0x121: {  	[tilespmem:s23], [sflag:$0x2] =	stream.linear.gather [hbm4b:s5+s0], $0xFA0, $0x38;
	[tilespmem:$0x13A00] =	vst v63  }
0x122: {  	_ =	swait.ge [sflag:s24], $0x4E20  }
0x123: {  	[sflag:s24] =	ssyncset.done $0x0  }
0x124: {  	[sflag:s24] =	ssyncadd.s32 $0xFFFFB1E0  }
0x125: {  	_ =	swait.ge [sflag:s24], $0xFA0  }
0x126: {  	s6 =	simm.s32 $0xF0;
	v11 =	vadd.s32 s0, v2;
	[sflag:s24] =	ssyncset.done $0x0  }
0x127: {  	v12 =	vadd.s32 s6, v3;
	[sflag:s24] =	ssyncadd.s32 $0xFFFFF060  }
0x128: {  	s2 =	simm.s32 $0x50;
	v13 =	vadd.s32 s6, v2;
	_ =	swait.ge [sflag:s29], $0x3E80  }
0x129: {  	v14 =	vadd.s32 s2, v2;
	[sflag:s29] =	ssyncset.done $0x0  }
0x12a: {  	v15 =	vadd.s32 s6, v0;
	[sflag:s29] =	ssyncadd.s32 $0xFFFFC180  }
0x12b: {  	s7 =	simm.s32 $0xA0;
	v16 =	vadd.s32 s2, v3;
	v11 =	vld.idx.msk [tilespmem:v11+s17+$0x0], $0xffff  }
0x12c: {  	v17 =	vadd.s32 s7, v2;
	v12 =	vld.idx.msk [tilespmem:v12+s17+$0x0], $0xffff  }
0x12d: {  	v21 =	vadd.s32 s2, v0;
	v13 =	vld.idx.msk [tilespmem:v13+s17+$0x0], $0xffff  }
0x12e: {  	v18 =	vadd.s32 s0, v0;
	v14 =	vld.idx.msk [tilespmem:v14+s17+$0x0], $0xffff  }
0x12f: {  	v22 =	vadd.s32 s7, v0;
	v15 =	vld.idx.msk [tilespmem:v15+s17+$0x0], $0xffff  }
0x130: {  	v19 =	vadd.s32 s7, v3;
	v16 =	vld.idx.msk [tilespmem:v16+s17+$0x0], $0xffff  }
0x131: {  	v20 =	vadd.s32 s0, v3;
	v17 =	vld.idx.msk [tilespmem:v17+s17+$0x0], $0xffff  }
0x132: {  	v21 =	vld.idx.msk [tilespmem:v21+s17+$0x0], $0xffff  }
0x133: {  	v18 =	vld.idx.msk [tilespmem:v18+s17+$0x0], $0xffff  }
0x134: {  	s8 =	simm.s32 $0xC0;
	v23 =	vor.u32 s0, v1;
	v22 =	vld.idx.msk [tilespmem:v22+s17+$0x0], $0xffff  }
0x135: {  	v24 =	vor.u32 s8, v1;
	v25 =	vor.u32 s8, v8;
	v26 =	vor.u32 s8, v9;
	v19 =	vld.idx.msk [tilespmem:v19+s17+$0x0], $0xffff  }
0x136: {  	v27 =	vor.u32 s8, v10;
	v20 =	vld.idx.msk [tilespmem:v20+s17+$0x0], $0xffff;
	v11 =	vadd.f32 $6.400000100e+00, v11;
	v12 =	vadd.f32 $2.000000000e+00, v12  }
0x137: {  	v13 =	vadd.f32 $6.400000100e+00, v13;
	v14 =	vadd.f32 $6.400000100e+00, v14;
	v15 =	vmul.f32 v15, v7  }
0x138: {  	v16 =	vadd.f32 $2.000000000e+00, v16;
	v21 =	vmul.f32 v21, v7;
	v18 =	vmul.f32 v18, v7  }
0x139: {  	v17 =	vadd.f32 $6.400000100e+00, v17;
	v22 =	vmul.f32 v22, v7;
	v11 =	vmul.f32 v11, v7  }
0x13a: {  	v19 =	vadd.f32 $2.000000000e+00, v19;
	v12 =	vmul.f32 v12, v7;
	v13 =	vmul.f32 v13, v7  }
0x13b: {  	v20 =	vadd.f32 $2.000000000e+00, v20;
	v14 =	vmul.f32 v14, v7;
	v16 =	vmul.f32 v16, v7  }
0x13c: {  	v15 =	vmax.f32 v15, $0.0e+00;
	v17 =	vmul.f32 v17, v7;
	v19 =	vmul.f32 v19, v7  }
0x13d: {  	s9 =	simm.s32 $0x0;
	v20 =	vmul.f32 v20, v7;
	v62 =	vmax.f32 v18, $0.0e+00;
	v15 =	vmin.f32 v15, $1.790000000e+02  }
0x13e: {  	v29 =	vld [tilespmem:s9+$0x9D00];
	v21 =	vmax.f32 v21, $0.0e+00;
	v22 =	vmax.f32 v22, $0.0e+00;
	v15 =	vtrunc.f32 v15  }
0x13f: {  	v12 =	vmax.f32 v12, $0.0e+00;
	v13 =	vmax.f32 v13, $0.0e+00;
	v28 =	vcvt.f32.s32 v15;
	v15 =	vld [tilespmem:s9+$0x9D30]  }
0x140: {  	v11 =	vmax.f32 v11, $0.0e+00;
	v14 =	vmax.f32 v14, $0.0e+00;
	v16 =	vmax.f32 v16, $0.0e+00  }
0x141: {  	v20 =	vmax.f32 v20, $0.0e+00;
	v17 =	vmax.f32 v17, $0.0e+00;
	v12 =	vmin.f32 v12, $1.900000000e+01  }
0x142: {  	v19 =	vmax.f32 v19, $0.0e+00;
	v13 =	vmin.f32 v13, $3.100000000e+01;
	v12 =	vtrunc.f32 v12  }
0x143: {  	[tilespmem:v23+s25+$0x0] =	vst.idx.msk $0xffff, v29;
	v63 =	vmin.f32 v14, $3.100000000e+01;
	v13 =	vtrunc.f32 v13;
	v12 =	vcvt.f32.s32 v12  }
0x144: {  	v30 =	vmin.f32 v16, $1.900000000e+01;
	v17 =	vmin.f32 v17, $3.100000000e+01;
	v13 =	vcvt.f32.s32 v13;
	[tilespmem:v24+s25+$0x0] =	vst.idx.msk $0xffff, v15  }
0x145: {  	s4 =	simm.s32 $0x40;
	v14 =	vmin.f32 v20, $1.900000000e+01;
	v18 =	vmin.f32 v19, $1.900000000e+01;
	v19 =	vmin.f32 v21, $1.790000000e+02;
	[tilespmem:v25+s25+$0x0] =	vst.idx.msk $0xffff, v12  }
0x146: {  	v16 =	vmin.f32 v22, $1.790000000e+02;
	v22 =	vor.u32 s4, v1;
	v15 =	vmin.f32 v11, $3.100000000e+01;
	v11 =	vld [tilespmem:s9+$0x9D20];
	[tilespmem:v26+s25+$0x0] =	vst.idx.msk $0xffff, v13  }
0x147: {  	s3 =	simm.s32 $0x80;
	s2 =	simm.s32 $0x140;
	s1 =	simm.s32 $0x0;
	v20 =	vtrunc.f32 v63;
	v21 =	vtrunc.f32 v30;
	v12 =	vld [tilespmem:s9+$0x9D10];
	v13 =	vmin.f32 v62, $1.790000000e+02;
	[tilespmem:v27+s25+$0x0] =	vst.idx.msk $0xffff, v28  }
.LBB2_10:
0x148: {  	v23 =	vadd.s32 s2, v0;
	v24 =	vadd.s32 s2, v2;
	v25 =	vadd.s32 s2, v3;
	s5 =	sadd.s32 $0x50, s2;
	s6 =	sadd.s32 $0xA0, s2;
	s7 =	sadd.s32 $0xF0, s2  }
0x149: {  	v26 =	vadd.s32 s5, v2;
	v27 =	vadd.s32 s5, v3;
	v28 =	vadd.s32 s7, v3  }
0x14a: {  	s1 =	sadd.s32 $0x4, s1;
	v29 =	vadd.s32 s6, v2;
	v30 =	vadd.s32 s6, v3;
	v31 =	vadd.s32 s7, v2  }
0x14b: {  	v17 =	vtrunc.f32 v17;
	v32 =	vadd.s32 s5, v0;
	v33 =	vadd.s32 s6, v0;
	p0 =	slt.u32 s1, $0xF4  }
0x14c: {  	v15 =	vtrunc.f32 v15;
	v18 =	vtrunc.f32 v18;
	[tilespmem:v22+s25+$0x0] =	vst.idx.msk $0xffff, v12;
	v12 =	vor.u32 s4, v8  }
0x14d: {  	v14 =	vtrunc.f32 v14;
	v19 =	vtrunc.f32 v19;
	v22 =	vld.idx.msk [tilespmem:v24+s17+$0x0], $0xffff;
	v24 =	vadd.s32 s7, v0  }
0x14e: {  	v13 =	vtrunc.f32 v13;
	v34 =	vor.u32 s4, v9;
	v16 =	vtrunc.f32 v16;
	v28 =	vld.idx.msk [tilespmem:v28+s17+$0x0], $0xffff  }
0x14f: {  	v20 =	vcvt.f32.s32 v20;
	v21 =	vcvt.f32.s32 v21;
	v35 =	vor.u32 s4, v10;
	v31 =	vld.idx.msk [tilespmem:v31+s17+$0x0], $0xffff  }
0x150: {  	v36 =	vor.u32 s3, v1;
	v17 =	vcvt.f32.s32 v17;
	v18 =	vcvt.f32.s32 v18;
	v26 =	vld.idx.msk [tilespmem:v26+s17+$0x0], $0xffff  }
0x151: {  	v15 =	vcvt.f32.s32 v15;
	v14 =	vcvt.f32.s32 v14;
	v27 =	vld.idx.msk [tilespmem:v27+s17+$0x0], $0xffff;
	[tilespmem:v12+s25+$0x0] =	vst.idx.msk $0xffff, v21;
	v12 =	vor.u32 s3, v4  }
0x152: {  	v19 =	vcvt.f32.s32 v19;
	v16 =	vcvt.f32.s32 v16;
	v21 =	vld.idx.msk [tilespmem:v24+s17+$0x0], $0xffff;
	v24 =	vor.u32 s3, v5  }
0x153: {  	v13 =	vcvt.f32.s32 v13;
	v22 =	vadd.f32 $6.400000100e+00, v22;
	v29 =	vld.idx.msk [tilespmem:v29+s17+$0x0], $0xffff;
	[tilespmem:v34+s25+$0x0] =	vst.idx.msk $0xffff, v20;
	v20 =	vor.u32 s3, v6  }
0x154: {  	v37 =	vor.u32 s0, v5;
	v28 =	vadd.f32 $2.000000000e+00, v28;
	v34 =	vor.u32 s0, v4;
	v30 =	vld.idx.msk [tilespmem:v30+s17+$0x0], $0xffff;
	[tilespmem:v35+s25+$0x0] =	vst.idx.msk $0xffff, v19  }
0x155: {  	v22 =	vmul.f32 v22, v7;
	v19 =	vld.idx.msk [tilespmem:v25+s17+$0x0], $0xffff;
	v25 =	vadd.f32 $6.400000100e+00, v31;
	v31 =	vor.u32 s0, v6;
	[tilespmem:v36+s25+$0x0] =	vst.idx.msk $0xffff, v11;
	s0 =	sadd.s32 $0x100, s0  }
0x156: {  	v26 =	vadd.f32 $6.400000100e+00, v26;
	v11 =	vmul.f32 v28, v7;
	s5 =	sshra.s32 s0, $0x2;
	v35 =	vor.u32 s0, v1;
	s4 =	sadd.s32 $0x40, s0;
	v32 =	vld.idx.msk [tilespmem:v32+s17+$0x0], $0xffff;
	s6 =	sadd.s32 $0xC0, s0;
	[tilespmem:v12+s25+$0x0] =	vst.idx.msk $0xffff, v18  }
0x157: {  	s3 =	sadd.s32 $0x80, s0;
	v18 =	vld [tilespmem:s5+$0x9D30];
	v12 =	vmul.f32 v25, v7;
	v25 =	vor.u32 s6, v1;
	v28 =	vor.u32 s6, v8;
	[tilespmem:v24+s25+$0x0] =	vst.idx.msk $0xffff, v17  }
0x158: {  	v21 =	vmul.f32 v21, v7;
	v11 =	vmax.f32 v11, $0.0e+00;
	v24 =	vor.u32 s6, v9;
	v17 =	vld.idx.msk [tilespmem:v33+s17+$0x0], $0xffff;
	[tilespmem:v20+s25+$0x0] =	vst.idx.msk $0xffff, v16  }
0x159: {  	v11 =	vmin.f32 v11, $1.900000000e+01;
	v20 =	vor.u32 s6, v10;
	v16 =	vld.idx.msk [tilespmem:v23+s17+$0x0], $0xffff;
	v12 =	vmax.f32 v12, $0.0e+00;
	[tilespmem:v34+s25+$0x0] =	vst.idx.msk $0xffff, v14  }
0x15a: {  	v21 =	vmax.f32 v21, $0.0e+00;
	v11 =	vtrunc.f32 v11;
	v14 =	vld [tilespmem:s5+$0x9D00];
	v23 =	vmin.f32 v12, $3.100000000e+01;
	[tilespmem:v37+s25+$0x0] =	vst.idx.msk $0xffff, v15  }
0x15b: {  	v15 =	vmin.f32 v21, $1.790000000e+02;
	v12 =	vld [tilespmem:s5+$0x9D10];
	v21 =	vtrunc.f32 v23;
	v23 =	vcvt.f32.s32 v11;
	[tilespmem:v31+s25+$0x0] =	vst.idx.msk $0xffff, v13  }
0x15c: {  	v13 =	vadd.f32 $2.000000000e+00, v27;
	v15 =	vtrunc.f32 v15;
	v11 =	vld [tilespmem:s5+$0x9D20];
	v21 =	vcvt.f32.s32 v21;
	[tilespmem:v25+s25+$0x0] =	vst.idx.msk $0xffff, v18  }
0x15d: {  	v18 =	vadd.f32 $6.400000100e+00, v29;
	v25 =	vadd.f32 $2.000000000e+00, v30;
	v15 =	vcvt.f32.s32 v15;
	[tilespmem:v28+s25+$0x0] =	vst.idx.msk $0xffff, v23  }
0x15e: {  	v19 =	vadd.f32 $2.000000000e+00, v19;
	v23 =	vmul.f32 v26, v7;
	v13 =	vmul.f32 v13, v7;
	[tilespmem:v24+s25+$0x0] =	vst.idx.msk $0xffff, v21  }
0x15f: {  	s6 =	simm.s32 $0x3E00;
	s5 =	simm.s32 $0x4D80;
	v21 =	vmax.f32 v22, $0.0e+00;
	v18 =	vmul.f32 v18, v7;
	v22 =	vmul.f32 v25, v7;
	[tilespmem:v20+s25+$0x0] =	vst.idx.msk $0xffff, v15  }
0x160: {  	v15 =	vmul.f32 v19, v7;
	v19 =	vmax.f32 v23, $0.0e+00;
	[tilespmem:v35+s25+$0x0] =	vst.idx.msk $0xffff, v14;
	v14 =	vmul.f32 v32, v7  }
0x161: {  	v17 =	vmul.f32 v17, v7;
	v16 =	vmul.f32 v16, v7;
	v13 =	vmax.f32 v13, $0.0e+00  }
0x162: {  	v20 =	vmax.f32 v15, $0.0e+00;
	v15 =	vmax.f32 v18, $0.0e+00;
	v18 =	vmax.f32 v22, $0.0e+00  }
.Ltmp4:
0x163: {  	v23 =	vmax.f32 v17, $0.0e+00;
	v16 =	vmax.f32 v16, $0.0e+00;
	v22 =	vmax.f32 v14, $0.0e+00;
	(pc) =	sbr.rel @p0 .LBB2_10-.Ltmp4, $4  }
0x164: {  	v24 =	vmin.f32 v19, $3.100000000e+01;
	v25 =	vmin.f32 v13, $1.900000000e+01;
	v17 =	vmin.f32 v15, $3.100000000e+01  }
0x165: {  	v15 =	vmin.f32 v21, $3.100000000e+01;
	v14 =	vmin.f32 v20, $1.900000000e+01;
	v18 =	vmin.f32 v18, $1.900000000e+01  }
0x166: {  	v13 =	vmin.f32 v16, $1.790000000e+02;
	v16 =	vmin.f32 v23, $1.790000000e+02;
	v19 =	vmin.f32 v22, $1.790000000e+02  }
0x167: {  	s2 =	sadd.s32 $0x140, s2;
	v20 =	vtrunc.f32 v24;
	v21 =	vtrunc.f32 v25;
	v22 =	vor.u32 s4, v1  }
0x168: {  	v23 =	vor.u32 s4, v8  }
0x169: {  	v26 =	vor.u32 s3, v1  }
0x16a: {  	v24 =	vor.u32 s4, v9  }
0x16b: {  	v21 =	vcvt.f32.s32 v21;
	v55 =	vor.u32 s3, v4  }
0x16c: {  	v25 =	vor.u32 s4, v10;
	[tilespmem:v22+s25+$0x0] =	vst.idx.msk $0xffff, v12  }
0x16d: {  	v54 =	vcvt.f32.s32 v20;
	v56 =	vor.u32 s3, v5;
	v18 =	vtrunc.f32 v18;
	[tilespmem:v23+s25+$0x0] =	vst.idx.msk $0xffff, v21  }
0x16e: {  	v53 =	vtrunc.f32 v19;
	v58 =	vor.u32 s0, v4;
	v18 =	vcvt.f32.s32 v18;
	[tilespmem:v26+s25+$0x0] =	vst.idx.msk $0xffff, v11  }
0x16f: {  	v57 =	vor.u32 s3, v6;
	v17 =	vtrunc.f32 v17;
	v12 =	vcvt.f32.s32 v53;
	[tilespmem:v24+s25+$0x0] =	vst.idx.msk $0xffff, v54  }
0x170: {  	v61 =	vor.u32 s0, v5;
	v60 =	vcvt.f32.s32 v17;
	v11 =	vtrunc.f32 v14;
	[tilespmem:v55+s25+$0x0] =	vst.idx.msk $0xffff, v18  }
0x171: {  	v59 =	vtrunc.f32 v16;
	v62 =	vor.u32 s0, v6;
	v11 =	vcvt.f32.s32 v11;
	[tilespmem:v25+s25+$0x0] =	vst.idx.msk $0xffff, v12  }
0x172: {  	v15 =	vtrunc.f32 v15;
	v12 =	vcvt.f32.s32 v59;
	[tilespmem:v56+s25+$0x0] =	vst.idx.msk $0xffff, v60  }
0x173: {  	v13 =	vtrunc.f32 v13;
	v15 =	vcvt.f32.s32 v15;
	[tilespmem:v58+s25+$0x0] =	vst.idx.msk $0xffff, v11  }
0x174: {  	v63 =	vcvt.f32.s32 v13;
	[tilespmem:v57+s25+$0x0] =	vst.idx.msk $0xffff, v12  }
0x175: {  	[tilespmem:v61+s25+$0x0] =	vst.idx.msk $0xffff, v15  }
0x176: {  	[tilespmem:v62+s25+$0x0] =	vst.idx.msk $0xffff, v63  }
.LBB2_12:
0x177: {  	v11 =	vadd.s32 s5, v3  }
0x178: {  	v12 =	vadd.s32 s5, v2;
	_ =	sdelay $0x2  }
0x179: {  	v13 =	vadd.s32 s5, v0  }
0x17a: {  	v11 =	vld.idx.msk [tilespmem:v11+s17+$0x0], $0xffff  }
0x17b: {  	v12 =	vld.idx.msk [tilespmem:v12+s17+$0x0], $0xffff;
	_ =	sdelay $0x2  }
0x17c: {  	v13 =	vld.idx.msk [tilespmem:v13+s17+$0x0], $0xffff  }
0x17d: {  	v11 =	vadd.f32 $2.000000000e+00, v11  }
0x17e: {  	v12 =	vadd.f32 $6.400000100e+00, v12  }
0x17f: {  	s0 =	sshra.s32 s6, $0x2;
	v11 =	vmul.f32 v11, v7  }
0x180: {  	v14 =	vor.u32 s6, v1;
	v16 =	vor.u32 s6, v4;
	v15 =	vld [tilespmem:s0+$0x9D00];
	v12 =	vmul.f32 v12, v7  }
0x181: {  	v17 =	vor.u32 s6, v5;
	v13 =	vmul.f32 v13, v7;
	v11 =	vmax.f32 v11, $0.0e+00  }
0x182: {  	v18 =	vor.u32 s6, v6;
	v12 =	vmax.f32 v12, $0.0e+00;
	v11 =	vmin.f32 v11, $1.900000000e+01  }
0x183: {  	p0 =	sne.s32 s5, $0x4DD0;
	v13 =	vmax.f32 v13, $0.0e+00;
	v12 =	vmin.f32 v12, $3.100000000e+01;
	v11 =	vtrunc.f32 v11  }
.Ltmp5:
0x184: {  	v13 =	vmin.f32 v13, $1.790000000e+02;
	v12 =	vtrunc.f32 v12;
	v11 =	vcvt.f32.s32 v11;
	(pc) =	sbr.rel @p0 .LBB2_12-.Ltmp5, $4  }
0x185: {  	[tilespmem:v14+s25+$0x0] =	vst.idx.msk $0xffff, v15;
	v13 =	vtrunc.f32 v13;
	v12 =	vcvt.f32.s32 v12  }
0x186: {  	[tilespmem:v16+s25+$0x0] =	vst.idx.msk $0xffff, v11;
	v11 =	vcvt.f32.s32 v13  }
0x187: {  	[tilespmem:v17+s25+$0x0] =	vst.idx.msk $0xffff, v12  }
0x188: {  	s6 =	sadd.s32 $0x40, s6;
	s5 =	sadd.s32 $0x50, s5;
	[tilespmem:v18+s25+$0x0] =	vst.idx.msk $0xffff, v11  }
0x189: {  	s1 =	sld [smem:$0x7F9];
	_ =	sdelay $0x1  }
0x18a: {  	s0 =	simm.s32 $0x0  }
0x18b: {  	[hbm4b:s1+s0] =	stream.linear.scatter [tilespmem:s25], [sflag:$0x3], $0x3E80, $0x38;
	[tilespmem:$0x13A00] =	vst v63  }
0x18c: {  	s4 =	rddreg [dreg:$0x8]  }
0x18d: {  	[tilespmem:s0], [sflag:$0x1] =	stream.linear.gather [hbm4b:s4+s0], $0x4E20, $0x38;
	[tilespmem:$0x13A00] =	vst v63  }
0x18e: {  	s5 =	rddreg [dreg:$0x18]  }
0x18f: {  	[tilespmem:s21], [sflag:$0x1] =	stream.linear.gather [hbm4b:s5+s0], $0xFA0, $0x38;
	[tilespmem:$0x13A00] =	vst v63  }
0x190: {  	_ =	swait.ge [sflag:s26], $0x4E20  }
0x191: {  	[sflag:s26] =	ssyncset.done $0x0  }
0x192: {  	[sflag:s26] =	ssyncadd.s32 $0xFFFFB1E0  }
0x193: {  	_ =	swait.ge [sflag:s26], $0xFA0  }
0x194: {  	s6 =	simm.s32 $0xF0;
	v11 =	vadd.s32 s0, v2;
	[sflag:s26] =	ssyncset.done $0x0  }
0x195: {  	v12 =	vadd.s32 s6, v3;
	[sflag:s26] =	ssyncadd.s32 $0xFFFFF060  }
0x196: {  	s2 =	simm.s32 $0x50;
	v13 =	vadd.s32 s6, v2;
	_ =	swait.ge [sflag:s30], $0x3E80  }
0x197: {  	v14 =	vadd.s32 s2, v2;
	[sflag:s30] =	ssyncset.done $0x0  }
0x198: {  	v15 =	vadd.s32 s6, v0;
	[sflag:s30] =	ssyncadd.s32 $0xFFFFC180  }
0x199: {  	s7 =	simm.s32 $0xA0;
	v16 =	vadd.s32 s2, v3;
	v11 =	vld.idx.msk [tilespmem:v11+s22+$0x0], $0xffff  }
0x19a: {  	v17 =	vadd.s32 s7, v2;
	v12 =	vld.idx.msk [tilespmem:v12+s22+$0x0], $0xffff  }
0x19b: {  	v21 =	vadd.s32 s2, v0;
	v13 =	vld.idx.msk [tilespmem:v13+s22+$0x0], $0xffff  }
0x19c: {  	v18 =	vadd.s32 s0, v0;
	v14 =	vld.idx.msk [tilespmem:v14+s22+$0x0], $0xffff  }
0x19d: {  	v22 =	vadd.s32 s7, v0;
	v15 =	vld.idx.msk [tilespmem:v15+s22+$0x0], $0xffff  }
0x19e: {  	v19 =	vadd.s32 s7, v3;
	v16 =	vld.idx.msk [tilespmem:v16+s22+$0x0], $0xffff  }
0x19f: {  	v20 =	vadd.s32 s0, v3;
	v17 =	vld.idx.msk [tilespmem:v17+s22+$0x0], $0xffff  }
0x1a0: {  	v21 =	vld.idx.msk [tilespmem:v21+s22+$0x0], $0xffff  }
0x1a1: {  	v18 =	vld.idx.msk [tilespmem:v18+s22+$0x0], $0xffff  }
0x1a2: {  	s8 =	simm.s32 $0xC0;
	v23 =	vor.u32 s0, v1;
	v22 =	vld.idx.msk [tilespmem:v22+s22+$0x0], $0xffff  }
0x1a3: {  	v24 =	vor.u32 s8, v1;
	v25 =	vor.u32 s8, v8;
	v26 =	vor.u32 s8, v9;
	v19 =	vld.idx.msk [tilespmem:v19+s22+$0x0], $0xffff  }
0x1a4: {  	v27 =	vor.u32 s8, v10;
	v20 =	vld.idx.msk [tilespmem:v20+s22+$0x0], $0xffff;
	v11 =	vadd.f32 $6.400000100e+00, v11;
	v12 =	vadd.f32 $2.000000000e+00, v12  }
0x1a5: {  	v13 =	vadd.f32 $6.400000100e+00, v13;
	v14 =	vadd.f32 $6.400000100e+00, v14;
	v15 =	vmul.f32 v15, v7  }
0x1a6: {  	v16 =	vadd.f32 $2.000000000e+00, v16;
	v21 =	vmul.f32 v21, v7;
	v18 =	vmul.f32 v18, v7  }
0x1a7: {  	v17 =	vadd.f32 $6.400000100e+00, v17;
	v22 =	vmul.f32 v22, v7;
	v11 =	vmul.f32 v11, v7  }
0x1a8: {  	v19 =	vadd.f32 $2.000000000e+00, v19;
	v12 =	vmul.f32 v12, v7;
	v13 =	vmul.f32 v13, v7  }
0x1a9: {  	v20 =	vadd.f32 $2.000000000e+00, v20;
	v14 =	vmul.f32 v14, v7;
	v16 =	vmul.f32 v16, v7  }
0x1aa: {  	v15 =	vmax.f32 v15, $0.0e+00;
	v17 =	vmul.f32 v17, v7;
	v19 =	vmul.f32 v19, v7  }
0x1ab: {  	s9 =	simm.s32 $0x0;
	v20 =	vmul.f32 v20, v7;
	v62 =	vmax.f32 v18, $0.0e+00;
	v15 =	vmin.f32 v15, $1.790000000e+02  }
0x1ac: {  	v29 =	vld [tilespmem:s9+$0xAD00];
	v21 =	vmax.f32 v21, $0.0e+00;
	v22 =	vmax.f32 v22, $0.0e+00;
	v15 =	vtrunc.f32 v15  }
0x1ad: {  	v12 =	vmax.f32 v12, $0.0e+00;
	v13 =	vmax.f32 v13, $0.0e+00;
	v28 =	vcvt.f32.s32 v15;
	v15 =	vld [tilespmem:s9+$0xAD30]  }
0x1ae: {  	v11 =	vmax.f32 v11, $0.0e+00;
	v14 =	vmax.f32 v14, $0.0e+00;
	v16 =	vmax.f32 v16, $0.0e+00  }
0x1af: {  	v20 =	vmax.f32 v20, $0.0e+00;
	v17 =	vmax.f32 v17, $0.0e+00;
	v12 =	vmin.f32 v12, $1.900000000e+01  }
0x1b0: {  	v19 =	vmax.f32 v19, $0.0e+00;
	v13 =	vmin.f32 v13, $3.100000000e+01;
	v12 =	vtrunc.f32 v12  }
0x1b1: {  	[tilespmem:v23+s28+$0x0] =	vst.idx.msk $0xffff, v29;
	v63 =	vmin.f32 v14, $3.100000000e+01;
	v13 =	vtrunc.f32 v13;
	v12 =	vcvt.f32.s32 v12  }
0x1b2: {  	v30 =	vmin.f32 v16, $1.900000000e+01;
	v17 =	vmin.f32 v17, $3.100000000e+01;
	v13 =	vcvt.f32.s32 v13;
	[tilespmem:v24+s28+$0x0] =	vst.idx.msk $0xffff, v15  }
0x1b3: {  	s4 =	simm.s32 $0x40;
	v14 =	vmin.f32 v20, $1.900000000e+01;
	v18 =	vmin.f32 v19, $1.900000000e+01;
	v19 =	vmin.f32 v21, $1.790000000e+02;
	[tilespmem:v25+s28+$0x0] =	vst.idx.msk $0xffff, v12  }
0x1b4: {  	v16 =	vmin.f32 v22, $1.790000000e+02;
	v22 =	vor.u32 s4, v1;
	v15 =	vmin.f32 v11, $3.100000000e+01;
	v11 =	vld [tilespmem:s9+$0xAD20];
	[tilespmem:v26+s28+$0x0] =	vst.idx.msk $0xffff, v13  }
0x1b5: {  	s3 =	simm.s32 $0x80;
	s2 =	simm.s32 $0x140;
	s1 =	simm.s32 $0x0;
	v20 =	vtrunc.f32 v63;
	v21 =	vtrunc.f32 v30;
	v12 =	vld [tilespmem:s9+$0xAD10];
	v13 =	vmin.f32 v62, $1.790000000e+02;
	[tilespmem:v27+s28+$0x0] =	vst.idx.msk $0xffff, v28  }
.LBB2_14:
0x1b6: {  	v23 =	vadd.s32 s2, v0;
	v24 =	vadd.s32 s2, v2;
	v25 =	vadd.s32 s2, v3;
	s5 =	sadd.s32 $0x50, s2;
	s6 =	sadd.s32 $0xA0, s2;
	s7 =	sadd.s32 $0xF0, s2  }
0x1b7: {  	v26 =	vadd.s32 s5, v2;
	v27 =	vadd.s32 s5, v3;
	v28 =	vadd.s32 s7, v3  }
0x1b8: {  	s1 =	sadd.s32 $0x4, s1;
	v29 =	vadd.s32 s6, v2;
	v30 =	vadd.s32 s6, v3;
	v31 =	vadd.s32 s7, v2  }
0x1b9: {  	v17 =	vtrunc.f32 v17;
	v32 =	vadd.s32 s5, v0;
	v33 =	vadd.s32 s6, v0;
	p0 =	slt.u32 s1, $0xF4  }
0x1ba: {  	v15 =	vtrunc.f32 v15;
	v18 =	vtrunc.f32 v18;
	[tilespmem:v22+s28+$0x0] =	vst.idx.msk $0xffff, v12;
	v12 =	vor.u32 s4, v8  }
0x1bb: {  	v14 =	vtrunc.f32 v14;
	v19 =	vtrunc.f32 v19;
	v22 =	vld.idx.msk [tilespmem:v24+s22+$0x0], $0xffff;
	v24 =	vadd.s32 s7, v0  }
0x1bc: {  	v13 =	vtrunc.f32 v13;
	v34 =	vor.u32 s4, v9;
	v16 =	vtrunc.f32 v16;
	v28 =	vld.idx.msk [tilespmem:v28+s22+$0x0], $0xffff  }
0x1bd: {  	v20 =	vcvt.f32.s32 v20;
	v21 =	vcvt.f32.s32 v21;
	v35 =	vor.u32 s4, v10;
	v31 =	vld.idx.msk [tilespmem:v31+s22+$0x0], $0xffff  }
0x1be: {  	v36 =	vor.u32 s3, v1;
	v17 =	vcvt.f32.s32 v17;
	v18 =	vcvt.f32.s32 v18;
	v26 =	vld.idx.msk [tilespmem:v26+s22+$0x0], $0xffff  }
0x1bf: {  	v15 =	vcvt.f32.s32 v15;
	v14 =	vcvt.f32.s32 v14;
	v27 =	vld.idx.msk [tilespmem:v27+s22+$0x0], $0xffff;
	[tilespmem:v12+s28+$0x0] =	vst.idx.msk $0xffff, v21;
	v12 =	vor.u32 s3, v4  }
0x1c0: {  	v19 =	vcvt.f32.s32 v19;
	v16 =	vcvt.f32.s32 v16;
	v21 =	vld.idx.msk [tilespmem:v24+s22+$0x0], $0xffff;
	v24 =	vor.u32 s3, v5  }
0x1c1: {  	v13 =	vcvt.f32.s32 v13;
	v22 =	vadd.f32 $6.400000100e+00, v22;
	v29 =	vld.idx.msk [tilespmem:v29+s22+$0x0], $0xffff;
	[tilespmem:v34+s28+$0x0] =	vst.idx.msk $0xffff, v20;
	v20 =	vor.u32 s3, v6  }
0x1c2: {  	v37 =	vor.u32 s0, v5;
	v28 =	vadd.f32 $2.000000000e+00, v28;
	v34 =	vor.u32 s0, v4;
	v30 =	vld.idx.msk [tilespmem:v30+s22+$0x0], $0xffff;
	[tilespmem:v35+s28+$0x0] =	vst.idx.msk $0xffff, v19  }
0x1c3: {  	v22 =	vmul.f32 v22, v7;
	v19 =	vld.idx.msk [tilespmem:v25+s22+$0x0], $0xffff;
	v25 =	vadd.f32 $6.400000100e+00, v31;
	v31 =	vor.u32 s0, v6;
	[tilespmem:v36+s28+$0x0] =	vst.idx.msk $0xffff, v11;
	s0 =	sadd.s32 $0x100, s0  }
0x1c4: {  	v26 =	vadd.f32 $6.400000100e+00, v26;
	v11 =	vmul.f32 v28, v7;
	s5 =	sshra.s32 s0, $0x2;
	v35 =	vor.u32 s0, v1;
	s4 =	sadd.s32 $0x40, s0;
	v32 =	vld.idx.msk [tilespmem:v32+s22+$0x0], $0xffff;
	s6 =	sadd.s32 $0xC0, s0;
	[tilespmem:v12+s28+$0x0] =	vst.idx.msk $0xffff, v18  }
0x1c5: {  	s3 =	sadd.s32 $0x80, s0;
	v18 =	vld [tilespmem:s5+$0xAD30];
	v12 =	vmul.f32 v25, v7;
	v25 =	vor.u32 s6, v1;
	v28 =	vor.u32 s6, v8;
	[tilespmem:v24+s28+$0x0] =	vst.idx.msk $0xffff, v17  }
0x1c6: {  	v21 =	vmul.f32 v21, v7;
	v11 =	vmax.f32 v11, $0.0e+00;
	v24 =	vor.u32 s6, v9;
	v17 =	vld.idx.msk [tilespmem:v33+s22+$0x0], $0xffff;
	[tilespmem:v20+s28+$0x0] =	vst.idx.msk $0xffff, v16  }
0x1c7: {  	v11 =	vmin.f32 v11, $1.900000000e+01;
	v20 =	vor.u32 s6, v10;
	v16 =	vld.idx.msk [tilespmem:v23+s22+$0x0], $0xffff;
	v12 =	vmax.f32 v12, $0.0e+00;
	[tilespmem:v34+s28+$0x0] =	vst.idx.msk $0xffff, v14  }
0x1c8: {  	v21 =	vmax.f32 v21, $0.0e+00;
	v11 =	vtrunc.f32 v11;
	v14 =	vld [tilespmem:s5+$0xAD00];
	v23 =	vmin.f32 v12, $3.100000000e+01;
	[tilespmem:v37+s28+$0x0] =	vst.idx.msk $0xffff, v15  }
0x1c9: {  	v15 =	vmin.f32 v21, $1.790000000e+02;
	v12 =	vld [tilespmem:s5+$0xAD10];
	v21 =	vtrunc.f32 v23;
	v23 =	vcvt.f32.s32 v11;
	[tilespmem:v31+s28+$0x0] =	vst.idx.msk $0xffff, v13  }
0x1ca: {  	v13 =	vadd.f32 $2.000000000e+00, v27;
	v15 =	vtrunc.f32 v15;
	v11 =	vld [tilespmem:s5+$0xAD20];
	v21 =	vcvt.f32.s32 v21;
	[tilespmem:v25+s28+$0x0] =	vst.idx.msk $0xffff, v18  }
0x1cb: {  	v18 =	vadd.f32 $6.400000100e+00, v29;
	v25 =	vadd.f32 $2.000000000e+00, v30;
	v15 =	vcvt.f32.s32 v15;
	[tilespmem:v28+s28+$0x0] =	vst.idx.msk $0xffff, v23  }
0x1cc: {  	v19 =	vadd.f32 $2.000000000e+00, v19;
	v23 =	vmul.f32 v26, v7;
	v13 =	vmul.f32 v13, v7;
	[tilespmem:v24+s28+$0x0] =	vst.idx.msk $0xffff, v21  }
0x1cd: {  	s6 =	simm.s32 $0x3E00;
	s5 =	simm.s32 $0x4D80;
	v21 =	vmax.f32 v22, $0.0e+00;
	v18 =	vmul.f32 v18, v7;
	v22 =	vmul.f32 v25, v7;
	[tilespmem:v20+s28+$0x0] =	vst.idx.msk $0xffff, v15  }
0x1ce: {  	v15 =	vmul.f32 v19, v7;
	v19 =	vmax.f32 v23, $0.0e+00;
	[tilespmem:v35+s28+$0x0] =	vst.idx.msk $0xffff, v14;
	v14 =	vmul.f32 v32, v7  }
0x1cf: {  	v17 =	vmul.f32 v17, v7;
	v16 =	vmul.f32 v16, v7;
	v13 =	vmax.f32 v13, $0.0e+00  }
0x1d0: {  	v20 =	vmax.f32 v15, $0.0e+00;
	v15 =	vmax.f32 v18, $0.0e+00;
	v18 =	vmax.f32 v22, $0.0e+00  }
.Ltmp6:
0x1d1: {  	v23 =	vmax.f32 v17, $0.0e+00;
	v16 =	vmax.f32 v16, $0.0e+00;
	v22 =	vmax.f32 v14, $0.0e+00;
	(pc) =	sbr.rel @p0 .LBB2_14-.Ltmp6, $4  }
0x1d2: {  	v24 =	vmin.f32 v19, $3.100000000e+01;
	v25 =	vmin.f32 v13, $1.900000000e+01;
	v17 =	vmin.f32 v15, $3.100000000e+01  }
0x1d3: {  	v15 =	vmin.f32 v21, $3.100000000e+01;
	v14 =	vmin.f32 v20, $1.900000000e+01;
	v18 =	vmin.f32 v18, $1.900000000e+01  }
0x1d4: {  	v13 =	vmin.f32 v16, $1.790000000e+02;
	v16 =	vmin.f32 v23, $1.790000000e+02;
	v19 =	vmin.f32 v22, $1.790000000e+02  }
0x1d5: {  	s2 =	sadd.s32 $0x140, s2;
	v20 =	vtrunc.f32 v24;
	v21 =	vtrunc.f32 v25;
	v22 =	vor.u32 s4, v1  }
0x1d6: {  	v23 =	vor.u32 s4, v8  }
0x1d7: {  	v26 =	vor.u32 s3, v1  }
0x1d8: {  	v24 =	vor.u32 s4, v9  }
0x1d9: {  	v21 =	vcvt.f32.s32 v21;
	v55 =	vor.u32 s3, v4  }
0x1da: {  	v25 =	vor.u32 s4, v10;
	[tilespmem:v22+s28+$0x0] =	vst.idx.msk $0xffff, v12  }
0x1db: {  	v54 =	vcvt.f32.s32 v20;
	v56 =	vor.u32 s3, v5;
	v18 =	vtrunc.f32 v18;
	[tilespmem:v23+s28+$0x0] =	vst.idx.msk $0xffff, v21  }
0x1dc: {  	v53 =	vtrunc.f32 v19;
	v58 =	vor.u32 s0, v4;
	v18 =	vcvt.f32.s32 v18;
	[tilespmem:v26+s28+$0x0] =	vst.idx.msk $0xffff, v11  }
0x1dd: {  	v57 =	vor.u32 s3, v6;
	v17 =	vtrunc.f32 v17;
	v12 =	vcvt.f32.s32 v53;
	[tilespmem:v24+s28+$0x0] =	vst.idx.msk $0xffff, v54  }
0x1de: {  	v61 =	vor.u32 s0, v5;
	v60 =	vcvt.f32.s32 v17;
	v11 =	vtrunc.f32 v14;
	[tilespmem:v55+s28+$0x0] =	vst.idx.msk $0xffff, v18  }
0x1df: {  	v59 =	vtrunc.f32 v16;
	v62 =	vor.u32 s0, v6;
	v11 =	vcvt.f32.s32 v11;
	[tilespmem:v25+s28+$0x0] =	vst.idx.msk $0xffff, v12  }
0x1e0: {  	v15 =	vtrunc.f32 v15;
	v12 =	vcvt.f32.s32 v59;
	[tilespmem:v56+s28+$0x0] =	vst.idx.msk $0xffff, v60  }
0x1e1: {  	v13 =	vtrunc.f32 v13;
	v15 =	vcvt.f32.s32 v15;
	[tilespmem:v58+s28+$0x0] =	vst.idx.msk $0xffff, v11  }
0x1e2: {  	v63 =	vcvt.f32.s32 v13;
	[tilespmem:v57+s28+$0x0] =	vst.idx.msk $0xffff, v12  }
0x1e3: {  	[tilespmem:v61+s28+$0x0] =	vst.idx.msk $0xffff, v15  }
0x1e4: {  	[tilespmem:v62+s28+$0x0] =	vst.idx.msk $0xffff, v63  }
.LBB2_16:
0x1e5: {  	v11 =	vadd.s32 s5, v3  }
0x1e6: {  	v12 =	vadd.s32 s5, v2;
	_ =	sdelay $0x2  }
0x1e7: {  	v13 =	vadd.s32 s5, v0  }
0x1e8: {  	v11 =	vld.idx.msk [tilespmem:v11+s22+$0x0], $0xffff  }
0x1e9: {  	v12 =	vld.idx.msk [tilespmem:v12+s22+$0x0], $0xffff;
	_ =	sdelay $0x2  }
0x1ea: {  	v13 =	vld.idx.msk [tilespmem:v13+s22+$0x0], $0xffff  }
0x1eb: {  	v11 =	vadd.f32 $2.000000000e+00, v11  }
0x1ec: {  	v12 =	vadd.f32 $6.400000100e+00, v12  }
0x1ed: {  	s0 =	sshra.s32 s6, $0x2;
	v11 =	vmul.f32 v11, v7  }
0x1ee: {  	v14 =	vor.u32 s6, v1;
	v16 =	vor.u32 s6, v4;
	v15 =	vld [tilespmem:s0+$0xAD00];
	v12 =	vmul.f32 v12, v7  }
0x1ef: {  	v17 =	vor.u32 s6, v5;
	v13 =	vmul.f32 v13, v7;
	v11 =	vmax.f32 v11, $0.0e+00  }
0x1f0: {  	v18 =	vor.u32 s6, v6;
	v12 =	vmax.f32 v12, $0.0e+00;
	v11 =	vmin.f32 v11, $1.900000000e+01  }
0x1f1: {  	p0 =	sne.s32 s5, $0x4DD0;
	v13 =	vmax.f32 v13, $0.0e+00;
	v12 =	vmin.f32 v12, $3.100000000e+01;
	v11 =	vtrunc.f32 v11  }
.Ltmp7:
0x1f2: {  	v13 =	vmin.f32 v13, $1.790000000e+02;
	v12 =	vtrunc.f32 v12;
	v11 =	vcvt.f32.s32 v11;
	(pc) =	sbr.rel @p0 .LBB2_16-.Ltmp7, $4  }
0x1f3: {  	[tilespmem:v14+s28+$0x0] =	vst.idx.msk $0xffff, v15;
	v13 =	vtrunc.f32 v13;
	v12 =	vcvt.f32.s32 v12  }
0x1f4: {  	[tilespmem:v16+s28+$0x0] =	vst.idx.msk $0xffff, v11;
	v11 =	vcvt.f32.s32 v13  }
0x1f5: {  	[tilespmem:v17+s28+$0x0] =	vst.idx.msk $0xffff, v12  }
0x1f6: {  	s6 =	sadd.s32 $0x40, s6;
	s5 =	sadd.s32 $0x50, s5;
	[tilespmem:v18+s28+$0x0] =	vst.idx.msk $0xffff, v11  }
0x1f7: {  	s1 =	sld [smem:$0x7FA];
	_ =	sdelay $0x1  }
0x1f8: {  	s0 =	simm.s32 $0x0  }
0x1f9: {  	[hbm4b:s1+s0] =	stream.linear.scatter [tilespmem:s28], [sflag:$0x4], $0x3E80, $0x38;
	[tilespmem:$0x13A00] =	vst v63  }
0x1fa: {  	s4 =	rddreg [dreg:$0x9]  }
0x1fb: {  	[tilespmem:s22], [sflag:$0x2] =	stream.linear.gather [hbm4b:s4+s0], $0x4E20, $0x38;
	[tilespmem:$0x13A00] =	vst v63  }
0x1fc: {  	s5 =	rddreg [dreg:$0x19]  }
0x1fd: {  	[tilespmem:s23], [sflag:$0x2] =	stream.linear.gather [hbm4b:s5+s0], $0xFA0, $0x38;
	[tilespmem:$0x13A00] =	vst v63  }
0x1fe: {  	_ =	swait.ge [sflag:s24], $0x4E20  }
0x1ff: {  	[sflag:s24] =	ssyncset.done $0x0  }
0x200: {  	[sflag:s24] =	ssyncadd.s32 $0xFFFFB1E0  }
0x201: {  	_ =	swait.ge [sflag:s24], $0xFA0  }
0x202: {  	s6 =	simm.s32 $0xF0;
	v11 =	vadd.s32 s0, v2;
	[sflag:s24] =	ssyncset.done $0x0  }
0x203: {  	v12 =	vadd.s32 s6, v3;
	[sflag:s24] =	ssyncadd.s32 $0xFFFFF060  }
0x204: {  	s2 =	simm.s32 $0x50;
	v13 =	vadd.s32 s6, v2;
	_ =	swait.ge [sflag:s29], $0x3E80  }
0x205: {  	v14 =	vadd.s32 s2, v2;
	[sflag:s29] =	ssyncset.done $0x0  }
0x206: {  	v15 =	vadd.s32 s6, v0;
	[sflag:s29] =	ssyncadd.s32 $0xFFFFC180  }
0x207: {  	s7 =	simm.s32 $0xA0;
	v16 =	vadd.s32 s2, v3;
	v11 =	vld.idx.msk [tilespmem:v11+s17+$0x0], $0xffff  }
0x208: {  	v17 =	vadd.s32 s7, v2;
	v12 =	vld.idx.msk [tilespmem:v12+s17+$0x0], $0xffff  }
0x209: {  	v21 =	vadd.s32 s2, v0;
	v13 =	vld.idx.msk [tilespmem:v13+s17+$0x0], $0xffff  }
0x20a: {  	v18 =	vadd.s32 s0, v0;
	v14 =	vld.idx.msk [tilespmem:v14+s17+$0x0], $0xffff  }
0x20b: {  	v22 =	vadd.s32 s7, v0;
	v15 =	vld.idx.msk [tilespmem:v15+s17+$0x0], $0xffff  }
0x20c: {  	v19 =	vadd.s32 s7, v3;
	v16 =	vld.idx.msk [tilespmem:v16+s17+$0x0], $0xffff  }
0x20d: {  	v20 =	vadd.s32 s0, v3;
	v17 =	vld.idx.msk [tilespmem:v17+s17+$0x0], $0xffff  }
0x20e: {  	v21 =	vld.idx.msk [tilespmem:v21+s17+$0x0], $0xffff  }
0x20f: {  	v18 =	vld.idx.msk [tilespmem:v18+s17+$0x0], $0xffff  }
0x210: {  	s8 =	simm.s32 $0xC0;
	v23 =	vor.u32 s0, v1;
	v22 =	vld.idx.msk [tilespmem:v22+s17+$0x0], $0xffff  }
0x211: {  	v24 =	vor.u32 s8, v1;
	v25 =	vor.u32 s8, v8;
	v26 =	vor.u32 s8, v9;
	v19 =	vld.idx.msk [tilespmem:v19+s17+$0x0], $0xffff  }
0x212: {  	v27 =	vor.u32 s8, v10;
	v20 =	vld.idx.msk [tilespmem:v20+s17+$0x0], $0xffff;
	v11 =	vadd.f32 $6.400000100e+00, v11;
	v12 =	vadd.f32 $2.000000000e+00, v12  }
0x213: {  	v13 =	vadd.f32 $6.400000100e+00, v13;
	v14 =	vadd.f32 $6.400000100e+00, v14;
	v15 =	vmul.f32 v15, v7  }
0x214: {  	v16 =	vadd.f32 $2.000000000e+00, v16;
	v21 =	vmul.f32 v21, v7;
	v18 =	vmul.f32 v18, v7  }
0x215: {  	v17 =	vadd.f32 $6.400000100e+00, v17;
	v22 =	vmul.f32 v22, v7;
	v11 =	vmul.f32 v11, v7  }
0x216: {  	v19 =	vadd.f32 $2.000000000e+00, v19;
	v12 =	vmul.f32 v12, v7;
	v13 =	vmul.f32 v13, v7  }
0x217: {  	v20 =	vadd.f32 $2.000000000e+00, v20;
	v14 =	vmul.f32 v14, v7;
	v16 =	vmul.f32 v16, v7  }
0x218: {  	v15 =	vmax.f32 v15, $0.0e+00;
	v17 =	vmul.f32 v17, v7;
	v19 =	vmul.f32 v19, v7  }
0x219: {  	s9 =	simm.s32 $0x0;
	v20 =	vmul.f32 v20, v7;
	v62 =	vmax.f32 v18, $0.0e+00;
	v15 =	vmin.f32 v15, $1.790000000e+02  }
0x21a: {  	v29 =	vld [tilespmem:s9+$0x9D00];
	v21 =	vmax.f32 v21, $0.0e+00;
	v22 =	vmax.f32 v22, $0.0e+00;
	v15 =	vtrunc.f32 v15  }
0x21b: {  	v12 =	vmax.f32 v12, $0.0e+00;
	v13 =	vmax.f32 v13, $0.0e+00;
	v28 =	vcvt.f32.s32 v15;
	v15 =	vld [tilespmem:s9+$0x9D30]  }
0x21c: {  	v11 =	vmax.f32 v11, $0.0e+00;
	v14 =	vmax.f32 v14, $0.0e+00;
	v16 =	vmax.f32 v16, $0.0e+00  }
0x21d: {  	v20 =	vmax.f32 v20, $0.0e+00;
	v17 =	vmax.f32 v17, $0.0e+00;
	v12 =	vmin.f32 v12, $1.900000000e+01  }
0x21e: {  	v19 =	vmax.f32 v19, $0.0e+00;
	v13 =	vmin.f32 v13, $3.100000000e+01;
	v12 =	vtrunc.f32 v12  }
0x21f: {  	[tilespmem:v23+s25+$0x0] =	vst.idx.msk $0xffff, v29;
	v63 =	vmin.f32 v14, $3.100000000e+01;
	v13 =	vtrunc.f32 v13;
	v12 =	vcvt.f32.s32 v12  }
0x220: {  	v30 =	vmin.f32 v16, $1.900000000e+01;
	v17 =	vmin.f32 v17, $3.100000000e+01;
	v13 =	vcvt.f32.s32 v13;
	[tilespmem:v24+s25+$0x0] =	vst.idx.msk $0xffff, v15  }
0x221: {  	s4 =	simm.s32 $0x40;
	v14 =	vmin.f32 v20, $1.900000000e+01;
	v18 =	vmin.f32 v19, $1.900000000e+01;
	v19 =	vmin.f32 v21, $1.790000000e+02;
	[tilespmem:v25+s25+$0x0] =	vst.idx.msk $0xffff, v12  }
0x222: {  	v16 =	vmin.f32 v22, $1.790000000e+02;
	v22 =	vor.u32 s4, v1;
	v15 =	vmin.f32 v11, $3.100000000e+01;
	v11 =	vld [tilespmem:s9+$0x9D20];
	[tilespmem:v26+s25+$0x0] =	vst.idx.msk $0xffff, v13  }
0x223: {  	s3 =	simm.s32 $0x80;
	s2 =	simm.s32 $0x140;
	s1 =	simm.s32 $0x0;
	v20 =	vtrunc.f32 v63;
	v21 =	vtrunc.f32 v30;
	v12 =	vld [tilespmem:s9+$0x9D10];
	v13 =	vmin.f32 v62, $1.790000000e+02;
	[tilespmem:v27+s25+$0x0] =	vst.idx.msk $0xffff, v28  }
.LBB2_18:
0x224: {  	v23 =	vadd.s32 s2, v0;
	v24 =	vadd.s32 s2, v2;
	v25 =	vadd.s32 s2, v3;
	s5 =	sadd.s32 $0x50, s2;
	s6 =	sadd.s32 $0xA0, s2;
	s7 =	sadd.s32 $0xF0, s2  }
0x225: {  	v26 =	vadd.s32 s5, v2;
	v27 =	vadd.s32 s5, v3;
	v28 =	vadd.s32 s7, v3  }
0x226: {  	s1 =	sadd.s32 $0x4, s1;
	v29 =	vadd.s32 s6, v2;
	v30 =	vadd.s32 s6, v3;
	v31 =	vadd.s32 s7, v2  }
0x227: {  	v17 =	vtrunc.f32 v17;
	v32 =	vadd.s32 s5, v0;
	v33 =	vadd.s32 s6, v0;
	p0 =	slt.u32 s1, $0xF4  }
0x228: {  	v15 =	vtrunc.f32 v15;
	v18 =	vtrunc.f32 v18;
	[tilespmem:v22+s25+$0x0] =	vst.idx.msk $0xffff, v12;
	v12 =	vor.u32 s4, v8  }
0x229: {  	v14 =	vtrunc.f32 v14;
	v19 =	vtrunc.f32 v19;
	v22 =	vld.idx.msk [tilespmem:v24+s17+$0x0], $0xffff;
	v24 =	vadd.s32 s7, v0  }
0x22a: {  	v13 =	vtrunc.f32 v13;
	v34 =	vor.u32 s4, v9;
	v16 =	vtrunc.f32 v16;
	v28 =	vld.idx.msk [tilespmem:v28+s17+$0x0], $0xffff  }
0x22b: {  	v20 =	vcvt.f32.s32 v20;
	v21 =	vcvt.f32.s32 v21;
	v35 =	vor.u32 s4, v10;
	v31 =	vld.idx.msk [tilespmem:v31+s17+$0x0], $0xffff  }
0x22c: {  	v36 =	vor.u32 s3, v1;
	v17 =	vcvt.f32.s32 v17;
	v18 =	vcvt.f32.s32 v18;
	v26 =	vld.idx.msk [tilespmem:v26+s17+$0x0], $0xffff  }
0x22d: {  	v15 =	vcvt.f32.s32 v15;
	v14 =	vcvt.f32.s32 v14;
	v27 =	vld.idx.msk [tilespmem:v27+s17+$0x0], $0xffff;
	[tilespmem:v12+s25+$0x0] =	vst.idx.msk $0xffff, v21;
	v12 =	vor.u32 s3, v4  }
0x22e: {  	v19 =	vcvt.f32.s32 v19;
	v16 =	vcvt.f32.s32 v16;
	v21 =	vld.idx.msk [tilespmem:v24+s17+$0x0], $0xffff;
	v24 =	vor.u32 s3, v5  }
0x22f: {  	v13 =	vcvt.f32.s32 v13;
	v22 =	vadd.f32 $6.400000100e+00, v22;
	v29 =	vld.idx.msk [tilespmem:v29+s17+$0x0], $0xffff;
	[tilespmem:v34+s25+$0x0] =	vst.idx.msk $0xffff, v20;
	v20 =	vor.u32 s3, v6  }
0x230: {  	v37 =	vor.u32 s0, v5;
	v28 =	vadd.f32 $2.000000000e+00, v28;
	v34 =	vor.u32 s0, v4;
	v30 =	vld.idx.msk [tilespmem:v30+s17+$0x0], $0xffff;
	[tilespmem:v35+s25+$0x0] =	vst.idx.msk $0xffff, v19  }
0x231: {  	v22 =	vmul.f32 v22, v7;
	v19 =	vld.idx.msk [tilespmem:v25+s17+$0x0], $0xffff;
	v25 =	vadd.f32 $6.400000100e+00, v31;
	v31 =	vor.u32 s0, v6;
	[tilespmem:v36+s25+$0x0] =	vst.idx.msk $0xffff, v11;
	s0 =	sadd.s32 $0x100, s0  }
0x232: {  	v26 =	vadd.f32 $6.400000100e+00, v26;
	v11 =	vmul.f32 v28, v7;
	s5 =	sshra.s32 s0, $0x2;
	v35 =	vor.u32 s0, v1;
	s4 =	sadd.s32 $0x40, s0;
	v32 =	vld.idx.msk [tilespmem:v32+s17+$0x0], $0xffff;
	s6 =	sadd.s32 $0xC0, s0;
	[tilespmem:v12+s25+$0x0] =	vst.idx.msk $0xffff, v18  }
0x233: {  	s3 =	sadd.s32 $0x80, s0;
	v18 =	vld [tilespmem:s5+$0x9D30];
	v12 =	vmul.f32 v25, v7;
	v25 =	vor.u32 s6, v1;
	v28 =	vor.u32 s6, v8;
	[tilespmem:v24+s25+$0x0] =	vst.idx.msk $0xffff, v17  }
0x234: {  	v21 =	vmul.f32 v21, v7;
	v11 =	vmax.f32 v11, $0.0e+00;
	v24 =	vor.u32 s6, v9;
	v17 =	vld.idx.msk [tilespmem:v33+s17+$0x0], $0xffff;
	[tilespmem:v20+s25+$0x0] =	vst.idx.msk $0xffff, v16  }
0x235: {  	v11 =	vmin.f32 v11, $1.900000000e+01;
	v20 =	vor.u32 s6, v10;
	v16 =	vld.idx.msk [tilespmem:v23+s17+$0x0], $0xffff;
	v12 =	vmax.f32 v12, $0.0e+00;
	[tilespmem:v34+s25+$0x0] =	vst.idx.msk $0xffff, v14  }
0x236: {  	v21 =	vmax.f32 v21, $0.0e+00;
	v11 =	vtrunc.f32 v11;
	v14 =	vld [tilespmem:s5+$0x9D00];
	v23 =	vmin.f32 v12, $3.100000000e+01;
	[tilespmem:v37+s25+$0x0] =	vst.idx.msk $0xffff, v15  }
0x237: {  	v15 =	vmin.f32 v21, $1.790000000e+02;
	v12 =	vld [tilespmem:s5+$0x9D10];
	v21 =	vtrunc.f32 v23;
	v23 =	vcvt.f32.s32 v11;
	[tilespmem:v31+s25+$0x0] =	vst.idx.msk $0xffff, v13  }
0x238: {  	v13 =	vadd.f32 $2.000000000e+00, v27;
	v15 =	vtrunc.f32 v15;
	v11 =	vld [tilespmem:s5+$0x9D20];
	v21 =	vcvt.f32.s32 v21;
	[tilespmem:v25+s25+$0x0] =	vst.idx.msk $0xffff, v18  }
0x239: {  	v18 =	vadd.f32 $6.400000100e+00, v29;
	v25 =	vadd.f32 $2.000000000e+00, v30;
	v15 =	vcvt.f32.s32 v15;
	[tilespmem:v28+s25+$0x0] =	vst.idx.msk $0xffff, v23  }
0x23a: {  	v19 =	vadd.f32 $2.000000000e+00, v19;
	v23 =	vmul.f32 v26, v7;
	v13 =	vmul.f32 v13, v7;
	[tilespmem:v24+s25+$0x0] =	vst.idx.msk $0xffff, v21  }
0x23b: {  	s6 =	simm.s32 $0x3E00;
	s5 =	simm.s32 $0x4D80;
	v21 =	vmax.f32 v22, $0.0e+00;
	v18 =	vmul.f32 v18, v7;
	v22 =	vmul.f32 v25, v7;
	[tilespmem:v20+s25+$0x0] =	vst.idx.msk $0xffff, v15  }
0x23c: {  	v15 =	vmul.f32 v19, v7;
	v19 =	vmax.f32 v23, $0.0e+00;
	[tilespmem:v35+s25+$0x0] =	vst.idx.msk $0xffff, v14;
	v14 =	vmul.f32 v32, v7  }
0x23d: {  	v17 =	vmul.f32 v17, v7;
	v16 =	vmul.f32 v16, v7;
	v13 =	vmax.f32 v13, $0.0e+00  }
0x23e: {  	v20 =	vmax.f32 v15, $0.0e+00;
	v15 =	vmax.f32 v18, $0.0e+00;
	v18 =	vmax.f32 v22, $0.0e+00  }
.Ltmp8:
0x23f: {  	v23 =	vmax.f32 v17, $0.0e+00;
	v16 =	vmax.f32 v16, $0.0e+00;
	v22 =	vmax.f32 v14, $0.0e+00;
	(pc) =	sbr.rel @p0 .LBB2_18-.Ltmp8, $4  }
0x240: {  	v24 =	vmin.f32 v19, $3.100000000e+01;
	v25 =	vmin.f32 v13, $1.900000000e+01;
	v17 =	vmin.f32 v15, $3.100000000e+01  }
0x241: {  	v15 =	vmin.f32 v21, $3.100000000e+01;
	v14 =	vmin.f32 v20, $1.900000000e+01;
	v18 =	vmin.f32 v18, $1.900000000e+01  }
0x242: {  	v13 =	vmin.f32 v16, $1.790000000e+02;
	v16 =	vmin.f32 v23, $1.790000000e+02;
	v19 =	vmin.f32 v22, $1.790000000e+02  }
0x243: {  	s2 =	sadd.s32 $0x140, s2;
	v20 =	vtrunc.f32 v24;
	v21 =	vtrunc.f32 v25;
	v22 =	vor.u32 s4, v1  }
0x244: {  	v23 =	vor.u32 s4, v8  }
0x245: {  	v26 =	vor.u32 s3, v1  }
0x246: {  	v24 =	vor.u32 s4, v9  }
0x247: {  	v21 =	vcvt.f32.s32 v21;
	v55 =	vor.u32 s3, v4  }
0x248: {  	v25 =	vor.u32 s4, v10;
	[tilespmem:v22+s25+$0x0] =	vst.idx.msk $0xffff, v12  }
0x249: {  	v54 =	vcvt.f32.s32 v20;
	v56 =	vor.u32 s3, v5;
	v18 =	vtrunc.f32 v18;
	[tilespmem:v23+s25+$0x0] =	vst.idx.msk $0xffff, v21  }
0x24a: {  	v53 =	vtrunc.f32 v19;
	v58 =	vor.u32 s0, v4;
	v18 =	vcvt.f32.s32 v18;
	[tilespmem:v26+s25+$0x0] =	vst.idx.msk $0xffff, v11  }
0x24b: {  	v57 =	vor.u32 s3, v6;
	v17 =	vtrunc.f32 v17;
	v12 =	vcvt.f32.s32 v53;
	[tilespmem:v24+s25+$0x0] =	vst.idx.msk $0xffff, v54  }
0x24c: {  	v61 =	vor.u32 s0, v5;
	v60 =	vcvt.f32.s32 v17;
	v11 =	vtrunc.f32 v14;
	[tilespmem:v55+s25+$0x0] =	vst.idx.msk $0xffff, v18  }
0x24d: {  	v59 =	vtrunc.f32 v16;
	v62 =	vor.u32 s0, v6;
	v11 =	vcvt.f32.s32 v11;
	[tilespmem:v25+s25+$0x0] =	vst.idx.msk $0xffff, v12  }
0x24e: {  	v15 =	vtrunc.f32 v15;
	v12 =	vcvt.f32.s32 v59;
	[tilespmem:v56+s25+$0x0] =	vst.idx.msk $0xffff, v60  }
0x24f: {  	v13 =	vtrunc.f32 v13;
	v15 =	vcvt.f32.s32 v15;
	[tilespmem:v58+s25+$0x0] =	vst.idx.msk $0xffff, v11  }
0x250: {  	v63 =	vcvt.f32.s32 v13;
	[tilespmem:v57+s25+$0x0] =	vst.idx.msk $0xffff, v12  }
0x251: {  	[tilespmem:v61+s25+$0x0] =	vst.idx.msk $0xffff, v15  }
0x252: {  	[tilespmem:v62+s25+$0x0] =	vst.idx.msk $0xffff, v63  }
.LBB2_20:
0x253: {  	v11 =	vadd.s32 s5, v3  }
0x254: {  	v12 =	vadd.s32 s5, v2;
	_ =	sdelay $0x2  }
0x255: {  	v13 =	vadd.s32 s5, v0  }
0x256: {  	v11 =	vld.idx.msk [tilespmem:v11+s17+$0x0], $0xffff  }
0x257: {  	v12 =	vld.idx.msk [tilespmem:v12+s17+$0x0], $0xffff;
	_ =	sdelay $0x2  }
0x258: {  	v13 =	vld.idx.msk [tilespmem:v13+s17+$0x0], $0xffff  }
0x259: {  	v11 =	vadd.f32 $2.000000000e+00, v11  }
0x25a: {  	v12 =	vadd.f32 $6.400000100e+00, v12  }
0x25b: {  	s0 =	sshra.s32 s6, $0x2;
	v11 =	vmul.f32 v11, v7  }
0x25c: {  	v14 =	vor.u32 s6, v1;
	v16 =	vor.u32 s6, v4;
	v15 =	vld [tilespmem:s0+$0x9D00];
	v12 =	vmul.f32 v12, v7  }
0x25d: {  	v17 =	vor.u32 s6, v5;
	v13 =	vmul.f32 v13, v7;
	v11 =	vmax.f32 v11, $0.0e+00  }
0x25e: {  	v18 =	vor.u32 s6, v6;
	v12 =	vmax.f32 v12, $0.0e+00;
	v11 =	vmin.f32 v11, $1.900000000e+01  }
0x25f: {  	p0 =	sne.s32 s5, $0x4DD0;
	v13 =	vmax.f32 v13, $0.0e+00;
	v12 =	vmin.f32 v12, $3.100000000e+01;
	v11 =	vtrunc.f32 v11  }
.Ltmp9:
0x260: {  	v13 =	vmin.f32 v13, $1.790000000e+02;
	v12 =	vtrunc.f32 v12;
	v11 =	vcvt.f32.s32 v11;
	(pc) =	sbr.rel @p0 .LBB2_20-.Ltmp9, $4  }
0x261: {  	[tilespmem:v14+s25+$0x0] =	vst.idx.msk $0xffff, v15;
	v13 =	vtrunc.f32 v13;
	v12 =	vcvt.f32.s32 v12  }
0x262: {  	[tilespmem:v16+s25+$0x0] =	vst.idx.msk $0xffff, v11;
	v11 =	vcvt.f32.s32 v13  }
0x263: {  	[tilespmem:v17+s25+$0x0] =	vst.idx.msk $0xffff, v12  }
0x264: {  	s6 =	sadd.s32 $0x40, s6;
	s5 =	sadd.s32 $0x50, s5;
	[tilespmem:v18+s25+$0x0] =	vst.idx.msk $0xffff, v11  }
0x265: {  	s1 =	sld [smem:$0x7FB];
	_ =	sdelay $0x1  }
0x266: {  	s0 =	simm.s32 $0x0  }
0x267: {  	[hbm4b:s1+s0] =	stream.linear.scatter [tilespmem:s25], [sflag:$0x3], $0x3E80, $0x38;
	[tilespmem:$0x13A00] =	vst v63  }
0x268: {  	s4 =	rddreg [dreg:$0xa]  }
0x269: {  	[tilespmem:s0], [sflag:$0x1] =	stream.linear.gather [hbm4b:s4+s0], $0x4E20, $0x38;
	[tilespmem:$0x13A00] =	vst v63  }
0x26a: {  	s5 =	rddreg [dreg:$0x1a]  }
0x26b: {  	[tilespmem:s21], [sflag:$0x1] =	stream.linear.gather [hbm4b:s5+s0], $0xFA0, $0x38;
	[tilespmem:$0x13A00] =	vst v63  }
0x26c: {  	_ =	swait.ge [sflag:s26], $0x4E20  }
0x26d: {  	[sflag:s26] =	ssyncset.done $0x0  }
0x26e: {  	[sflag:s26] =	ssyncadd.s32 $0xFFFFB1E0  }
0x26f: {  	_ =	swait.ge [sflag:s26], $0xFA0  }
0x270: {  	s6 =	simm.s32 $0xF0;
	v11 =	vadd.s32 s0, v2;
	[sflag:s26] =	ssyncset.done $0x0  }
0x271: {  	v12 =	vadd.s32 s6, v3;
	[sflag:s26] =	ssyncadd.s32 $0xFFFFF060  }
0x272: {  	s2 =	simm.s32 $0x50;
	v13 =	vadd.s32 s6, v2;
	_ =	swait.ge [sflag:s30], $0x3E80  }
0x273: {  	v14 =	vadd.s32 s2, v2;
	[sflag:s30] =	ssyncset.done $0x0  }
0x274: {  	v15 =	vadd.s32 s6, v0;
	[sflag:s30] =	ssyncadd.s32 $0xFFFFC180  }
0x275: {  	s7 =	simm.s32 $0xA0;
	v16 =	vadd.s32 s2, v3;
	v11 =	vld.idx.msk [tilespmem:v11+s22+$0x0], $0xffff  }
0x276: {  	v17 =	vadd.s32 s7, v2;
	v12 =	vld.idx.msk [tilespmem:v12+s22+$0x0], $0xffff  }
0x277: {  	v21 =	vadd.s32 s2, v0;
	v13 =	vld.idx.msk [tilespmem:v13+s22+$0x0], $0xffff  }
0x278: {  	v18 =	vadd.s32 s0, v0;
	v14 =	vld.idx.msk [tilespmem:v14+s22+$0x0], $0xffff  }
0x279: {  	v22 =	vadd.s32 s7, v0;
	v15 =	vld.idx.msk [tilespmem:v15+s22+$0x0], $0xffff  }
0x27a: {  	v19 =	vadd.s32 s7, v3;
	v16 =	vld.idx.msk [tilespmem:v16+s22+$0x0], $0xffff  }
0x27b: {  	v20 =	vadd.s32 s0, v3;
	v17 =	vld.idx.msk [tilespmem:v17+s22+$0x0], $0xffff  }
0x27c: {  	v21 =	vld.idx.msk [tilespmem:v21+s22+$0x0], $0xffff  }
0x27d: {  	v18 =	vld.idx.msk [tilespmem:v18+s22+$0x0], $0xffff  }
0x27e: {  	s8 =	simm.s32 $0xC0;
	v23 =	vor.u32 s0, v1;
	v22 =	vld.idx.msk [tilespmem:v22+s22+$0x0], $0xffff  }
0x27f: {  	v24 =	vor.u32 s8, v1;
	v25 =	vor.u32 s8, v8;
	v26 =	vor.u32 s8, v9;
	v19 =	vld.idx.msk [tilespmem:v19+s22+$0x0], $0xffff  }
0x280: {  	v27 =	vor.u32 s8, v10;
	v20 =	vld.idx.msk [tilespmem:v20+s22+$0x0], $0xffff;
	v11 =	vadd.f32 $6.400000100e+00, v11;
	v12 =	vadd.f32 $2.000000000e+00, v12  }
0x281: {  	v13 =	vadd.f32 $6.400000100e+00, v13;
	v14 =	vadd.f32 $6.400000100e+00, v14;
	v15 =	vmul.f32 v15, v7  }
0x282: {  	v16 =	vadd.f32 $2.000000000e+00, v16;
	v21 =	vmul.f32 v21, v7;
	v18 =	vmul.f32 v18, v7  }
0x283: {  	v17 =	vadd.f32 $6.400000100e+00, v17;
	v22 =	vmul.f32 v22, v7;
	v11 =	vmul.f32 v11, v7  }
0x284: {  	v19 =	vadd.f32 $2.000000000e+00, v19;
	v12 =	vmul.f32 v12, v7;
	v13 =	vmul.f32 v13, v7  }
0x285: {  	v20 =	vadd.f32 $2.000000000e+00, v20;
	v14 =	vmul.f32 v14, v7;
	v16 =	vmul.f32 v16, v7  }
0x286: {  	v15 =	vmax.f32 v15, $0.0e+00;
	v17 =	vmul.f32 v17, v7;
	v19 =	vmul.f32 v19, v7  }
0x287: {  	s9 =	simm.s32 $0x0;
	v20 =	vmul.f32 v20, v7;
	v62 =	vmax.f32 v18, $0.0e+00;
	v15 =	vmin.f32 v15, $1.790000000e+02  }
0x288: {  	v29 =	vld [tilespmem:s9+$0xAD00];
	v21 =	vmax.f32 v21, $0.0e+00;
	v22 =	vmax.f32 v22, $0.0e+00;
	v15 =	vtrunc.f32 v15  }
0x289: {  	v12 =	vmax.f32 v12, $0.0e+00;
	v13 =	vmax.f32 v13, $0.0e+00;
	v28 =	vcvt.f32.s32 v15;
	v15 =	vld [tilespmem:s9+$0xAD30]  }
0x28a: {  	v11 =	vmax.f32 v11, $0.0e+00;
	v14 =	vmax.f32 v14, $0.0e+00;
	v16 =	vmax.f32 v16, $0.0e+00  }
0x28b: {  	v20 =	vmax.f32 v20, $0.0e+00;
	v17 =	vmax.f32 v17, $0.0e+00;
	v12 =	vmin.f32 v12, $1.900000000e+01  }
0x28c: {  	v19 =	vmax.f32 v19, $0.0e+00;
	v13 =	vmin.f32 v13, $3.100000000e+01;
	v12 =	vtrunc.f32 v12  }
0x28d: {  	[tilespmem:v23+s28+$0x0] =	vst.idx.msk $0xffff, v29;
	v63 =	vmin.f32 v14, $3.100000000e+01;
	v13 =	vtrunc.f32 v13;
	v12 =	vcvt.f32.s32 v12  }
0x28e: {  	v30 =	vmin.f32 v16, $1.900000000e+01;
	v17 =	vmin.f32 v17, $3.100000000e+01;
	v13 =	vcvt.f32.s32 v13;
	[tilespmem:v24+s28+$0x0] =	vst.idx.msk $0xffff, v15  }
0x28f: {  	s4 =	simm.s32 $0x40;
	v14 =	vmin.f32 v20, $1.900000000e+01;
	v18 =	vmin.f32 v19, $1.900000000e+01;
	v19 =	vmin.f32 v21, $1.790000000e+02;
	[tilespmem:v25+s28+$0x0] =	vst.idx.msk $0xffff, v12  }
0x290: {  	v16 =	vmin.f32 v22, $1.790000000e+02;
	v22 =	vor.u32 s4, v1;
	v15 =	vmin.f32 v11, $3.100000000e+01;
	v11 =	vld [tilespmem:s9+$0xAD20];
	[tilespmem:v26+s28+$0x0] =	vst.idx.msk $0xffff, v13  }
0x291: {  	s3 =	simm.s32 $0x80;
	s2 =	simm.s32 $0x140;
	s1 =	simm.s32 $0x0;
	v20 =	vtrunc.f32 v63;
	v21 =	vtrunc.f32 v30;
	v12 =	vld [tilespmem:s9+$0xAD10];
	v13 =	vmin.f32 v62, $1.790000000e+02;
	[tilespmem:v27+s28+$0x0] =	vst.idx.msk $0xffff, v28  }
.LBB2_22:
0x292: {  	v23 =	vadd.s32 s2, v0;
	v24 =	vadd.s32 s2, v2;
	v25 =	vadd.s32 s2, v3;
	s5 =	sadd.s32 $0x50, s2;
	s6 =	sadd.s32 $0xA0, s2;
	s7 =	sadd.s32 $0xF0, s2  }
0x293: {  	v26 =	vadd.s32 s5, v2;
	v27 =	vadd.s32 s5, v3;
	v28 =	vadd.s32 s7, v3  }
0x294: {  	s1 =	sadd.s32 $0x4, s1;
	v29 =	vadd.s32 s6, v2;
	v30 =	vadd.s32 s6, v3;
	v31 =	vadd.s32 s7, v2  }
0x295: {  	v17 =	vtrunc.f32 v17;
	v32 =	vadd.s32 s5, v0;
	v33 =	vadd.s32 s6, v0;
	p0 =	slt.u32 s1, $0xF4  }
0x296: {  	v15 =	vtrunc.f32 v15;
	v18 =	vtrunc.f32 v18;
	[tilespmem:v22+s28+$0x0] =	vst.idx.msk $0xffff, v12;
	v12 =	vor.u32 s4, v8  }
0x297: {  	v14 =	vtrunc.f32 v14;
	v19 =	vtrunc.f32 v19;
	v22 =	vld.idx.msk [tilespmem:v24+s22+$0x0], $0xffff;
	v24 =	vadd.s32 s7, v0  }
0x298: {  	v13 =	vtrunc.f32 v13;
	v34 =	vor.u32 s4, v9;
	v16 =	vtrunc.f32 v16;
	v28 =	vld.idx.msk [tilespmem:v28+s22+$0x0], $0xffff  }
0x299: {  	v20 =	vcvt.f32.s32 v20;
	v21 =	vcvt.f32.s32 v21;
	v35 =	vor.u32 s4, v10;
	v31 =	vld.idx.msk [tilespmem:v31+s22+$0x0], $0xffff  }
0x29a: {  	v36 =	vor.u32 s3, v1;
	v17 =	vcvt.f32.s32 v17;
	v18 =	vcvt.f32.s32 v18;
	v26 =	vld.idx.msk [tilespmem:v26+s22+$0x0], $0xffff  }
0x29b: {  	v15 =	vcvt.f32.s32 v15;
	v14 =	vcvt.f32.s32 v14;
	v27 =	vld.idx.msk [tilespmem:v27+s22+$0x0], $0xffff;
	[tilespmem:v12+s28+$0x0] =	vst.idx.msk $0xffff, v21;
	v12 =	vor.u32 s3, v4  }
0x29c: {  	v19 =	vcvt.f32.s32 v19;
	v16 =	vcvt.f32.s32 v16;
	v21 =	vld.idx.msk [tilespmem:v24+s22+$0x0], $0xffff;
	v24 =	vor.u32 s3, v5  }
0x29d: {  	v13 =	vcvt.f32.s32 v13;
	v22 =	vadd.f32 $6.400000100e+00, v22;
	v29 =	vld.idx.msk [tilespmem:v29+s22+$0x0], $0xffff;
	[tilespmem:v34+s28+$0x0] =	vst.idx.msk $0xffff, v20;
	v20 =	vor.u32 s3, v6  }
0x29e: {  	v37 =	vor.u32 s0, v5;
	v28 =	vadd.f32 $2.000000000e+00, v28;
	v34 =	vor.u32 s0, v4;
	v30 =	vld.idx.msk [tilespmem:v30+s22+$0x0], $0xffff;
	[tilespmem:v35+s28+$0x0] =	vst.idx.msk $0xffff, v19  }
0x29f: {  	v22 =	vmul.f32 v22, v7;
	v19 =	vld.idx.msk [tilespmem:v25+s22+$0x0], $0xffff;
	v25 =	vadd.f32 $6.400000100e+00, v31;
	v31 =	vor.u32 s0, v6;
	[tilespmem:v36+s28+$0x0] =	vst.idx.msk $0xffff, v11;
	s0 =	sadd.s32 $0x100, s0  }
0x2a0: {  	v26 =	vadd.f32 $6.400000100e+00, v26;
	v11 =	vmul.f32 v28, v7;
	s5 =	sshra.s32 s0, $0x2;
	v35 =	vor.u32 s0, v1;
	s4 =	sadd.s32 $0x40, s0;
	v32 =	vld.idx.msk [tilespmem:v32+s22+$0x0], $0xffff;
	s6 =	sadd.s32 $0xC0, s0;
	[tilespmem:v12+s28+$0x0] =	vst.idx.msk $0xffff, v18  }
0x2a1: {  	s3 =	sadd.s32 $0x80, s0;
	v18 =	vld [tilespmem:s5+$0xAD30];
	v12 =	vmul.f32 v25, v7;
	v25 =	vor.u32 s6, v1;
	v28 =	vor.u32 s6, v8;
	[tilespmem:v24+s28+$0x0] =	vst.idx.msk $0xffff, v17  }
0x2a2: {  	v21 =	vmul.f32 v21, v7;
	v11 =	vmax.f32 v11, $0.0e+00;
	v24 =	vor.u32 s6, v9;
	v17 =	vld.idx.msk [tilespmem:v33+s22+$0x0], $0xffff;
	[tilespmem:v20+s28+$0x0] =	vst.idx.msk $0xffff, v16  }
0x2a3: {  	v11 =	vmin.f32 v11, $1.900000000e+01;
	v20 =	vor.u32 s6, v10;
	v16 =	vld.idx.msk [tilespmem:v23+s22+$0x0], $0xffff;
	v12 =	vmax.f32 v12, $0.0e+00;
	[tilespmem:v34+s28+$0x0] =	vst.idx.msk $0xffff, v14  }
0x2a4: {  	v21 =	vmax.f32 v21, $0.0e+00;
	v11 =	vtrunc.f32 v11;
	v14 =	vld [tilespmem:s5+$0xAD00];
	v23 =	vmin.f32 v12, $3.100000000e+01;
	[tilespmem:v37+s28+$0x0] =	vst.idx.msk $0xffff, v15  }
0x2a5: {  	v15 =	vmin.f32 v21, $1.790000000e+02;
	v12 =	vld [tilespmem:s5+$0xAD10];
	v21 =	vtrunc.f32 v23;
	v23 =	vcvt.f32.s32 v11;
	[tilespmem:v31+s28+$0x0] =	vst.idx.msk $0xffff, v13  }
0x2a6: {  	v13 =	vadd.f32 $2.000000000e+00, v27;
	v15 =	vtrunc.f32 v15;
	v11 =	vld [tilespmem:s5+$0xAD20];
	v21 =	vcvt.f32.s32 v21;
	[tilespmem:v25+s28+$0x0] =	vst.idx.msk $0xffff, v18  }
0x2a7: {  	v18 =	vadd.f32 $6.400000100e+00, v29;
	v25 =	vadd.f32 $2.000000000e+00, v30;
	v15 =	vcvt.f32.s32 v15;
	[tilespmem:v28+s28+$0x0] =	vst.idx.msk $0xffff, v23  }
0x2a8: {  	v19 =	vadd.f32 $2.000000000e+00, v19;
	v23 =	vmul.f32 v26, v7;
	v13 =	vmul.f32 v13, v7;
	[tilespmem:v24+s28+$0x0] =	vst.idx.msk $0xffff, v21  }
0x2a9: {  	s6 =	simm.s32 $0x3E00;
	s5 =	simm.s32 $0x4D80;
	v21 =	vmax.f32 v22, $0.0e+00;
	v18 =	vmul.f32 v18, v7;
	v22 =	vmul.f32 v25, v7;
	[tilespmem:v20+s28+$0x0] =	vst.idx.msk $0xffff, v15  }
0x2aa: {  	v15 =	vmul.f32 v19, v7;
	v19 =	vmax.f32 v23, $0.0e+00;
	[tilespmem:v35+s28+$0x0] =	vst.idx.msk $0xffff, v14;
	v14 =	vmul.f32 v32, v7  }
0x2ab: {  	v17 =	vmul.f32 v17, v7;
	v16 =	vmul.f32 v16, v7;
	v13 =	vmax.f32 v13, $0.0e+00  }
0x2ac: {  	v20 =	vmax.f32 v15, $0.0e+00;
	v15 =	vmax.f32 v18, $0.0e+00;
	v18 =	vmax.f32 v22, $0.0e+00  }
.Ltmp10:
0x2ad: {  	v23 =	vmax.f32 v17, $0.0e+00;
	v16 =	vmax.f32 v16, $0.0e+00;
	v22 =	vmax.f32 v14, $0.0e+00;
	(pc) =	sbr.rel @p0 .LBB2_22-.Ltmp10, $4  }
0x2ae: {  	v24 =	vmin.f32 v19, $3.100000000e+01;
	v25 =	vmin.f32 v13, $1.900000000e+01;
	v17 =	vmin.f32 v15, $3.100000000e+01  }
0x2af: {  	v15 =	vmin.f32 v21, $3.100000000e+01;
	v14 =	vmin.f32 v20, $1.900000000e+01;
	v18 =	vmin.f32 v18, $1.900000000e+01  }
0x2b0: {  	v13 =	vmin.f32 v16, $1.790000000e+02;
	v16 =	vmin.f32 v23, $1.790000000e+02;
	v19 =	vmin.f32 v22, $1.790000000e+02  }
0x2b1: {  	s2 =	sadd.s32 $0x140, s2;
	v20 =	vtrunc.f32 v24;
	v21 =	vtrunc.f32 v25;
	v22 =	vor.u32 s4, v1  }
0x2b2: {  	v23 =	vor.u32 s4, v8  }
0x2b3: {  	v26 =	vor.u32 s3, v1  }
0x2b4: {  	v24 =	vor.u32 s4, v9  }
0x2b5: {  	v21 =	vcvt.f32.s32 v21;
	v55 =	vor.u32 s3, v4  }
0x2b6: {  	v25 =	vor.u32 s4, v10;
	[tilespmem:v22+s28+$0x0] =	vst.idx.msk $0xffff, v12  }
0x2b7: {  	v54 =	vcvt.f32.s32 v20;
	v56 =	vor.u32 s3, v5;
	v18 =	vtrunc.f32 v18;
	[tilespmem:v23+s28+$0x0] =	vst.idx.msk $0xffff, v21  }
0x2b8: {  	v53 =	vtrunc.f32 v19;
	v58 =	vor.u32 s0, v4;
	v18 =	vcvt.f32.s32 v18;
	[tilespmem:v26+s28+$0x0] =	vst.idx.msk $0xffff, v11  }
0x2b9: {  	v57 =	vor.u32 s3, v6;
	v17 =	vtrunc.f32 v17;
	v12 =	vcvt.f32.s32 v53;
	[tilespmem:v24+s28+$0x0] =	vst.idx.msk $0xffff, v54  }
0x2ba: {  	v61 =	vor.u32 s0, v5;
	v60 =	vcvt.f32.s32 v17;
	v11 =	vtrunc.f32 v14;
	[tilespmem:v55+s28+$0x0] =	vst.idx.msk $0xffff, v18  }
0x2bb: {  	v59 =	vtrunc.f32 v16;
	v62 =	vor.u32 s0, v6;
	v11 =	vcvt.f32.s32 v11;
	[tilespmem:v25+s28+$0x0] =	vst.idx.msk $0xffff, v12  }
0x2bc: {  	v15 =	vtrunc.f32 v15;
	v12 =	vcvt.f32.s32 v59;
	[tilespmem:v56+s28+$0x0] =	vst.idx.msk $0xffff, v60  }
0x2bd: {  	v13 =	vtrunc.f32 v13;
	v15 =	vcvt.f32.s32 v15;
	[tilespmem:v58+s28+$0x0] =	vst.idx.msk $0xffff, v11  }
0x2be: {  	v63 =	vcvt.f32.s32 v13;
	[tilespmem:v57+s28+$0x0] =	vst.idx.msk $0xffff, v12  }
0x2bf: {  	[tilespmem:v61+s28+$0x0] =	vst.idx.msk $0xffff, v15  }
0x2c0: {  	[tilespmem:v62+s28+$0x0] =	vst.idx.msk $0xffff, v63  }
.LBB2_24:
0x2c1: {  	v11 =	vadd.s32 s5, v3  }
0x2c2: {  	v12 =	vadd.s32 s5, v2;
	_ =	sdelay $0x2  }
0x2c3: {  	v13 =	vadd.s32 s5, v0  }
0x2c4: {  	v11 =	vld.idx.msk [tilespmem:v11+s22+$0x0], $0xffff  }
0x2c5: {  	v12 =	vld.idx.msk [tilespmem:v12+s22+$0x0], $0xffff;
	_ =	sdelay $0x2  }
0x2c6: {  	v13 =	vld.idx.msk [tilespmem:v13+s22+$0x0], $0xffff  }
0x2c7: {  	v11 =	vadd.f32 $2.000000000e+00, v11  }
0x2c8: {  	v12 =	vadd.f32 $6.400000100e+00, v12  }
0x2c9: {  	s0 =	sshra.s32 s6, $0x2;
	v11 =	vmul.f32 v11, v7  }
0x2ca: {  	v14 =	vor.u32 s6, v1;
	v16 =	vor.u32 s6, v4;
	v15 =	vld [tilespmem:s0+$0xAD00];
	v12 =	vmul.f32 v12, v7  }
0x2cb: {  	v17 =	vor.u32 s6, v5;
	v13 =	vmul.f32 v13, v7;
	v11 =	vmax.f32 v11, $0.0e+00  }
0x2cc: {  	v18 =	vor.u32 s6, v6;
	v12 =	vmax.f32 v12, $0.0e+00;
	v11 =	vmin.f32 v11, $1.900000000e+01  }
0x2cd: {  	p0 =	sne.s32 s5, $0x4DD0;
	v13 =	vmax.f32 v13, $0.0e+00;
	v12 =	vmin.f32 v12, $3.100000000e+01;
	v11 =	vtrunc.f32 v11  }
.Ltmp11:
0x2ce: {  	v13 =	vmin.f32 v13, $1.790000000e+02;
	v12 =	vtrunc.f32 v12;
	v11 =	vcvt.f32.s32 v11;
	(pc) =	sbr.rel @p0 .LBB2_24-.Ltmp11, $4  }
0x2cf: {  	[tilespmem:v14+s28+$0x0] =	vst.idx.msk $0xffff, v15;
	v13 =	vtrunc.f32 v13;
	v12 =	vcvt.f32.s32 v12  }
0x2d0: {  	[tilespmem:v16+s28+$0x0] =	vst.idx.msk $0xffff, v11;
	v11 =	vcvt.f32.s32 v13  }
0x2d1: {  	[tilespmem:v17+s28+$0x0] =	vst.idx.msk $0xffff, v12  }
0x2d2: {  	s6 =	sadd.s32 $0x40, s6;
	s5 =	sadd.s32 $0x50, s5;
	[tilespmem:v18+s28+$0x0] =	vst.idx.msk $0xffff, v11  }
0x2d3: {  	s1 =	sld [smem:$0x7FC];
	_ =	sdelay $0x1  }
0x2d4: {  	s0 =	simm.s32 $0x0  }
0x2d5: {  	[hbm4b:s1+s0] =	stream.linear.scatter [tilespmem:s28], [sflag:$0x4], $0x3E80, $0x38;
	[tilespmem:$0x13A00] =	vst v63  }
0x2d6: {  	s4 =	rddreg [dreg:$0xb]  }
0x2d7: {  	[tilespmem:s22], [sflag:$0x2] =	stream.linear.gather [hbm4b:s4+s0], $0x4E20, $0x38;
	[tilespmem:$0x13A00] =	vst v63  }
0x2d8: {  	s5 =	rddreg [dreg:$0x1b]  }
0x2d9: {  	[tilespmem:s23], [sflag:$0x2] =	stream.linear.gather [hbm4b:s5+s0], $0xFA0, $0x38;
	[tilespmem:$0x13A00] =	vst v63  }
0x2da: {  	_ =	swait.ge [sflag:s24], $0x4E20  }
0x2db: {  	[sflag:s24] =	ssyncset.done $0x0  }
0x2dc: {  	[sflag:s24] =	ssyncadd.s32 $0xFFFFB1E0  }
0x2dd: {  	_ =	swait.ge [sflag:s24], $0xFA0  }
0x2de: {  	s6 =	simm.s32 $0xF0;
	v11 =	vadd.s32 s0, v2;
	[sflag:s24] =	ssyncset.done $0x0  }
0x2df: {  	v12 =	vadd.s32 s6, v3;
	[sflag:s24] =	ssyncadd.s32 $0xFFFFF060  }
0x2e0: {  	s2 =	simm.s32 $0x50;
	v13 =	vadd.s32 s6, v2;
	_ =	swait.ge [sflag:s29], $0x3E80  }
0x2e1: {  	v14 =	vadd.s32 s2, v2;
	[sflag:s29] =	ssyncset.done $0x0  }
0x2e2: {  	v15 =	vadd.s32 s6, v0;
	[sflag:s29] =	ssyncadd.s32 $0xFFFFC180  }
0x2e3: {  	s7 =	simm.s32 $0xA0;
	v16 =	vadd.s32 s2, v3;
	v11 =	vld.idx.msk [tilespmem:v11+s17+$0x0], $0xffff  }
0x2e4: {  	v17 =	vadd.s32 s7, v2;
	v12 =	vld.idx.msk [tilespmem:v12+s17+$0x0], $0xffff  }
0x2e5: {  	v21 =	vadd.s32 s2, v0;
	v13 =	vld.idx.msk [tilespmem:v13+s17+$0x0], $0xffff  }
0x2e6: {  	v18 =	vadd.s32 s0, v0;
	v14 =	vld.idx.msk [tilespmem:v14+s17+$0x0], $0xffff  }
0x2e7: {  	v22 =	vadd.s32 s7, v0;
	v15 =	vld.idx.msk [tilespmem:v15+s17+$0x0], $0xffff  }
0x2e8: {  	v19 =	vadd.s32 s7, v3;
	v16 =	vld.idx.msk [tilespmem:v16+s17+$0x0], $0xffff  }
0x2e9: {  	v20 =	vadd.s32 s0, v3;
	v17 =	vld.idx.msk [tilespmem:v17+s17+$0x0], $0xffff  }
0x2ea: {  	v21 =	vld.idx.msk [tilespmem:v21+s17+$0x0], $0xffff  }
0x2eb: {  	v18 =	vld.idx.msk [tilespmem:v18+s17+$0x0], $0xffff  }
0x2ec: {  	s8 =	simm.s32 $0xC0;
	v23 =	vor.u32 s0, v1;
	v22 =	vld.idx.msk [tilespmem:v22+s17+$0x0], $0xffff  }
0x2ed: {  	v24 =	vor.u32 s8, v1;
	v25 =	vor.u32 s8, v8;
	v26 =	vor.u32 s8, v9;
	v19 =	vld.idx.msk [tilespmem:v19+s17+$0x0], $0xffff  }
0x2ee: {  	v27 =	vor.u32 s8, v10;
	v20 =	vld.idx.msk [tilespmem:v20+s17+$0x0], $0xffff;
	v11 =	vadd.f32 $6.400000100e+00, v11;
	v12 =	vadd.f32 $2.000000000e+00, v12  }
0x2ef: {  	v13 =	vadd.f32 $6.400000100e+00, v13;
	v14 =	vadd.f32 $6.400000100e+00, v14;
	v15 =	vmul.f32 v15, v7  }
0x2f0: {  	v16 =	vadd.f32 $2.000000000e+00, v16;
	v21 =	vmul.f32 v21, v7;
	v18 =	vmul.f32 v18, v7  }
0x2f1: {  	v17 =	vadd.f32 $6.400000100e+00, v17;
	v22 =	vmul.f32 v22, v7;
	v11 =	vmul.f32 v11, v7  }
0x2f2: {  	v19 =	vadd.f32 $2.000000000e+00, v19;
	v12 =	vmul.f32 v12, v7;
	v13 =	vmul.f32 v13, v7  }
0x2f3: {  	v20 =	vadd.f32 $2.000000000e+00, v20;
	v14 =	vmul.f32 v14, v7;
	v16 =	vmul.f32 v16, v7  }
0x2f4: {  	v15 =	vmax.f32 v15, $0.0e+00;
	v17 =	vmul.f32 v17, v7;
	v19 =	vmul.f32 v19, v7  }
0x2f5: {  	s9 =	simm.s32 $0x0;
	v20 =	vmul.f32 v20, v7;
	v62 =	vmax.f32 v18, $0.0e+00;
	v15 =	vmin.f32 v15, $1.790000000e+02  }
0x2f6: {  	v29 =	vld [tilespmem:s9+$0x9D00];
	v21 =	vmax.f32 v21, $0.0e+00;
	v22 =	vmax.f32 v22, $0.0e+00;
	v15 =	vtrunc.f32 v15  }
0x2f7: {  	v12 =	vmax.f32 v12, $0.0e+00;
	v13 =	vmax.f32 v13, $0.0e+00;
	v28 =	vcvt.f32.s32 v15;
	v15 =	vld [tilespmem:s9+$0x9D30]  }
0x2f8: {  	v11 =	vmax.f32 v11, $0.0e+00;
	v14 =	vmax.f32 v14, $0.0e+00;
	v16 =	vmax.f32 v16, $0.0e+00  }
0x2f9: {  	v20 =	vmax.f32 v20, $0.0e+00;
	v17 =	vmax.f32 v17, $0.0e+00;
	v12 =	vmin.f32 v12, $1.900000000e+01  }
0x2fa: {  	v19 =	vmax.f32 v19, $0.0e+00;
	v13 =	vmin.f32 v13, $3.100000000e+01;
	v12 =	vtrunc.f32 v12  }
0x2fb: {  	[tilespmem:v23+s25+$0x0] =	vst.idx.msk $0xffff, v29;
	v63 =	vmin.f32 v14, $3.100000000e+01;
	v13 =	vtrunc.f32 v13;
	v12 =	vcvt.f32.s32 v12  }
0x2fc: {  	v30 =	vmin.f32 v16, $1.900000000e+01;
	v17 =	vmin.f32 v17, $3.100000000e+01;
	v13 =	vcvt.f32.s32 v13;
	[tilespmem:v24+s25+$0x0] =	vst.idx.msk $0xffff, v15  }
0x2fd: {  	s4 =	simm.s32 $0x40;
	v14 =	vmin.f32 v20, $1.900000000e+01;
	v18 =	vmin.f32 v19, $1.900000000e+01;
	v19 =	vmin.f32 v21, $1.790000000e+02;
	[tilespmem:v25+s25+$0x0] =	vst.idx.msk $0xffff, v12  }
0x2fe: {  	v16 =	vmin.f32 v22, $1.790000000e+02;
	v22 =	vor.u32 s4, v1;
	v15 =	vmin.f32 v11, $3.100000000e+01;
	v11 =	vld [tilespmem:s9+$0x9D20];
	[tilespmem:v26+s25+$0x0] =	vst.idx.msk $0xffff, v13  }
0x2ff: {  	s3 =	simm.s32 $0x80;
	s2 =	simm.s32 $0x140;
	s1 =	simm.s32 $0x0;
	v20 =	vtrunc.f32 v63;
	v21 =	vtrunc.f32 v30;
	v12 =	vld [tilespmem:s9+$0x9D10];
	v13 =	vmin.f32 v62, $1.790000000e+02;
	[tilespmem:v27+s25+$0x0] =	vst.idx.msk $0xffff, v28  }
.LBB2_26:
0x300: {  	v23 =	vadd.s32 s2, v0;
	v24 =	vadd.s32 s2, v2;
	v25 =	vadd.s32 s2, v3;
	s5 =	sadd.s32 $0x50, s2;
	s6 =	sadd.s32 $0xA0, s2;
	s7 =	sadd.s32 $0xF0, s2  }
0x301: {  	v26 =	vadd.s32 s5, v2;
	v27 =	vadd.s32 s5, v3;
	v28 =	vadd.s32 s7, v3  }
0x302: {  	s1 =	sadd.s32 $0x4, s1;
	v29 =	vadd.s32 s6, v2;
	v30 =	vadd.s32 s6, v3;
	v31 =	vadd.s32 s7, v2  }
0x303: {  	v17 =	vtrunc.f32 v17;
	v32 =	vadd.s32 s5, v0;
	v33 =	vadd.s32 s6, v0;
	p0 =	slt.u32 s1, $0xF4  }
0x304: {  	v15 =	vtrunc.f32 v15;
	v18 =	vtrunc.f32 v18;
	[tilespmem:v22+s25+$0x0] =	vst.idx.msk $0xffff, v12;
	v12 =	vor.u32 s4, v8  }
0x305: {  	v14 =	vtrunc.f32 v14;
	v19 =	vtrunc.f32 v19;
	v22 =	vld.idx.msk [tilespmem:v24+s17+$0x0], $0xffff;
	v24 =	vadd.s32 s7, v0  }
0x306: {  	v13 =	vtrunc.f32 v13;
	v34 =	vor.u32 s4, v9;
	v16 =	vtrunc.f32 v16;
	v28 =	vld.idx.msk [tilespmem:v28+s17+$0x0], $0xffff  }
0x307: {  	v20 =	vcvt.f32.s32 v20;
	v21 =	vcvt.f32.s32 v21;
	v35 =	vor.u32 s4, v10;
	v31 =	vld.idx.msk [tilespmem:v31+s17+$0x0], $0xffff  }
0x308: {  	v36 =	vor.u32 s3, v1;
	v17 =	vcvt.f32.s32 v17;
	v18 =	vcvt.f32.s32 v18;
	v26 =	vld.idx.msk [tilespmem:v26+s17+$0x0], $0xffff  }
0x309: {  	v15 =	vcvt.f32.s32 v15;
	v14 =	vcvt.f32.s32 v14;
	v27 =	vld.idx.msk [tilespmem:v27+s17+$0x0], $0xffff;
	[tilespmem:v12+s25+$0x0] =	vst.idx.msk $0xffff, v21;
	v12 =	vor.u32 s3, v4  }
0x30a: {  	v19 =	vcvt.f32.s32 v19;
	v16 =	vcvt.f32.s32 v16;
	v21 =	vld.idx.msk [tilespmem:v24+s17+$0x0], $0xffff;
	v24 =	vor.u32 s3, v5  }
0x30b: {  	v13 =	vcvt.f32.s32 v13;
	v22 =	vadd.f32 $6.400000100e+00, v22;
	v29 =	vld.idx.msk [tilespmem:v29+s17+$0x0], $0xffff;
	[tilespmem:v34+s25+$0x0] =	vst.idx.msk $0xffff, v20;
	v20 =	vor.u32 s3, v6  }
0x30c: {  	v37 =	vor.u32 s0, v5;
	v28 =	vadd.f32 $2.000000000e+00, v28;
	v34 =	vor.u32 s0, v4;
	v30 =	vld.idx.msk [tilespmem:v30+s17+$0x0], $0xffff;
	[tilespmem:v35+s25+$0x0] =	vst.idx.msk $0xffff, v19  }
0x30d: {  	v22 =	vmul.f32 v22, v7;
	v19 =	vld.idx.msk [tilespmem:v25+s17+$0x0], $0xffff;
	v25 =	vadd.f32 $6.400000100e+00, v31;
	v31 =	vor.u32 s0, v6;
	[tilespmem:v36+s25+$0x0] =	vst.idx.msk $0xffff, v11;
	s0 =	sadd.s32 $0x100, s0  }
0x30e: {  	v26 =	vadd.f32 $6.400000100e+00, v26;
	v11 =	vmul.f32 v28, v7;
	s5 =	sshra.s32 s0, $0x2;
	v35 =	vor.u32 s0, v1;
	s4 =	sadd.s32 $0x40, s0;
	v32 =	vld.idx.msk [tilespmem:v32+s17+$0x0], $0xffff;
	s6 =	sadd.s32 $0xC0, s0;
	[tilespmem:v12+s25+$0x0] =	vst.idx.msk $0xffff, v18  }
0x30f: {  	s3 =	sadd.s32 $0x80, s0;
	v18 =	vld [tilespmem:s5+$0x9D30];
	v12 =	vmul.f32 v25, v7;
	v25 =	vor.u32 s6, v1;
	v28 =	vor.u32 s6, v8;
	[tilespmem:v24+s25+$0x0] =	vst.idx.msk $0xffff, v17  }
0x310: {  	v21 =	vmul.f32 v21, v7;
	v11 =	vmax.f32 v11, $0.0e+00;
	v24 =	vor.u32 s6, v9;
	v17 =	vld.idx.msk [tilespmem:v33+s17+$0x0], $0xffff;
	[tilespmem:v20+s25+$0x0] =	vst.idx.msk $0xffff, v16  }
0x311: {  	v11 =	vmin.f32 v11, $1.900000000e+01;
	v20 =	vor.u32 s6, v10;
	v16 =	vld.idx.msk [tilespmem:v23+s17+$0x0], $0xffff;
	v12 =	vmax.f32 v12, $0.0e+00;
	[tilespmem:v34+s25+$0x0] =	vst.idx.msk $0xffff, v14  }
0x312: {  	v21 =	vmax.f32 v21, $0.0e+00;
	v11 =	vtrunc.f32 v11;
	v14 =	vld [tilespmem:s5+$0x9D00];
	v23 =	vmin.f32 v12, $3.100000000e+01;
	[tilespmem:v37+s25+$0x0] =	vst.idx.msk $0xffff, v15  }
0x313: {  	v15 =	vmin.f32 v21, $1.790000000e+02;
	v12 =	vld [tilespmem:s5+$0x9D10];
	v21 =	vtrunc.f32 v23;
	v23 =	vcvt.f32.s32 v11;
	[tilespmem:v31+s25+$0x0] =	vst.idx.msk $0xffff, v13  }
0x314: {  	v13 =	vadd.f32 $2.000000000e+00, v27;
	v15 =	vtrunc.f32 v15;
	v11 =	vld [tilespmem:s5+$0x9D20];
	v21 =	vcvt.f32.s32 v21;
	[tilespmem:v25+s25+$0x0] =	vst.idx.msk $0xffff, v18  }
0x315: {  	v18 =	vadd.f32 $6.400000100e+00, v29;
	v25 =	vadd.f32 $2.000000000e+00, v30;
	v15 =	vcvt.f32.s32 v15;
	[tilespmem:v28+s25+$0x0] =	vst.idx.msk $0xffff, v23  }
0x316: {  	v19 =	vadd.f32 $2.000000000e+00, v19;
	v23 =	vmul.f32 v26, v7;
	v13 =	vmul.f32 v13, v7;
	[tilespmem:v24+s25+$0x0] =	vst.idx.msk $0xffff, v21  }
0x317: {  	s6 =	simm.s32 $0x3E00;
	s5 =	simm.s32 $0x4D80;
	v21 =	vmax.f32 v22, $0.0e+00;
	v18 =	vmul.f32 v18, v7;
	v22 =	vmul.f32 v25, v7;
	[tilespmem:v20+s25+$0x0] =	vst.idx.msk $0xffff, v15  }
0x318: {  	v15 =	vmul.f32 v19, v7;
	v19 =	vmax.f32 v23, $0.0e+00;
	[tilespmem:v35+s25+$0x0] =	vst.idx.msk $0xffff, v14;
	v14 =	vmul.f32 v32, v7  }
0x319: {  	v17 =	vmul.f32 v17, v7;
	v16 =	vmul.f32 v16, v7;
	v13 =	vmax.f32 v13, $0.0e+00  }
0x31a: {  	v20 =	vmax.f32 v15, $0.0e+00;
	v15 =	vmax.f32 v18, $0.0e+00;
	v18 =	vmax.f32 v22, $0.0e+00  }
.Ltmp12:
0x31b: {  	v23 =	vmax.f32 v17, $0.0e+00;
	v16 =	vmax.f32 v16, $0.0e+00;
	v22 =	vmax.f32 v14, $0.0e+00;
	(pc) =	sbr.rel @p0 .LBB2_26-.Ltmp12, $4  }
0x31c: {  	v24 =	vmin.f32 v19, $3.100000000e+01;
	v25 =	vmin.f32 v13, $1.900000000e+01;
	v17 =	vmin.f32 v15, $3.100000000e+01  }
0x31d: {  	v15 =	vmin.f32 v21, $3.100000000e+01;
	v14 =	vmin.f32 v20, $1.900000000e+01;
	v18 =	vmin.f32 v18, $1.900000000e+01  }
0x31e: {  	v13 =	vmin.f32 v16, $1.790000000e+02;
	v16 =	vmin.f32 v23, $1.790000000e+02;
	v19 =	vmin.f32 v22, $1.790000000e+02  }
0x31f: {  	s2 =	sadd.s32 $0x140, s2;
	v20 =	vtrunc.f32 v24;
	v21 =	vtrunc.f32 v25;
	v22 =	vor.u32 s4, v1  }
0x320: {  	v23 =	vor.u32 s4, v8  }
0x321: {  	v26 =	vor.u32 s3, v1  }
0x322: {  	v24 =	vor.u32 s4, v9  }
0x323: {  	v21 =	vcvt.f32.s32 v21;
	v55 =	vor.u32 s3, v4  }
0x324: {  	v25 =	vor.u32 s4, v10;
	[tilespmem:v22+s25+$0x0] =	vst.idx.msk $0xffff, v12  }
0x325: {  	v54 =	vcvt.f32.s32 v20;
	v56 =	vor.u32 s3, v5;
	v18 =	vtrunc.f32 v18;
	[tilespmem:v23+s25+$0x0] =	vst.idx.msk $0xffff, v21  }
0x326: {  	v53 =	vtrunc.f32 v19;
	v58 =	vor.u32 s0, v4;
	v18 =	vcvt.f32.s32 v18;
	[tilespmem:v26+s25+$0x0] =	vst.idx.msk $0xffff, v11  }
0x327: {  	v57 =	vor.u32 s3, v6;
	v17 =	vtrunc.f32 v17;
	v12 =	vcvt.f32.s32 v53;
	[tilespmem:v24+s25+$0x0] =	vst.idx.msk $0xffff, v54  }
0x328: {  	v61 =	vor.u32 s0, v5;
	v60 =	vcvt.f32.s32 v17;
	v11 =	vtrunc.f32 v14;
	[tilespmem:v55+s25+$0x0] =	vst.idx.msk $0xffff, v18  }
0x329: {  	v59 =	vtrunc.f32 v16;
	v62 =	vor.u32 s0, v6;
	v11 =	vcvt.f32.s32 v11;
	[tilespmem:v25+s25+$0x0] =	vst.idx.msk $0xffff, v12  }
0x32a: {  	v15 =	vtrunc.f32 v15;
	v12 =	vcvt.f32.s32 v59;
	[tilespmem:v56+s25+$0x0] =	vst.idx.msk $0xffff, v60  }
0x32b: {  	v13 =	vtrunc.f32 v13;
	v15 =	vcvt.f32.s32 v15;
	[tilespmem:v58+s25+$0x0] =	vst.idx.msk $0xffff, v11  }
0x32c: {  	v63 =	vcvt.f32.s32 v13;
	[tilespmem:v57+s25+$0x0] =	vst.idx.msk $0xffff, v12  }
0x32d: {  	[tilespmem:v61+s25+$0x0] =	vst.idx.msk $0xffff, v15  }
0x32e: {  	[tilespmem:v62+s25+$0x0] =	vst.idx.msk $0xffff, v63  }
.LBB2_28:
0x32f: {  	v11 =	vadd.s32 s5, v3  }
0x330: {  	v12 =	vadd.s32 s5, v2;
	_ =	sdelay $0x2  }
0x331: {  	v13 =	vadd.s32 s5, v0  }
0x332: {  	v11 =	vld.idx.msk [tilespmem:v11+s17+$0x0], $0xffff  }
0x333: {  	v12 =	vld.idx.msk [tilespmem:v12+s17+$0x0], $0xffff;
	_ =	sdelay $0x2  }
0x334: {  	v13 =	vld.idx.msk [tilespmem:v13+s17+$0x0], $0xffff  }
0x335: {  	v11 =	vadd.f32 $2.000000000e+00, v11  }
0x336: {  	v12 =	vadd.f32 $6.400000100e+00, v12  }
0x337: {  	s0 =	sshra.s32 s6, $0x2;
	v11 =	vmul.f32 v11, v7  }
0x338: {  	v14 =	vor.u32 s6, v1;
	v16 =	vor.u32 s6, v4;
	v15 =	vld [tilespmem:s0+$0x9D00];
	v12 =	vmul.f32 v12, v7  }
0x339: {  	v17 =	vor.u32 s6, v5;
	v13 =	vmul.f32 v13, v7;
	v11 =	vmax.f32 v11, $0.0e+00  }
0x33a: {  	v18 =	vor.u32 s6, v6;
	v12 =	vmax.f32 v12, $0.0e+00;
	v11 =	vmin.f32 v11, $1.900000000e+01  }
0x33b: {  	p0 =	sne.s32 s5, $0x4DD0;
	v13 =	vmax.f32 v13, $0.0e+00;
	v12 =	vmin.f32 v12, $3.100000000e+01;
	v11 =	vtrunc.f32 v11  }
.Ltmp13:
0x33c: {  	v13 =	vmin.f32 v13, $1.790000000e+02;
	v12 =	vtrunc.f32 v12;
	v11 =	vcvt.f32.s32 v11;
	(pc) =	sbr.rel @p0 .LBB2_28-.Ltmp13, $4  }
0x33d: {  	[tilespmem:v14+s25+$0x0] =	vst.idx.msk $0xffff, v15;
	v13 =	vtrunc.f32 v13;
	v12 =	vcvt.f32.s32 v12  }
0x33e: {  	[tilespmem:v16+s25+$0x0] =	vst.idx.msk $0xffff, v11;
	v11 =	vcvt.f32.s32 v13  }
0x33f: {  	[tilespmem:v17+s25+$0x0] =	vst.idx.msk $0xffff, v12  }
0x340: {  	s6 =	sadd.s32 $0x40, s6;
	s5 =	sadd.s32 $0x50, s5;
	[tilespmem:v18+s25+$0x0] =	vst.idx.msk $0xffff, v11  }
0x341: {  	s1 =	sld [smem:$0x7FD];
	_ =	sdelay $0x1  }
0x342: {  	s0 =	simm.s32 $0x0  }
0x343: {  	[hbm4b:s1+s0] =	stream.linear.scatter [tilespmem:s25], [sflag:$0x3], $0x3E80, $0x38;
	[tilespmem:$0x13A00] =	vst v63  }
0x344: {  	s4 =	rddreg [dreg:$0xc]  }
0x345: {  	[tilespmem:s0], [sflag:$0x1] =	stream.linear.gather [hbm4b:s4+s0], $0x4E20, $0x38;
	[tilespmem:$0x13A00] =	vst v63  }
0x346: {  	s5 =	rddreg [dreg:$0x1c]  }
0x347: {  	[tilespmem:s21], [sflag:$0x1] =	stream.linear.gather [hbm4b:s5+s0], $0xFA0, $0x38;
	[tilespmem:$0x13A00] =	vst v63  }
0x348: {  	_ =	swait.ge [sflag:s26], $0x4E20  }
0x349: {  	[sflag:s26] =	ssyncset.done $0x0  }
0x34a: {  	[sflag:s26] =	ssyncadd.s32 $0xFFFFB1E0  }
0x34b: {  	_ =	swait.ge [sflag:s26], $0xFA0  }
0x34c: {  	s6 =	simm.s32 $0xF0;
	v11 =	vadd.s32 s0, v2;
	[sflag:s26] =	ssyncset.done $0x0  }
0x34d: {  	v12 =	vadd.s32 s6, v3;
	[sflag:s26] =	ssyncadd.s32 $0xFFFFF060  }
0x34e: {  	s2 =	simm.s32 $0x50;
	v13 =	vadd.s32 s6, v2;
	_ =	swait.ge [sflag:s30], $0x3E80  }
0x34f: {  	v14 =	vadd.s32 s2, v2;
	[sflag:s30] =	ssyncset.done $0x0  }
0x350: {  	v15 =	vadd.s32 s6, v0;
	[sflag:s30] =	ssyncadd.s32 $0xFFFFC180  }
0x351: {  	s7 =	simm.s32 $0xA0;
	v16 =	vadd.s32 s2, v3;
	v11 =	vld.idx.msk [tilespmem:v11+s22+$0x0], $0xffff  }
0x352: {  	v17 =	vadd.s32 s7, v2;
	v12 =	vld.idx.msk [tilespmem:v12+s22+$0x0], $0xffff  }
0x353: {  	v21 =	vadd.s32 s2, v0;
	v13 =	vld.idx.msk [tilespmem:v13+s22+$0x0], $0xffff  }
0x354: {  	v18 =	vadd.s32 s0, v0;
	v14 =	vld.idx.msk [tilespmem:v14+s22+$0x0], $0xffff  }
0x355: {  	v22 =	vadd.s32 s7, v0;
	v15 =	vld.idx.msk [tilespmem:v15+s22+$0x0], $0xffff  }
0x356: {  	v19 =	vadd.s32 s7, v3;
	v16 =	vld.idx.msk [tilespmem:v16+s22+$0x0], $0xffff  }
0x357: {  	v20 =	vadd.s32 s0, v3;
	v17 =	vld.idx.msk [tilespmem:v17+s22+$0x0], $0xffff  }
0x358: {  	v21 =	vld.idx.msk [tilespmem:v21+s22+$0x0], $0xffff  }
0x359: {  	v18 =	vld.idx.msk [tilespmem:v18+s22+$0x0], $0xffff  }
0x35a: {  	s8 =	simm.s32 $0xC0;
	v23 =	vor.u32 s0, v1;
	v22 =	vld.idx.msk [tilespmem:v22+s22+$0x0], $0xffff  }
0x35b: {  	v24 =	vor.u32 s8, v1;
	v25 =	vor.u32 s8, v8;
	v26 =	vor.u32 s8, v9;
	v19 =	vld.idx.msk [tilespmem:v19+s22+$0x0], $0xffff  }
0x35c: {  	v27 =	vor.u32 s8, v10;
	v20 =	vld.idx.msk [tilespmem:v20+s22+$0x0], $0xffff;
	v11 =	vadd.f32 $6.400000100e+00, v11;
	v12 =	vadd.f32 $2.000000000e+00, v12  }
0x35d: {  	v13 =	vadd.f32 $6.400000100e+00, v13;
	v14 =	vadd.f32 $6.400000100e+00, v14;
	v15 =	vmul.f32 v15, v7  }
0x35e: {  	v16 =	vadd.f32 $2.000000000e+00, v16;
	v21 =	vmul.f32 v21, v7;
	v18 =	vmul.f32 v18, v7  }
0x35f: {  	v17 =	vadd.f32 $6.400000100e+00, v17;
	v22 =	vmul.f32 v22, v7;
	v11 =	vmul.f32 v11, v7  }
0x360: {  	v19 =	vadd.f32 $2.000000000e+00, v19;
	v12 =	vmul.f32 v12, v7;
	v13 =	vmul.f32 v13, v7  }
0x361: {  	v20 =	vadd.f32 $2.000000000e+00, v20;
	v14 =	vmul.f32 v14, v7;
	v16 =	vmul.f32 v16, v7  }
0x362: {  	v15 =	vmax.f32 v15, $0.0e+00;
	v17 =	vmul.f32 v17, v7;
	v19 =	vmul.f32 v19, v7  }
0x363: {  	s9 =	simm.s32 $0x0;
	v20 =	vmul.f32 v20, v7;
	v62 =	vmax.f32 v18, $0.0e+00;
	v15 =	vmin.f32 v15, $1.790000000e+02  }
0x364: {  	v29 =	vld [tilespmem:s9+$0xAD00];
	v21 =	vmax.f32 v21, $0.0e+00;
	v22 =	vmax.f32 v22, $0.0e+00;
	v15 =	vtrunc.f32 v15  }
0x365: {  	v12 =	vmax.f32 v12, $0.0e+00;
	v13 =	vmax.f32 v13, $0.0e+00;
	v28 =	vcvt.f32.s32 v15;
	v15 =	vld [tilespmem:s9+$0xAD30]  }
0x366: {  	v11 =	vmax.f32 v11, $0.0e+00;
	v14 =	vmax.f32 v14, $0.0e+00;
	v16 =	vmax.f32 v16, $0.0e+00  }
0x367: {  	v20 =	vmax.f32 v20, $0.0e+00;
	v17 =	vmax.f32 v17, $0.0e+00;
	v12 =	vmin.f32 v12, $1.900000000e+01  }
0x368: {  	v19 =	vmax.f32 v19, $0.0e+00;
	v13 =	vmin.f32 v13, $3.100000000e+01;
	v12 =	vtrunc.f32 v12  }
0x369: {  	[tilespmem:v23+s28+$0x0] =	vst.idx.msk $0xffff, v29;
	v63 =	vmin.f32 v14, $3.100000000e+01;
	v13 =	vtrunc.f32 v13;
	v12 =	vcvt.f32.s32 v12  }
0x36a: {  	v30 =	vmin.f32 v16, $1.900000000e+01;
	v17 =	vmin.f32 v17, $3.100000000e+01;
	v13 =	vcvt.f32.s32 v13;
	[tilespmem:v24+s28+$0x0] =	vst.idx.msk $0xffff, v15  }
0x36b: {  	s4 =	simm.s32 $0x40;
	v14 =	vmin.f32 v20, $1.900000000e+01;
	v18 =	vmin.f32 v19, $1.900000000e+01;
	v19 =	vmin.f32 v21, $1.790000000e+02;
	[tilespmem:v25+s28+$0x0] =	vst.idx.msk $0xffff, v12  }
0x36c: {  	v16 =	vmin.f32 v22, $1.790000000e+02;
	v22 =	vor.u32 s4, v1;
	v15 =	vmin.f32 v11, $3.100000000e+01;
	v11 =	vld [tilespmem:s9+$0xAD20];
	[tilespmem:v26+s28+$0x0] =	vst.idx.msk $0xffff, v13  }
0x36d: {  	s3 =	simm.s32 $0x80;
	s2 =	simm.s32 $0x140;
	s1 =	simm.s32 $0x0;
	v20 =	vtrunc.f32 v63;
	v21 =	vtrunc.f32 v30;
	v12 =	vld [tilespmem:s9+$0xAD10];
	v13 =	vmin.f32 v62, $1.790000000e+02;
	[tilespmem:v27+s28+$0x0] =	vst.idx.msk $0xffff, v28  }
.LBB2_30:
0x36e: {  	v23 =	vadd.s32 s2, v0;
	v24 =	vadd.s32 s2, v2;
	v25 =	vadd.s32 s2, v3;
	s5 =	sadd.s32 $0x50, s2;
	s6 =	sadd.s32 $0xA0, s2;
	s7 =	sadd.s32 $0xF0, s2  }
0x36f: {  	v26 =	vadd.s32 s5, v2;
	v27 =	vadd.s32 s5, v3;
	v28 =	vadd.s32 s7, v3  }
0x370: {  	s1 =	sadd.s32 $0x4, s1;
	v29 =	vadd.s32 s6, v2;
	v30 =	vadd.s32 s6, v3;
	v31 =	vadd.s32 s7, v2  }
0x371: {  	v17 =	vtrunc.f32 v17;
	v32 =	vadd.s32 s5, v0;
	v33 =	vadd.s32 s6, v0;
	p0 =	slt.u32 s1, $0xF4  }
0x372: {  	v15 =	vtrunc.f32 v15;
	v18 =	vtrunc.f32 v18;
	[tilespmem:v22+s28+$0x0] =	vst.idx.msk $0xffff, v12;
	v12 =	vor.u32 s4, v8  }
0x373: {  	v14 =	vtrunc.f32 v14;
	v19 =	vtrunc.f32 v19;
	v22 =	vld.idx.msk [tilespmem:v24+s22+$0x0], $0xffff;
	v24 =	vadd.s32 s7, v0  }
0x374: {  	v13 =	vtrunc.f32 v13;
	v34 =	vor.u32 s4, v9;
	v16 =	vtrunc.f32 v16;
	v28 =	vld.idx.msk [tilespmem:v28+s22+$0x0], $0xffff  }
0x375: {  	v20 =	vcvt.f32.s32 v20;
	v21 =	vcvt.f32.s32 v21;
	v35 =	vor.u32 s4, v10;
	v31 =	vld.idx.msk [tilespmem:v31+s22+$0x0], $0xffff  }
0x376: {  	v36 =	vor.u32 s3, v1;
	v17 =	vcvt.f32.s32 v17;
	v18 =	vcvt.f32.s32 v18;
	v26 =	vld.idx.msk [tilespmem:v26+s22+$0x0], $0xffff  }
0x377: {  	v15 =	vcvt.f32.s32 v15;
	v14 =	vcvt.f32.s32 v14;
	v27 =	vld.idx.msk [tilespmem:v27+s22+$0x0], $0xffff;
	[tilespmem:v12+s28+$0x0] =	vst.idx.msk $0xffff, v21;
	v12 =	vor.u32 s3, v4  }
0x378: {  	v19 =	vcvt.f32.s32 v19;
	v16 =	vcvt.f32.s32 v16;
	v21 =	vld.idx.msk [tilespmem:v24+s22+$0x0], $0xffff;
	v24 =	vor.u32 s3, v5  }
0x379: {  	v13 =	vcvt.f32.s32 v13;
	v22 =	vadd.f32 $6.400000100e+00, v22;
	v29 =	vld.idx.msk [tilespmem:v29+s22+$0x0], $0xffff;
	[tilespmem:v34+s28+$0x0] =	vst.idx.msk $0xffff, v20;
	v20 =	vor.u32 s3, v6  }
0x37a: {  	v37 =	vor.u32 s0, v5;
	v28 =	vadd.f32 $2.000000000e+00, v28;
	v34 =	vor.u32 s0, v4;
	v30 =	vld.idx.msk [tilespmem:v30+s22+$0x0], $0xffff;
	[tilespmem:v35+s28+$0x0] =	vst.idx.msk $0xffff, v19  }
0x37b: {  	v22 =	vmul.f32 v22, v7;
	v19 =	vld.idx.msk [tilespmem:v25+s22+$0x0], $0xffff;
	v25 =	vadd.f32 $6.400000100e+00, v31;
	v31 =	vor.u32 s0, v6;
	[tilespmem:v36+s28+$0x0] =	vst.idx.msk $0xffff, v11;
	s0 =	sadd.s32 $0x100, s0  }
0x37c: {  	v26 =	vadd.f32 $6.400000100e+00, v26;
	v11 =	vmul.f32 v28, v7;
	s5 =	sshra.s32 s0, $0x2;
	v35 =	vor.u32 s0, v1;
	s4 =	sadd.s32 $0x40, s0;
	v32 =	vld.idx.msk [tilespmem:v32+s22+$0x0], $0xffff;
	s6 =	sadd.s32 $0xC0, s0;
	[tilespmem:v12+s28+$0x0] =	vst.idx.msk $0xffff, v18  }
0x37d: {  	s3 =	sadd.s32 $0x80, s0;
	v18 =	vld [tilespmem:s5+$0xAD30];
	v12 =	vmul.f32 v25, v7;
	v25 =	vor.u32 s6, v1;
	v28 =	vor.u32 s6, v8;
	[tilespmem:v24+s28+$0x0] =	vst.idx.msk $0xffff, v17  }
0x37e: {  	v21 =	vmul.f32 v21, v7;
	v11 =	vmax.f32 v11, $0.0e+00;
	v24 =	vor.u32 s6, v9;
	v17 =	vld.idx.msk [tilespmem:v33+s22+$0x0], $0xffff;
	[tilespmem:v20+s28+$0x0] =	vst.idx.msk $0xffff, v16  }
0x37f: {  	v11 =	vmin.f32 v11, $1.900000000e+01;
	v20 =	vor.u32 s6, v10;
	v16 =	vld.idx.msk [tilespmem:v23+s22+$0x0], $0xffff;
	v12 =	vmax.f32 v12, $0.0e+00;
	[tilespmem:v34+s28+$0x0] =	vst.idx.msk $0xffff, v14  }
0x380: {  	v21 =	vmax.f32 v21, $0.0e+00;
	v11 =	vtrunc.f32 v11;
	v14 =	vld [tilespmem:s5+$0xAD00];
	v23 =	vmin.f32 v12, $3.100000000e+01;
	[tilespmem:v37+s28+$0x0] =	vst.idx.msk $0xffff, v15  }
0x381: {  	v15 =	vmin.f32 v21, $1.790000000e+02;
	v12 =	vld [tilespmem:s5+$0xAD10];
	v21 =	vtrunc.f32 v23;
	v23 =	vcvt.f32.s32 v11;
	[tilespmem:v31+s28+$0x0] =	vst.idx.msk $0xffff, v13  }
0x382: {  	v13 =	vadd.f32 $2.000000000e+00, v27;
	v15 =	vtrunc.f32 v15;
	v11 =	vld [tilespmem:s5+$0xAD20];
	v21 =	vcvt.f32.s32 v21;
	[tilespmem:v25+s28+$0x0] =	vst.idx.msk $0xffff, v18  }
0x383: {  	v18 =	vadd.f32 $6.400000100e+00, v29;
	v25 =	vadd.f32 $2.000000000e+00, v30;
	v15 =	vcvt.f32.s32 v15;
	[tilespmem:v28+s28+$0x0] =	vst.idx.msk $0xffff, v23  }
0x384: {  	v19 =	vadd.f32 $2.000000000e+00, v19;
	v23 =	vmul.f32 v26, v7;
	v13 =	vmul.f32 v13, v7;
	[tilespmem:v24+s28+$0x0] =	vst.idx.msk $0xffff, v21  }
0x385: {  	s6 =	simm.s32 $0x3E00;
	s5 =	simm.s32 $0x4D80;
	v21 =	vmax.f32 v22, $0.0e+00;
	v18 =	vmul.f32 v18, v7;
	v22 =	vmul.f32 v25, v7;
	[tilespmem:v20+s28+$0x0] =	vst.idx.msk $0xffff, v15  }
0x386: {  	v15 =	vmul.f32 v19, v7;
	v19 =	vmax.f32 v23, $0.0e+00;
	[tilespmem:v35+s28+$0x0] =	vst.idx.msk $0xffff, v14;
	v14 =	vmul.f32 v32, v7  }
0x387: {  	v17 =	vmul.f32 v17, v7;
	v16 =	vmul.f32 v16, v7;
	v13 =	vmax.f32 v13, $0.0e+00  }
0x388: {  	v20 =	vmax.f32 v15, $0.0e+00;
	v15 =	vmax.f32 v18, $0.0e+00;
	v18 =	vmax.f32 v22, $0.0e+00  }
.Ltmp14:
0x389: {  	v23 =	vmax.f32 v17, $0.0e+00;
	v16 =	vmax.f32 v16, $0.0e+00;
	v22 =	vmax.f32 v14, $0.0e+00;
	(pc) =	sbr.rel @p0 .LBB2_30-.Ltmp14, $4  }
0x38a: {  	v24 =	vmin.f32 v19, $3.100000000e+01;
	v25 =	vmin.f32 v13, $1.900000000e+01;
	v17 =	vmin.f32 v15, $3.100000000e+01  }
0x38b: {  	v15 =	vmin.f32 v21, $3.100000000e+01;
	v14 =	vmin.f32 v20, $1.900000000e+01;
	v18 =	vmin.f32 v18, $1.900000000e+01  }
0x38c: {  	v13 =	vmin.f32 v16, $1.790000000e+02;
	v16 =	vmin.f32 v23, $1.790000000e+02;
	v19 =	vmin.f32 v22, $1.790000000e+02  }
0x38d: {  	s2 =	sadd.s32 $0x140, s2;
	v20 =	vtrunc.f32 v24;
	v21 =	vtrunc.f32 v25;
	v22 =	vor.u32 s4, v1  }
0x38e: {  	v23 =	vor.u32 s4, v8  }
0x38f: {  	v26 =	vor.u32 s3, v1  }
0x390: {  	v24 =	vor.u32 s4, v9  }
0x391: {  	v21 =	vcvt.f32.s32 v21;
	v55 =	vor.u32 s3, v4  }
0x392: {  	v25 =	vor.u32 s4, v10;
	[tilespmem:v22+s28+$0x0] =	vst.idx.msk $0xffff, v12  }
0x393: {  	v54 =	vcvt.f32.s32 v20;
	v56 =	vor.u32 s3, v5;
	v18 =	vtrunc.f32 v18;
	[tilespmem:v23+s28+$0x0] =	vst.idx.msk $0xffff, v21  }
0x394: {  	v53 =	vtrunc.f32 v19;
	v58 =	vor.u32 s0, v4;
	v18 =	vcvt.f32.s32 v18;
	[tilespmem:v26+s28+$0x0] =	vst.idx.msk $0xffff, v11  }
0x395: {  	v57 =	vor.u32 s3, v6;
	v17 =	vtrunc.f32 v17;
	v12 =	vcvt.f32.s32 v53;
	[tilespmem:v24+s28+$0x0] =	vst.idx.msk $0xffff, v54  }
0x396: {  	v61 =	vor.u32 s0, v5;
	v60 =	vcvt.f32.s32 v17;
	v11 =	vtrunc.f32 v14;
	[tilespmem:v55+s28+$0x0] =	vst.idx.msk $0xffff, v18  }
0x397: {  	v59 =	vtrunc.f32 v16;
	v62 =	vor.u32 s0, v6;
	v11 =	vcvt.f32.s32 v11;
	[tilespmem:v25+s28+$0x0] =	vst.idx.msk $0xffff, v12  }
0x398: {  	v15 =	vtrunc.f32 v15;
	v12 =	vcvt.f32.s32 v59;
	[tilespmem:v56+s28+$0x0] =	vst.idx.msk $0xffff, v60  }
0x399: {  	v13 =	vtrunc.f32 v13;
	v15 =	vcvt.f32.s32 v15;
	[tilespmem:v58+s28+$0x0] =	vst.idx.msk $0xffff, v11  }
0x39a: {  	v63 =	vcvt.f32.s32 v13;
	[tilespmem:v57+s28+$0x0] =	vst.idx.msk $0xffff, v12  }
0x39b: {  	[tilespmem:v61+s28+$0x0] =	vst.idx.msk $0xffff, v15  }
0x39c: {  	[tilespmem:v62+s28+$0x0] =	vst.idx.msk $0xffff, v63  }
.LBB2_32:
0x39d: {  	v11 =	vadd.s32 s5, v3  }
0x39e: {  	v12 =	vadd.s32 s5, v2;
	_ =	sdelay $0x2  }
0x39f: {  	v13 =	vadd.s32 s5, v0  }
0x3a0: {  	v11 =	vld.idx.msk [tilespmem:v11+s22+$0x0], $0xffff  }
0x3a1: {  	v12 =	vld.idx.msk [tilespmem:v12+s22+$0x0], $0xffff;
	_ =	sdelay $0x2  }
0x3a2: {  	v13 =	vld.idx.msk [tilespmem:v13+s22+$0x0], $0xffff  }
0x3a3: {  	v11 =	vadd.f32 $2.000000000e+00, v11  }
0x3a4: {  	v12 =	vadd.f32 $6.400000100e+00, v12  }
0x3a5: {  	s0 =	sshra.s32 s6, $0x2;
	v11 =	vmul.f32 v11, v7  }
0x3a6: {  	v14 =	vor.u32 s6, v1;
	v16 =	vor.u32 s6, v4;
	v15 =	vld [tilespmem:s0+$0xAD00];
	v12 =	vmul.f32 v12, v7  }
0x3a7: {  	v17 =	vor.u32 s6, v5;
	v13 =	vmul.f32 v13, v7;
	v11 =	vmax.f32 v11, $0.0e+00  }
0x3a8: {  	v18 =	vor.u32 s6, v6;
	v12 =	vmax.f32 v12, $0.0e+00;
	v11 =	vmin.f32 v11, $1.900000000e+01  }
0x3a9: {  	p0 =	sne.s32 s5, $0x4DD0;
	v13 =	vmax.f32 v13, $0.0e+00;
	v12 =	vmin.f32 v12, $3.100000000e+01;
	v11 =	vtrunc.f32 v11  }
.Ltmp15:
0x3aa: {  	v13 =	vmin.f32 v13, $1.790000000e+02;
	v12 =	vtrunc.f32 v12;
	v11 =	vcvt.f32.s32 v11;
	(pc) =	sbr.rel @p0 .LBB2_32-.Ltmp15, $4  }
0x3ab: {  	[tilespmem:v14+s28+$0x0] =	vst.idx.msk $0xffff, v15;
	v13 =	vtrunc.f32 v13;
	v12 =	vcvt.f32.s32 v12  }
0x3ac: {  	[tilespmem:v16+s28+$0x0] =	vst.idx.msk $0xffff, v11;
	v11 =	vcvt.f32.s32 v13  }
0x3ad: {  	[tilespmem:v17+s28+$0x0] =	vst.idx.msk $0xffff, v12  }
0x3ae: {  	s6 =	sadd.s32 $0x40, s6;
	s5 =	sadd.s32 $0x50, s5;
	[tilespmem:v18+s28+$0x0] =	vst.idx.msk $0xffff, v11  }
0x3af: {  	s0 =	simm.s32 $0x0  }
0x3b0: {  	[hbm4b:s10+s0] =	stream.linear.scatter [tilespmem:s28], [sflag:$0x4], $0x3E80, $0x38;
	[tilespmem:$0x13A00] =	vst v63  }
0x3b1: {  	s1 =	rddreg [dreg:$0xd]  }
0x3b2: {  	[tilespmem:s22], [sflag:$0x2] =	stream.linear.gather [hbm4b:s1+s0], $0x4E20, $0x38;
	[tilespmem:$0x13A00] =	vst v63  }
0x3b3: {  	s5 =	rddreg [dreg:$0x1d]  }
0x3b4: {  	[tilespmem:s23], [sflag:$0x2] =	stream.linear.gather [hbm4b:s5+s0], $0xFA0, $0x38;
	[tilespmem:$0x13A00] =	vst v63  }
0x3b5: {  	_ =	swait.ge [sflag:s24], $0x4E20  }
0x3b6: {  	[sflag:s24] =	ssyncset.done $0x0  }
0x3b7: {  	[sflag:s24] =	ssyncadd.s32 $0xFFFFB1E0  }
0x3b8: {  	_ =	swait.ge [sflag:s24], $0xFA0  }
0x3b9: {  	s6 =	simm.s32 $0xF0;
	v11 =	vadd.s32 s0, v2;
	[sflag:s24] =	ssyncset.done $0x0  }
0x3ba: {  	v12 =	vadd.s32 s6, v3;
	[sflag:s24] =	ssyncadd.s32 $0xFFFFF060  }
0x3bb: {  	s2 =	simm.s32 $0x50;
	v13 =	vadd.s32 s6, v2;
	_ =	swait.ge [sflag:s29], $0x3E80  }
0x3bc: {  	v14 =	vadd.s32 s2, v2;
	[sflag:s29] =	ssyncset.done $0x0  }
0x3bd: {  	v15 =	vadd.s32 s6, v0;
	[sflag:s29] =	ssyncadd.s32 $0xFFFFC180  }
0x3be: {  	s7 =	simm.s32 $0xA0;
	v16 =	vadd.s32 s2, v3;
	v11 =	vld.idx.msk [tilespmem:v11+s17+$0x0], $0xffff  }
0x3bf: {  	v17 =	vadd.s32 s7, v2;
	v12 =	vld.idx.msk [tilespmem:v12+s17+$0x0], $0xffff  }
0x3c0: {  	v21 =	vadd.s32 s2, v0;
	v13 =	vld.idx.msk [tilespmem:v13+s17+$0x0], $0xffff  }
0x3c1: {  	v18 =	vadd.s32 s0, v0;
	v14 =	vld.idx.msk [tilespmem:v14+s17+$0x0], $0xffff  }
0x3c2: {  	v22 =	vadd.s32 s7, v0;
	v15 =	vld.idx.msk [tilespmem:v15+s17+$0x0], $0xffff  }
0x3c3: {  	v19 =	vadd.s32 s7, v3;
	v16 =	vld.idx.msk [tilespmem:v16+s17+$0x0], $0xffff  }
0x3c4: {  	v20 =	vadd.s32 s0, v3;
	v17 =	vld.idx.msk [tilespmem:v17+s17+$0x0], $0xffff  }
0x3c5: {  	v21 =	vld.idx.msk [tilespmem:v21+s17+$0x0], $0xffff  }
0x3c6: {  	v18 =	vld.idx.msk [tilespmem:v18+s17+$0x0], $0xffff  }
0x3c7: {  	s8 =	simm.s32 $0xC0;
	v23 =	vor.u32 s0, v1;
	v22 =	vld.idx.msk [tilespmem:v22+s17+$0x0], $0xffff  }
0x3c8: {  	v24 =	vor.u32 s8, v1;
	v25 =	vor.u32 s8, v8;
	v26 =	vor.u32 s8, v9;
	v19 =	vld.idx.msk [tilespmem:v19+s17+$0x0], $0xffff  }
0x3c9: {  	v27 =	vor.u32 s8, v10;
	v20 =	vld.idx.msk [tilespmem:v20+s17+$0x0], $0xffff;
	v11 =	vadd.f32 $6.400000100e+00, v11;
	v12 =	vadd.f32 $2.000000000e+00, v12  }
0x3ca: {  	v13 =	vadd.f32 $6.400000100e+00, v13;
	v14 =	vadd.f32 $6.400000100e+00, v14;
	v15 =	vmul.f32 v15, v7  }
0x3cb: {  	v16 =	vadd.f32 $2.000000000e+00, v16;
	v21 =	vmul.f32 v21, v7;
	v18 =	vmul.f32 v18, v7  }
0x3cc: {  	v17 =	vadd.f32 $6.400000100e+00, v17;
	v22 =	vmul.f32 v22, v7;
	v11 =	vmul.f32 v11, v7  }
0x3cd: {  	v19 =	vadd.f32 $2.000000000e+00, v19;
	v12 =	vmul.f32 v12, v7;
	v13 =	vmul.f32 v13, v7  }
0x3ce: {  	v20 =	vadd.f32 $2.000000000e+00, v20;
	v14 =	vmul.f32 v14, v7;
	v16 =	vmul.f32 v16, v7  }
0x3cf: {  	v15 =	vmax.f32 v15, $0.0e+00;
	v17 =	vmul.f32 v17, v7;
	v19 =	vmul.f32 v19, v7  }
0x3d0: {  	s9 =	simm.s32 $0x0;
	v20 =	vmul.f32 v20, v7;
	v62 =	vmax.f32 v18, $0.0e+00;
	v15 =	vmin.f32 v15, $1.790000000e+02  }
0x3d1: {  	v29 =	vld [tilespmem:s9+$0x9D00];
	v21 =	vmax.f32 v21, $0.0e+00;
	v22 =	vmax.f32 v22, $0.0e+00;
	v15 =	vtrunc.f32 v15  }
0x3d2: {  	v12 =	vmax.f32 v12, $0.0e+00;
	v13 =	vmax.f32 v13, $0.0e+00;
	v28 =	vcvt.f32.s32 v15;
	v15 =	vld [tilespmem:s9+$0x9D30]  }
0x3d3: {  	v11 =	vmax.f32 v11, $0.0e+00;
	v14 =	vmax.f32 v14, $0.0e+00;
	v16 =	vmax.f32 v16, $0.0e+00  }
0x3d4: {  	v20 =	vmax.f32 v20, $0.0e+00;
	v17 =	vmax.f32 v17, $0.0e+00;
	v12 =	vmin.f32 v12, $1.900000000e+01  }
0x3d5: {  	v19 =	vmax.f32 v19, $0.0e+00;
	v13 =	vmin.f32 v13, $3.100000000e+01;
	v12 =	vtrunc.f32 v12  }
0x3d6: {  	[tilespmem:v23+s25+$0x0] =	vst.idx.msk $0xffff, v29;
	v63 =	vmin.f32 v14, $3.100000000e+01;
	v13 =	vtrunc.f32 v13;
	v12 =	vcvt.f32.s32 v12  }
0x3d7: {  	v30 =	vmin.f32 v16, $1.900000000e+01;
	v17 =	vmin.f32 v17, $3.100000000e+01;
	v13 =	vcvt.f32.s32 v13;
	[tilespmem:v24+s25+$0x0] =	vst.idx.msk $0xffff, v15  }
0x3d8: {  	s4 =	simm.s32 $0x40;
	v14 =	vmin.f32 v20, $1.900000000e+01;
	v18 =	vmin.f32 v19, $1.900000000e+01;
	v19 =	vmin.f32 v21, $1.790000000e+02;
	[tilespmem:v25+s25+$0x0] =	vst.idx.msk $0xffff, v12  }
0x3d9: {  	v16 =	vmin.f32 v22, $1.790000000e+02;
	v22 =	vor.u32 s4, v1;
	v15 =	vmin.f32 v11, $3.100000000e+01;
	v11 =	vld [tilespmem:s9+$0x9D20];
	[tilespmem:v26+s25+$0x0] =	vst.idx.msk $0xffff, v13  }
0x3da: {  	s3 =	simm.s32 $0x80;
	s2 =	simm.s32 $0x140;
	s1 =	simm.s32 $0x0;
	v20 =	vtrunc.f32 v63;
	v21 =	vtrunc.f32 v30;
	v12 =	vld [tilespmem:s9+$0x9D10];
	v13 =	vmin.f32 v62, $1.790000000e+02;
	[tilespmem:v27+s25+$0x0] =	vst.idx.msk $0xffff, v28  }
.LBB2_34:
0x3db: {  	v23 =	vadd.s32 s2, v0;
	v24 =	vadd.s32 s2, v2;
	v25 =	vadd.s32 s2, v3;
	s5 =	sadd.s32 $0x50, s2;
	s6 =	sadd.s32 $0xA0, s2;
	s7 =	sadd.s32 $0xF0, s2  }
0x3dc: {  	v26 =	vadd.s32 s5, v2;
	v27 =	vadd.s32 s5, v3;
	v28 =	vadd.s32 s7, v3  }
0x3dd: {  	s1 =	sadd.s32 $0x4, s1;
	v29 =	vadd.s32 s6, v2;
	v30 =	vadd.s32 s6, v3;
	v31 =	vadd.s32 s7, v2  }
0x3de: {  	v17 =	vtrunc.f32 v17;
	v32 =	vadd.s32 s5, v0;
	v33 =	vadd.s32 s6, v0;
	p0 =	slt.u32 s1, $0xF4  }
0x3df: {  	v15 =	vtrunc.f32 v15;
	v18 =	vtrunc.f32 v18;
	[tilespmem:v22+s25+$0x0] =	vst.idx.msk $0xffff, v12;
	v12 =	vor.u32 s4, v8  }
0x3e0: {  	v14 =	vtrunc.f32 v14;
	v19 =	vtrunc.f32 v19;
	v22 =	vld.idx.msk [tilespmem:v24+s17+$0x0], $0xffff;
	v24 =	vadd.s32 s7, v0  }
0x3e1: {  	v13 =	vtrunc.f32 v13;
	v34 =	vor.u32 s4, v9;
	v16 =	vtrunc.f32 v16;
	v28 =	vld.idx.msk [tilespmem:v28+s17+$0x0], $0xffff  }
0x3e2: {  	v20 =	vcvt.f32.s32 v20;
	v21 =	vcvt.f32.s32 v21;
	v35 =	vor.u32 s4, v10;
	v31 =	vld.idx.msk [tilespmem:v31+s17+$0x0], $0xffff  }
0x3e3: {  	v36 =	vor.u32 s3, v1;
	v17 =	vcvt.f32.s32 v17;
	v18 =	vcvt.f32.s32 v18;
	v26 =	vld.idx.msk [tilespmem:v26+s17+$0x0], $0xffff  }
0x3e4: {  	v15 =	vcvt.f32.s32 v15;
	v14 =	vcvt.f32.s32 v14;
	v27 =	vld.idx.msk [tilespmem:v27+s17+$0x0], $0xffff;
	[tilespmem:v12+s25+$0x0] =	vst.idx.msk $0xffff, v21;
	v12 =	vor.u32 s3, v4  }
0x3e5: {  	v19 =	vcvt.f32.s32 v19;
	v16 =	vcvt.f32.s32 v16;
	v21 =	vld.idx.msk [tilespmem:v24+s17+$0x0], $0xffff;
	v24 =	vor.u32 s3, v5  }
0x3e6: {  	v13 =	vcvt.f32.s32 v13;
	v22 =	vadd.f32 $6.400000100e+00, v22;
	v29 =	vld.idx.msk [tilespmem:v29+s17+$0x0], $0xffff;
	[tilespmem:v34+s25+$0x0] =	vst.idx.msk $0xffff, v20;
	v20 =	vor.u32 s3, v6  }
0x3e7: {  	v37 =	vor.u32 s0, v5;
	v28 =	vadd.f32 $2.000000000e+00, v28;
	v34 =	vor.u32 s0, v4;
	v30 =	vld.idx.msk [tilespmem:v30+s17+$0x0], $0xffff;
	[tilespmem:v35+s25+$0x0] =	vst.idx.msk $0xffff, v19  }
0x3e8: {  	v22 =	vmul.f32 v22, v7;
	v19 =	vld.idx.msk [tilespmem:v25+s17+$0x0], $0xffff;
	v25 =	vadd.f32 $6.400000100e+00, v31;
	v31 =	vor.u32 s0, v6;
	[tilespmem:v36+s25+$0x0] =	vst.idx.msk $0xffff, v11;
	s0 =	sadd.s32 $0x100, s0  }
0x3e9: {  	v26 =	vadd.f32 $6.400000100e+00, v26;
	v11 =	vmul.f32 v28, v7;
	s5 =	sshra.s32 s0, $0x2;
	v35 =	vor.u32 s0, v1;
	s4 =	sadd.s32 $0x40, s0;
	v32 =	vld.idx.msk [tilespmem:v32+s17+$0x0], $0xffff;
	s6 =	sadd.s32 $0xC0, s0;
	[tilespmem:v12+s25+$0x0] =	vst.idx.msk $0xffff, v18  }
0x3ea: {  	s3 =	sadd.s32 $0x80, s0;
	v18 =	vld [tilespmem:s5+$0x9D30];
	v12 =	vmul.f32 v25, v7;
	v25 =	vor.u32 s6, v1;
	v28 =	vor.u32 s6, v8;
	[tilespmem:v24+s25+$0x0] =	vst.idx.msk $0xffff, v17  }
0x3eb: {  	v21 =	vmul.f32 v21, v7;
	v11 =	vmax.f32 v11, $0.0e+00;
	v24 =	vor.u32 s6, v9;
	v17 =	vld.idx.msk [tilespmem:v33+s17+$0x0], $0xffff;
	[tilespmem:v20+s25+$0x0] =	vst.idx.msk $0xffff, v16  }
0x3ec: {  	v11 =	vmin.f32 v11, $1.900000000e+01;
	v20 =	vor.u32 s6, v10;
	v16 =	vld.idx.msk [tilespmem:v23+s17+$0x0], $0xffff;
	v12 =	vmax.f32 v12, $0.0e+00;
	[tilespmem:v34+s25+$0x0] =	vst.idx.msk $0xffff, v14  }
0x3ed: {  	v21 =	vmax.f32 v21, $0.0e+00;
	v11 =	vtrunc.f32 v11;
	v14 =	vld [tilespmem:s5+$0x9D00];
	v23 =	vmin.f32 v12, $3.100000000e+01;
	[tilespmem:v37+s25+$0x0] =	vst.idx.msk $0xffff, v15  }
0x3ee: {  	v15 =	vmin.f32 v21, $1.790000000e+02;
	v12 =	vld [tilespmem:s5+$0x9D10];
	v21 =	vtrunc.f32 v23;
	v23 =	vcvt.f32.s32 v11;
	[tilespmem:v31+s25+$0x0] =	vst.idx.msk $0xffff, v13  }
0x3ef: {  	v13 =	vadd.f32 $2.000000000e+00, v27;
	v15 =	vtrunc.f32 v15;
	v11 =	vld [tilespmem:s5+$0x9D20];
	v21 =	vcvt.f32.s32 v21;
	[tilespmem:v25+s25+$0x0] =	vst.idx.msk $0xffff, v18  }
0x3f0: {  	v18 =	vadd.f32 $6.400000100e+00, v29;
	v25 =	vadd.f32 $2.000000000e+00, v30;
	v15 =	vcvt.f32.s32 v15;
	[tilespmem:v28+s25+$0x0] =	vst.idx.msk $0xffff, v23  }
0x3f1: {  	v19 =	vadd.f32 $2.000000000e+00, v19;
	v23 =	vmul.f32 v26, v7;
	v13 =	vmul.f32 v13, v7;
	[tilespmem:v24+s25+$0x0] =	vst.idx.msk $0xffff, v21  }
0x3f2: {  	s6 =	simm.s32 $0x3E00;
	s5 =	simm.s32 $0x4D80;
	v21 =	vmax.f32 v22, $0.0e+00;
	v18 =	vmul.f32 v18, v7;
	v22 =	vmul.f32 v25, v7;
	[tilespmem:v20+s25+$0x0] =	vst.idx.msk $0xffff, v15  }
0x3f3: {  	v15 =	vmul.f32 v19, v7;
	v19 =	vmax.f32 v23, $0.0e+00;
	[tilespmem:v35+s25+$0x0] =	vst.idx.msk $0xffff, v14;
	v14 =	vmul.f32 v32, v7  }
0x3f4: {  	v17 =	vmul.f32 v17, v7;
	v16 =	vmul.f32 v16, v7;
	v13 =	vmax.f32 v13, $0.0e+00  }
0x3f5: {  	v20 =	vmax.f32 v15, $0.0e+00;
	v15 =	vmax.f32 v18, $0.0e+00;
	v18 =	vmax.f32 v22, $0.0e+00  }
.Ltmp16:
0x3f6: {  	v23 =	vmax.f32 v17, $0.0e+00;
	v16 =	vmax.f32 v16, $0.0e+00;
	v22 =	vmax.f32 v14, $0.0e+00;
	(pc) =	sbr.rel @p0 .LBB2_34-.Ltmp16, $4  }
0x3f7: {  	v24 =	vmin.f32 v19, $3.100000000e+01;
	v25 =	vmin.f32 v13, $1.900000000e+01;
	v17 =	vmin.f32 v15, $3.100000000e+01  }
0x3f8: {  	v15 =	vmin.f32 v21, $3.100000000e+01;
	v14 =	vmin.f32 v20, $1.900000000e+01;
	v18 =	vmin.f32 v18, $1.900000000e+01  }
0x3f9: {  	v13 =	vmin.f32 v16, $1.790000000e+02;
	v16 =	vmin.f32 v23, $1.790000000e+02;
	v19 =	vmin.f32 v22, $1.790000000e+02  }
0x3fa: {  	s2 =	sadd.s32 $0x140, s2;
	v20 =	vtrunc.f32 v24;
	v21 =	vtrunc.f32 v25;
	v22 =	vor.u32 s4, v1  }
0x3fb: {  	v23 =	vor.u32 s4, v8  }
0x3fc: {  	v26 =	vor.u32 s3, v1  }
0x3fd: {  	v24 =	vor.u32 s4, v9  }
0x3fe: {  	v21 =	vcvt.f32.s32 v21;
	v55 =	vor.u32 s3, v4  }
0x3ff: {  	v25 =	vor.u32 s4, v10;
	[tilespmem:v22+s25+$0x0] =	vst.idx.msk $0xffff, v12  }
0x400: {  	v54 =	vcvt.f32.s32 v20;
	v56 =	vor.u32 s3, v5;
	v18 =	vtrunc.f32 v18;
	[tilespmem:v23+s25+$0x0] =	vst.idx.msk $0xffff, v21  }
0x401: {  	v53 =	vtrunc.f32 v19;
	v58 =	vor.u32 s0, v4;
	v18 =	vcvt.f32.s32 v18;
	[tilespmem:v26+s25+$0x0] =	vst.idx.msk $0xffff, v11  }
0x402: {  	v57 =	vor.u32 s3, v6;
	v17 =	vtrunc.f32 v17;
	v12 =	vcvt.f32.s32 v53;
	[tilespmem:v24+s25+$0x0] =	vst.idx.msk $0xffff, v54  }
0x403: {  	v61 =	vor.u32 s0, v5;
	v60 =	vcvt.f32.s32 v17;
	v11 =	vtrunc.f32 v14;
	[tilespmem:v55+s25+$0x0] =	vst.idx.msk $0xffff, v18  }
0x404: {  	v59 =	vtrunc.f32 v16;
	v62 =	vor.u32 s0, v6;
	v11 =	vcvt.f32.s32 v11;
	[tilespmem:v25+s25+$0x0] =	vst.idx.msk $0xffff, v12  }
0x405: {  	v15 =	vtrunc.f32 v15;
	v12 =	vcvt.f32.s32 v59;
	[tilespmem:v56+s25+$0x0] =	vst.idx.msk $0xffff, v60  }
0x406: {  	v13 =	vtrunc.f32 v13;
	v15 =	vcvt.f32.s32 v15;
	[tilespmem:v58+s25+$0x0] =	vst.idx.msk $0xffff, v11  }
0x407: {  	v63 =	vcvt.f32.s32 v13;
	[tilespmem:v57+s25+$0x0] =	vst.idx.msk $0xffff, v12  }
0x408: {  	[tilespmem:v61+s25+$0x0] =	vst.idx.msk $0xffff, v15  }
0x409: {  	[tilespmem:v62+s25+$0x0] =	vst.idx.msk $0xffff, v63  }
.LBB2_36:
0x40a: {  	v11 =	vadd.s32 s5, v3  }
0x40b: {  	v12 =	vadd.s32 s5, v2;
	_ =	sdelay $0x2  }
0x40c: {  	v13 =	vadd.s32 s5, v0  }
0x40d: {  	v11 =	vld.idx.msk [tilespmem:v11+s17+$0x0], $0xffff  }
0x40e: {  	v12 =	vld.idx.msk [tilespmem:v12+s17+$0x0], $0xffff;
	_ =	sdelay $0x2  }
0x40f: {  	v13 =	vld.idx.msk [tilespmem:v13+s17+$0x0], $0xffff  }
0x410: {  	v11 =	vadd.f32 $2.000000000e+00, v11  }
0x411: {  	v12 =	vadd.f32 $6.400000100e+00, v12  }
0x412: {  	s0 =	sshra.s32 s6, $0x2;
	v11 =	vmul.f32 v11, v7  }
0x413: {  	v14 =	vor.u32 s6, v1;
	v16 =	vor.u32 s6, v4;
	v15 =	vld [tilespmem:s0+$0x9D00];
	v12 =	vmul.f32 v12, v7  }
0x414: {  	v17 =	vor.u32 s6, v5;
	v13 =	vmul.f32 v13, v7;
	v11 =	vmax.f32 v11, $0.0e+00  }
0x415: {  	v18 =	vor.u32 s6, v6;
	v12 =	vmax.f32 v12, $0.0e+00;
	v11 =	vmin.f32 v11, $1.900000000e+01  }
0x416: {  	p0 =	sne.s32 s5, $0x4DD0;
	v13 =	vmax.f32 v13, $0.0e+00;
	v12 =	vmin.f32 v12, $3.100000000e+01;
	v11 =	vtrunc.f32 v11  }
.Ltmp17:
0x417: {  	v13 =	vmin.f32 v13, $1.790000000e+02;
	v12 =	vtrunc.f32 v12;
	v11 =	vcvt.f32.s32 v11;
	(pc) =	sbr.rel @p0 .LBB2_36-.Ltmp17, $4  }
0x418: {  	[tilespmem:v14+s25+$0x0] =	vst.idx.msk $0xffff, v15;
	v13 =	vtrunc.f32 v13;
	v12 =	vcvt.f32.s32 v12  }
0x419: {  	[tilespmem:v16+s25+$0x0] =	vst.idx.msk $0xffff, v11;
	v11 =	vcvt.f32.s32 v13  }
0x41a: {  	[tilespmem:v17+s25+$0x0] =	vst.idx.msk $0xffff, v12  }
0x41b: {  	s6 =	sadd.s32 $0x40, s6;
	s5 =	sadd.s32 $0x50, s5;
	[tilespmem:v18+s25+$0x0] =	vst.idx.msk $0xffff, v11  }
0x41c: {  	s0 =	simm.s32 $0x0  }
0x41d: {  	[hbm4b:s11+s0] =	stream.linear.scatter [tilespmem:s25], [sflag:$0x3], $0x3E80, $0x38;
	[tilespmem:$0x13A00] =	vst v63  }
0x41e: {  	s1 =	rddreg [dreg:$0xe]  }
0x41f: {  	[tilespmem:s0], [sflag:$0x1] =	stream.linear.gather [hbm4b:s1+s0], $0x4E20, $0x38;
	[tilespmem:$0x13A00] =	vst v63  }
0x420: {  	s5 =	rddreg [dreg:$0x1e]  }
0x421: {  	[tilespmem:s21], [sflag:$0x1] =	stream.linear.gather [hbm4b:s5+s0], $0xFA0, $0x38;
	[tilespmem:$0x13A00] =	vst v63  }
0x422: {  	_ =	swait.ge [sflag:s26], $0x4E20  }
0x423: {  	[sflag:s26] =	ssyncset.done $0x0  }
0x424: {  	[sflag:s26] =	ssyncadd.s32 $0xFFFFB1E0  }
0x425: {  	_ =	swait.ge [sflag:s26], $0xFA0  }
0x426: {  	s6 =	simm.s32 $0xF0;
	v11 =	vadd.s32 s0, v2;
	[sflag:s26] =	ssyncset.done $0x0  }
0x427: {  	v12 =	vadd.s32 s6, v3;
	[sflag:s26] =	ssyncadd.s32 $0xFFFFF060  }
0x428: {  	s2 =	simm.s32 $0x50;
	v13 =	vadd.s32 s6, v2;
	_ =	swait.ge [sflag:s30], $0x3E80  }
0x429: {  	v14 =	vadd.s32 s2, v2;
	[sflag:s30] =	ssyncset.done $0x0  }
0x42a: {  	v15 =	vadd.s32 s6, v0;
	[sflag:s30] =	ssyncadd.s32 $0xFFFFC180  }
0x42b: {  	s7 =	simm.s32 $0xA0;
	v16 =	vadd.s32 s2, v3;
	v11 =	vld.idx.msk [tilespmem:v11+s22+$0x0], $0xffff  }
0x42c: {  	v17 =	vadd.s32 s7, v2;
	v12 =	vld.idx.msk [tilespmem:v12+s22+$0x0], $0xffff  }
0x42d: {  	v21 =	vadd.s32 s2, v0;
	v13 =	vld.idx.msk [tilespmem:v13+s22+$0x0], $0xffff  }
0x42e: {  	v18 =	vadd.s32 s0, v0;
	v14 =	vld.idx.msk [tilespmem:v14+s22+$0x0], $0xffff  }
0x42f: {  	v22 =	vadd.s32 s7, v0;
	v15 =	vld.idx.msk [tilespmem:v15+s22+$0x0], $0xffff  }
0x430: {  	v19 =	vadd.s32 s7, v3;
	v16 =	vld.idx.msk [tilespmem:v16+s22+$0x0], $0xffff  }
0x431: {  	v20 =	vadd.s32 s0, v3;
	v17 =	vld.idx.msk [tilespmem:v17+s22+$0x0], $0xffff  }
0x432: {  	v21 =	vld.idx.msk [tilespmem:v21+s22+$0x0], $0xffff  }
0x433: {  	v18 =	vld.idx.msk [tilespmem:v18+s22+$0x0], $0xffff  }
0x434: {  	s8 =	simm.s32 $0xC0;
	v23 =	vor.u32 s0, v1;
	v22 =	vld.idx.msk [tilespmem:v22+s22+$0x0], $0xffff  }
0x435: {  	v24 =	vor.u32 s8, v1;
	v25 =	vor.u32 s8, v8;
	v26 =	vor.u32 s8, v9;
	v19 =	vld.idx.msk [tilespmem:v19+s22+$0x0], $0xffff  }
0x436: {  	v27 =	vor.u32 s8, v10;
	v20 =	vld.idx.msk [tilespmem:v20+s22+$0x0], $0xffff;
	v11 =	vadd.f32 $6.400000100e+00, v11;
	v12 =	vadd.f32 $2.000000000e+00, v12  }
0x437: {  	v13 =	vadd.f32 $6.400000100e+00, v13;
	v14 =	vadd.f32 $6.400000100e+00, v14;
	v15 =	vmul.f32 v15, v7  }
0x438: {  	v16 =	vadd.f32 $2.000000000e+00, v16;
	v21 =	vmul.f32 v21, v7;
	v18 =	vmul.f32 v18, v7  }
0x439: {  	v17 =	vadd.f32 $6.400000100e+00, v17;
	v22 =	vmul.f32 v22, v7;
	v11 =	vmul.f32 v11, v7  }
0x43a: {  	v19 =	vadd.f32 $2.000000000e+00, v19;
	v12 =	vmul.f32 v12, v7;
	v13 =	vmul.f32 v13, v7  }
0x43b: {  	v20 =	vadd.f32 $2.000000000e+00, v20;
	v14 =	vmul.f32 v14, v7;
	v16 =	vmul.f32 v16, v7  }
0x43c: {  	v15 =	vmax.f32 v15, $0.0e+00;
	v17 =	vmul.f32 v17, v7;
	v19 =	vmul.f32 v19, v7  }
0x43d: {  	s9 =	simm.s32 $0x0;
	v20 =	vmul.f32 v20, v7;
	v62 =	vmax.f32 v18, $0.0e+00;
	v15 =	vmin.f32 v15, $1.790000000e+02  }
0x43e: {  	v29 =	vld [tilespmem:s9+$0xAD00];
	v21 =	vmax.f32 v21, $0.0e+00;
	v22 =	vmax.f32 v22, $0.0e+00;
	v15 =	vtrunc.f32 v15  }
0x43f: {  	v12 =	vmax.f32 v12, $0.0e+00;
	v13 =	vmax.f32 v13, $0.0e+00;
	v28 =	vcvt.f32.s32 v15;
	v15 =	vld [tilespmem:s9+$0xAD30]  }
0x440: {  	v11 =	vmax.f32 v11, $0.0e+00;
	v14 =	vmax.f32 v14, $0.0e+00;
	v16 =	vmax.f32 v16, $0.0e+00  }
0x441: {  	v20 =	vmax.f32 v20, $0.0e+00;
	v17 =	vmax.f32 v17, $0.0e+00;
	v12 =	vmin.f32 v12, $1.900000000e+01  }
0x442: {  	v19 =	vmax.f32 v19, $0.0e+00;
	v13 =	vmin.f32 v13, $3.100000000e+01;
	v12 =	vtrunc.f32 v12  }
0x443: {  	[tilespmem:v23+s28+$0x0] =	vst.idx.msk $0xffff, v29;
	v63 =	vmin.f32 v14, $3.100000000e+01;
	v13 =	vtrunc.f32 v13;
	v12 =	vcvt.f32.s32 v12  }
0x444: {  	v30 =	vmin.f32 v16, $1.900000000e+01;
	v17 =	vmin.f32 v17, $3.100000000e+01;
	v13 =	vcvt.f32.s32 v13;
	[tilespmem:v24+s28+$0x0] =	vst.idx.msk $0xffff, v15  }
0x445: {  	s4 =	simm.s32 $0x40;
	v14 =	vmin.f32 v20, $1.900000000e+01;
	v18 =	vmin.f32 v19, $1.900000000e+01;
	v19 =	vmin.f32 v21, $1.790000000e+02;
	[tilespmem:v25+s28+$0x0] =	vst.idx.msk $0xffff, v12  }
0x446: {  	v16 =	vmin.f32 v22, $1.790000000e+02;
	v22 =	vor.u32 s4, v1;
	v15 =	vmin.f32 v11, $3.100000000e+01;
	v11 =	vld [tilespmem:s9+$0xAD20];
	[tilespmem:v26+s28+$0x0] =	vst.idx.msk $0xffff, v13  }
0x447: {  	s3 =	simm.s32 $0x80;
	s2 =	simm.s32 $0x140;
	s1 =	simm.s32 $0x0;
	v20 =	vtrunc.f32 v63;
	v21 =	vtrunc.f32 v30;
	v12 =	vld [tilespmem:s9+$0xAD10];
	v13 =	vmin.f32 v62, $1.790000000e+02;
	[tilespmem:v27+s28+$0x0] =	vst.idx.msk $0xffff, v28  }
.LBB2_38:
0x448: {  	v23 =	vadd.s32 s2, v0;
	v24 =	vadd.s32 s2, v2;
	v25 =	vadd.s32 s2, v3;
	s5 =	sadd.s32 $0x50, s2;
	s6 =	sadd.s32 $0xA0, s2;
	s7 =	sadd.s32 $0xF0, s2  }
0x449: {  	v26 =	vadd.s32 s5, v2;
	v27 =	vadd.s32 s5, v3;
	v28 =	vadd.s32 s7, v3  }
0x44a: {  	s1 =	sadd.s32 $0x4, s1;
	v29 =	vadd.s32 s6, v2;
	v30 =	vadd.s32 s6, v3;
	v31 =	vadd.s32 s7, v2  }
0x44b: {  	v17 =	vtrunc.f32 v17;
	v32 =	vadd.s32 s5, v0;
	v33 =	vadd.s32 s6, v0;
	p0 =	slt.u32 s1, $0xF4  }
0x44c: {  	v15 =	vtrunc.f32 v15;
	v18 =	vtrunc.f32 v18;
	[tilespmem:v22+s28+$0x0] =	vst.idx.msk $0xffff, v12;
	v12 =	vor.u32 s4, v8  }
0x44d: {  	v14 =	vtrunc.f32 v14;
	v19 =	vtrunc.f32 v19;
	v22 =	vld.idx.msk [tilespmem:v24+s22+$0x0], $0xffff;
	v24 =	vadd.s32 s7, v0  }
0x44e: {  	v13 =	vtrunc.f32 v13;
	v34 =	vor.u32 s4, v9;
	v16 =	vtrunc.f32 v16;
	v28 =	vld.idx.msk [tilespmem:v28+s22+$0x0], $0xffff  }
0x44f: {  	v20 =	vcvt.f32.s32 v20;
	v21 =	vcvt.f32.s32 v21;
	v35 =	vor.u32 s4, v10;
	v31 =	vld.idx.msk [tilespmem:v31+s22+$0x0], $0xffff  }
0x450: {  	v36 =	vor.u32 s3, v1;
	v17 =	vcvt.f32.s32 v17;
	v18 =	vcvt.f32.s32 v18;
	v26 =	vld.idx.msk [tilespmem:v26+s22+$0x0], $0xffff  }
0x451: {  	v15 =	vcvt.f32.s32 v15;
	v14 =	vcvt.f32.s32 v14;
	v27 =	vld.idx.msk [tilespmem:v27+s22+$0x0], $0xffff;
	[tilespmem:v12+s28+$0x0] =	vst.idx.msk $0xffff, v21;
	v12 =	vor.u32 s3, v4  }
0x452: {  	v19 =	vcvt.f32.s32 v19;
	v16 =	vcvt.f32.s32 v16;
	v21 =	vld.idx.msk [tilespmem:v24+s22+$0x0], $0xffff;
	v24 =	vor.u32 s3, v5  }
0x453: {  	v13 =	vcvt.f32.s32 v13;
	v22 =	vadd.f32 $6.400000100e+00, v22;
	v29 =	vld.idx.msk [tilespmem:v29+s22+$0x0], $0xffff;
	[tilespmem:v34+s28+$0x0] =	vst.idx.msk $0xffff, v20;
	v20 =	vor.u32 s3, v6  }
0x454: {  	v37 =	vor.u32 s0, v5;
	v28 =	vadd.f32 $2.000000000e+00, v28;
	v34 =	vor.u32 s0, v4;
	v30 =	vld.idx.msk [tilespmem:v30+s22+$0x0], $0xffff;
	[tilespmem:v35+s28+$0x0] =	vst.idx.msk $0xffff, v19  }
0x455: {  	v22 =	vmul.f32 v22, v7;
	v19 =	vld.idx.msk [tilespmem:v25+s22+$0x0], $0xffff;
	v25 =	vadd.f32 $6.400000100e+00, v31;
	v31 =	vor.u32 s0, v6;
	[tilespmem:v36+s28+$0x0] =	vst.idx.msk $0xffff, v11;
	s0 =	sadd.s32 $0x100, s0  }
0x456: {  	v26 =	vadd.f32 $6.400000100e+00, v26;
	v11 =	vmul.f32 v28, v7;
	s5 =	sshra.s32 s0, $0x2;
	v35 =	vor.u32 s0, v1;
	s4 =	sadd.s32 $0x40, s0;
	v32 =	vld.idx.msk [tilespmem:v32+s22+$0x0], $0xffff;
	s6 =	sadd.s32 $0xC0, s0;
	[tilespmem:v12+s28+$0x0] =	vst.idx.msk $0xffff, v18  }
0x457: {  	s3 =	sadd.s32 $0x80, s0;
	v18 =	vld [tilespmem:s5+$0xAD30];
	v12 =	vmul.f32 v25, v7;
	v25 =	vor.u32 s6, v1;
	v28 =	vor.u32 s6, v8;
	[tilespmem:v24+s28+$0x0] =	vst.idx.msk $0xffff, v17  }
0x458: {  	v21 =	vmul.f32 v21, v7;
	v11 =	vmax.f32 v11, $0.0e+00;
	v24 =	vor.u32 s6, v9;
	v17 =	vld.idx.msk [tilespmem:v33+s22+$0x0], $0xffff;
	[tilespmem:v20+s28+$0x0] =	vst.idx.msk $0xffff, v16  }
0x459: {  	v11 =	vmin.f32 v11, $1.900000000e+01;
	v20 =	vor.u32 s6, v10;
	v16 =	vld.idx.msk [tilespmem:v23+s22+$0x0], $0xffff;
	v12 =	vmax.f32 v12, $0.0e+00;
	[tilespmem:v34+s28+$0x0] =	vst.idx.msk $0xffff, v14  }
0x45a: {  	v21 =	vmax.f32 v21, $0.0e+00;
	v11 =	vtrunc.f32 v11;
	v14 =	vld [tilespmem:s5+$0xAD00];
	v23 =	vmin.f32 v12, $3.100000000e+01;
	[tilespmem:v37+s28+$0x0] =	vst.idx.msk $0xffff, v15  }
0x45b: {  	v15 =	vmin.f32 v21, $1.790000000e+02;
	v12 =	vld [tilespmem:s5+$0xAD10];
	v21 =	vtrunc.f32 v23;
	v23 =	vcvt.f32.s32 v11;
	[tilespmem:v31+s28+$0x0] =	vst.idx.msk $0xffff, v13  }
0x45c: {  	v13 =	vadd.f32 $2.000000000e+00, v27;
	v15 =	vtrunc.f32 v15;
	v11 =	vld [tilespmem:s5+$0xAD20];
	v21 =	vcvt.f32.s32 v21;
	[tilespmem:v25+s28+$0x0] =	vst.idx.msk $0xffff, v18  }
0x45d: {  	v18 =	vadd.f32 $6.400000100e+00, v29;
	v25 =	vadd.f32 $2.000000000e+00, v30;
	v15 =	vcvt.f32.s32 v15;
	[tilespmem:v28+s28+$0x0] =	vst.idx.msk $0xffff, v23  }
0x45e: {  	v19 =	vadd.f32 $2.000000000e+00, v19;
	v23 =	vmul.f32 v26, v7;
	v13 =	vmul.f32 v13, v7;
	[tilespmem:v24+s28+$0x0] =	vst.idx.msk $0xffff, v21  }
0x45f: {  	s6 =	simm.s32 $0x3E00;
	s5 =	simm.s32 $0x4D80;
	v21 =	vmax.f32 v22, $0.0e+00;
	v18 =	vmul.f32 v18, v7;
	v22 =	vmul.f32 v25, v7;
	[tilespmem:v20+s28+$0x0] =	vst.idx.msk $0xffff, v15  }
0x460: {  	v15 =	vmul.f32 v19, v7;
	v19 =	vmax.f32 v23, $0.0e+00;
	[tilespmem:v35+s28+$0x0] =	vst.idx.msk $0xffff, v14;
	v14 =	vmul.f32 v32, v7  }
0x461: {  	v17 =	vmul.f32 v17, v7;
	v16 =	vmul.f32 v16, v7;
	v13 =	vmax.f32 v13, $0.0e+00  }
0x462: {  	v20 =	vmax.f32 v15, $0.0e+00;
	v15 =	vmax.f32 v18, $0.0e+00;
	v18 =	vmax.f32 v22, $0.0e+00  }
.Ltmp18:
0x463: {  	v23 =	vmax.f32 v17, $0.0e+00;
	v16 =	vmax.f32 v16, $0.0e+00;
	v22 =	vmax.f32 v14, $0.0e+00;
	(pc) =	sbr.rel @p0 .LBB2_38-.Ltmp18, $4  }
0x464: {  	v24 =	vmin.f32 v19, $3.100000000e+01;
	v25 =	vmin.f32 v13, $1.900000000e+01;
	v17 =	vmin.f32 v15, $3.100000000e+01  }
0x465: {  	v15 =	vmin.f32 v21, $3.100000000e+01;
	v14 =	vmin.f32 v20, $1.900000000e+01;
	v18 =	vmin.f32 v18, $1.900000000e+01  }
0x466: {  	v13 =	vmin.f32 v16, $1.790000000e+02;
	v16 =	vmin.f32 v23, $1.790000000e+02;
	v19 =	vmin.f32 v22, $1.790000000e+02  }
0x467: {  	s2 =	sadd.s32 $0x140, s2;
	v20 =	vtrunc.f32 v24;
	v21 =	vtrunc.f32 v25;
	v22 =	vor.u32 s4, v1  }
0x468: {  	v23 =	vor.u32 s4, v8  }
0x469: {  	v26 =	vor.u32 s3, v1  }
0x46a: {  	v24 =	vor.u32 s4, v9  }
0x46b: {  	v21 =	vcvt.f32.s32 v21;
	v55 =	vor.u32 s3, v4  }
0x46c: {  	v25 =	vor.u32 s4, v10;
	[tilespmem:v22+s28+$0x0] =	vst.idx.msk $0xffff, v12  }
0x46d: {  	v54 =	vcvt.f32.s32 v20;
	v56 =	vor.u32 s3, v5;
	v18 =	vtrunc.f32 v18;
	[tilespmem:v23+s28+$0x0] =	vst.idx.msk $0xffff, v21  }
0x46e: {  	v53 =	vtrunc.f32 v19;
	v58 =	vor.u32 s0, v4;
	v18 =	vcvt.f32.s32 v18;
	[tilespmem:v26+s28+$0x0] =	vst.idx.msk $0xffff, v11  }
0x46f: {  	v57 =	vor.u32 s3, v6;
	v17 =	vtrunc.f32 v17;
	v12 =	vcvt.f32.s32 v53;
	[tilespmem:v24+s28+$0x0] =	vst.idx.msk $0xffff, v54  }
0x470: {  	v61 =	vor.u32 s0, v5;
	v60 =	vcvt.f32.s32 v17;
	v11 =	vtrunc.f32 v14;
	[tilespmem:v55+s28+$0x0] =	vst.idx.msk $0xffff, v18  }
0x471: {  	v59 =	vtrunc.f32 v16;
	v62 =	vor.u32 s0, v6;
	v11 =	vcvt.f32.s32 v11;
	[tilespmem:v25+s28+$0x0] =	vst.idx.msk $0xffff, v12  }
0x472: {  	v15 =	vtrunc.f32 v15;
	v12 =	vcvt.f32.s32 v59;
	[tilespmem:v56+s28+$0x0] =	vst.idx.msk $0xffff, v60  }
0x473: {  	v13 =	vtrunc.f32 v13;
	v15 =	vcvt.f32.s32 v15;
	[tilespmem:v58+s28+$0x0] =	vst.idx.msk $0xffff, v11  }
0x474: {  	v63 =	vcvt.f32.s32 v13;
	[tilespmem:v57+s28+$0x0] =	vst.idx.msk $0xffff, v12  }
0x475: {  	[tilespmem:v61+s28+$0x0] =	vst.idx.msk $0xffff, v15  }
0x476: {  	[tilespmem:v62+s28+$0x0] =	vst.idx.msk $0xffff, v63  }
.LBB2_40:
0x477: {  	v11 =	vadd.s32 s5, v3  }
0x478: {  	v12 =	vadd.s32 s5, v2;
	_ =	sdelay $0x2  }
0x479: {  	v13 =	vadd.s32 s5, v0  }
0x47a: {  	v11 =	vld.idx.msk [tilespmem:v11+s22+$0x0], $0xffff  }
0x47b: {  	v12 =	vld.idx.msk [tilespmem:v12+s22+$0x0], $0xffff;
	_ =	sdelay $0x2  }
0x47c: {  	v13 =	vld.idx.msk [tilespmem:v13+s22+$0x0], $0xffff  }
0x47d: {  	v11 =	vadd.f32 $2.000000000e+00, v11  }
0x47e: {  	v12 =	vadd.f32 $6.400000100e+00, v12  }
0x47f: {  	s0 =	sshra.s32 s6, $0x2;
	v11 =	vmul.f32 v11, v7  }
0x480: {  	v14 =	vor.u32 s6, v1;
	v16 =	vor.u32 s6, v4;
	v15 =	vld [tilespmem:s0+$0xAD00];
	v12 =	vmul.f32 v12, v7  }
0x481: {  	v17 =	vor.u32 s6, v5;
	v13 =	vmul.f32 v13, v7;
	v11 =	vmax.f32 v11, $0.0e+00  }
0x482: {  	v18 =	vor.u32 s6, v6;
	v12 =	vmax.f32 v12, $0.0e+00;
	v11 =	vmin.f32 v11, $1.900000000e+01  }
0x483: {  	p0 =	sne.s32 s5, $0x4DD0;
	v13 =	vmax.f32 v13, $0.0e+00;
	v12 =	vmin.f32 v12, $3.100000000e+01;
	v11 =	vtrunc.f32 v11  }
.Ltmp19:
0x484: {  	v13 =	vmin.f32 v13, $1.790000000e+02;
	v12 =	vtrunc.f32 v12;
	v11 =	vcvt.f32.s32 v11;
	(pc) =	sbr.rel @p0 .LBB2_40-.Ltmp19, $4  }
0x485: {  	[tilespmem:v14+s28+$0x0] =	vst.idx.msk $0xffff, v15;
	v13 =	vtrunc.f32 v13;
	v12 =	vcvt.f32.s32 v12  }
0x486: {  	[tilespmem:v16+s28+$0x0] =	vst.idx.msk $0xffff, v11;
	v11 =	vcvt.f32.s32 v13  }
0x487: {  	[tilespmem:v17+s28+$0x0] =	vst.idx.msk $0xffff, v12  }
0x488: {  	s6 =	sadd.s32 $0x40, s6;
	s5 =	sadd.s32 $0x50, s5;
	[tilespmem:v18+s28+$0x0] =	vst.idx.msk $0xffff, v11  }
0x489: {  	s0 =	simm.s32 $0x0  }
0x48a: {  	[hbm4b:s12+s0] =	stream.linear.scatter [tilespmem:s28], [sflag:$0x4], $0x3E80, $0x38;
	[tilespmem:$0x13A00] =	vst v63  }
0x48b: {  	s1 =	rddreg [dreg:$0xf]  }
0x48c: {  	[tilespmem:s22], [sflag:$0x2] =	stream.linear.gather [hbm4b:s1+s0], $0x4E20, $0x38;
	[tilespmem:$0x13A00] =	vst v63  }
0x48d: {  	s5 =	rddreg [dreg:$0x1f]  }
0x48e: {  	[tilespmem:s23], [sflag:$0x2] =	stream.linear.gather [hbm4b:s5+s0], $0xFA0, $0x38;
	[tilespmem:$0x13A00] =	vst v63  }
0x48f: {  	_ =	swait.ge [sflag:s24], $0x4E20  }
0x490: {  	[sflag:s24] =	ssyncset.done $0x0  }
0x491: {  	[sflag:s24] =	ssyncadd.s32 $0xFFFFB1E0  }
0x492: {  	_ =	swait.ge [sflag:s24], $0xFA0  }
0x493: {  	s6 =	simm.s32 $0xF0;
	v11 =	vadd.s32 s0, v2;
	[sflag:s24] =	ssyncset.done $0x0  }
0x494: {  	v12 =	vadd.s32 s6, v3;
	[sflag:s24] =	ssyncadd.s32 $0xFFFFF060  }
0x495: {  	s2 =	simm.s32 $0x50;
	v13 =	vadd.s32 s6, v2;
	_ =	swait.ge [sflag:s29], $0x3E80  }
0x496: {  	v14 =	vadd.s32 s2, v2;
	[sflag:s29] =	ssyncset.done $0x0  }
0x497: {  	v15 =	vadd.s32 s6, v0;
	[sflag:s29] =	ssyncadd.s32 $0xFFFFC180  }
0x498: {  	s7 =	simm.s32 $0xA0;
	v16 =	vadd.s32 s2, v3;
	v11 =	vld.idx.msk [tilespmem:v11+s17+$0x0], $0xffff  }
0x499: {  	v17 =	vadd.s32 s7, v2;
	v12 =	vld.idx.msk [tilespmem:v12+s17+$0x0], $0xffff  }
0x49a: {  	v21 =	vadd.s32 s2, v0;
	v13 =	vld.idx.msk [tilespmem:v13+s17+$0x0], $0xffff  }
0x49b: {  	v18 =	vadd.s32 s0, v0;
	v14 =	vld.idx.msk [tilespmem:v14+s17+$0x0], $0xffff  }
0x49c: {  	v22 =	vadd.s32 s7, v0;
	v15 =	vld.idx.msk [tilespmem:v15+s17+$0x0], $0xffff  }
0x49d: {  	v19 =	vadd.s32 s7, v3;
	v16 =	vld.idx.msk [tilespmem:v16+s17+$0x0], $0xffff  }
0x49e: {  	v20 =	vadd.s32 s0, v3;
	v17 =	vld.idx.msk [tilespmem:v17+s17+$0x0], $0xffff  }
0x49f: {  	v21 =	vld.idx.msk [tilespmem:v21+s17+$0x0], $0xffff  }
0x4a0: {  	v18 =	vld.idx.msk [tilespmem:v18+s17+$0x0], $0xffff  }
0x4a1: {  	s8 =	simm.s32 $0xC0;
	v23 =	vor.u32 s0, v1;
	v22 =	vld.idx.msk [tilespmem:v22+s17+$0x0], $0xffff  }
0x4a2: {  	v24 =	vor.u32 s8, v1;
	v25 =	vor.u32 s8, v8;
	v26 =	vor.u32 s8, v9;
	v19 =	vld.idx.msk [tilespmem:v19+s17+$0x0], $0xffff  }
0x4a3: {  	v27 =	vor.u32 s8, v10;
	v20 =	vld.idx.msk [tilespmem:v20+s17+$0x0], $0xffff;
	v11 =	vadd.f32 $6.400000100e+00, v11;
	v12 =	vadd.f32 $2.000000000e+00, v12  }
0x4a4: {  	v13 =	vadd.f32 $6.400000100e+00, v13;
	v14 =	vadd.f32 $6.400000100e+00, v14;
	v15 =	vmul.f32 v15, v7  }
0x4a5: {  	v16 =	vadd.f32 $2.000000000e+00, v16;
	v21 =	vmul.f32 v21, v7;
	v18 =	vmul.f32 v18, v7  }
0x4a6: {  	v17 =	vadd.f32 $6.400000100e+00, v17;
	v22 =	vmul.f32 v22, v7;
	v11 =	vmul.f32 v11, v7  }
0x4a7: {  	v19 =	vadd.f32 $2.000000000e+00, v19;
	v12 =	vmul.f32 v12, v7;
	v13 =	vmul.f32 v13, v7  }
0x4a8: {  	v20 =	vadd.f32 $2.000000000e+00, v20;
	v14 =	vmul.f32 v14, v7;
	v16 =	vmul.f32 v16, v7  }
0x4a9: {  	v15 =	vmax.f32 v15, $0.0e+00;
	v17 =	vmul.f32 v17, v7;
	v19 =	vmul.f32 v19, v7  }
0x4aa: {  	s9 =	simm.s32 $0x0;
	v20 =	vmul.f32 v20, v7;
	v62 =	vmax.f32 v18, $0.0e+00;
	v15 =	vmin.f32 v15, $1.790000000e+02  }
0x4ab: {  	v29 =	vld [tilespmem:s9+$0x9D00];
	v21 =	vmax.f32 v21, $0.0e+00;
	v22 =	vmax.f32 v22, $0.0e+00;
	v15 =	vtrunc.f32 v15  }
0x4ac: {  	v12 =	vmax.f32 v12, $0.0e+00;
	v13 =	vmax.f32 v13, $0.0e+00;
	v28 =	vcvt.f32.s32 v15;
	v15 =	vld [tilespmem:s9+$0x9D30]  }
0x4ad: {  	v11 =	vmax.f32 v11, $0.0e+00;
	v14 =	vmax.f32 v14, $0.0e+00;
	v16 =	vmax.f32 v16, $0.0e+00  }
0x4ae: {  	v20 =	vmax.f32 v20, $0.0e+00;
	v17 =	vmax.f32 v17, $0.0e+00;
	v12 =	vmin.f32 v12, $1.900000000e+01  }
0x4af: {  	v19 =	vmax.f32 v19, $0.0e+00;
	v13 =	vmin.f32 v13, $3.100000000e+01;
	v12 =	vtrunc.f32 v12  }
0x4b0: {  	[tilespmem:v23+s25+$0x0] =	vst.idx.msk $0xffff, v29;
	v63 =	vmin.f32 v14, $3.100000000e+01;
	v13 =	vtrunc.f32 v13;
	v12 =	vcvt.f32.s32 v12  }
0x4b1: {  	v30 =	vmin.f32 v16, $1.900000000e+01;
	v17 =	vmin.f32 v17, $3.100000000e+01;
	v13 =	vcvt.f32.s32 v13;
	[tilespmem:v24+s25+$0x0] =	vst.idx.msk $0xffff, v15  }
0x4b2: {  	s4 =	simm.s32 $0x40;
	v14 =	vmin.f32 v20, $1.900000000e+01;
	v18 =	vmin.f32 v19, $1.900000000e+01;
	v19 =	vmin.f32 v21, $1.790000000e+02;
	[tilespmem:v25+s25+$0x0] =	vst.idx.msk $0xffff, v12  }
0x4b3: {  	v16 =	vmin.f32 v22, $1.790000000e+02;
	v22 =	vor.u32 s4, v1;
	v15 =	vmin.f32 v11, $3.100000000e+01;
	v11 =	vld [tilespmem:s9+$0x9D20];
	[tilespmem:v26+s25+$0x0] =	vst.idx.msk $0xffff, v13  }
0x4b4: {  	s3 =	simm.s32 $0x80;
	s2 =	simm.s32 $0x140;
	s1 =	simm.s32 $0x0;
	v20 =	vtrunc.f32 v63;
	v21 =	vtrunc.f32 v30;
	v12 =	vld [tilespmem:s9+$0x9D10];
	v13 =	vmin.f32 v62, $1.790000000e+02;
	[tilespmem:v27+s25+$0x0] =	vst.idx.msk $0xffff, v28  }
.LBB2_42:
0x4b5: {  	v23 =	vadd.s32 s2, v0;
	v24 =	vadd.s32 s2, v2;
	v25 =	vadd.s32 s2, v3;
	s5 =	sadd.s32 $0x50, s2;
	s6 =	sadd.s32 $0xA0, s2;
	s7 =	sadd.s32 $0xF0, s2  }
0x4b6: {  	v26 =	vadd.s32 s5, v2;
	v27 =	vadd.s32 s5, v3;
	v28 =	vadd.s32 s7, v3  }
0x4b7: {  	s1 =	sadd.s32 $0x4, s1;
	v29 =	vadd.s32 s6, v2;
	v30 =	vadd.s32 s6, v3;
	v31 =	vadd.s32 s7, v2  }
0x4b8: {  	v17 =	vtrunc.f32 v17;
	v32 =	vadd.s32 s5, v0;
	v33 =	vadd.s32 s6, v0;
	p0 =	slt.u32 s1, $0xF4  }
0x4b9: {  	v15 =	vtrunc.f32 v15;
	v18 =	vtrunc.f32 v18;
	[tilespmem:v22+s25+$0x0] =	vst.idx.msk $0xffff, v12;
	v12 =	vor.u32 s4, v8  }
0x4ba: {  	v14 =	vtrunc.f32 v14;
	v19 =	vtrunc.f32 v19;
	v22 =	vld.idx.msk [tilespmem:v24+s17+$0x0], $0xffff;
	v24 =	vadd.s32 s7, v0  }
0x4bb: {  	v13 =	vtrunc.f32 v13;
	v34 =	vor.u32 s4, v9;
	v16 =	vtrunc.f32 v16;
	v28 =	vld.idx.msk [tilespmem:v28+s17+$0x0], $0xffff  }
0x4bc: {  	v20 =	vcvt.f32.s32 v20;
	v21 =	vcvt.f32.s32 v21;
	v35 =	vor.u32 s4, v10;
	v31 =	vld.idx.msk [tilespmem:v31+s17+$0x0], $0xffff  }
0x4bd: {  	v36 =	vor.u32 s3, v1;
	v17 =	vcvt.f32.s32 v17;
	v18 =	vcvt.f32.s32 v18;
	v26 =	vld.idx.msk [tilespmem:v26+s17+$0x0], $0xffff  }
0x4be: {  	v15 =	vcvt.f32.s32 v15;
	v14 =	vcvt.f32.s32 v14;
	v27 =	vld.idx.msk [tilespmem:v27+s17+$0x0], $0xffff;
	[tilespmem:v12+s25+$0x0] =	vst.idx.msk $0xffff, v21;
	v12 =	vor.u32 s3, v4  }
0x4bf: {  	v19 =	vcvt.f32.s32 v19;
	v16 =	vcvt.f32.s32 v16;
	v21 =	vld.idx.msk [tilespmem:v24+s17+$0x0], $0xffff;
	v24 =	vor.u32 s3, v5  }
0x4c0: {  	v13 =	vcvt.f32.s32 v13;
	v22 =	vadd.f32 $6.400000100e+00, v22;
	v29 =	vld.idx.msk [tilespmem:v29+s17+$0x0], $0xffff;
	[tilespmem:v34+s25+$0x0] =	vst.idx.msk $0xffff, v20;
	v20 =	vor.u32 s3, v6  }
0x4c1: {  	v37 =	vor.u32 s0, v5;
	v28 =	vadd.f32 $2.000000000e+00, v28;
	v34 =	vor.u32 s0, v4;
	v30 =	vld.idx.msk [tilespmem:v30+s17+$0x0], $0xffff;
	[tilespmem:v35+s25+$0x0] =	vst.idx.msk $0xffff, v19  }
0x4c2: {  	v22 =	vmul.f32 v22, v7;
	v19 =	vld.idx.msk [tilespmem:v25+s17+$0x0], $0xffff;
	v25 =	vadd.f32 $6.400000100e+00, v31;
	v31 =	vor.u32 s0, v6;
	[tilespmem:v36+s25+$0x0] =	vst.idx.msk $0xffff, v11;
	s0 =	sadd.s32 $0x100, s0  }
0x4c3: {  	v26 =	vadd.f32 $6.400000100e+00, v26;
	v11 =	vmul.f32 v28, v7;
	s5 =	sshra.s32 s0, $0x2;
	v35 =	vor.u32 s0, v1;
	s4 =	sadd.s32 $0x40, s0;
	v32 =	vld.idx.msk [tilespmem:v32+s17+$0x0], $0xffff;
	s6 =	sadd.s32 $0xC0, s0;
	[tilespmem:v12+s25+$0x0] =	vst.idx.msk $0xffff, v18  }
0x4c4: {  	s3 =	sadd.s32 $0x80, s0;
	v18 =	vld [tilespmem:s5+$0x9D30];
	v12 =	vmul.f32 v25, v7;
	v25 =	vor.u32 s6, v1;
	v28 =	vor.u32 s6, v8;
	[tilespmem:v24+s25+$0x0] =	vst.idx.msk $0xffff, v17  }
0x4c5: {  	v21 =	vmul.f32 v21, v7;
	v11 =	vmax.f32 v11, $0.0e+00;
	v24 =	vor.u32 s6, v9;
	v17 =	vld.idx.msk [tilespmem:v33+s17+$0x0], $0xffff;
	[tilespmem:v20+s25+$0x0] =	vst.idx.msk $0xffff, v16  }
0x4c6: {  	v11 =	vmin.f32 v11, $1.900000000e+01;
	v20 =	vor.u32 s6, v10;
	v16 =	vld.idx.msk [tilespmem:v23+s17+$0x0], $0xffff;
	v12 =	vmax.f32 v12, $0.0e+00;
	[tilespmem:v34+s25+$0x0] =	vst.idx.msk $0xffff, v14  }
0x4c7: {  	v21 =	vmax.f32 v21, $0.0e+00;
	v11 =	vtrunc.f32 v11;
	v14 =	vld [tilespmem:s5+$0x9D00];
	v23 =	vmin.f32 v12, $3.100000000e+01;
	[tilespmem:v37+s25+$0x0] =	vst.idx.msk $0xffff, v15  }
0x4c8: {  	v15 =	vmin.f32 v21, $1.790000000e+02;
	v12 =	vld [tilespmem:s5+$0x9D10];
	v21 =	vtrunc.f32 v23;
	v23 =	vcvt.f32.s32 v11;
	[tilespmem:v31+s25+$0x0] =	vst.idx.msk $0xffff, v13  }
0x4c9: {  	v13 =	vadd.f32 $2.000000000e+00, v27;
	v15 =	vtrunc.f32 v15;
	v11 =	vld [tilespmem:s5+$0x9D20];
	v21 =	vcvt.f32.s32 v21;
	[tilespmem:v25+s25+$0x0] =	vst.idx.msk $0xffff, v18  }
0x4ca: {  	v18 =	vadd.f32 $6.400000100e+00, v29;
	v25 =	vadd.f32 $2.000000000e+00, v30;
	v15 =	vcvt.f32.s32 v15;
	[tilespmem:v28+s25+$0x0] =	vst.idx.msk $0xffff, v23  }
0x4cb: {  	v19 =	vadd.f32 $2.000000000e+00, v19;
	v23 =	vmul.f32 v26, v7;
	v13 =	vmul.f32 v13, v7;
	[tilespmem:v24+s25+$0x0] =	vst.idx.msk $0xffff, v21  }
0x4cc: {  	s6 =	simm.s32 $0x3E00;
	s5 =	simm.s32 $0x4D80;
	v21 =	vmax.f32 v22, $0.0e+00;
	v18 =	vmul.f32 v18, v7;
	v22 =	vmul.f32 v25, v7;
	[tilespmem:v20+s25+$0x0] =	vst.idx.msk $0xffff, v15  }
0x4cd: {  	v15 =	vmul.f32 v19, v7;
	v19 =	vmax.f32 v23, $0.0e+00;
	[tilespmem:v35+s25+$0x0] =	vst.idx.msk $0xffff, v14;
	v14 =	vmul.f32 v32, v7  }
0x4ce: {  	v17 =	vmul.f32 v17, v7;
	v16 =	vmul.f32 v16, v7;
	v13 =	vmax.f32 v13, $0.0e+00  }
0x4cf: {  	v20 =	vmax.f32 v15, $0.0e+00;
	v15 =	vmax.f32 v18, $0.0e+00;
	v18 =	vmax.f32 v22, $0.0e+00  }
.Ltmp20:
0x4d0: {  	v23 =	vmax.f32 v17, $0.0e+00;
	v16 =	vmax.f32 v16, $0.0e+00;
	v22 =	vmax.f32 v14, $0.0e+00;
	(pc) =	sbr.rel @p0 .LBB2_42-.Ltmp20, $4  }
0x4d1: {  	v24 =	vmin.f32 v19, $3.100000000e+01;
	v25 =	vmin.f32 v13, $1.900000000e+01;
	v17 =	vmin.f32 v15, $3.100000000e+01  }
0x4d2: {  	v15 =	vmin.f32 v21, $3.100000000e+01;
	v14 =	vmin.f32 v20, $1.900000000e+01;
	v18 =	vmin.f32 v18, $1.900000000e+01  }
0x4d3: {  	v13 =	vmin.f32 v16, $1.790000000e+02;
	v16 =	vmin.f32 v23, $1.790000000e+02;
	v19 =	vmin.f32 v22, $1.790000000e+02  }
0x4d4: {  	s2 =	sadd.s32 $0x140, s2;
	v20 =	vtrunc.f32 v24;
	v21 =	vtrunc.f32 v25;
	v22 =	vor.u32 s4, v1  }
0x4d5: {  	v23 =	vor.u32 s4, v8  }
0x4d6: {  	v26 =	vor.u32 s3, v1  }
0x4d7: {  	v24 =	vor.u32 s4, v9  }
0x4d8: {  	v21 =	vcvt.f32.s32 v21;
	v55 =	vor.u32 s3, v4  }
0x4d9: {  	v25 =	vor.u32 s4, v10;
	[tilespmem:v22+s25+$0x0] =	vst.idx.msk $0xffff, v12  }
0x4da: {  	v54 =	vcvt.f32.s32 v20;
	v56 =	vor.u32 s3, v5;
	v18 =	vtrunc.f32 v18;
	[tilespmem:v23+s25+$0x0] =	vst.idx.msk $0xffff, v21  }
0x4db: {  	v53 =	vtrunc.f32 v19;
	v58 =	vor.u32 s0, v4;
	v18 =	vcvt.f32.s32 v18;
	[tilespmem:v26+s25+$0x0] =	vst.idx.msk $0xffff, v11  }
0x4dc: {  	v57 =	vor.u32 s3, v6;
	v17 =	vtrunc.f32 v17;
	v12 =	vcvt.f32.s32 v53;
	[tilespmem:v24+s25+$0x0] =	vst.idx.msk $0xffff, v54  }
0x4dd: {  	v61 =	vor.u32 s0, v5;
	v60 =	vcvt.f32.s32 v17;
	v11 =	vtrunc.f32 v14;
	[tilespmem:v55+s25+$0x0] =	vst.idx.msk $0xffff, v18  }
0x4de: {  	v59 =	vtrunc.f32 v16;
	v62 =	vor.u32 s0, v6;
	v11 =	vcvt.f32.s32 v11;
	[tilespmem:v25+s25+$0x0] =	vst.idx.msk $0xffff, v12  }
0x4df: {  	v15 =	vtrunc.f32 v15;
	v12 =	vcvt.f32.s32 v59;
	[tilespmem:v56+s25+$0x0] =	vst.idx.msk $0xffff, v60  }
0x4e0: {  	v13 =	vtrunc.f32 v13;
	v15 =	vcvt.f32.s32 v15;
	[tilespmem:v58+s25+$0x0] =	vst.idx.msk $0xffff, v11  }
0x4e1: {  	v63 =	vcvt.f32.s32 v13;
	[tilespmem:v57+s25+$0x0] =	vst.idx.msk $0xffff, v12  }
0x4e2: {  	[tilespmem:v61+s25+$0x0] =	vst.idx.msk $0xffff, v15  }
0x4e3: {  	[tilespmem:v62+s25+$0x0] =	vst.idx.msk $0xffff, v63  }
.LBB2_44:
0x4e4: {  	v11 =	vadd.s32 s5, v3  }
0x4e5: {  	v12 =	vadd.s32 s5, v2;
	_ =	sdelay $0x2  }
0x4e6: {  	v13 =	vadd.s32 s5, v0  }
0x4e7: {  	v11 =	vld.idx.msk [tilespmem:v11+s17+$0x0], $0xffff  }
0x4e8: {  	v12 =	vld.idx.msk [tilespmem:v12+s17+$0x0], $0xffff;
	_ =	sdelay $0x2  }
0x4e9: {  	v13 =	vld.idx.msk [tilespmem:v13+s17+$0x0], $0xffff  }
0x4ea: {  	v11 =	vadd.f32 $2.000000000e+00, v11  }
0x4eb: {  	v12 =	vadd.f32 $6.400000100e+00, v12  }
0x4ec: {  	s0 =	sshra.s32 s6, $0x2;
	v11 =	vmul.f32 v11, v7  }
0x4ed: {  	v14 =	vor.u32 s6, v1;
	v16 =	vor.u32 s6, v4;
	v15 =	vld [tilespmem:s0+$0x9D00];
	v12 =	vmul.f32 v12, v7  }
0x4ee: {  	v17 =	vor.u32 s6, v5;
	v13 =	vmul.f32 v13, v7;
	v11 =	vmax.f32 v11, $0.0e+00  }
0x4ef: {  	v18 =	vor.u32 s6, v6;
	v12 =	vmax.f32 v12, $0.0e+00;
	v11 =	vmin.f32 v11, $1.900000000e+01  }
0x4f0: {  	p0 =	sne.s32 s5, $0x4DD0;
	v13 =	vmax.f32 v13, $0.0e+00;
	v12 =	vmin.f32 v12, $3.100000000e+01;
	v11 =	vtrunc.f32 v11  }
.Ltmp21:
0x4f1: {  	v13 =	vmin.f32 v13, $1.790000000e+02;
	v12 =	vtrunc.f32 v12;
	v11 =	vcvt.f32.s32 v11;
	(pc) =	sbr.rel @p0 .LBB2_44-.Ltmp21, $4  }
0x4f2: {  	[tilespmem:v14+s25+$0x0] =	vst.idx.msk $0xffff, v15;
	v13 =	vtrunc.f32 v13;
	v12 =	vcvt.f32.s32 v12  }
0x4f3: {  	[tilespmem:v16+s25+$0x0] =	vst.idx.msk $0xffff, v11;
	v11 =	vcvt.f32.s32 v13  }
0x4f4: {  	[tilespmem:v17+s25+$0x0] =	vst.idx.msk $0xffff, v12  }
0x4f5: {  	s6 =	sadd.s32 $0x40, s6;
	s5 =	sadd.s32 $0x50, s5;
	[tilespmem:v18+s25+$0x0] =	vst.idx.msk $0xffff, v11  }
0x4f6: {  	s0 =	simm.s32 $0x0;
	s1 =	rddreg [dreg:$0x10]  }
0x4f7: {  	[hbm4b:s13+s0] =	stream.linear.scatter [tilespmem:s25], [sflag:$0x3], $0x3E80, $0x38;
	[tilespmem:$0x13A00] =	vst v63  }
0x4f8: {  	s5 =	sld [smem:$0x7F3]  }
0x4f9: {  	[tilespmem:s0], [sflag:$0x1] =	stream.linear.gather [hbm4b:s1+s0], $0x4E20, $0x38;
	[tilespmem:$0x13A00] =	vst v63  }
0x4fa: {  	_ = 	snop  }
0x4fb: {  	[tilespmem:s21], [sflag:$0x1] =	stream.linear.gather [hbm4b:s5+s0], $0xFA0, $0x38;
	[tilespmem:$0x13A00] =	vst v63  }
0x4fc: {  	_ =	swait.ge [sflag:s26], $0x4E20  }
0x4fd: {  	[sflag:s26] =	ssyncset.done $0x0  }
0x4fe: {  	[sflag:s26] =	ssyncadd.s32 $0xFFFFB1E0  }
0x4ff: {  	_ =	swait.ge [sflag:s26], $0xFA0  }
0x500: {  	s6 =	simm.s32 $0xF0;
	v11 =	vadd.s32 s0, v2;
	[sflag:s26] =	ssyncset.done $0x0  }
0x501: {  	v12 =	vadd.s32 s6, v3;
	[sflag:s26] =	ssyncadd.s32 $0xFFFFF060  }
0x502: {  	s2 =	simm.s32 $0x50;
	v13 =	vadd.s32 s6, v2;
	_ =	swait.ge [sflag:s30], $0x3E80  }
0x503: {  	v14 =	vadd.s32 s2, v2;
	[sflag:s30] =	ssyncset.done $0x0  }
0x504: {  	v15 =	vadd.s32 s6, v0;
	[sflag:s30] =	ssyncadd.s32 $0xFFFFC180  }
0x505: {  	s7 =	simm.s32 $0xA0;
	v16 =	vadd.s32 s2, v3;
	v11 =	vld.idx.msk [tilespmem:v11+s22+$0x0], $0xffff  }
0x506: {  	v17 =	vadd.s32 s7, v2;
	v12 =	vld.idx.msk [tilespmem:v12+s22+$0x0], $0xffff  }
0x507: {  	v21 =	vadd.s32 s2, v0;
	v13 =	vld.idx.msk [tilespmem:v13+s22+$0x0], $0xffff  }
0x508: {  	v18 =	vadd.s32 s0, v0;
	v14 =	vld.idx.msk [tilespmem:v14+s22+$0x0], $0xffff  }
0x509: {  	v22 =	vadd.s32 s7, v0;
	v15 =	vld.idx.msk [tilespmem:v15+s22+$0x0], $0xffff  }
0x50a: {  	v19 =	vadd.s32 s7, v3;
	v16 =	vld.idx.msk [tilespmem:v16+s22+$0x0], $0xffff  }
0x50b: {  	v20 =	vadd.s32 s0, v3;
	v17 =	vld.idx.msk [tilespmem:v17+s22+$0x0], $0xffff  }
0x50c: {  	v21 =	vld.idx.msk [tilespmem:v21+s22+$0x0], $0xffff  }
0x50d: {  	v18 =	vld.idx.msk [tilespmem:v18+s22+$0x0], $0xffff  }
0x50e: {  	s8 =	simm.s32 $0xC0;
	v23 =	vor.u32 s0, v1;
	v22 =	vld.idx.msk [tilespmem:v22+s22+$0x0], $0xffff  }
0x50f: {  	v24 =	vor.u32 s8, v1;
	v25 =	vor.u32 s8, v8;
	v26 =	vor.u32 s8, v9;
	v19 =	vld.idx.msk [tilespmem:v19+s22+$0x0], $0xffff  }
0x510: {  	v27 =	vor.u32 s8, v10;
	v20 =	vld.idx.msk [tilespmem:v20+s22+$0x0], $0xffff;
	v11 =	vadd.f32 $6.400000100e+00, v11;
	v12 =	vadd.f32 $2.000000000e+00, v12  }
0x511: {  	v13 =	vadd.f32 $6.400000100e+00, v13;
	v14 =	vadd.f32 $6.400000100e+00, v14;
	v15 =	vmul.f32 v15, v7  }
0x512: {  	v16 =	vadd.f32 $2.000000000e+00, v16;
	v21 =	vmul.f32 v21, v7;
	v18 =	vmul.f32 v18, v7  }
0x513: {  	v17 =	vadd.f32 $6.400000100e+00, v17;
	v22 =	vmul.f32 v22, v7;
	v11 =	vmul.f32 v11, v7  }
0x514: {  	v19 =	vadd.f32 $2.000000000e+00, v19;
	v12 =	vmul.f32 v12, v7;
	v13 =	vmul.f32 v13, v7  }
0x515: {  	v20 =	vadd.f32 $2.000000000e+00, v20;
	v14 =	vmul.f32 v14, v7;
	v16 =	vmul.f32 v16, v7  }
0x516: {  	v15 =	vmax.f32 v15, $0.0e+00;
	v17 =	vmul.f32 v17, v7;
	v19 =	vmul.f32 v19, v7  }
0x517: {  	s9 =	simm.s32 $0x0;
	v20 =	vmul.f32 v20, v7;
	v62 =	vmax.f32 v18, $0.0e+00;
	v15 =	vmin.f32 v15, $1.790000000e+02  }
0x518: {  	v29 =	vld [tilespmem:s9+$0xAD00];
	v21 =	vmax.f32 v21, $0.0e+00;
	v22 =	vmax.f32 v22, $0.0e+00;
	v15 =	vtrunc.f32 v15  }
0x519: {  	v12 =	vmax.f32 v12, $0.0e+00;
	v13 =	vmax.f32 v13, $0.0e+00;
	v28 =	vcvt.f32.s32 v15;
	v15 =	vld [tilespmem:s9+$0xAD30]  }
0x51a: {  	v11 =	vmax.f32 v11, $0.0e+00;
	v14 =	vmax.f32 v14, $0.0e+00;
	v16 =	vmax.f32 v16, $0.0e+00  }
0x51b: {  	v20 =	vmax.f32 v20, $0.0e+00;
	v17 =	vmax.f32 v17, $0.0e+00;
	v12 =	vmin.f32 v12, $1.900000000e+01  }
0x51c: {  	v19 =	vmax.f32 v19, $0.0e+00;
	v13 =	vmin.f32 v13, $3.100000000e+01;
	v12 =	vtrunc.f32 v12  }
0x51d: {  	[tilespmem:v23+s28+$0x0] =	vst.idx.msk $0xffff, v29;
	v63 =	vmin.f32 v14, $3.100000000e+01;
	v13 =	vtrunc.f32 v13;
	v12 =	vcvt.f32.s32 v12  }
0x51e: {  	v30 =	vmin.f32 v16, $1.900000000e+01;
	v17 =	vmin.f32 v17, $3.100000000e+01;
	v13 =	vcvt.f32.s32 v13;
	[tilespmem:v24+s28+$0x0] =	vst.idx.msk $0xffff, v15  }
0x51f: {  	s4 =	simm.s32 $0x40;
	v14 =	vmin.f32 v20, $1.900000000e+01;
	v18 =	vmin.f32 v19, $1.900000000e+01;
	v19 =	vmin.f32 v21, $1.790000000e+02;
	[tilespmem:v25+s28+$0x0] =	vst.idx.msk $0xffff, v12  }
0x520: {  	v16 =	vmin.f32 v22, $1.790000000e+02;
	v22 =	vor.u32 s4, v1;
	v15 =	vmin.f32 v11, $3.100000000e+01;
	v11 =	vld [tilespmem:s9+$0xAD20];
	[tilespmem:v26+s28+$0x0] =	vst.idx.msk $0xffff, v13  }
0x521: {  	s3 =	simm.s32 $0x80;
	s2 =	simm.s32 $0x140;
	s1 =	simm.s32 $0x0;
	v20 =	vtrunc.f32 v63;
	v21 =	vtrunc.f32 v30;
	v12 =	vld [tilespmem:s9+$0xAD10];
	v13 =	vmin.f32 v62, $1.790000000e+02;
	[tilespmem:v27+s28+$0x0] =	vst.idx.msk $0xffff, v28  }
.LBB2_46:
0x522: {  	v23 =	vadd.s32 s2, v0;
	v24 =	vadd.s32 s2, v2;
	v25 =	vadd.s32 s2, v3;
	s5 =	sadd.s32 $0x50, s2;
	s6 =	sadd.s32 $0xA0, s2;
	s7 =	sadd.s32 $0xF0, s2  }
0x523: {  	v26 =	vadd.s32 s5, v2;
	v27 =	vadd.s32 s5, v3;
	v28 =	vadd.s32 s7, v3  }
0x524: {  	s1 =	sadd.s32 $0x4, s1;
	v29 =	vadd.s32 s6, v2;
	v30 =	vadd.s32 s6, v3;
	v31 =	vadd.s32 s7, v2  }
0x525: {  	v17 =	vtrunc.f32 v17;
	v32 =	vadd.s32 s5, v0;
	v33 =	vadd.s32 s6, v0;
	p0 =	slt.u32 s1, $0xF4  }
0x526: {  	v15 =	vtrunc.f32 v15;
	v18 =	vtrunc.f32 v18;
	[tilespmem:v22+s28+$0x0] =	vst.idx.msk $0xffff, v12;
	v12 =	vor.u32 s4, v8  }
0x527: {  	v14 =	vtrunc.f32 v14;
	v19 =	vtrunc.f32 v19;
	v22 =	vld.idx.msk [tilespmem:v24+s22+$0x0], $0xffff;
	v24 =	vadd.s32 s7, v0  }
0x528: {  	v13 =	vtrunc.f32 v13;
	v34 =	vor.u32 s4, v9;
	v16 =	vtrunc.f32 v16;
	v28 =	vld.idx.msk [tilespmem:v28+s22+$0x0], $0xffff  }
0x529: {  	v20 =	vcvt.f32.s32 v20;
	v21 =	vcvt.f32.s32 v21;
	v35 =	vor.u32 s4, v10;
	v31 =	vld.idx.msk [tilespmem:v31+s22+$0x0], $0xffff  }
0x52a: {  	v36 =	vor.u32 s3, v1;
	v17 =	vcvt.f32.s32 v17;
	v18 =	vcvt.f32.s32 v18;
	v26 =	vld.idx.msk [tilespmem:v26+s22+$0x0], $0xffff  }
0x52b: {  	v15 =	vcvt.f32.s32 v15;
	v14 =	vcvt.f32.s32 v14;
	v27 =	vld.idx.msk [tilespmem:v27+s22+$0x0], $0xffff;
	[tilespmem:v12+s28+$0x0] =	vst.idx.msk $0xffff, v21;
	v12 =	vor.u32 s3, v4  }
0x52c: {  	v19 =	vcvt.f32.s32 v19;
	v16 =	vcvt.f32.s32 v16;
	v21 =	vld.idx.msk [tilespmem:v24+s22+$0x0], $0xffff;
	v24 =	vor.u32 s3, v5  }
0x52d: {  	v13 =	vcvt.f32.s32 v13;
	v22 =	vadd.f32 $6.400000100e+00, v22;
	v29 =	vld.idx.msk [tilespmem:v29+s22+$0x0], $0xffff;
	[tilespmem:v34+s28+$0x0] =	vst.idx.msk $0xffff, v20;
	v20 =	vor.u32 s3, v6  }
0x52e: {  	v37 =	vor.u32 s0, v5;
	v28 =	vadd.f32 $2.000000000e+00, v28;
	v34 =	vor.u32 s0, v4;
	v30 =	vld.idx.msk [tilespmem:v30+s22+$0x0], $0xffff;
	[tilespmem:v35+s28+$0x0] =	vst.idx.msk $0xffff, v19  }
0x52f: {  	v22 =	vmul.f32 v22, v7;
	v19 =	vld.idx.msk [tilespmem:v25+s22+$0x0], $0xffff;
	v25 =	vadd.f32 $6.400000100e+00, v31;
	v31 =	vor.u32 s0, v6;
	[tilespmem:v36+s28+$0x0] =	vst.idx.msk $0xffff, v11;
	s0 =	sadd.s32 $0x100, s0  }
0x530: {  	v26 =	vadd.f32 $6.400000100e+00, v26;
	v11 =	vmul.f32 v28, v7;
	s5 =	sshra.s32 s0, $0x2;
	v35 =	vor.u32 s0, v1;
	s4 =	sadd.s32 $0x40, s0;
	v32 =	vld.idx.msk [tilespmem:v32+s22+$0x0], $0xffff;
	s6 =	sadd.s32 $0xC0, s0;
	[tilespmem:v12+s28+$0x0] =	vst.idx.msk $0xffff, v18  }
0x531: {  	s3 =	sadd.s32 $0x80, s0;
	v18 =	vld [tilespmem:s5+$0xAD30];
	v12 =	vmul.f32 v25, v7;
	v25 =	vor.u32 s6, v1;
	v28 =	vor.u32 s6, v8;
	[tilespmem:v24+s28+$0x0] =	vst.idx.msk $0xffff, v17  }
0x532: {  	v21 =	vmul.f32 v21, v7;
	v11 =	vmax.f32 v11, $0.0e+00;
	v24 =	vor.u32 s6, v9;
	v17 =	vld.idx.msk [tilespmem:v33+s22+$0x0], $0xffff;
	[tilespmem:v20+s28+$0x0] =	vst.idx.msk $0xffff, v16  }
0x533: {  	v11 =	vmin.f32 v11, $1.900000000e+01;
	v20 =	vor.u32 s6, v10;
	v16 =	vld.idx.msk [tilespmem:v23+s22+$0x0], $0xffff;
	v12 =	vmax.f32 v12, $0.0e+00;
	[tilespmem:v34+s28+$0x0] =	vst.idx.msk $0xffff, v14  }
0x534: {  	v21 =	vmax.f32 v21, $0.0e+00;
	v11 =	vtrunc.f32 v11;
	v14 =	vld [tilespmem:s5+$0xAD00];
	v23 =	vmin.f32 v12, $3.100000000e+01;
	[tilespmem:v37+s28+$0x0] =	vst.idx.msk $0xffff, v15  }
0x535: {  	v15 =	vmin.f32 v21, $1.790000000e+02;
	v12 =	vld [tilespmem:s5+$0xAD10];
	v21 =	vtrunc.f32 v23;
	v23 =	vcvt.f32.s32 v11;
	[tilespmem:v31+s28+$0x0] =	vst.idx.msk $0xffff, v13  }
0x536: {  	v13 =	vadd.f32 $2.000000000e+00, v27;
	v15 =	vtrunc.f32 v15;
	v11 =	vld [tilespmem:s5+$0xAD20];
	v21 =	vcvt.f32.s32 v21;
	[tilespmem:v25+s28+$0x0] =	vst.idx.msk $0xffff, v18  }
0x537: {  	v18 =	vadd.f32 $6.400000100e+00, v29;
	v25 =	vadd.f32 $2.000000000e+00, v30;
	v15 =	vcvt.f32.s32 v15;
	[tilespmem:v28+s28+$0x0] =	vst.idx.msk $0xffff, v23  }
0x538: {  	v19 =	vadd.f32 $2.000000000e+00, v19;
	v23 =	vmul.f32 v26, v7;
	v13 =	vmul.f32 v13, v7;
	[tilespmem:v24+s28+$0x0] =	vst.idx.msk $0xffff, v21  }
0x539: {  	s6 =	simm.s32 $0x3E00;
	s5 =	simm.s32 $0x4D80;
	v21 =	vmax.f32 v22, $0.0e+00;
	v18 =	vmul.f32 v18, v7;
	v22 =	vmul.f32 v25, v7;
	[tilespmem:v20+s28+$0x0] =	vst.idx.msk $0xffff, v15  }
0x53a: {  	v15 =	vmul.f32 v19, v7;
	v19 =	vmax.f32 v23, $0.0e+00;
	[tilespmem:v35+s28+$0x0] =	vst.idx.msk $0xffff, v14;
	v14 =	vmul.f32 v32, v7  }
0x53b: {  	v17 =	vmul.f32 v17, v7;
	v16 =	vmul.f32 v16, v7;
	v13 =	vmax.f32 v13, $0.0e+00  }
0x53c: {  	v20 =	vmax.f32 v15, $0.0e+00;
	v15 =	vmax.f32 v18, $0.0e+00;
	v18 =	vmax.f32 v22, $0.0e+00  }
.Ltmp22:
0x53d: {  	v23 =	vmax.f32 v17, $0.0e+00;
	v16 =	vmax.f32 v16, $0.0e+00;
	v22 =	vmax.f32 v14, $0.0e+00;
	(pc) =	sbr.rel @p0 .LBB2_46-.Ltmp22, $4  }
0x53e: {  	v24 =	vmin.f32 v19, $3.100000000e+01;
	v25 =	vmin.f32 v13, $1.900000000e+01;
	v17 =	vmin.f32 v15, $3.100000000e+01  }
0x53f: {  	v15 =	vmin.f32 v21, $3.100000000e+01;
	v14 =	vmin.f32 v20, $1.900000000e+01;
	v18 =	vmin.f32 v18, $1.900000000e+01  }
0x540: {  	v13 =	vmin.f32 v16, $1.790000000e+02;
	v16 =	vmin.f32 v23, $1.790000000e+02;
	v19 =	vmin.f32 v22, $1.790000000e+02  }
0x541: {  	s2 =	sadd.s32 $0x140, s2;
	v20 =	vtrunc.f32 v24;
	v21 =	vtrunc.f32 v25;
	v22 =	vor.u32 s4, v1  }
0x542: {  	v23 =	vor.u32 s4, v8  }
0x543: {  	v26 =	vor.u32 s3, v1  }
0x544: {  	v24 =	vor.u32 s4, v9  }
0x545: {  	v21 =	vcvt.f32.s32 v21;
	v55 =	vor.u32 s3, v4  }
0x546: {  	v25 =	vor.u32 s4, v10;
	[tilespmem:v22+s28+$0x0] =	vst.idx.msk $0xffff, v12  }
0x547: {  	v54 =	vcvt.f32.s32 v20;
	v56 =	vor.u32 s3, v5;
	v18 =	vtrunc.f32 v18;
	[tilespmem:v23+s28+$0x0] =	vst.idx.msk $0xffff, v21  }
0x548: {  	v53 =	vtrunc.f32 v19;
	v58 =	vor.u32 s0, v4;
	v18 =	vcvt.f32.s32 v18;
	[tilespmem:v26+s28+$0x0] =	vst.idx.msk $0xffff, v11  }
0x549: {  	v57 =	vor.u32 s3, v6;
	v17 =	vtrunc.f32 v17;
	v12 =	vcvt.f32.s32 v53;
	[tilespmem:v24+s28+$0x0] =	vst.idx.msk $0xffff, v54  }
0x54a: {  	v61 =	vor.u32 s0, v5;
	v60 =	vcvt.f32.s32 v17;
	v11 =	vtrunc.f32 v14;
	[tilespmem:v55+s28+$0x0] =	vst.idx.msk $0xffff, v18  }
0x54b: {  	v59 =	vtrunc.f32 v16;
	v62 =	vor.u32 s0, v6;
	v11 =	vcvt.f32.s32 v11;
	[tilespmem:v25+s28+$0x0] =	vst.idx.msk $0xffff, v12  }
0x54c: {  	v15 =	vtrunc.f32 v15;
	v12 =	vcvt.f32.s32 v59;
	[tilespmem:v56+s28+$0x0] =	vst.idx.msk $0xffff, v60  }
0x54d: {  	v13 =	vtrunc.f32 v13;
	v15 =	vcvt.f32.s32 v15;
	[tilespmem:v58+s28+$0x0] =	vst.idx.msk $0xffff, v11  }
0x54e: {  	v63 =	vcvt.f32.s32 v13;
	[tilespmem:v57+s28+$0x0] =	vst.idx.msk $0xffff, v12  }
0x54f: {  	[tilespmem:v61+s28+$0x0] =	vst.idx.msk $0xffff, v15  }
0x550: {  	[tilespmem:v62+s28+$0x0] =	vst.idx.msk $0xffff, v63  }
.LBB2_48:
0x551: {  	v11 =	vadd.s32 s5, v3  }
0x552: {  	v12 =	vadd.s32 s5, v2;
	_ =	sdelay $0x2  }
0x553: {  	v13 =	vadd.s32 s5, v0  }
0x554: {  	v11 =	vld.idx.msk [tilespmem:v11+s22+$0x0], $0xffff  }
0x555: {  	v12 =	vld.idx.msk [tilespmem:v12+s22+$0x0], $0xffff;
	_ =	sdelay $0x2  }
0x556: {  	v13 =	vld.idx.msk [tilespmem:v13+s22+$0x0], $0xffff  }
0x557: {  	v11 =	vadd.f32 $2.000000000e+00, v11  }
0x558: {  	v12 =	vadd.f32 $6.400000100e+00, v12  }
0x559: {  	s0 =	sshra.s32 s6, $0x2;
	v11 =	vmul.f32 v11, v7  }
0x55a: {  	v14 =	vor.u32 s6, v1;
	v16 =	vor.u32 s6, v4;
	v15 =	vld [tilespmem:s0+$0xAD00];
	v12 =	vmul.f32 v12, v7  }
0x55b: {  	v17 =	vor.u32 s6, v5;
	v13 =	vmul.f32 v13, v7;
	v11 =	vmax.f32 v11, $0.0e+00  }
0x55c: {  	v18 =	vor.u32 s6, v6;
	v12 =	vmax.f32 v12, $0.0e+00;
	v11 =	vmin.f32 v11, $1.900000000e+01  }
0x55d: {  	p0 =	sne.s32 s5, $0x4DD0;
	v13 =	vmax.f32 v13, $0.0e+00;
	v12 =	vmin.f32 v12, $3.100000000e+01;
	v11 =	vtrunc.f32 v11  }
.Ltmp23:
0x55e: {  	v13 =	vmin.f32 v13, $1.790000000e+02;
	v12 =	vtrunc.f32 v12;
	v11 =	vcvt.f32.s32 v11;
	(pc) =	sbr.rel @p0 .LBB2_48-.Ltmp23, $4  }
0x55f: {  	[tilespmem:v14+s28+$0x0] =	vst.idx.msk $0xffff, v15;
	v13 =	vtrunc.f32 v13;
	v12 =	vcvt.f32.s32 v12  }
0x560: {  	[tilespmem:v16+s28+$0x0] =	vst.idx.msk $0xffff, v11;
	v11 =	vcvt.f32.s32 v13  }
0x561: {  	[tilespmem:v17+s28+$0x0] =	vst.idx.msk $0xffff, v12  }
0x562: {  	s6 =	sadd.s32 $0x40, s6;
	s5 =	sadd.s32 $0x50, s5;
	[tilespmem:v18+s28+$0x0] =	vst.idx.msk $0xffff, v11  }
0x563: {  	s0 =	simm.s32 $0x0;
	s1 =	rddreg [dreg:$0x11]  }
0x564: {  	[hbm4b:s14+s0] =	stream.linear.scatter [tilespmem:s28], [sflag:$0x4], $0x3E80, $0x38;
	[tilespmem:$0x13A00] =	vst v63  }
0x565: {  	s5 =	sld [smem:$0x7F4]  }
0x566: {  	[tilespmem:s22], [sflag:$0x2] =	stream.linear.gather [hbm4b:s1+s0], $0x4E20, $0x38;
	[tilespmem:$0x13A00] =	vst v63  }
0x567: {  	_ = 	snop  }
0x568: {  	[tilespmem:s23], [sflag:$0x2] =	stream.linear.gather [hbm4b:s5+s0], $0xFA0, $0x38;
	[tilespmem:$0x13A00] =	vst v63  }
0x569: {  	_ =	swait.ge [sflag:s24], $0x4E20  }
0x56a: {  	[sflag:s24] =	ssyncset.done $0x0  }
0x56b: {  	[sflag:s24] =	ssyncadd.s32 $0xFFFFB1E0  }
0x56c: {  	_ =	swait.ge [sflag:s24], $0xFA0  }
0x56d: {  	s6 =	simm.s32 $0xF0;
	v11 =	vadd.s32 s0, v2;
	[sflag:s24] =	ssyncset.done $0x0  }
0x56e: {  	v12 =	vadd.s32 s6, v3;
	[sflag:s24] =	ssyncadd.s32 $0xFFFFF060  }
0x56f: {  	s2 =	simm.s32 $0x50;
	v13 =	vadd.s32 s6, v2;
	_ =	swait.ge [sflag:s29], $0x3E80  }
0x570: {  	v14 =	vadd.s32 s2, v2;
	[sflag:s29] =	ssyncset.done $0x0  }
0x571: {  	v15 =	vadd.s32 s6, v0;
	[sflag:s29] =	ssyncadd.s32 $0xFFFFC180  }
0x572: {  	s7 =	simm.s32 $0xA0;
	v16 =	vadd.s32 s2, v3;
	v11 =	vld.idx.msk [tilespmem:v11+s17+$0x0], $0xffff  }
0x573: {  	v17 =	vadd.s32 s7, v2;
	v12 =	vld.idx.msk [tilespmem:v12+s17+$0x0], $0xffff  }
0x574: {  	v21 =	vadd.s32 s2, v0;
	v13 =	vld.idx.msk [tilespmem:v13+s17+$0x0], $0xffff  }
0x575: {  	v18 =	vadd.s32 s0, v0;
	v14 =	vld.idx.msk [tilespmem:v14+s17+$0x0], $0xffff  }
0x576: {  	v22 =	vadd.s32 s7, v0;
	v15 =	vld.idx.msk [tilespmem:v15+s17+$0x0], $0xffff  }
0x577: {  	v19 =	vadd.s32 s7, v3;
	v16 =	vld.idx.msk [tilespmem:v16+s17+$0x0], $0xffff  }
0x578: {  	v20 =	vadd.s32 s0, v3;
	v17 =	vld.idx.msk [tilespmem:v17+s17+$0x0], $0xffff  }
0x579: {  	v21 =	vld.idx.msk [tilespmem:v21+s17+$0x0], $0xffff  }
0x57a: {  	v18 =	vld.idx.msk [tilespmem:v18+s17+$0x0], $0xffff  }
0x57b: {  	s8 =	simm.s32 $0xC0;
	v23 =	vor.u32 s0, v1;
	v22 =	vld.idx.msk [tilespmem:v22+s17+$0x0], $0xffff  }
0x57c: {  	v24 =	vor.u32 s8, v1;
	v25 =	vor.u32 s8, v8;
	v26 =	vor.u32 s8, v9;
	v19 =	vld.idx.msk [tilespmem:v19+s17+$0x0], $0xffff  }
0x57d: {  	v27 =	vor.u32 s8, v10;
	v20 =	vld.idx.msk [tilespmem:v20+s17+$0x0], $0xffff;
	v11 =	vadd.f32 $6.400000100e+00, v11;
	v12 =	vadd.f32 $2.000000000e+00, v12  }
0x57e: {  	v13 =	vadd.f32 $6.400000100e+00, v13;
	v14 =	vadd.f32 $6.400000100e+00, v14;
	v15 =	vmul.f32 v15, v7  }
0x57f: {  	v16 =	vadd.f32 $2.000000000e+00, v16;
	v21 =	vmul.f32 v21, v7;
	v18 =	vmul.f32 v18, v7  }
0x580: {  	v17 =	vadd.f32 $6.400000100e+00, v17;
	v22 =	vmul.f32 v22, v7;
	v11 =	vmul.f32 v11, v7  }
0x581: {  	v19 =	vadd.f32 $2.000000000e+00, v19;
	v12 =	vmul.f32 v12, v7;
	v13 =	vmul.f32 v13, v7  }
0x582: {  	v20 =	vadd.f32 $2.000000000e+00, v20;
	v14 =	vmul.f32 v14, v7;
	v16 =	vmul.f32 v16, v7  }
0x583: {  	v15 =	vmax.f32 v15, $0.0e+00;
	v17 =	vmul.f32 v17, v7;
	v19 =	vmul.f32 v19, v7  }
0x584: {  	s9 =	simm.s32 $0x0;
	v20 =	vmul.f32 v20, v7;
	v62 =	vmax.f32 v18, $0.0e+00;
	v15 =	vmin.f32 v15, $1.790000000e+02  }
0x585: {  	v29 =	vld [tilespmem:s9+$0x9D00];
	v21 =	vmax.f32 v21, $0.0e+00;
	v22 =	vmax.f32 v22, $0.0e+00;
	v15 =	vtrunc.f32 v15  }
0x586: {  	v12 =	vmax.f32 v12, $0.0e+00;
	v13 =	vmax.f32 v13, $0.0e+00;
	v28 =	vcvt.f32.s32 v15;
	v15 =	vld [tilespmem:s9+$0x9D30]  }
0x587: {  	v11 =	vmax.f32 v11, $0.0e+00;
	v14 =	vmax.f32 v14, $0.0e+00;
	v16 =	vmax.f32 v16, $0.0e+00  }
0x588: {  	v20 =	vmax.f32 v20, $0.0e+00;
	v17 =	vmax.f32 v17, $0.0e+00;
	v12 =	vmin.f32 v12, $1.900000000e+01  }
0x589: {  	v19 =	vmax.f32 v19, $0.0e+00;
	v13 =	vmin.f32 v13, $3.100000000e+01;
	v12 =	vtrunc.f32 v12  }
0x58a: {  	[tilespmem:v23+s25+$0x0] =	vst.idx.msk $0xffff, v29;
	v63 =	vmin.f32 v14, $3.100000000e+01;
	v13 =	vtrunc.f32 v13;
	v12 =	vcvt.f32.s32 v12  }
0x58b: {  	v30 =	vmin.f32 v16, $1.900000000e+01;
	v17 =	vmin.f32 v17, $3.100000000e+01;
	v13 =	vcvt.f32.s32 v13;
	[tilespmem:v24+s25+$0x0] =	vst.idx.msk $0xffff, v15  }
0x58c: {  	s4 =	simm.s32 $0x40;
	v14 =	vmin.f32 v20, $1.900000000e+01;
	v18 =	vmin.f32 v19, $1.900000000e+01;
	v19 =	vmin.f32 v21, $1.790000000e+02;
	[tilespmem:v25+s25+$0x0] =	vst.idx.msk $0xffff, v12  }
0x58d: {  	v16 =	vmin.f32 v22, $1.790000000e+02;
	v22 =	vor.u32 s4, v1;
	v15 =	vmin.f32 v11, $3.100000000e+01;
	v11 =	vld [tilespmem:s9+$0x9D20];
	[tilespmem:v26+s25+$0x0] =	vst.idx.msk $0xffff, v13  }
0x58e: {  	s3 =	simm.s32 $0x80;
	s2 =	simm.s32 $0x140;
	s1 =	simm.s32 $0x0;
	v20 =	vtrunc.f32 v63;
	v21 =	vtrunc.f32 v30;
	v12 =	vld [tilespmem:s9+$0x9D10];
	v13 =	vmin.f32 v62, $1.790000000e+02;
	[tilespmem:v27+s25+$0x0] =	vst.idx.msk $0xffff, v28  }
.LBB2_50:
0x58f: {  	v23 =	vadd.s32 s2, v0;
	v24 =	vadd.s32 s2, v2;
	v25 =	vadd.s32 s2, v3;
	s5 =	sadd.s32 $0x50, s2;
	s6 =	sadd.s32 $0xA0, s2;
	s7 =	sadd.s32 $0xF0, s2  }
0x590: {  	v26 =	vadd.s32 s5, v2;
	v27 =	vadd.s32 s5, v3;
	v28 =	vadd.s32 s7, v3  }
0x591: {  	s1 =	sadd.s32 $0x4, s1;
	v29 =	vadd.s32 s6, v2;
	v30 =	vadd.s32 s6, v3;
	v31 =	vadd.s32 s7, v2  }
0x592: {  	v17 =	vtrunc.f32 v17;
	v32 =	vadd.s32 s5, v0;
	v33 =	vadd.s32 s6, v0;
	p0 =	slt.u32 s1, $0xF4  }
0x593: {  	v15 =	vtrunc.f32 v15;
	v18 =	vtrunc.f32 v18;
	[tilespmem:v22+s25+$0x0] =	vst.idx.msk $0xffff, v12;
	v12 =	vor.u32 s4, v8  }
0x594: {  	v14 =	vtrunc.f32 v14;
	v19 =	vtrunc.f32 v19;
	v22 =	vld.idx.msk [tilespmem:v24+s17+$0x0], $0xffff;
	v24 =	vadd.s32 s7, v0  }
0x595: {  	v13 =	vtrunc.f32 v13;
	v34 =	vor.u32 s4, v9;
	v16 =	vtrunc.f32 v16;
	v28 =	vld.idx.msk [tilespmem:v28+s17+$0x0], $0xffff  }
0x596: {  	v20 =	vcvt.f32.s32 v20;
	v21 =	vcvt.f32.s32 v21;
	v35 =	vor.u32 s4, v10;
	v31 =	vld.idx.msk [tilespmem:v31+s17+$0x0], $0xffff  }
0x597: {  	v36 =	vor.u32 s3, v1;
	v17 =	vcvt.f32.s32 v17;
	v18 =	vcvt.f32.s32 v18;
	v26 =	vld.idx.msk [tilespmem:v26+s17+$0x0], $0xffff  }
0x598: {  	v15 =	vcvt.f32.s32 v15;
	v14 =	vcvt.f32.s32 v14;
	v27 =	vld.idx.msk [tilespmem:v27+s17+$0x0], $0xffff;
	[tilespmem:v12+s25+$0x0] =	vst.idx.msk $0xffff, v21;
	v12 =	vor.u32 s3, v4  }
0x599: {  	v19 =	vcvt.f32.s32 v19;
	v16 =	vcvt.f32.s32 v16;
	v21 =	vld.idx.msk [tilespmem:v24+s17+$0x0], $0xffff;
	v24 =	vor.u32 s3, v5  }
0x59a: {  	v13 =	vcvt.f32.s32 v13;
	v22 =	vadd.f32 $6.400000100e+00, v22;
	v29 =	vld.idx.msk [tilespmem:v29+s17+$0x0], $0xffff;
	[tilespmem:v34+s25+$0x0] =	vst.idx.msk $0xffff, v20;
	v20 =	vor.u32 s3, v6  }
0x59b: {  	v37 =	vor.u32 s0, v5;
	v28 =	vadd.f32 $2.000000000e+00, v28;
	v34 =	vor.u32 s0, v4;
	v30 =	vld.idx.msk [tilespmem:v30+s17+$0x0], $0xffff;
	[tilespmem:v35+s25+$0x0] =	vst.idx.msk $0xffff, v19  }
0x59c: {  	v22 =	vmul.f32 v22, v7;
	v19 =	vld.idx.msk [tilespmem:v25+s17+$0x0], $0xffff;
	v25 =	vadd.f32 $6.400000100e+00, v31;
	v31 =	vor.u32 s0, v6;
	[tilespmem:v36+s25+$0x0] =	vst.idx.msk $0xffff, v11;
	s0 =	sadd.s32 $0x100, s0  }
0x59d: {  	v26 =	vadd.f32 $6.400000100e+00, v26;
	v11 =	vmul.f32 v28, v7;
	s5 =	sshra.s32 s0, $0x2;
	v35 =	vor.u32 s0, v1;
	s4 =	sadd.s32 $0x40, s0;
	v32 =	vld.idx.msk [tilespmem:v32+s17+$0x0], $0xffff;
	s6 =	sadd.s32 $0xC0, s0;
	[tilespmem:v12+s25+$0x0] =	vst.idx.msk $0xffff, v18  }
0x59e: {  	s3 =	sadd.s32 $0x80, s0;
	v18 =	vld [tilespmem:s5+$0x9D30];
	v12 =	vmul.f32 v25, v7;
	v25 =	vor.u32 s6, v1;
	v28 =	vor.u32 s6, v8;
	[tilespmem:v24+s25+$0x0] =	vst.idx.msk $0xffff, v17  }
0x59f: {  	v21 =	vmul.f32 v21, v7;
	v11 =	vmax.f32 v11, $0.0e+00;
	v24 =	vor.u32 s6, v9;
	v17 =	vld.idx.msk [tilespmem:v33+s17+$0x0], $0xffff;
	[tilespmem:v20+s25+$0x0] =	vst.idx.msk $0xffff, v16  }
0x5a0: {  	v11 =	vmin.f32 v11, $1.900000000e+01;
	v20 =	vor.u32 s6, v10;
	v16 =	vld.idx.msk [tilespmem:v23+s17+$0x0], $0xffff;
	v12 =	vmax.f32 v12, $0.0e+00;
	[tilespmem:v34+s25+$0x0] =	vst.idx.msk $0xffff, v14  }
0x5a1: {  	v21 =	vmax.f32 v21, $0.0e+00;
	v11 =	vtrunc.f32 v11;
	v14 =	vld [tilespmem:s5+$0x9D00];
	v23 =	vmin.f32 v12, $3.100000000e+01;
	[tilespmem:v37+s25+$0x0] =	vst.idx.msk $0xffff, v15  }
0x5a2: {  	v15 =	vmin.f32 v21, $1.790000000e+02;
	v12 =	vld [tilespmem:s5+$0x9D10];
	v21 =	vtrunc.f32 v23;
	v23 =	vcvt.f32.s32 v11;
	[tilespmem:v31+s25+$0x0] =	vst.idx.msk $0xffff, v13  }
0x5a3: {  	v13 =	vadd.f32 $2.000000000e+00, v27;
	v15 =	vtrunc.f32 v15;
	v11 =	vld [tilespmem:s5+$0x9D20];
	v21 =	vcvt.f32.s32 v21;
	[tilespmem:v25+s25+$0x0] =	vst.idx.msk $0xffff, v18  }
0x5a4: {  	v18 =	vadd.f32 $6.400000100e+00, v29;
	v25 =	vadd.f32 $2.000000000e+00, v30;
	v15 =	vcvt.f32.s32 v15;
	[tilespmem:v28+s25+$0x0] =	vst.idx.msk $0xffff, v23  }
0x5a5: {  	v19 =	vadd.f32 $2.000000000e+00, v19;
	v23 =	vmul.f32 v26, v7;
	v13 =	vmul.f32 v13, v7;
	[tilespmem:v24+s25+$0x0] =	vst.idx.msk $0xffff, v21  }
0x5a6: {  	s6 =	simm.s32 $0x3E00;
	s5 =	simm.s32 $0x4D80;
	v21 =	vmax.f32 v22, $0.0e+00;
	v18 =	vmul.f32 v18, v7;
	v22 =	vmul.f32 v25, v7;
	[tilespmem:v20+s25+$0x0] =	vst.idx.msk $0xffff, v15  }
0x5a7: {  	v15 =	vmul.f32 v19, v7;
	v19 =	vmax.f32 v23, $0.0e+00;
	[tilespmem:v35+s25+$0x0] =	vst.idx.msk $0xffff, v14;
	v14 =	vmul.f32 v32, v7  }
0x5a8: {  	v17 =	vmul.f32 v17, v7;
	v16 =	vmul.f32 v16, v7;
	v13 =	vmax.f32 v13, $0.0e+00  }
0x5a9: {  	v20 =	vmax.f32 v15, $0.0e+00;
	v15 =	vmax.f32 v18, $0.0e+00;
	v18 =	vmax.f32 v22, $0.0e+00  }
.Ltmp24:
0x5aa: {  	v23 =	vmax.f32 v17, $0.0e+00;
	v16 =	vmax.f32 v16, $0.0e+00;
	v22 =	vmax.f32 v14, $0.0e+00;
	(pc) =	sbr.rel @p0 .LBB2_50-.Ltmp24, $4  }
0x5ab: {  	v24 =	vmin.f32 v19, $3.100000000e+01;
	v25 =	vmin.f32 v13, $1.900000000e+01;
	v17 =	vmin.f32 v15, $3.100000000e+01  }
0x5ac: {  	v15 =	vmin.f32 v21, $3.100000000e+01;
	v14 =	vmin.f32 v20, $1.900000000e+01;
	v18 =	vmin.f32 v18, $1.900000000e+01  }
0x5ad: {  	v13 =	vmin.f32 v16, $1.790000000e+02;
	v16 =	vmin.f32 v23, $1.790000000e+02;
	v19 =	vmin.f32 v22, $1.790000000e+02  }
0x5ae: {  	s2 =	sadd.s32 $0x140, s2;
	v20 =	vtrunc.f32 v24;
	v21 =	vtrunc.f32 v25;
	v22 =	vor.u32 s4, v1  }
0x5af: {  	v23 =	vor.u32 s4, v8  }
0x5b0: {  	v26 =	vor.u32 s3, v1  }
0x5b1: {  	v24 =	vor.u32 s4, v9  }
0x5b2: {  	v21 =	vcvt.f32.s32 v21;
	v55 =	vor.u32 s3, v4  }
0x5b3: {  	v25 =	vor.u32 s4, v10;
	[tilespmem:v22+s25+$0x0] =	vst.idx.msk $0xffff, v12  }
0x5b4: {  	v54 =	vcvt.f32.s32 v20;
	v56 =	vor.u32 s3, v5;
	v18 =	vtrunc.f32 v18;
	[tilespmem:v23+s25+$0x0] =	vst.idx.msk $0xffff, v21  }
0x5b5: {  	v53 =	vtrunc.f32 v19;
	v58 =	vor.u32 s0, v4;
	v18 =	vcvt.f32.s32 v18;
	[tilespmem:v26+s25+$0x0] =	vst.idx.msk $0xffff, v11  }
0x5b6: {  	v57 =	vor.u32 s3, v6;
	v17 =	vtrunc.f32 v17;
	v12 =	vcvt.f32.s32 v53;
	[tilespmem:v24+s25+$0x0] =	vst.idx.msk $0xffff, v54  }
0x5b7: {  	v61 =	vor.u32 s0, v5;
	v60 =	vcvt.f32.s32 v17;
	v11 =	vtrunc.f32 v14;
	[tilespmem:v55+s25+$0x0] =	vst.idx.msk $0xffff, v18  }
0x5b8: {  	v59 =	vtrunc.f32 v16;
	v62 =	vor.u32 s0, v6;
	v11 =	vcvt.f32.s32 v11;
	[tilespmem:v25+s25+$0x0] =	vst.idx.msk $0xffff, v12  }
0x5b9: {  	v15 =	vtrunc.f32 v15;
	v12 =	vcvt.f32.s32 v59;
	[tilespmem:v56+s25+$0x0] =	vst.idx.msk $0xffff, v60  }
0x5ba: {  	v13 =	vtrunc.f32 v13;
	v15 =	vcvt.f32.s32 v15;
	[tilespmem:v58+s25+$0x0] =	vst.idx.msk $0xffff, v11  }
0x5bb: {  	v63 =	vcvt.f32.s32 v13;
	[tilespmem:v57+s25+$0x0] =	vst.idx.msk $0xffff, v12  }
0x5bc: {  	[tilespmem:v61+s25+$0x0] =	vst.idx.msk $0xffff, v15  }
0x5bd: {  	[tilespmem:v62+s25+$0x0] =	vst.idx.msk $0xffff, v63  }
.LBB2_52:
0x5be: {  	v11 =	vadd.s32 s5, v3  }
0x5bf: {  	v12 =	vadd.s32 s5, v2;
	_ =	sdelay $0x2  }
0x5c0: {  	v13 =	vadd.s32 s5, v0  }
0x5c1: {  	v11 =	vld.idx.msk [tilespmem:v11+s17+$0x0], $0xffff  }
0x5c2: {  	v12 =	vld.idx.msk [tilespmem:v12+s17+$0x0], $0xffff;
	_ =	sdelay $0x2  }
0x5c3: {  	v13 =	vld.idx.msk [tilespmem:v13+s17+$0x0], $0xffff  }
0x5c4: {  	v11 =	vadd.f32 $2.000000000e+00, v11  }
0x5c5: {  	v12 =	vadd.f32 $6.400000100e+00, v12  }
0x5c6: {  	s0 =	sshra.s32 s6, $0x2;
	v11 =	vmul.f32 v11, v7  }
0x5c7: {  	v14 =	vor.u32 s6, v1;
	v16 =	vor.u32 s6, v4;
	v15 =	vld [tilespmem:s0+$0x9D00];
	v12 =	vmul.f32 v12, v7  }
0x5c8: {  	v17 =	vor.u32 s6, v5;
	v13 =	vmul.f32 v13, v7;
	v11 =	vmax.f32 v11, $0.0e+00  }
0x5c9: {  	v18 =	vor.u32 s6, v6;
	v12 =	vmax.f32 v12, $0.0e+00;
	v11 =	vmin.f32 v11, $1.900000000e+01  }
0x5ca: {  	p0 =	sne.s32 s5, $0x4DD0;
	v13 =	vmax.f32 v13, $0.0e+00;
	v12 =	vmin.f32 v12, $3.100000000e+01;
	v11 =	vtrunc.f32 v11  }
.Ltmp25:
0x5cb: {  	v13 =	vmin.f32 v13, $1.790000000e+02;
	v12 =	vtrunc.f32 v12;
	v11 =	vcvt.f32.s32 v11;
	(pc) =	sbr.rel @p0 .LBB2_52-.Ltmp25, $4  }
0x5cc: {  	[tilespmem:v14+s25+$0x0] =	vst.idx.msk $0xffff, v15;
	v13 =	vtrunc.f32 v13;
	v12 =	vcvt.f32.s32 v12  }
0x5cd: {  	[tilespmem:v16+s25+$0x0] =	vst.idx.msk $0xffff, v11;
	v11 =	vcvt.f32.s32 v13  }
0x5ce: {  	[tilespmem:v17+s25+$0x0] =	vst.idx.msk $0xffff, v12  }
0x5cf: {  	s6 =	sadd.s32 $0x40, s6;
	s5 =	sadd.s32 $0x50, s5;
	[tilespmem:v18+s25+$0x0] =	vst.idx.msk $0xffff, v11  }
0x5d0: {  	s0 =	simm.s32 $0x0;
	s1 =	rddreg [dreg:$0x12]  }
0x5d1: {  	[hbm4b:s15+s0] =	stream.linear.scatter [tilespmem:s25], [sflag:$0x3], $0x3E80, $0x38;
	[tilespmem:$0x13A00] =	vst v63  }
0x5d2: {  	s5 =	sld [smem:$0x7F5]  }
0x5d3: {  	[tilespmem:s0], [sflag:$0x1] =	stream.linear.gather [hbm4b:s1+s0], $0x4E20, $0x38;
	[tilespmem:$0x13A00] =	vst v63  }
0x5d4: {  	_ = 	snop  }
0x5d5: {  	[tilespmem:s21], [sflag:$0x1] =	stream.linear.gather [hbm4b:s5+s0], $0xFA0, $0x38;
	[tilespmem:$0x13A00] =	vst v63  }
0x5d6: {  	_ =	swait.ge [sflag:s26], $0x4E20  }
0x5d7: {  	[sflag:s26] =	ssyncset.done $0x0  }
0x5d8: {  	[sflag:s26] =	ssyncadd.s32 $0xFFFFB1E0  }
0x5d9: {  	_ =	swait.ge [sflag:s26], $0xFA0  }
0x5da: {  	s6 =	simm.s32 $0xF0;
	v11 =	vadd.s32 s0, v2;
	[sflag:s26] =	ssyncset.done $0x0  }
0x5db: {  	v12 =	vadd.s32 s6, v3;
	[sflag:s26] =	ssyncadd.s32 $0xFFFFF060  }
0x5dc: {  	s2 =	simm.s32 $0x50;
	v13 =	vadd.s32 s6, v2;
	_ =	swait.ge [sflag:s30], $0x3E80  }
0x5dd: {  	v14 =	vadd.s32 s2, v2;
	[sflag:s30] =	ssyncset.done $0x0  }
0x5de: {  	v15 =	vadd.s32 s6, v0;
	[sflag:s30] =	ssyncadd.s32 $0xFFFFC180  }
0x5df: {  	s7 =	simm.s32 $0xA0;
	v16 =	vadd.s32 s2, v3;
	v11 =	vld.idx.msk [tilespmem:v11+s22+$0x0], $0xffff  }
0x5e0: {  	v17 =	vadd.s32 s7, v2;
	v12 =	vld.idx.msk [tilespmem:v12+s22+$0x0], $0xffff  }
0x5e1: {  	v21 =	vadd.s32 s2, v0;
	v13 =	vld.idx.msk [tilespmem:v13+s22+$0x0], $0xffff  }
0x5e2: {  	v18 =	vadd.s32 s0, v0;
	v14 =	vld.idx.msk [tilespmem:v14+s22+$0x0], $0xffff  }
0x5e3: {  	v22 =	vadd.s32 s7, v0;
	v15 =	vld.idx.msk [tilespmem:v15+s22+$0x0], $0xffff  }
0x5e4: {  	v19 =	vadd.s32 s7, v3;
	v16 =	vld.idx.msk [tilespmem:v16+s22+$0x0], $0xffff  }
0x5e5: {  	v20 =	vadd.s32 s0, v3;
	v17 =	vld.idx.msk [tilespmem:v17+s22+$0x0], $0xffff  }
0x5e6: {  	v21 =	vld.idx.msk [tilespmem:v21+s22+$0x0], $0xffff  }
0x5e7: {  	v18 =	vld.idx.msk [tilespmem:v18+s22+$0x0], $0xffff  }
0x5e8: {  	s8 =	simm.s32 $0xC0;
	v23 =	vor.u32 s0, v1;
	v22 =	vld.idx.msk [tilespmem:v22+s22+$0x0], $0xffff  }
0x5e9: {  	v24 =	vor.u32 s8, v1;
	v25 =	vor.u32 s8, v8;
	v26 =	vor.u32 s8, v9;
	v19 =	vld.idx.msk [tilespmem:v19+s22+$0x0], $0xffff  }
0x5ea: {  	v27 =	vor.u32 s8, v10;
	v20 =	vld.idx.msk [tilespmem:v20+s22+$0x0], $0xffff;
	v11 =	vadd.f32 $6.400000100e+00, v11;
	v12 =	vadd.f32 $2.000000000e+00, v12  }
0x5eb: {  	v13 =	vadd.f32 $6.400000100e+00, v13;
	v14 =	vadd.f32 $6.400000100e+00, v14;
	v15 =	vmul.f32 v15, v7  }
0x5ec: {  	v16 =	vadd.f32 $2.000000000e+00, v16;
	v21 =	vmul.f32 v21, v7;
	v18 =	vmul.f32 v18, v7  }
0x5ed: {  	v17 =	vadd.f32 $6.400000100e+00, v17;
	v22 =	vmul.f32 v22, v7;
	v11 =	vmul.f32 v11, v7  }
0x5ee: {  	v19 =	vadd.f32 $2.000000000e+00, v19;
	v12 =	vmul.f32 v12, v7;
	v13 =	vmul.f32 v13, v7  }
0x5ef: {  	v20 =	vadd.f32 $2.000000000e+00, v20;
	v14 =	vmul.f32 v14, v7;
	v16 =	vmul.f32 v16, v7  }
0x5f0: {  	v15 =	vmax.f32 v15, $0.0e+00;
	v17 =	vmul.f32 v17, v7;
	v19 =	vmul.f32 v19, v7  }
0x5f1: {  	s9 =	simm.s32 $0x0;
	v20 =	vmul.f32 v20, v7;
	v62 =	vmax.f32 v18, $0.0e+00;
	v15 =	vmin.f32 v15, $1.790000000e+02  }
0x5f2: {  	v29 =	vld [tilespmem:s9+$0xAD00];
	v21 =	vmax.f32 v21, $0.0e+00;
	v22 =	vmax.f32 v22, $0.0e+00;
	v15 =	vtrunc.f32 v15  }
0x5f3: {  	v12 =	vmax.f32 v12, $0.0e+00;
	v13 =	vmax.f32 v13, $0.0e+00;
	v28 =	vcvt.f32.s32 v15;
	v15 =	vld [tilespmem:s9+$0xAD30]  }
0x5f4: {  	v11 =	vmax.f32 v11, $0.0e+00;
	v14 =	vmax.f32 v14, $0.0e+00;
	v16 =	vmax.f32 v16, $0.0e+00  }
0x5f5: {  	v20 =	vmax.f32 v20, $0.0e+00;
	v17 =	vmax.f32 v17, $0.0e+00;
	v12 =	vmin.f32 v12, $1.900000000e+01  }
0x5f6: {  	v19 =	vmax.f32 v19, $0.0e+00;
	v13 =	vmin.f32 v13, $3.100000000e+01;
	v12 =	vtrunc.f32 v12  }
0x5f7: {  	[tilespmem:v23+s28+$0x0] =	vst.idx.msk $0xffff, v29;
	v63 =	vmin.f32 v14, $3.100000000e+01;
	v13 =	vtrunc.f32 v13;
	v12 =	vcvt.f32.s32 v12  }
0x5f8: {  	v30 =	vmin.f32 v16, $1.900000000e+01;
	v17 =	vmin.f32 v17, $3.100000000e+01;
	v13 =	vcvt.f32.s32 v13;
	[tilespmem:v24+s28+$0x0] =	vst.idx.msk $0xffff, v15  }
0x5f9: {  	s4 =	simm.s32 $0x40;
	v14 =	vmin.f32 v20, $1.900000000e+01;
	v18 =	vmin.f32 v19, $1.900000000e+01;
	v19 =	vmin.f32 v21, $1.790000000e+02;
	[tilespmem:v25+s28+$0x0] =	vst.idx.msk $0xffff, v12  }
0x5fa: {  	v16 =	vmin.f32 v22, $1.790000000e+02;
	v22 =	vor.u32 s4, v1;
	v15 =	vmin.f32 v11, $3.100000000e+01;
	v11 =	vld [tilespmem:s9+$0xAD20];
	[tilespmem:v26+s28+$0x0] =	vst.idx.msk $0xffff, v13  }
0x5fb: {  	s3 =	simm.s32 $0x80;
	s2 =	simm.s32 $0x140;
	s1 =	simm.s32 $0x0;
	v20 =	vtrunc.f32 v63;
	v21 =	vtrunc.f32 v30;
	v12 =	vld [tilespmem:s9+$0xAD10];
	v13 =	vmin.f32 v62, $1.790000000e+02;
	[tilespmem:v27+s28+$0x0] =	vst.idx.msk $0xffff, v28  }
.LBB2_54:
0x5fc: {  	v23 =	vadd.s32 s2, v0;
	v24 =	vadd.s32 s2, v2;
	v25 =	vadd.s32 s2, v3;
	s5 =	sadd.s32 $0x50, s2;
	s6 =	sadd.s32 $0xA0, s2;
	s7 =	sadd.s32 $0xF0, s2  }
0x5fd: {  	v26 =	vadd.s32 s5, v2;
	v27 =	vadd.s32 s5, v3;
	v28 =	vadd.s32 s7, v3  }
0x5fe: {  	s1 =	sadd.s32 $0x4, s1;
	v29 =	vadd.s32 s6, v2;
	v30 =	vadd.s32 s6, v3;
	v31 =	vadd.s32 s7, v2  }
0x5ff: {  	v17 =	vtrunc.f32 v17;
	v32 =	vadd.s32 s5, v0;
	v33 =	vadd.s32 s6, v0;
	p0 =	slt.u32 s1, $0xF4  }
0x600: {  	v15 =	vtrunc.f32 v15;
	v18 =	vtrunc.f32 v18;
	[tilespmem:v22+s28+$0x0] =	vst.idx.msk $0xffff, v12;
	v12 =	vor.u32 s4, v8  }
0x601: {  	v14 =	vtrunc.f32 v14;
	v19 =	vtrunc.f32 v19;
	v22 =	vld.idx.msk [tilespmem:v24+s22+$0x0], $0xffff;
	v24 =	vadd.s32 s7, v0  }
0x602: {  	v13 =	vtrunc.f32 v13;
	v34 =	vor.u32 s4, v9;
	v16 =	vtrunc.f32 v16;
	v28 =	vld.idx.msk [tilespmem:v28+s22+$0x0], $0xffff  }
0x603: {  	v20 =	vcvt.f32.s32 v20;
	v21 =	vcvt.f32.s32 v21;
	v35 =	vor.u32 s4, v10;
	v31 =	vld.idx.msk [tilespmem:v31+s22+$0x0], $0xffff  }
0x604: {  	v36 =	vor.u32 s3, v1;
	v17 =	vcvt.f32.s32 v17;
	v18 =	vcvt.f32.s32 v18;
	v26 =	vld.idx.msk [tilespmem:v26+s22+$0x0], $0xffff  }
0x605: {  	v15 =	vcvt.f32.s32 v15;
	v14 =	vcvt.f32.s32 v14;
	v27 =	vld.idx.msk [tilespmem:v27+s22+$0x0], $0xffff;
	[tilespmem:v12+s28+$0x0] =	vst.idx.msk $0xffff, v21;
	v12 =	vor.u32 s3, v4  }
0x606: {  	v19 =	vcvt.f32.s32 v19;
	v16 =	vcvt.f32.s32 v16;
	v21 =	vld.idx.msk [tilespmem:v24+s22+$0x0], $0xffff;
	v24 =	vor.u32 s3, v5  }
0x607: {  	v13 =	vcvt.f32.s32 v13;
	v22 =	vadd.f32 $6.400000100e+00, v22;
	v29 =	vld.idx.msk [tilespmem:v29+s22+$0x0], $0xffff;
	[tilespmem:v34+s28+$0x0] =	vst.idx.msk $0xffff, v20;
	v20 =	vor.u32 s3, v6  }
0x608: {  	v37 =	vor.u32 s0, v5;
	v28 =	vadd.f32 $2.000000000e+00, v28;
	v34 =	vor.u32 s0, v4;
	v30 =	vld.idx.msk [tilespmem:v30+s22+$0x0], $0xffff;
	[tilespmem:v35+s28+$0x0] =	vst.idx.msk $0xffff, v19  }
0x609: {  	v22 =	vmul.f32 v22, v7;
	v19 =	vld.idx.msk [tilespmem:v25+s22+$0x0], $0xffff;
	v25 =	vadd.f32 $6.400000100e+00, v31;
	v31 =	vor.u32 s0, v6;
	[tilespmem:v36+s28+$0x0] =	vst.idx.msk $0xffff, v11;
	s0 =	sadd.s32 $0x100, s0  }
0x60a: {  	v26 =	vadd.f32 $6.400000100e+00, v26;
	v11 =	vmul.f32 v28, v7;
	s5 =	sshra.s32 s0, $0x2;
	v35 =	vor.u32 s0, v1;
	s4 =	sadd.s32 $0x40, s0;
	v32 =	vld.idx.msk [tilespmem:v32+s22+$0x0], $0xffff;
	s6 =	sadd.s32 $0xC0, s0;
	[tilespmem:v12+s28+$0x0] =	vst.idx.msk $0xffff, v18  }
0x60b: {  	s3 =	sadd.s32 $0x80, s0;
	v18 =	vld [tilespmem:s5+$0xAD30];
	v12 =	vmul.f32 v25, v7;
	v25 =	vor.u32 s6, v1;
	v28 =	vor.u32 s6, v8;
	[tilespmem:v24+s28+$0x0] =	vst.idx.msk $0xffff, v17  }
0x60c: {  	v21 =	vmul.f32 v21, v7;
	v11 =	vmax.f32 v11, $0.0e+00;
	v24 =	vor.u32 s6, v9;
	v17 =	vld.idx.msk [tilespmem:v33+s22+$0x0], $0xffff;
	[tilespmem:v20+s28+$0x0] =	vst.idx.msk $0xffff, v16  }
0x60d: {  	v11 =	vmin.f32 v11, $1.900000000e+01;
	v20 =	vor.u32 s6, v10;
	v16 =	vld.idx.msk [tilespmem:v23+s22+$0x0], $0xffff;
	v12 =	vmax.f32 v12, $0.0e+00;
	[tilespmem:v34+s28+$0x0] =	vst.idx.msk $0xffff, v14  }
0x60e: {  	v21 =	vmax.f32 v21, $0.0e+00;
	v11 =	vtrunc.f32 v11;
	v14 =	vld [tilespmem:s5+$0xAD00];
	v23 =	vmin.f32 v12, $3.100000000e+01;
	[tilespmem:v37+s28+$0x0] =	vst.idx.msk $0xffff, v15  }
0x60f: {  	v15 =	vmin.f32 v21, $1.790000000e+02;
	v12 =	vld [tilespmem:s5+$0xAD10];
	v21 =	vtrunc.f32 v23;
	v23 =	vcvt.f32.s32 v11;
	[tilespmem:v31+s28+$0x0] =	vst.idx.msk $0xffff, v13  }
0x610: {  	v13 =	vadd.f32 $2.000000000e+00, v27;
	v15 =	vtrunc.f32 v15;
	v11 =	vld [tilespmem:s5+$0xAD20];
	v21 =	vcvt.f32.s32 v21;
	[tilespmem:v25+s28+$0x0] =	vst.idx.msk $0xffff, v18  }
0x611: {  	v18 =	vadd.f32 $6.400000100e+00, v29;
	v25 =	vadd.f32 $2.000000000e+00, v30;
	v15 =	vcvt.f32.s32 v15;
	[tilespmem:v28+s28+$0x0] =	vst.idx.msk $0xffff, v23  }
0x612: {  	v19 =	vadd.f32 $2.000000000e+00, v19;
	v23 =	vmul.f32 v26, v7;
	v13 =	vmul.f32 v13, v7;
	[tilespmem:v24+s28+$0x0] =	vst.idx.msk $0xffff, v21  }
0x613: {  	s6 =	simm.s32 $0x3E00;
	s5 =	simm.s32 $0x4D80;
	v21 =	vmax.f32 v22, $0.0e+00;
	v18 =	vmul.f32 v18, v7;
	v22 =	vmul.f32 v25, v7;
	[tilespmem:v20+s28+$0x0] =	vst.idx.msk $0xffff, v15  }
0x614: {  	v15 =	vmul.f32 v19, v7;
	v19 =	vmax.f32 v23, $0.0e+00;
	[tilespmem:v35+s28+$0x0] =	vst.idx.msk $0xffff, v14;
	v14 =	vmul.f32 v32, v7  }
0x615: {  	v17 =	vmul.f32 v17, v7;
	v16 =	vmul.f32 v16, v7;
	v13 =	vmax.f32 v13, $0.0e+00  }
0x616: {  	v20 =	vmax.f32 v15, $0.0e+00;
	v15 =	vmax.f32 v18, $0.0e+00;
	v18 =	vmax.f32 v22, $0.0e+00  }
.Ltmp26:
0x617: {  	v23 =	vmax.f32 v17, $0.0e+00;
	v16 =	vmax.f32 v16, $0.0e+00;
	v22 =	vmax.f32 v14, $0.0e+00;
	(pc) =	sbr.rel @p0 .LBB2_54-.Ltmp26, $4  }
0x618: {  	v24 =	vmin.f32 v19, $3.100000000e+01;
	v25 =	vmin.f32 v13, $1.900000000e+01;
	v17 =	vmin.f32 v15, $3.100000000e+01  }
0x619: {  	v15 =	vmin.f32 v21, $3.100000000e+01;
	v14 =	vmin.f32 v20, $1.900000000e+01;
	v18 =	vmin.f32 v18, $1.900000000e+01  }
0x61a: {  	v13 =	vmin.f32 v16, $1.790000000e+02;
	v16 =	vmin.f32 v23, $1.790000000e+02;
	v19 =	vmin.f32 v22, $1.790000000e+02  }
0x61b: {  	s2 =	sadd.s32 $0x140, s2;
	v20 =	vtrunc.f32 v24;
	v21 =	vtrunc.f32 v25;
	v22 =	vor.u32 s4, v1  }
0x61c: {  	v23 =	vor.u32 s4, v8  }
0x61d: {  	v26 =	vor.u32 s3, v1  }
0x61e: {  	v24 =	vor.u32 s4, v9  }
0x61f: {  	v21 =	vcvt.f32.s32 v21;
	v55 =	vor.u32 s3, v4  }
0x620: {  	v25 =	vor.u32 s4, v10;
	[tilespmem:v22+s28+$0x0] =	vst.idx.msk $0xffff, v12  }
0x621: {  	v54 =	vcvt.f32.s32 v20;
	v56 =	vor.u32 s3, v5;
	v18 =	vtrunc.f32 v18;
	[tilespmem:v23+s28+$0x0] =	vst.idx.msk $0xffff, v21  }
0x622: {  	v53 =	vtrunc.f32 v19;
	v58 =	vor.u32 s0, v4;
	v18 =	vcvt.f32.s32 v18;
	[tilespmem:v26+s28+$0x0] =	vst.idx.msk $0xffff, v11  }
0x623: {  	v57 =	vor.u32 s3, v6;
	v17 =	vtrunc.f32 v17;
	v12 =	vcvt.f32.s32 v53;
	[tilespmem:v24+s28+$0x0] =	vst.idx.msk $0xffff, v54  }
0x624: {  	v61 =	vor.u32 s0, v5;
	v60 =	vcvt.f32.s32 v17;
	v11 =	vtrunc.f32 v14;
	[tilespmem:v55+s28+$0x0] =	vst.idx.msk $0xffff, v18  }
0x625: {  	v59 =	vtrunc.f32 v16;
	v62 =	vor.u32 s0, v6;
	v11 =	vcvt.f32.s32 v11;
	[tilespmem:v25+s28+$0x0] =	vst.idx.msk $0xffff, v12  }
0x626: {  	v15 =	vtrunc.f32 v15;
	v12 =	vcvt.f32.s32 v59;
	[tilespmem:v56+s28+$0x0] =	vst.idx.msk $0xffff, v60  }
0x627: {  	v13 =	vtrunc.f32 v13;
	v15 =	vcvt.f32.s32 v15;
	[tilespmem:v58+s28+$0x0] =	vst.idx.msk $0xffff, v11  }
0x628: {  	v63 =	vcvt.f32.s32 v13;
	[tilespmem:v57+s28+$0x0] =	vst.idx.msk $0xffff, v12  }
0x629: {  	[tilespmem:v61+s28+$0x0] =	vst.idx.msk $0xffff, v15  }
0x62a: {  	[tilespmem:v62+s28+$0x0] =	vst.idx.msk $0xffff, v63  }
.LBB2_56:
0x62b: {  	v11 =	vadd.s32 s5, v3  }
0x62c: {  	v12 =	vadd.s32 s5, v2;
	_ =	sdelay $0x2  }
0x62d: {  	v13 =	vadd.s32 s5, v0  }
0x62e: {  	v11 =	vld.idx.msk [tilespmem:v11+s22+$0x0], $0xffff  }
0x62f: {  	v12 =	vld.idx.msk [tilespmem:v12+s22+$0x0], $0xffff;
	_ =	sdelay $0x2  }
0x630: {  	v13 =	vld.idx.msk [tilespmem:v13+s22+$0x0], $0xffff  }
0x631: {  	v11 =	vadd.f32 $2.000000000e+00, v11  }
0x632: {  	v12 =	vadd.f32 $6.400000100e+00, v12  }
0x633: {  	s0 =	sshra.s32 s6, $0x2;
	v11 =	vmul.f32 v11, v7  }
0x634: {  	v14 =	vor.u32 s6, v1;
	v16 =	vor.u32 s6, v4;
	v15 =	vld [tilespmem:s0+$0xAD00];
	v12 =	vmul.f32 v12, v7  }
0x635: {  	v17 =	vor.u32 s6, v5;
	v13 =	vmul.f32 v13, v7;
	v11 =	vmax.f32 v11, $0.0e+00  }
0x636: {  	v18 =	vor.u32 s6, v6;
	v12 =	vmax.f32 v12, $0.0e+00;
	v11 =	vmin.f32 v11, $1.900000000e+01  }
0x637: {  	p0 =	sne.s32 s5, $0x4DD0;
	v13 =	vmax.f32 v13, $0.0e+00;
	v12 =	vmin.f32 v12, $3.100000000e+01;
	v11 =	vtrunc.f32 v11  }
.Ltmp27:
0x638: {  	v13 =	vmin.f32 v13, $1.790000000e+02;
	v12 =	vtrunc.f32 v12;
	v11 =	vcvt.f32.s32 v11;
	(pc) =	sbr.rel @p0 .LBB2_56-.Ltmp27, $4  }
0x639: {  	[tilespmem:v14+s28+$0x0] =	vst.idx.msk $0xffff, v15;
	v13 =	vtrunc.f32 v13;
	v12 =	vcvt.f32.s32 v12  }
0x63a: {  	[tilespmem:v16+s28+$0x0] =	vst.idx.msk $0xffff, v11;
	v11 =	vcvt.f32.s32 v13  }
0x63b: {  	[tilespmem:v17+s28+$0x0] =	vst.idx.msk $0xffff, v12  }
0x63c: {  	s6 =	sadd.s32 $0x40, s6;
	s5 =	sadd.s32 $0x50, s5;
	[tilespmem:v18+s28+$0x0] =	vst.idx.msk $0xffff, v11  }
0x63d: {  	s0 =	simm.s32 $0x0;
	s1 =	rddreg [dreg:$0x13]  }
0x63e: {  	[hbm4b:s16+s0] =	stream.linear.scatter [tilespmem:s28], [sflag:$0x4], $0x3E80, $0x38;
	[tilespmem:$0x13A00] =	vst v63  }
0x63f: {  	s5 =	sld [smem:$0x7F6]  }
0x640: {  	[tilespmem:s22], [sflag:$0x2] =	stream.linear.gather [hbm4b:s1+s0], $0x4E20, $0x38;
	[tilespmem:$0x13A00] =	vst v63  }
0x641: {  	_ = 	snop  }
0x642: {  	[tilespmem:s23], [sflag:$0x2] =	stream.linear.gather [hbm4b:s5+s0], $0xFA0, $0x38;
	[tilespmem:$0x13A00] =	vst v63  }
0x643: {  	_ =	swait.ge [sflag:s24], $0x4E20  }
0x644: {  	[sflag:s24] =	ssyncset.done $0x0  }
0x645: {  	[sflag:s24] =	ssyncadd.s32 $0xFFFFB1E0  }
0x646: {  	_ =	swait.ge [sflag:s24], $0xFA0  }
0x647: {  	s6 =	simm.s32 $0xF0;
	v11 =	vadd.s32 s0, v2;
	[sflag:s24] =	ssyncset.done $0x0  }
0x648: {  	v12 =	vadd.s32 s6, v3;
	[sflag:s24] =	ssyncadd.s32 $0xFFFFF060  }
0x649: {  	s2 =	simm.s32 $0x50;
	v13 =	vadd.s32 s6, v2;
	_ =	swait.ge [sflag:s29], $0x3E80  }
0x64a: {  	v14 =	vadd.s32 s2, v2;
	[sflag:s29] =	ssyncset.done $0x0  }
0x64b: {  	v15 =	vadd.s32 s6, v0;
	[sflag:s29] =	ssyncadd.s32 $0xFFFFC180  }
0x64c: {  	s7 =	simm.s32 $0xA0;
	v16 =	vadd.s32 s2, v3;
	v11 =	vld.idx.msk [tilespmem:v11+s17+$0x0], $0xffff  }
0x64d: {  	v17 =	vadd.s32 s7, v2;
	v12 =	vld.idx.msk [tilespmem:v12+s17+$0x0], $0xffff  }
0x64e: {  	v21 =	vadd.s32 s2, v0;
	v13 =	vld.idx.msk [tilespmem:v13+s17+$0x0], $0xffff  }
0x64f: {  	v18 =	vadd.s32 s0, v0;
	v14 =	vld.idx.msk [tilespmem:v14+s17+$0x0], $0xffff  }
0x650: {  	v22 =	vadd.s32 s7, v0;
	v15 =	vld.idx.msk [tilespmem:v15+s17+$0x0], $0xffff  }
0x651: {  	v19 =	vadd.s32 s7, v3;
	v16 =	vld.idx.msk [tilespmem:v16+s17+$0x0], $0xffff  }
0x652: {  	v20 =	vadd.s32 s0, v3;
	v17 =	vld.idx.msk [tilespmem:v17+s17+$0x0], $0xffff  }
0x653: {  	v21 =	vld.idx.msk [tilespmem:v21+s17+$0x0], $0xffff  }
0x654: {  	v18 =	vld.idx.msk [tilespmem:v18+s17+$0x0], $0xffff  }
0x655: {  	s8 =	simm.s32 $0xC0;
	v23 =	vor.u32 s0, v1;
	v22 =	vld.idx.msk [tilespmem:v22+s17+$0x0], $0xffff  }
0x656: {  	v24 =	vor.u32 s8, v1;
	v25 =	vor.u32 s8, v8;
	v26 =	vor.u32 s8, v9;
	v19 =	vld.idx.msk [tilespmem:v19+s17+$0x0], $0xffff  }
0x657: {  	v27 =	vor.u32 s8, v10;
	v20 =	vld.idx.msk [tilespmem:v20+s17+$0x0], $0xffff;
	v11 =	vadd.f32 $6.400000100e+00, v11;
	v12 =	vadd.f32 $2.000000000e+00, v12  }
0x658: {  	v13 =	vadd.f32 $6.400000100e+00, v13;
	v14 =	vadd.f32 $6.400000100e+00, v14;
	v15 =	vmul.f32 v15, v7  }
0x659: {  	v16 =	vadd.f32 $2.000000000e+00, v16;
	v21 =	vmul.f32 v21, v7;
	v18 =	vmul.f32 v18, v7  }
0x65a: {  	v17 =	vadd.f32 $6.400000100e+00, v17;
	v22 =	vmul.f32 v22, v7;
	v11 =	vmul.f32 v11, v7  }
0x65b: {  	v19 =	vadd.f32 $2.000000000e+00, v19;
	v12 =	vmul.f32 v12, v7;
	v13 =	vmul.f32 v13, v7  }
0x65c: {  	v20 =	vadd.f32 $2.000000000e+00, v20;
	v14 =	vmul.f32 v14, v7;
	v16 =	vmul.f32 v16, v7  }
0x65d: {  	v15 =	vmax.f32 v15, $0.0e+00;
	v17 =	vmul.f32 v17, v7;
	v19 =	vmul.f32 v19, v7  }
0x65e: {  	s9 =	simm.s32 $0x0;
	v20 =	vmul.f32 v20, v7;
	v62 =	vmax.f32 v18, $0.0e+00;
	v15 =	vmin.f32 v15, $1.790000000e+02  }
0x65f: {  	v29 =	vld [tilespmem:s9+$0x9D00];
	v21 =	vmax.f32 v21, $0.0e+00;
	v22 =	vmax.f32 v22, $0.0e+00;
	v15 =	vtrunc.f32 v15  }
0x660: {  	v12 =	vmax.f32 v12, $0.0e+00;
	v13 =	vmax.f32 v13, $0.0e+00;
	v28 =	vcvt.f32.s32 v15;
	v15 =	vld [tilespmem:s9+$0x9D30]  }
0x661: {  	v11 =	vmax.f32 v11, $0.0e+00;
	v14 =	vmax.f32 v14, $0.0e+00;
	v16 =	vmax.f32 v16, $0.0e+00  }
0x662: {  	v20 =	vmax.f32 v20, $0.0e+00;
	v17 =	vmax.f32 v17, $0.0e+00;
	v12 =	vmin.f32 v12, $1.900000000e+01  }
0x663: {  	v19 =	vmax.f32 v19, $0.0e+00;
	v13 =	vmin.f32 v13, $3.100000000e+01;
	v12 =	vtrunc.f32 v12  }
0x664: {  	[tilespmem:v23+s25+$0x0] =	vst.idx.msk $0xffff, v29;
	v63 =	vmin.f32 v14, $3.100000000e+01;
	v13 =	vtrunc.f32 v13;
	v12 =	vcvt.f32.s32 v12  }
0x665: {  	v30 =	vmin.f32 v16, $1.900000000e+01;
	v17 =	vmin.f32 v17, $3.100000000e+01;
	v13 =	vcvt.f32.s32 v13;
	[tilespmem:v24+s25+$0x0] =	vst.idx.msk $0xffff, v15  }
0x666: {  	s4 =	simm.s32 $0x40;
	v14 =	vmin.f32 v20, $1.900000000e+01;
	v18 =	vmin.f32 v19, $1.900000000e+01;
	v19 =	vmin.f32 v21, $1.790000000e+02;
	[tilespmem:v25+s25+$0x0] =	vst.idx.msk $0xffff, v12  }
0x667: {  	v16 =	vmin.f32 v22, $1.790000000e+02;
	v22 =	vor.u32 s4, v1;
	v15 =	vmin.f32 v11, $3.100000000e+01;
	v11 =	vld [tilespmem:s9+$0x9D20];
	[tilespmem:v26+s25+$0x0] =	vst.idx.msk $0xffff, v13  }
0x668: {  	s3 =	simm.s32 $0x80;
	s2 =	simm.s32 $0x140;
	s1 =	simm.s32 $0x0;
	v20 =	vtrunc.f32 v63;
	v21 =	vtrunc.f32 v30;
	v12 =	vld [tilespmem:s9+$0x9D10];
	v13 =	vmin.f32 v62, $1.790000000e+02;
	[tilespmem:v27+s25+$0x0] =	vst.idx.msk $0xffff, v28  }
.LBB2_58:
0x669: {  	v23 =	vadd.s32 s2, v0;
	v24 =	vadd.s32 s2, v2;
	v25 =	vadd.s32 s2, v3;
	s5 =	sadd.s32 $0x50, s2;
	s6 =	sadd.s32 $0xA0, s2;
	s7 =	sadd.s32 $0xF0, s2  }
0x66a: {  	v26 =	vadd.s32 s5, v2;
	v27 =	vadd.s32 s5, v3;
	v28 =	vadd.s32 s7, v3  }
0x66b: {  	s1 =	sadd.s32 $0x4, s1;
	v29 =	vadd.s32 s6, v2;
	v30 =	vadd.s32 s6, v3;
	v31 =	vadd.s32 s7, v2  }
0x66c: {  	v17 =	vtrunc.f32 v17;
	v32 =	vadd.s32 s5, v0;
	v33 =	vadd.s32 s6, v0;
	p0 =	slt.u32 s1, $0xF4  }
0x66d: {  	v15 =	vtrunc.f32 v15;
	v18 =	vtrunc.f32 v18;
	[tilespmem:v22+s25+$0x0] =	vst.idx.msk $0xffff, v12;
	v12 =	vor.u32 s4, v8  }
0x66e: {  	v14 =	vtrunc.f32 v14;
	v19 =	vtrunc.f32 v19;
	v22 =	vld.idx.msk [tilespmem:v24+s17+$0x0], $0xffff;
	v24 =	vadd.s32 s7, v0  }
0x66f: {  	v13 =	vtrunc.f32 v13;
	v34 =	vor.u32 s4, v9;
	v16 =	vtrunc.f32 v16;
	v28 =	vld.idx.msk [tilespmem:v28+s17+$0x0], $0xffff  }
0x670: {  	v20 =	vcvt.f32.s32 v20;
	v21 =	vcvt.f32.s32 v21;
	v35 =	vor.u32 s4, v10;
	v31 =	vld.idx.msk [tilespmem:v31+s17+$0x0], $0xffff  }
0x671: {  	v36 =	vor.u32 s3, v1;
	v17 =	vcvt.f32.s32 v17;
	v18 =	vcvt.f32.s32 v18;
	v26 =	vld.idx.msk [tilespmem:v26+s17+$0x0], $0xffff  }
0x672: {  	v15 =	vcvt.f32.s32 v15;
	v14 =	vcvt.f32.s32 v14;
	v27 =	vld.idx.msk [tilespmem:v27+s17+$0x0], $0xffff;
	[tilespmem:v12+s25+$0x0] =	vst.idx.msk $0xffff, v21;
	v12 =	vor.u32 s3, v4  }
0x673: {  	v19 =	vcvt.f32.s32 v19;
	v16 =	vcvt.f32.s32 v16;
	v21 =	vld.idx.msk [tilespmem:v24+s17+$0x0], $0xffff;
	v24 =	vor.u32 s3, v5  }
0x674: {  	v13 =	vcvt.f32.s32 v13;
	v22 =	vadd.f32 $6.400000100e+00, v22;
	v29 =	vld.idx.msk [tilespmem:v29+s17+$0x0], $0xffff;
	[tilespmem:v34+s25+$0x0] =	vst.idx.msk $0xffff, v20;
	v20 =	vor.u32 s3, v6  }
0x675: {  	v37 =	vor.u32 s0, v5;
	v28 =	vadd.f32 $2.000000000e+00, v28;
	v34 =	vor.u32 s0, v4;
	v30 =	vld.idx.msk [tilespmem:v30+s17+$0x0], $0xffff;
	[tilespmem:v35+s25+$0x0] =	vst.idx.msk $0xffff, v19  }
0x676: {  	v22 =	vmul.f32 v22, v7;
	v19 =	vld.idx.msk [tilespmem:v25+s17+$0x0], $0xffff;
	v25 =	vadd.f32 $6.400000100e+00, v31;
	v31 =	vor.u32 s0, v6;
	[tilespmem:v36+s25+$0x0] =	vst.idx.msk $0xffff, v11;
	s0 =	sadd.s32 $0x100, s0  }
0x677: {  	v26 =	vadd.f32 $6.400000100e+00, v26;
	v11 =	vmul.f32 v28, v7;
	s5 =	sshra.s32 s0, $0x2;
	v35 =	vor.u32 s0, v1;
	s4 =	sadd.s32 $0x40, s0;
	v32 =	vld.idx.msk [tilespmem:v32+s17+$0x0], $0xffff;
	s6 =	sadd.s32 $0xC0, s0;
	[tilespmem:v12+s25+$0x0] =	vst.idx.msk $0xffff, v18  }
0x678: {  	s3 =	sadd.s32 $0x80, s0;
	v18 =	vld [tilespmem:s5+$0x9D30];
	v12 =	vmul.f32 v25, v7;
	v25 =	vor.u32 s6, v1;
	v28 =	vor.u32 s6, v8;
	[tilespmem:v24+s25+$0x0] =	vst.idx.msk $0xffff, v17  }
0x679: {  	v21 =	vmul.f32 v21, v7;
	v11 =	vmax.f32 v11, $0.0e+00;
	v24 =	vor.u32 s6, v9;
	v17 =	vld.idx.msk [tilespmem:v33+s17+$0x0], $0xffff;
	[tilespmem:v20+s25+$0x0] =	vst.idx.msk $0xffff, v16  }
0x67a: {  	v11 =	vmin.f32 v11, $1.900000000e+01;
	v20 =	vor.u32 s6, v10;
	v16 =	vld.idx.msk [tilespmem:v23+s17+$0x0], $0xffff;
	v12 =	vmax.f32 v12, $0.0e+00;
	[tilespmem:v34+s25+$0x0] =	vst.idx.msk $0xffff, v14  }
0x67b: {  	v21 =	vmax.f32 v21, $0.0e+00;
	v11 =	vtrunc.f32 v11;
	v14 =	vld [tilespmem:s5+$0x9D00];
	v23 =	vmin.f32 v12, $3.100000000e+01;
	[tilespmem:v37+s25+$0x0] =	vst.idx.msk $0xffff, v15  }
0x67c: {  	v15 =	vmin.f32 v21, $1.790000000e+02;
	v12 =	vld [tilespmem:s5+$0x9D10];
	v21 =	vtrunc.f32 v23;
	v23 =	vcvt.f32.s32 v11;
	[tilespmem:v31+s25+$0x0] =	vst.idx.msk $0xffff, v13  }
0x67d: {  	v13 =	vadd.f32 $2.000000000e+00, v27;
	v15 =	vtrunc.f32 v15;
	v11 =	vld [tilespmem:s5+$0x9D20];
	v21 =	vcvt.f32.s32 v21;
	[tilespmem:v25+s25+$0x0] =	vst.idx.msk $0xffff, v18  }
0x67e: {  	v18 =	vadd.f32 $6.400000100e+00, v29;
	v25 =	vadd.f32 $2.000000000e+00, v30;
	v15 =	vcvt.f32.s32 v15;
	[tilespmem:v28+s25+$0x0] =	vst.idx.msk $0xffff, v23  }
0x67f: {  	v19 =	vadd.f32 $2.000000000e+00, v19;
	v23 =	vmul.f32 v26, v7;
	v13 =	vmul.f32 v13, v7;
	[tilespmem:v24+s25+$0x0] =	vst.idx.msk $0xffff, v21  }
0x680: {  	s6 =	simm.s32 $0x3E00;
	s5 =	simm.s32 $0x4D80;
	v21 =	vmax.f32 v22, $0.0e+00;
	v18 =	vmul.f32 v18, v7;
	v22 =	vmul.f32 v25, v7;
	[tilespmem:v20+s25+$0x0] =	vst.idx.msk $0xffff, v15  }
0x681: {  	v15 =	vmul.f32 v19, v7;
	v19 =	vmax.f32 v23, $0.0e+00;
	[tilespmem:v35+s25+$0x0] =	vst.idx.msk $0xffff, v14;
	v14 =	vmul.f32 v32, v7  }
0x682: {  	v17 =	vmul.f32 v17, v7;
	v16 =	vmul.f32 v16, v7;
	v13 =	vmax.f32 v13, $0.0e+00  }
0x683: {  	v20 =	vmax.f32 v15, $0.0e+00;
	v15 =	vmax.f32 v18, $0.0e+00;
	v18 =	vmax.f32 v22, $0.0e+00  }
.Ltmp28:
0x684: {  	v23 =	vmax.f32 v17, $0.0e+00;
	v16 =	vmax.f32 v16, $0.0e+00;
	v22 =	vmax.f32 v14, $0.0e+00;
	(pc) =	sbr.rel @p0 .LBB2_58-.Ltmp28, $4  }
0x685: {  	v24 =	vmin.f32 v19, $3.100000000e+01;
	v25 =	vmin.f32 v13, $1.900000000e+01;
	v17 =	vmin.f32 v15, $3.100000000e+01  }
0x686: {  	v15 =	vmin.f32 v21, $3.100000000e+01;
	v14 =	vmin.f32 v20, $1.900000000e+01;
	v18 =	vmin.f32 v18, $1.900000000e+01  }
0x687: {  	v13 =	vmin.f32 v16, $1.790000000e+02;
	v16 =	vmin.f32 v23, $1.790000000e+02;
	v19 =	vmin.f32 v22, $1.790000000e+02  }
0x688: {  	s2 =	sadd.s32 $0x140, s2;
	v20 =	vtrunc.f32 v24;
	v21 =	vtrunc.f32 v25;
	v22 =	vor.u32 s4, v1  }
0x689: {  	v23 =	vor.u32 s4, v8  }
0x68a: {  	v26 =	vor.u32 s3, v1  }
0x68b: {  	v24 =	vor.u32 s4, v9  }
0x68c: {  	v21 =	vcvt.f32.s32 v21;
	v55 =	vor.u32 s3, v4  }
0x68d: {  	v25 =	vor.u32 s4, v10;
	[tilespmem:v22+s25+$0x0] =	vst.idx.msk $0xffff, v12  }
0x68e: {  	v54 =	vcvt.f32.s32 v20;
	v56 =	vor.u32 s3, v5;
	v18 =	vtrunc.f32 v18;
	[tilespmem:v23+s25+$0x0] =	vst.idx.msk $0xffff, v21  }
0x68f: {  	v53 =	vtrunc.f32 v19;
	v58 =	vor.u32 s0, v4;
	v18 =	vcvt.f32.s32 v18;
	[tilespmem:v26+s25+$0x0] =	vst.idx.msk $0xffff, v11  }
0x690: {  	v57 =	vor.u32 s3, v6;
	v17 =	vtrunc.f32 v17;
	v12 =	vcvt.f32.s32 v53;
	[tilespmem:v24+s25+$0x0] =	vst.idx.msk $0xffff, v54  }
0x691: {  	v61 =	vor.u32 s0, v5;
	v60 =	vcvt.f32.s32 v17;
	v11 =	vtrunc.f32 v14;
	[tilespmem:v55+s25+$0x0] =	vst.idx.msk $0xffff, v18  }
0x692: {  	v59 =	vtrunc.f32 v16;
	v62 =	vor.u32 s0, v6;
	v11 =	vcvt.f32.s32 v11;
	[tilespmem:v25+s25+$0x0] =	vst.idx.msk $0xffff, v12  }
0x693: {  	v15 =	vtrunc.f32 v15;
	v12 =	vcvt.f32.s32 v59;
	[tilespmem:v56+s25+$0x0] =	vst.idx.msk $0xffff, v60  }
0x694: {  	v13 =	vtrunc.f32 v13;
	v15 =	vcvt.f32.s32 v15;
	[tilespmem:v58+s25+$0x0] =	vst.idx.msk $0xffff, v11  }
0x695: {  	v63 =	vcvt.f32.s32 v13;
	[tilespmem:v57+s25+$0x0] =	vst.idx.msk $0xffff, v12  }
0x696: {  	[tilespmem:v61+s25+$0x0] =	vst.idx.msk $0xffff, v15  }
0x697: {  	[tilespmem:v62+s25+$0x0] =	vst.idx.msk $0xffff, v63  }
.LBB2_60:
0x698: {  	v11 =	vadd.s32 s5, v3  }
0x699: {  	v12 =	vadd.s32 s5, v2;
	_ =	sdelay $0x2  }
0x69a: {  	v13 =	vadd.s32 s5, v0  }
0x69b: {  	v11 =	vld.idx.msk [tilespmem:v11+s17+$0x0], $0xffff  }
0x69c: {  	v12 =	vld.idx.msk [tilespmem:v12+s17+$0x0], $0xffff;
	_ =	sdelay $0x2  }
0x69d: {  	v13 =	vld.idx.msk [tilespmem:v13+s17+$0x0], $0xffff  }
0x69e: {  	v11 =	vadd.f32 $2.000000000e+00, v11  }
0x69f: {  	v12 =	vadd.f32 $6.400000100e+00, v12  }
0x6a0: {  	s0 =	sshra.s32 s6, $0x2;
	v11 =	vmul.f32 v11, v7  }
0x6a1: {  	v14 =	vor.u32 s6, v1;
	v16 =	vor.u32 s6, v4;
	v15 =	vld [tilespmem:s0+$0x9D00];
	v12 =	vmul.f32 v12, v7  }
0x6a2: {  	v17 =	vor.u32 s6, v5;
	v13 =	vmul.f32 v13, v7;
	v11 =	vmax.f32 v11, $0.0e+00  }
0x6a3: {  	v18 =	vor.u32 s6, v6;
	v12 =	vmax.f32 v12, $0.0e+00;
	v11 =	vmin.f32 v11, $1.900000000e+01  }
0x6a4: {  	p0 =	sne.s32 s5, $0x4DD0;
	v13 =	vmax.f32 v13, $0.0e+00;
	v12 =	vmin.f32 v12, $3.100000000e+01;
	v11 =	vtrunc.f32 v11  }
.Ltmp29:
0x6a5: {  	v13 =	vmin.f32 v13, $1.790000000e+02;
	v12 =	vtrunc.f32 v12;
	v11 =	vcvt.f32.s32 v11;
	(pc) =	sbr.rel @p0 .LBB2_60-.Ltmp29, $4  }
0x6a6: {  	[tilespmem:v14+s25+$0x0] =	vst.idx.msk $0xffff, v15;
	v13 =	vtrunc.f32 v13;
	v12 =	vcvt.f32.s32 v12  }
0x6a7: {  	[tilespmem:v16+s25+$0x0] =	vst.idx.msk $0xffff, v11;
	v11 =	vcvt.f32.s32 v13  }
0x6a8: {  	[tilespmem:v17+s25+$0x0] =	vst.idx.msk $0xffff, v12  }
0x6a9: {  	s6 =	sadd.s32 $0x40, s6;
	s5 =	sadd.s32 $0x50, s5;
	[tilespmem:v18+s25+$0x0] =	vst.idx.msk $0xffff, v11  }
0x6aa: {  	s0 =	simm.s32 $0x0  }
0x6ab: {  	[hbm4b:s18+s0] =	stream.linear.scatter [tilespmem:s25], [sflag:$0x3], $0x3E80, $0x38;
	[tilespmem:$0x13A00] =	vst v63  }
0x6ac: {  	_ =	swait.ge [sflag:s26], $0x4E20  }
0x6ad: {  	[sflag:s26] =	ssyncset.done $0x0  }
0x6ae: {  	[sflag:s26] =	ssyncadd.s32 $0xFFFFB1E0  }
0x6af: {  	_ =	swait.ge [sflag:s26], $0xFA0  }
0x6b0: {  	s1 =	simm.s32 $0xF0;
	v11 =	vadd.s32 s0, v2;
	[sflag:s26] =	ssyncset.done $0x0  }
0x6b1: {  	v12 =	vadd.s32 s1, v3;
	[sflag:s26] =	ssyncadd.s32 $0xFFFFF060  }
0x6b2: {  	s2 =	simm.s32 $0x50;
	v13 =	vadd.s32 s1, v2;
	_ =	swait.ge [sflag:s30], $0x3E80  }
0x6b3: {  	v14 =	vadd.s32 s2, v2;
	[sflag:s30] =	ssyncset.done $0x0  }
0x6b4: {  	v15 =	vadd.s32 s1, v0;
	[sflag:s30] =	ssyncadd.s32 $0xFFFFC180  }
0x6b5: {  	s7 =	simm.s32 $0xA0;
	v16 =	vadd.s32 s2, v3;
	v11 =	vld.idx.msk [tilespmem:v11+s22+$0x0], $0xffff  }
0x6b6: {  	v17 =	vadd.s32 s7, v2;
	v12 =	vld.idx.msk [tilespmem:v12+s22+$0x0], $0xffff  }
0x6b7: {  	v21 =	vadd.s32 s2, v0;
	v13 =	vld.idx.msk [tilespmem:v13+s22+$0x0], $0xffff  }
0x6b8: {  	v18 =	vadd.s32 s0, v0;
	v14 =	vld.idx.msk [tilespmem:v14+s22+$0x0], $0xffff  }
0x6b9: {  	v22 =	vadd.s32 s7, v0;
	v15 =	vld.idx.msk [tilespmem:v15+s22+$0x0], $0xffff  }
0x6ba: {  	v19 =	vadd.s32 s7, v3;
	v16 =	vld.idx.msk [tilespmem:v16+s22+$0x0], $0xffff  }
0x6bb: {  	v20 =	vadd.s32 s0, v3;
	v17 =	vld.idx.msk [tilespmem:v17+s22+$0x0], $0xffff  }
0x6bc: {  	v21 =	vld.idx.msk [tilespmem:v21+s22+$0x0], $0xffff  }
0x6bd: {  	v18 =	vld.idx.msk [tilespmem:v18+s22+$0x0], $0xffff  }
0x6be: {  	s8 =	simm.s32 $0xC0;
	v23 =	vor.u32 s0, v1;
	v22 =	vld.idx.msk [tilespmem:v22+s22+$0x0], $0xffff  }
0x6bf: {  	v24 =	vor.u32 s8, v1;
	v25 =	vor.u32 s8, v8;
	v26 =	vor.u32 s8, v9;
	v19 =	vld.idx.msk [tilespmem:v19+s22+$0x0], $0xffff  }
0x6c0: {  	v27 =	vor.u32 s8, v10;
	v20 =	vld.idx.msk [tilespmem:v20+s22+$0x0], $0xffff;
	v11 =	vadd.f32 $6.400000100e+00, v11;
	v12 =	vadd.f32 $2.000000000e+00, v12  }
0x6c1: {  	v13 =	vadd.f32 $6.400000100e+00, v13;
	v14 =	vadd.f32 $6.400000100e+00, v14;
	v15 =	vmul.f32 v15, v7  }
0x6c2: {  	v16 =	vadd.f32 $2.000000000e+00, v16;
	v21 =	vmul.f32 v21, v7;
	v18 =	vmul.f32 v18, v7  }
0x6c3: {  	v17 =	vadd.f32 $6.400000100e+00, v17;
	v22 =	vmul.f32 v22, v7;
	v11 =	vmul.f32 v11, v7  }
0x6c4: {  	v19 =	vadd.f32 $2.000000000e+00, v19;
	v12 =	vmul.f32 v12, v7;
	v13 =	vmul.f32 v13, v7  }
0x6c5: {  	v20 =	vadd.f32 $2.000000000e+00, v20;
	v14 =	vmul.f32 v14, v7;
	v16 =	vmul.f32 v16, v7  }
0x6c6: {  	v15 =	vmax.f32 v15, $0.0e+00;
	v17 =	vmul.f32 v17, v7;
	v19 =	vmul.f32 v19, v7  }
0x6c7: {  	s9 =	simm.s32 $0x0;
	v20 =	vmul.f32 v20, v7;
	v62 =	vmax.f32 v18, $0.0e+00;
	v15 =	vmin.f32 v15, $1.790000000e+02  }
0x6c8: {  	v29 =	vld [tilespmem:s9+$0xAD00];
	v21 =	vmax.f32 v21, $0.0e+00;
	v22 =	vmax.f32 v22, $0.0e+00;
	v15 =	vtrunc.f32 v15  }
0x6c9: {  	v12 =	vmax.f32 v12, $0.0e+00;
	v13 =	vmax.f32 v13, $0.0e+00;
	v28 =	vcvt.f32.s32 v15;
	v15 =	vld [tilespmem:s9+$0xAD30]  }
0x6ca: {  	v11 =	vmax.f32 v11, $0.0e+00;
	v14 =	vmax.f32 v14, $0.0e+00;
	v16 =	vmax.f32 v16, $0.0e+00  }
0x6cb: {  	v20 =	vmax.f32 v20, $0.0e+00;
	v17 =	vmax.f32 v17, $0.0e+00;
	v12 =	vmin.f32 v12, $1.900000000e+01  }
0x6cc: {  	v19 =	vmax.f32 v19, $0.0e+00;
	v13 =	vmin.f32 v13, $3.100000000e+01;
	v12 =	vtrunc.f32 v12  }
0x6cd: {  	[tilespmem:v23+s28+$0x0] =	vst.idx.msk $0xffff, v29;
	v63 =	vmin.f32 v14, $3.100000000e+01;
	v13 =	vtrunc.f32 v13;
	v12 =	vcvt.f32.s32 v12  }
0x6ce: {  	v30 =	vmin.f32 v16, $1.900000000e+01;
	v17 =	vmin.f32 v17, $3.100000000e+01;
	v13 =	vcvt.f32.s32 v13;
	[tilespmem:v24+s28+$0x0] =	vst.idx.msk $0xffff, v15  }
0x6cf: {  	s4 =	simm.s32 $0x40;
	v14 =	vmin.f32 v20, $1.900000000e+01;
	v18 =	vmin.f32 v19, $1.900000000e+01;
	v19 =	vmin.f32 v21, $1.790000000e+02;
	[tilespmem:v25+s28+$0x0] =	vst.idx.msk $0xffff, v12  }
0x6d0: {  	v16 =	vmin.f32 v22, $1.790000000e+02;
	v22 =	vor.u32 s4, v1;
	v15 =	vmin.f32 v11, $3.100000000e+01;
	v11 =	vld [tilespmem:s9+$0xAD20];
	[tilespmem:v26+s28+$0x0] =	vst.idx.msk $0xffff, v13  }
0x6d1: {  	s3 =	simm.s32 $0x80;
	s1 =	simm.s32 $0x0;
	s2 =	simm.s32 $0x140;
	v20 =	vtrunc.f32 v63;
	v21 =	vtrunc.f32 v30;
	v12 =	vld [tilespmem:s9+$0xAD10];
	v13 =	vmin.f32 v62, $1.790000000e+02;
	[tilespmem:v27+s28+$0x0] =	vst.idx.msk $0xffff, v28  }
.LBB2_62:
0x6d2: {  	v23 =	vadd.s32 s2, v0;
	v24 =	vadd.s32 s2, v2;
	v25 =	vadd.s32 s2, v3;
	s5 =	sadd.s32 $0x50, s2;
	s6 =	sadd.s32 $0xA0, s2;
	s7 =	sadd.s32 $0xF0, s2  }
0x6d3: {  	v26 =	vadd.s32 s5, v2;
	v27 =	vadd.s32 s5, v3;
	v28 =	vadd.s32 s7, v3  }
0x6d4: {  	s1 =	sadd.s32 $0x4, s1;
	v29 =	vadd.s32 s6, v2;
	v30 =	vadd.s32 s6, v3;
	v31 =	vadd.s32 s7, v2  }
0x6d5: {  	v17 =	vtrunc.f32 v17;
	v32 =	vadd.s32 s5, v0;
	v33 =	vadd.s32 s6, v0;
	p0 =	slt.u32 s1, $0xF4  }
0x6d6: {  	v15 =	vtrunc.f32 v15;
	v18 =	vtrunc.f32 v18;
	[tilespmem:v22+s28+$0x0] =	vst.idx.msk $0xffff, v12;
	v12 =	vor.u32 s4, v8  }
0x6d7: {  	v14 =	vtrunc.f32 v14;
	v19 =	vtrunc.f32 v19;
	v22 =	vld.idx.msk [tilespmem:v24+s22+$0x0], $0xffff;
	v24 =	vadd.s32 s7, v0  }
0x6d8: {  	v13 =	vtrunc.f32 v13;
	v34 =	vor.u32 s4, v9;
	v16 =	vtrunc.f32 v16;
	v28 =	vld.idx.msk [tilespmem:v28+s22+$0x0], $0xffff  }
0x6d9: {  	v20 =	vcvt.f32.s32 v20;
	v21 =	vcvt.f32.s32 v21;
	v35 =	vor.u32 s4, v10;
	v31 =	vld.idx.msk [tilespmem:v31+s22+$0x0], $0xffff  }
0x6da: {  	v36 =	vor.u32 s3, v1;
	v17 =	vcvt.f32.s32 v17;
	v18 =	vcvt.f32.s32 v18;
	v26 =	vld.idx.msk [tilespmem:v26+s22+$0x0], $0xffff  }
0x6db: {  	v15 =	vcvt.f32.s32 v15;
	v14 =	vcvt.f32.s32 v14;
	v27 =	vld.idx.msk [tilespmem:v27+s22+$0x0], $0xffff;
	[tilespmem:v12+s28+$0x0] =	vst.idx.msk $0xffff, v21;
	v12 =	vor.u32 s3, v4  }
0x6dc: {  	v19 =	vcvt.f32.s32 v19;
	v16 =	vcvt.f32.s32 v16;
	v21 =	vld.idx.msk [tilespmem:v24+s22+$0x0], $0xffff;
	v24 =	vor.u32 s3, v5  }
0x6dd: {  	v13 =	vcvt.f32.s32 v13;
	v22 =	vadd.f32 $6.400000100e+00, v22;
	v29 =	vld.idx.msk [tilespmem:v29+s22+$0x0], $0xffff;
	[tilespmem:v34+s28+$0x0] =	vst.idx.msk $0xffff, v20;
	v20 =	vor.u32 s3, v6  }
0x6de: {  	v37 =	vor.u32 s0, v5;
	v28 =	vadd.f32 $2.000000000e+00, v28;
	v34 =	vor.u32 s0, v4;
	v30 =	vld.idx.msk [tilespmem:v30+s22+$0x0], $0xffff;
	[tilespmem:v35+s28+$0x0] =	vst.idx.msk $0xffff, v19  }
0x6df: {  	v22 =	vmul.f32 v22, v7;
	v19 =	vld.idx.msk [tilespmem:v25+s22+$0x0], $0xffff;
	v25 =	vadd.f32 $6.400000100e+00, v31;
	v31 =	vor.u32 s0, v6;
	[tilespmem:v36+s28+$0x0] =	vst.idx.msk $0xffff, v11;
	s0 =	sadd.s32 $0x100, s0  }
0x6e0: {  	v26 =	vadd.f32 $6.400000100e+00, v26;
	v11 =	vmul.f32 v28, v7;
	s5 =	sshra.s32 s0, $0x2;
	v35 =	vor.u32 s0, v1;
	s4 =	sadd.s32 $0x40, s0;
	v32 =	vld.idx.msk [tilespmem:v32+s22+$0x0], $0xffff;
	s6 =	sadd.s32 $0xC0, s0;
	[tilespmem:v12+s28+$0x0] =	vst.idx.msk $0xffff, v18  }
0x6e1: {  	s3 =	sadd.s32 $0x80, s0;
	v18 =	vld [tilespmem:s5+$0xAD30];
	v12 =	vmul.f32 v25, v7;
	v25 =	vor.u32 s6, v1;
	v28 =	vor.u32 s6, v8;
	[tilespmem:v24+s28+$0x0] =	vst.idx.msk $0xffff, v17  }
0x6e2: {  	v21 =	vmul.f32 v21, v7;
	v11 =	vmax.f32 v11, $0.0e+00;
	v24 =	vor.u32 s6, v9;
	v17 =	vld.idx.msk [tilespmem:v33+s22+$0x0], $0xffff;
	[tilespmem:v20+s28+$0x0] =	vst.idx.msk $0xffff, v16  }
0x6e3: {  	v11 =	vmin.f32 v11, $1.900000000e+01;
	v20 =	vor.u32 s6, v10;
	v16 =	vld.idx.msk [tilespmem:v23+s22+$0x0], $0xffff;
	v12 =	vmax.f32 v12, $0.0e+00;
	[tilespmem:v34+s28+$0x0] =	vst.idx.msk $0xffff, v14  }
0x6e4: {  	v21 =	vmax.f32 v21, $0.0e+00;
	v11 =	vtrunc.f32 v11;
	v14 =	vld [tilespmem:s5+$0xAD00];
	v23 =	vmin.f32 v12, $3.100000000e+01;
	[tilespmem:v37+s28+$0x0] =	vst.idx.msk $0xffff, v15  }
0x6e5: {  	v15 =	vmin.f32 v21, $1.790000000e+02;
	v12 =	vld [tilespmem:s5+$0xAD10];
	v21 =	vtrunc.f32 v23;
	v23 =	vcvt.f32.s32 v11;
	[tilespmem:v31+s28+$0x0] =	vst.idx.msk $0xffff, v13  }
0x6e6: {  	v13 =	vadd.f32 $2.000000000e+00, v27;
	v15 =	vtrunc.f32 v15;
	v11 =	vld [tilespmem:s5+$0xAD20];
	v21 =	vcvt.f32.s32 v21;
	[tilespmem:v25+s28+$0x0] =	vst.idx.msk $0xffff, v18  }
0x6e7: {  	v18 =	vadd.f32 $6.400000100e+00, v29;
	v25 =	vadd.f32 $2.000000000e+00, v30;
	v15 =	vcvt.f32.s32 v15;
	[tilespmem:v28+s28+$0x0] =	vst.idx.msk $0xffff, v23  }
0x6e8: {  	v19 =	vadd.f32 $2.000000000e+00, v19;
	v23 =	vmul.f32 v26, v7;
	v13 =	vmul.f32 v13, v7;
	[tilespmem:v24+s28+$0x0] =	vst.idx.msk $0xffff, v21  }
0x6e9: {  	s6 =	simm.s32 $0x3E00;
	s5 =	simm.s32 $0x4D80;
	v21 =	vmax.f32 v22, $0.0e+00;
	v18 =	vmul.f32 v18, v7;
	v22 =	vmul.f32 v25, v7;
	[tilespmem:v20+s28+$0x0] =	vst.idx.msk $0xffff, v15  }
0x6ea: {  	v15 =	vmul.f32 v19, v7;
	v19 =	vmax.f32 v23, $0.0e+00;
	[tilespmem:v35+s28+$0x0] =	vst.idx.msk $0xffff, v14;
	v14 =	vmul.f32 v32, v7  }
0x6eb: {  	v17 =	vmul.f32 v17, v7;
	v16 =	vmul.f32 v16, v7;
	v13 =	vmax.f32 v13, $0.0e+00  }
0x6ec: {  	v20 =	vmax.f32 v15, $0.0e+00;
	v15 =	vmax.f32 v18, $0.0e+00;
	v18 =	vmax.f32 v22, $0.0e+00  }
.Ltmp30:
0x6ed: {  	v23 =	vmax.f32 v17, $0.0e+00;
	v16 =	vmax.f32 v16, $0.0e+00;
	v22 =	vmax.f32 v14, $0.0e+00;
	(pc) =	sbr.rel @p0 .LBB2_62-.Ltmp30, $4  }
0x6ee: {  	v24 =	vmin.f32 v19, $3.100000000e+01;
	v25 =	vmin.f32 v13, $1.900000000e+01;
	v17 =	vmin.f32 v15, $3.100000000e+01  }
0x6ef: {  	v15 =	vmin.f32 v21, $3.100000000e+01;
	v14 =	vmin.f32 v20, $1.900000000e+01;
	v18 =	vmin.f32 v18, $1.900000000e+01  }
0x6f0: {  	v13 =	vmin.f32 v16, $1.790000000e+02;
	v16 =	vmin.f32 v23, $1.790000000e+02;
	v19 =	vmin.f32 v22, $1.790000000e+02  }
0x6f1: {  	s2 =	sadd.s32 $0x140, s2;
	v20 =	vtrunc.f32 v24;
	v21 =	vtrunc.f32 v25;
	v22 =	vor.u32 s4, v1  }
0x6f2: {  	v23 =	vor.u32 s4, v8  }
0x6f3: {  	v26 =	vor.u32 s3, v1  }
0x6f4: {  	v24 =	vor.u32 s4, v9  }
0x6f5: {  	v21 =	vcvt.f32.s32 v21;
	v55 =	vor.u32 s3, v4  }
0x6f6: {  	v25 =	vor.u32 s4, v10;
	[tilespmem:v22+s28+$0x0] =	vst.idx.msk $0xffff, v12  }
0x6f7: {  	v54 =	vcvt.f32.s32 v20;
	v56 =	vor.u32 s3, v5;
	v18 =	vtrunc.f32 v18;
	[tilespmem:v23+s28+$0x0] =	vst.idx.msk $0xffff, v21  }
0x6f8: {  	v53 =	vtrunc.f32 v19;
	v58 =	vor.u32 s0, v4;
	v18 =	vcvt.f32.s32 v18;
	[tilespmem:v26+s28+$0x0] =	vst.idx.msk $0xffff, v11  }
0x6f9: {  	v57 =	vor.u32 s3, v6;
	v17 =	vtrunc.f32 v17;
	v12 =	vcvt.f32.s32 v53;
	[tilespmem:v24+s28+$0x0] =	vst.idx.msk $0xffff, v54  }
0x6fa: {  	v61 =	vor.u32 s0, v5;
	v60 =	vcvt.f32.s32 v17;
	v11 =	vtrunc.f32 v14;
	[tilespmem:v55+s28+$0x0] =	vst.idx.msk $0xffff, v18  }
0x6fb: {  	v59 =	vtrunc.f32 v16;
	v62 =	vor.u32 s0, v6;
	v11 =	vcvt.f32.s32 v11;
	[tilespmem:v25+s28+$0x0] =	vst.idx.msk $0xffff, v12  }
0x6fc: {  	v15 =	vtrunc.f32 v15;
	v12 =	vcvt.f32.s32 v59;
	[tilespmem:v56+s28+$0x0] =	vst.idx.msk $0xffff, v60  }
0x6fd: {  	v13 =	vtrunc.f32 v13;
	v15 =	vcvt.f32.s32 v15;
	[tilespmem:v58+s28+$0x0] =	vst.idx.msk $0xffff, v11  }
0x6fe: {  	v63 =	vcvt.f32.s32 v13;
	[tilespmem:v57+s28+$0x0] =	vst.idx.msk $0xffff, v12  }
0x6ff: {  	[tilespmem:v61+s28+$0x0] =	vst.idx.msk $0xffff, v15  }
0x700: {  	[tilespmem:v62+s28+$0x0] =	vst.idx.msk $0xffff, v63  }
.LBB2_64:
0x701: {  	v11 =	vadd.s32 s5, v3  }
0x702: {  	v12 =	vadd.s32 s5, v2;
	_ =	sdelay $0x2  }
0x703: {  	v13 =	vadd.s32 s5, v0  }
0x704: {  	v11 =	vld.idx.msk [tilespmem:v11+s22+$0x0], $0xffff  }
0x705: {  	v12 =	vld.idx.msk [tilespmem:v12+s22+$0x0], $0xffff;
	_ =	sdelay $0x2  }
0x706: {  	v13 =	vld.idx.msk [tilespmem:v13+s22+$0x0], $0xffff  }
0x707: {  	v11 =	vadd.f32 $2.000000000e+00, v11  }
0x708: {  	v12 =	vadd.f32 $6.400000100e+00, v12  }
0x709: {  	s0 =	sshra.s32 s6, $0x2;
	v11 =	vmul.f32 v11, v7  }
0x70a: {  	v14 =	vor.u32 s6, v1;
	v16 =	vor.u32 s6, v4;
	v15 =	vld [tilespmem:s0+$0xAD00];
	v12 =	vmul.f32 v12, v7  }
0x70b: {  	v17 =	vor.u32 s6, v5;
	v13 =	vmul.f32 v13, v7;
	v11 =	vmax.f32 v11, $0.0e+00  }
0x70c: {  	v18 =	vor.u32 s6, v6;
	v12 =	vmax.f32 v12, $0.0e+00;
	v11 =	vmin.f32 v11, $1.900000000e+01  }
0x70d: {  	p0 =	sne.s32 s5, $0x4DD0;
	v13 =	vmax.f32 v13, $0.0e+00;
	v12 =	vmin.f32 v12, $3.100000000e+01;
	v11 =	vtrunc.f32 v11  }
.Ltmp31:
0x70e: {  	v13 =	vmin.f32 v13, $1.790000000e+02;
	v12 =	vtrunc.f32 v12;
	v11 =	vcvt.f32.s32 v11;
	(pc) =	sbr.rel @p0 .LBB2_64-.Ltmp31, $4  }
0x70f: {  	[tilespmem:v14+s28+$0x0] =	vst.idx.msk $0xffff, v15;
	v13 =	vtrunc.f32 v13;
	v12 =	vcvt.f32.s32 v12  }
0x710: {  	[tilespmem:v16+s28+$0x0] =	vst.idx.msk $0xffff, v11;
	v11 =	vcvt.f32.s32 v13  }
0x711: {  	[tilespmem:v17+s28+$0x0] =	vst.idx.msk $0xffff, v12  }
0x712: {  	s6 =	sadd.s32 $0x40, s6;
	s5 =	sadd.s32 $0x50, s5;
	[tilespmem:v18+s28+$0x0] =	vst.idx.msk $0xffff, v11  }
0x713: {  	[hbm4b:s19+s17] =	stream.linear.scatter [tilespmem:s28], [sflag:$0x4], $0x3E80, $0x38;
	[tilespmem:$0x13A00] =	vst v63  }
0x714: {  	s31 =	sadd.s32 $0x1, s31  }
0x715: {  	_ =	swait.ge [sflag:s29], $0x3E80;
	p0 =	sne.s32 s31, s20  }
.Ltmp32:
0x716: {  	[sflag:s29] =	ssyncset.done $0x0;
	(pc) =	sbr.rel @p0 .LBB2_1-.Ltmp32, $4  }
0x717: {  	[sflag:s29] =	ssyncadd.s32 $0xFFFFC180  }
0x718: {  	_ =	swait.ge [sflag:s30], $0x3E80  }
0x719: {  	[sflag:s30] =	ssyncset.done $0x0  }
0x71a: {  	[sflag:s30] =	ssyncadd.s32 $0xFFFFC180  }
0x71b: {  	_ =	sfence.sel $0x180000  }
0x71c: {  	[bflag:$0x0] =	sbarrier.arrive $0xFFFF  }
0x71d: {  	_ =	strace $0x90000047  }
0x71e: {  	s0 =	stileid.u32;
	[bflag:$0x2] =	sbarrier.arrive $0xFFFF  }
0x71f: {  	p0 =	sne.s32 s0, $0x0;
	s0 =	rddreg [dreg:$0x3]  }
0x720: {  	s0 =	sadd.s32 @!p0 $0x100000, s0  }
0x721: {  	[sflag:s0] =	ssyncadd.tile.s32 @!p0 $0x1;
	_ =	shalt  }
.Lfunc_end2:
_tile_overlayer_lowered:
.L_overlay_start_2:
0x722: {  	(tag) =	ssettag $0x2  }
0x723: {  	s0 =	rddreg [dreg:$0x0];
	s2 =	stileid.u32  }
0x724: {  	s1 =	rddreg [dreg:$0x1];
	p0 =	sne.s32 s2, $0x0  }
0x725: {  	s3 =	rddreg [dreg:$0x2];
	[bflag:$0x3] =	sbarrier.arrive $0xFFFF;
	s2 =	simm.s32 @!p0 $0x1C05  }
0x726: {  	[timem:s3], [sflag:s2] =	dma.local @!p0 [hbm:s0], s1  }
0x727: {  	s0 =	simm.s32 @!p0 $0x5  }
0x728: {  	_ =	swait.ge @!p0 [sflag:s0], s1  }
0x729: {  	s1 =	ssub.s32 @!p0 $0x0, s1;
	[sflag:s0] =	ssyncset.done @!p0 $0x0  }
0x72a: {  	[sflag:s0] =	ssyncadd.s32 @!p0 s1  }
0x72b: {  	[bflag:$0x3] =	sbarrier.arrive $0xFFFF  }
0x72c: {  	_ =	shalt  }

</sc_bundles>
